<compile_context>
chip_gen: v7x
topology: tpu7x:2x2x1
jax: 0.10.2.dev20260603
libtpu: 0.0.44.dev20260713+nightly
codegen_flags: <defaults>
</compile_context>

<pallas_src>
import dataclasses
import functools

import jax
import jax.numpy as jnp
from jax import lax
from jax.experimental import pallas as pl
from jax.experimental.pallas import tpu as pltpu
from jax.experimental.pallas import tpu_sc as plsc

N = 10000
D = 128
N_ACC = 10112
NR = N_ACC // D
ND = 80
CHUNK = 128
NC = 2
NS = 16
NW = NC * NS
NBUF = 4
IB = 10


def _sc_compiler_params():
  cp = pltpu.CompilerParams(use_tc_tiling_on_sc=False)
  if "needs_layout_passes" in pltpu.CompilerParams.__dataclass_fields__:
    cp = dataclasses.replace(cp, needs_layout_passes=False)
  return cp


def _make_sc_agg(K):
  mesh = plsc.VectorSubcoreMesh(core_axis_name="c", subcore_axis_name="s")
  nblk = K // IB

  @functools.partial(
      pl.kernel,
      mesh=mesh,
      out_type=(
          jax.ShapeDtypeStruct((NC, N_ACC, D), jnp.bfloat16),
          jax.ShapeDtypeStruct((NC, ND, D), jnp.float32),
      ),
      scratch_types=[
          pltpu.VMEM_SHARED((N_ACC, D), jnp.bfloat16),
          pltpu.VMEM_SHARED((ND, D), jnp.float32),
          pltpu.VMEM((2, IB, 2, CHUNK), jnp.int32),
          pltpu.VMEM((NBUF, CHUNK, D), jnp.bfloat16),
          pltpu.VMEM((ND, D), jnp.float32),
          pltpu.VMEM((ND,), jnp.int32),
      ] + [pltpu.SemaphoreType.DMA] * (2 * NBUF + 2),
      compiler_params=_sc_compiler_params(),
  )
  def sc_agg(xp_hbm, idx_hbm, zeros_hbm, out_hbm, deg_hbm, acc_sh, deg_sh,
             idx_v, rows_v, deg_v, ridx_v, *sems):
    gsem = sems[:NBUF]
    ssem = sems[NBUF:2 * NBUF]
    isem = sems[2 * NBUF:]
    c = lax.axis_index("c")
    s = lax.axis_index("s")
    wid = c * NS + s
    zrows = N_ACC // NS

    pltpu.async_copy(idx_hbm.at[pl.ds(wid * K, IB)], idx_v.at[0], isem[0])

    pltpu.sync_copy(
        zeros_hbm.at[pl.ds(s * zrows, zrows)],
        acc_sh.at[pl.ds(s * zrows, zrows)],
    )

    ones16 = jnp.ones((16,), jnp.float32)
    zeros16 = jnp.zeros((16,), jnp.float32)

    @pl.loop(0, ND)
    def _(r):
      for i in range(D // 16):
        deg_v[r, pl.ds(i * 16, 16)] = zeros16

    for i in range(ND // 16):
      ridx_v[pl.ds(i * 16, 16)] = lax.iota(jnp.int32, 16) + 16 * i

    @pl.when(s == 0)
    def _():
      pltpu.sync_copy(deg_v, deg_sh)

    plsc.subcore_barrier()

    @pl.loop(0, nblk, step=2)
    def _(kb0):
      for h in range(2):
        kb = kb0 + h
        pltpu.make_async_copy(
            idx_hbm.at[pl.ds(wid * K + kb * IB, IB)], idx_v.at[h],
            isem[h]).wait()

        @pl.when(kb + 1 < nblk)
        def _():
          pltpu.async_copy(
              idx_hbm.at[pl.ds(wid * K + (kb + 1) * IB, IB)],
              idx_v.at[1 - h], isem[1 - h])

        pltpu.async_copy(
            xp_hbm.at[idx_v.at[h, 0, 0]], rows_v.at[0], gsem[0])
        scats = [None] * NBUF
        for j in range(IB):
          b = j % NBUF
          nb = (j + 1) % NBUF
          pltpu.make_async_copy(
              xp_hbm.at[idx_v.at[h, j, 0]], rows_v.at[b], gsem[b]).wait()
          scats[b] = pltpu.async_copy(
              rows_v.at[b], acc_sh.at[idx_v.at[h, j, 1]], ssem[b], add=True)
          for i in range(CHUNK // 16):
            v = idx_v[h, j, 1, pl.ds(i * 16, 16)]
            plsc.addupdate_scatter(deg_v, [v >> 7, v & 127], ones16)
          if j + 1 < IB:
            if scats[nb] is not None:
              scats[nb].wait()
            pltpu.async_copy(
                xp_hbm.at[idx_v.at[h, j + 1, 0]], rows_v.at[nb], gsem[nb])
        for b in range(NBUF):
          if scats[b] is not None:
            scats[b].wait()

    pltpu.sync_copy(deg_v, deg_sh.at[ridx_v], add=True)
    plsc.subcore_barrier()

    pltpu.sync_copy(
        acc_sh.at[pl.ds(s * zrows, zrows)],
        out_hbm.at[c, pl.ds(s * zrows, zrows)],
    )

    @pl.when(s == 0)
    def _():
      pltpu.sync_copy(deg_sh, deg_hbm.at[c])

  return sc_agg


BN = 2528
NB = N_ACC // BN


def _tc_body(p_ref, degt_ref, x_ref, w_ref, b_ref, o_ref):
  i = pl.program_id(0)
  p = (p_ref[0].astype(jnp.float32) + p_ref[1].astype(jnp.float32))
  degt = degt_ref[0] + degt_ref[1]
  sel = (lax.broadcasted_iota(jnp.int32, (NB, 1), 0) == i).astype(jnp.float32)
  dcol = jnp.dot(degt, sel, preferred_element_type=jnp.float32)
  agg = p / jnp.maximum(dcol, 1.0)
  h = jnp.dot(agg, w_ref[...], preferred_element_type=jnp.float32) + b_ref[...]
  o_ref[...] = jnp.maximum(h, 0.0) + x_ref[...]


def _tc_update(partials, degt, x, W, b2):
  return pl.pallas_call(
      _tc_body,
      grid=(NB,),
      in_specs=[
          pl.BlockSpec((NC, BN, D), lambda i: (0, i, 0)),
          pl.BlockSpec((NC, BN, NB), lambda i: (0, 0, 0)),
          pl.BlockSpec((BN, D), lambda i: (i, 0)),
          pl.BlockSpec((D, D), lambda i: (0, 0)),
          pl.BlockSpec((1, D), lambda i: (0, 0)),
      ],
      out_specs=pl.BlockSpec((BN, D), lambda i: (i, 0)),
      out_shape=jax.ShapeDtypeStruct((N, D), jnp.float32),
  )(partials, degt, x, W, b2)


@jax.jit
def kernel(x, edge_index, W, b):
  E = edge_index.shape[1]
  K = -(-E // (NW * CHUNK))
  K = -(-K // IB) * IB
  E_pad = NW * CHUNK * K
  pad = E_pad - E
  r = jnp.arange(pad, dtype=jnp.int32)
  src = jnp.concatenate([edge_index[0], r % N])
  dst = jnp.concatenate([edge_index[1], N + r % (N_ACC - N)])
  idx = jnp.stack([src.reshape(NW * K, CHUNK), dst.reshape(NW * K, CHUNK)],
                  axis=1)
  zeros = jnp.zeros((N_ACC, D), jnp.bfloat16)
  xh = x.astype(jnp.bfloat16)
  partials, deg = _make_sc_agg(K)(xh, idx, zeros)
  degt = jnp.transpose(
      deg.reshape(NC, ND * D)[:, :N_ACC].reshape(NC, NB, BN), (0, 2, 1))
  return _tc_update(partials, degt, x, W, b.reshape(1, D))

# --- scband reference (transcript-rebuilt; emitter-appended) ---
"""Pipeline reference for scband-gnnlayer-15899968930399 (READ-ONLY COPY).

The authoritative reference and input builder live on the scoring server;
editing this copy changes nothing except your own understanding.
"""

import jax, jax.numpy as jnp
import numpy as np

N = 10000
E = 320000
D = 128


def setup_inputs(seed: int = 0) -> dict:
    key = jax.random.key(seed)
    k1, k2, k3, k4 = jax.random.split(key, 4)
    x = jax.random.normal(k1, (N, D), dtype=jnp.float32)
    edge_index = jax.random.randint(k2, (2, E), 0, N, dtype=jnp.int32)
    # Learned parameters of the updator (linear transform) sized per init_kwargs
    W = jax.random.normal(k3, (D, D), dtype=jnp.float32) * (1.0 / np.sqrt(D))
    b = jnp.zeros((D,), dtype=jnp.float32)
    return {"x": x, "edge_index": edge_index, "W": W, "b": b}


def reference(x, edge_index, W, b):
    # GNNLayer.forward(mfg, h):
    # h0 = dst-node slice of h (here full-graph MFG: h0 == x)
    src = edge_index[0]
    dst = edge_index[1]
    h0 = x  # num_dst_nodes == N
    # message_passer: copy source features along edges (gather)
    msg = jnp.take(x, src, axis=0)  # [E, D]
    # aggregator: mean-reduce messages onto destination nodes (scatter-add)
    agg_sum = jax.ops.segment_sum(msg, dst, num_segments=N)  # [N, D]
    deg = jax.ops.segment_sum(jnp.ones((E,), dtype=jnp.float32), dst, num_segments=N)
    agg = agg_sum / jnp.clip(deg, 1.0)[:, None]
    # updator: linear transform + relu on aggregated neighborhood features
    trans_out = jax.nn.relu(agg @ W + b)  # [N, D]
    # reducer: residual combination with h0; makeup_non_updated_nodes is a
    # no-op here since every dst ntype is updated
    h_new = trans_out + h0
    return h_new

if __name__ == "__main__":
    import jax
    _d = setup_inputs()
    print(jax.jit(kernel)(*tuple(_d.values())))

</pallas_src>

<mosaic_0001>
#map = affine_map<(d0, d1) -> (0, 0)>
#map1 = affine_map<(d0, d1) -> (0, 0, 0)>
module attributes {stable_mosaic.version = 14 : i64} {
  func.func @sc_agg(%arg0: i32, %arg1: i32, %arg2: memref<10000x128xbf16, #tpu.memory_space<hbm>>, %arg3: memref<2560x2x128xi32, #tpu.memory_space<hbm>>, %arg4: memref<10112x128xbf16, #tpu.memory_space<hbm>>, %arg5: memref<2x10112x128xbf16, #tpu.memory_space<hbm>>, %arg6: memref<2x80x128xf32, #tpu.memory_space<hbm>>, %arg7: memref<10112x128xbf16, #tpu.memory_space<vmem_shared>>, %arg8: memref<80x128xf32, #tpu.memory_space<vmem_shared>>, %arg9: memref<2x10x2x128xi32, #tpu.memory_space<vmem>>, %arg10: memref<4x128x128xbf16, #tpu.memory_space<vmem>>, %arg11: memref<80x128xf32, #tpu.memory_space<vmem>>, %arg12: memref<80xi32, #tpu.memory_space<vmem>>, %arg13: memref<!tpu.dma_semaphore, #tpu.memory_space<semaphore_mem>>, %arg14: memref<!tpu.dma_semaphore, #tpu.memory_space<semaphore_mem>>, %arg15: memref<!tpu.dma_semaphore, #tpu.memory_space<semaphore_mem>>, %arg16: memref<!tpu.dma_semaphore, #tpu.memory_space<semaphore_mem>>, %arg17: memref<!tpu.dma_semaphore, #tpu.memory_space<semaphore_mem>>, %arg18: memref<!tpu.dma_semaphore, #tpu.memory_space<semaphore_mem>>, %arg19: memref<!tpu.dma_semaphore, #tpu.memory_space<semaphore_mem>>, %arg20: memref<!tpu.dma_semaphore, #tpu.memory_space<semaphore_mem>>, %arg21: memref<!tpu.dma_semaphore, #tpu.memory_space<semaphore_mem>>, %arg22: memref<!tpu.dma_semaphore, #tpu.memory_space<semaphore_mem>>) attributes {dimension_semantics = [#tpu.dimension_semantics<core_parallel>, #tpu.dimension_semantics<subcore_parallel>], iteration_bounds = array<i64: 2, 16>, scalar_prefetch = 0 : i64, scratch_operands = 16 : i64, tpu.core_type = #tpu.core_type<sc_vector_subcore>, window_params = [{transform_indices = #map}, {transform_indices = #map1}, {transform_indices = #map}, {transform_indices = #map1}, {transform_indices = #map1}]} {
    %mul3A = arith.constant 16 : i32
    %mul3A_0 = arith.muli %arg0, %mul3A : i32
    %add3A = arith.addi %mul3A_0, %arg1 : i32
    %mul3A_1 = arith.constant 80 : i32
    %mul3A_2 = arith.muli %add3A, %mul3A_1 : i32
    %dma_start3A = arith.constant 0 : i32
    %dma_start3A_3 = arith.constant 0 : i32
    %dma_start3A_4 = arith.constant 0 : i32
    %dma_start3A_5 = arith.constant 0 : i32
    %dma_start3A_6 = tpu.memref_slice %arg9[%dma_start3A, %dma_start3A_3, %dma_start3A_4, %dma_start3A_5] : memref<2x10x2x128xi32, #tpu.memory_space<vmem>> -> memref<1x10x2x128xi32, #tpu.memory_space<vmem>>
    %dma_start3A_7 = tpu.memref_squeeze %dma_start3A_6 : memref<1x10x2x128xi32, #tpu.memory_space<vmem>> -> memref<10x2x128xi32, #tpu.memory_space<vmem>>
    %dma_start3A_8 = arith.constant 0 : i32
    %dma_start3A_9 = arith.constant 0 : i32
    %dma_start3A_10 = tpu.memref_slice %arg3[%mul3A_2, %dma_start3A_8, %dma_start3A_9] : memref<2560x2x128xi32, #tpu.memory_space<hbm>> -> memref<10x2x128xi32, #tpu.memory_space<hbm>>
    %dma_start3A_11 = arith.constant 0 : i32
    %dma_start3A_12 = arith.constant 0 : i32
    %dma_start3A_13 = arith.constant 0 : i32
    %dma_start3A_14 = tpu.memref_slice %arg9[%dma_start3A, %dma_start3A_11, %dma_start3A_12, %dma_start3A_13] : memref<2x10x2x128xi32, #tpu.memory_space<vmem>> -> memref<1x10x2x128xi32, #tpu.memory_space<vmem>>
    %dma_start3A_15 = tpu.memref_squeeze %dma_start3A_14 : memref<1x10x2x128xi32, #tpu.memory_space<vmem>> -> memref<10x2x128xi32, #tpu.memory_space<vmem>>
    %dma_start3A_16 = arith.constant 0 : i32
    %dma_start3A_17 = arith.constant 0 : i32
    %dma_start3A_18 = tpu.memref_slice %arg3[%mul3A_2, %dma_start3A_16, %dma_start3A_17] : memref<2560x2x128xi32, #tpu.memory_space<hbm>> -> memref<10x2x128xi32, #tpu.memory_space<hbm>>
    tpu.enqueue_dma source(%dma_start3A_18 : memref<10x2x128xi32, #tpu.memory_space<hbm>>) target(%dma_start3A_15 : memref<10x2x128xi32, #tpu.memory_space<vmem>>) target_semaphore(%arg21 : memref<!tpu.dma_semaphore, #tpu.memory_space<semaphore_mem>>)
    %mul3A_19 = arith.constant 632 : i32
    %mul3A_20 = arith.muli %arg1, %mul3A_19 : i32
    %mul3A_21 = arith.constant 632 : i32
    %mul3A_22 = arith.muli %arg1, %mul3A_21 : i32
    "tpu.region"() ({
      %run_scoped3A = tpu.sem_alloc : memref<!tpu.dma_semaphore, #tpu.memory_space<semaphore_mem>>
      %dma_start3A_75 = arith.constant 0 : i32
      %dma_start3A_76 = tpu.memref_slice %arg7[%mul3A_22, %dma_start3A_75] : memref<10112x128xbf16, #tpu.memory_space<vmem_shared>> -> memref<632x128xbf16, #tpu.memory_space<vmem_shared>>
      %dma_start3A_77 = arith.constant 0 : i32
      %dma_start3A_78 = tpu.memref_slice %arg4[%mul3A_20, %dma_start3A_77] : memref<10112x128xbf16, #tpu.memory_space<hbm>> -> memref<632x128xbf16, #tpu.memory_space<hbm>>
      tpu.enqueue_dma source(%dma_start3A_78 : memref<632x128xbf16, #tpu.memory_space<hbm>>) target(%dma_start3A_76 : memref<632x128xbf16, #tpu.memory_space<vmem_shared>>) target_semaphore(%run_scoped3A : memref<!tpu.dma_semaphore, #tpu.memory_space<semaphore_mem>>)
      %dma_wait3A = arith.constant 0 : i32
      %dma_wait3A_79 = tpu.memref_slice %arg7[%mul3A_22, %dma_wait3A] : memref<10112x128xbf16, #tpu.memory_space<vmem_shared>> -> memref<632x128xbf16, #tpu.memory_space<vmem_shared>>
      %dma_wait3A_80 = arith.constant 0 : i32
      %dma_wait3A_81 = tpu.memref_slice %arg4[%mul3A_20, %dma_wait3A_80] : memref<10112x128xbf16, #tpu.memory_space<hbm>> -> memref<632x128xbf16, #tpu.memory_space<hbm>>
      tpu.wait_dma2 semaphore(%run_scoped3A : memref<!tpu.dma_semaphore, #tpu.memory_space<semaphore_mem>>) src(%dma_wait3A_81 : memref<632x128xbf16, #tpu.memory_space<hbm>>) dst(%dma_wait3A_79 : memref<632x128xbf16, #tpu.memory_space<vmem_shared>>)
      tpu.yield
    }) : () -> ()
    %broadcast_in_dim3A = arith.constant 1.000000e+00 : f32
    %broadcast_in_dim3A_23 = vector.broadcast %broadcast_in_dim3A : f32 to vector<16xf32>
    %broadcast_in_dim3A_24 = arith.constant 0.000000e+00 : f32
    %broadcast_in_dim3A_25 = vector.broadcast %broadcast_in_dim3A_24 : f32 to vector<16xf32>
    %scan3A = arith.constant 0 : i32
    %scan3A_26 = arith.constant 80 : i32
    %scan3A_27 = arith.addi %scan3A, %scan3A_26 : i32
    %scan3A_28 = arith.constant 1 : i32
    scf.for %scan3A_75 = %scan3A to %scan3A_27 step %scan3A_28  : i32 {
      %mul3A_76 = arith.constant 1 : i32
      %mul3A_77 = arith.muli %scan3A_75, %mul3A_76 : i32
      %add3A_78 = arith.constant 0 : i32
      %add3A_79 = arith.addi %add3A_78, %mul3A_77 : i32
      %swap3A_80 = arith.index_cast %add3A_79 : i32 to index
      %swap3A_81 = arith.constant 0 : index
      %swap3A_82 = tpu.vector_load %arg11[%swap3A_80, %swap3A_81] {strides = array<i32>} : memref<80x128xf32, #tpu.memory_space<vmem>>, vector<16xf32>,
      tpu.vector_store %arg11[%swap3A_80, %swap3A_81], %broadcast_in_dim3A_25 {strides = array<i32>} : memref<80x128xf32, #tpu.memory_space<vmem>>, vector<16xf32>,
      %swap3A_83 = arith.index_cast %add3A_79 : i32 to index
      %swap3A_84 = arith.constant 16 : index
      %swap3A_85 = tpu.vector_load %arg11[%swap3A_83, %swap3A_84] {strides = array<i32>} : memref<80x128xf32, #tpu.memory_space<vmem>>, vector<16xf32>,
      tpu.vector_store %arg11[%swap3A_83, %swap3A_84], %broadcast_in_dim3A_25 {strides = array<i32>} : memref<80x128xf32, #tpu.memory_space<vmem>>, vector<16xf32>,
      %swap3A_86 = arith.index_cast %add3A_79 : i32 to index
      %swap3A_87 = arith.constant 32 : index
      %swap3A_88 = tpu.vector_load %arg11[%swap3A_86, %swap3A_87] {strides = array<i32>} : memref<80x128xf32, #tpu.memory_space<vmem>>, vector<16xf32>,
      tpu.vector_store %arg11[%swap3A_86, %swap3A_87], %broadcast_in_dim3A_25 {strides = array<i32>} : memref<80x128xf32, #tpu.memory_space<vmem>>, vector<16xf32>,
      %swap3A_89 = arith.index_cast %add3A_79 : i32 to index
      %swap3A_90 = arith.constant 48 : index
      %swap3A_91 = tpu.vector_load %arg11[%swap3A_89, %swap3A_90] {strides = array<i32>} : memref<80x128xf32, #tpu.memory_space<vmem>>, vector<16xf32>,
      tpu.vector_store %arg11[%swap3A_89, %swap3A_90], %broadcast_in_dim3A_25 {strides = array<i32>} : memref<80x128xf32, #tpu.memory_space<vmem>>, vector<16xf32>,
      %swap3A_92 = arith.index_cast %add3A_79 : i32 to index
      %swap3A_93 = arith.constant 64 : index
      %swap3A_94 = tpu.vector_load %arg11[%swap3A_92, %swap3A_93] {strides = array<i32>} : memref<80x128xf32, #tpu.memory_space<vmem>>, vector<16xf32>,
      tpu.vector_store %arg11[%swap3A_92, %swap3A_93], %broadcast_in_dim3A_25 {strides = array<i32>} : memref<80x128xf32, #tpu.memory_space<vmem>>, vector<16xf32>,
      %swap3A_95 = arith.index_cast %add3A_79 : i32 to index
      %swap3A_96 = arith.constant 80 : index
      %swap3A_97 = tpu.vector_load %arg11[%swap3A_95, %swap3A_96] {strides = array<i32>} : memref<80x128xf32, #tpu.memory_space<vmem>>, vector<16xf32>,
      tpu.vector_store %arg11[%swap3A_95, %swap3A_96], %broadcast_in_dim3A_25 {strides = array<i32>} : memref<80x128xf32, #tpu.memory_space<vmem>>, vector<16xf32>,
      %swap3A_98 = arith.index_cast %add3A_79 : i32 to index
      %swap3A_99 = arith.constant 96 : index
      %swap3A_100 = tpu.vector_load %arg11[%swap3A_98, %swap3A_99] {strides = array<i32>} : memref<80x128xf32, #tpu.memory_space<vmem>>, vector<16xf32>,
      tpu.vector_store %arg11[%swap3A_98, %swap3A_99], %broadcast_in_dim3A_25 {strides = array<i32>} : memref<80x128xf32, #tpu.memory_space<vmem>>, vector<16xf32>,
      %swap3A_101 = arith.index_cast %add3A_79 : i32 to index
      %swap3A_102 = arith.constant 112 : index
      %swap3A_103 = tpu.vector_load %arg11[%swap3A_101, %swap3A_102] {strides = array<i32>} : memref<80x128xf32, #tpu.memory_space<vmem>>, vector<16xf32>,
      tpu.vector_store %arg11[%swap3A_101, %swap3A_102], %broadcast_in_dim3A_25 {strides = array<i32>} : memref<80x128xf32, #tpu.memory_space<vmem>>, vector<16xf32>,
    }
    %scan3A_29 = arith.constant 80 : i32
    %iota3A = tpu.iota {dimensions = array<i32: 0>} : vector<16xi32>
    %add3A_30 = arith.constant 0 : i32
    %add3A_31 = vector.broadcast %add3A_30 : i32 to vector<16xi32>
    %add3A_32 = arith.addi %iota3A, %add3A_31 : vector<16xi32>
    %swap3A = arith.constant 0 : index
    %swap3A_33 = tpu.vector_load %arg12[%swap3A] {strides = array<i32>} : memref<80xi32, #tpu.memory_space<vmem>>, vector<16xi32>,
    tpu.vector_store %arg12[%swap3A], %add3A_32 {strides = array<i32>} : memref<80xi32, #tpu.memory_space<vmem>>, vector<16xi32>,
    %iota3A_34 = tpu.iota {dimensions = array<i32: 0>} : vector<16xi32>
    %add3A_35 = arith.constant 16 : i32
    %add3A_36 = vector.broadcast %add3A_35 : i32 to vector<16xi32>
    %add3A_37 = arith.addi %iota3A_34, %add3A_36 : vector<16xi32>
    %swap3A_38 = arith.constant 16 : index
    %swap3A_39 = tpu.vector_load %arg12[%swap3A_38] {strides = array<i32>} : memref<80xi32, #tpu.memory_space<vmem>>, vector<16xi32>,
    tpu.vector_store %arg12[%swap3A_38], %add3A_37 {strides = array<i32>} : memref<80xi32, #tpu.memory_space<vmem>>, vector<16xi32>,
    %iota3A_40 = tpu.iota {dimensions = array<i32: 0>} : vector<16xi32>
    %add3A_41 = arith.constant 32 : i32
    %add3A_42 = vector.broadcast %add3A_41 : i32 to vector<16xi32>
    %add3A_43 = arith.addi %iota3A_40, %add3A_42 : vector<16xi32>
    %swap3A_44 = arith.constant 32 : index
    %swap3A_45 = tpu.vector_load %arg12[%swap3A_44] {strides = array<i32>} : memref<80xi32, #tpu.memory_space<vmem>>, vector<16xi32>,
    tpu.vector_store %arg12[%swap3A_44], %add3A_43 {strides = array<i32>} : memref<80xi32, #tpu.memory_space<vmem>>, vector<16xi32>,
    %iota3A_46 = tpu.iota {dimensions = array<i32: 0>} : vector<16xi32>
    %add3A_47 = arith.constant 48 : i32
    %add3A_48 = vector.broadcast %add3A_47 : i32 to vector<16xi32>
    %add3A_49 = arith.addi %iota3A_46, %add3A_48 : vector<16xi32>
    %swap3A_50 = arith.constant 48 : index
    %swap3A_51 = tpu.vector_load %arg12[%swap3A_50] {strides = array<i32>} : memref<80xi32, #tpu.memory_space<vmem>>, vector<16xi32>,
    tpu.vector_store %arg12[%swap3A_50], %add3A_49 {strides = array<i32>} : memref<80xi32, #tpu.memory_space<vmem>>, vector<16xi32>,
    %iota3A_52 = tpu.iota {dimensions = array<i32: 0>} : vector<16xi32>
    %add3A_53 = arith.constant 64 : i32
    %add3A_54 = vector.broadcast %add3A_53 : i32 to vector<16xi32>
    %add3A_55 = arith.addi %iota3A_52, %add3A_54 : vector<16xi32>
    %swap3A_56 = arith.constant 64 : index
    %swap3A_57 = tpu.vector_load %arg12[%swap3A_56] {strides = array<i32>} : memref<80xi32, #tpu.memory_space<vmem>>, vector<16xi32>,
    tpu.vector_store %arg12[%swap3A_56], %add3A_55 {strides = array<i32>} : memref<80xi32, #tpu.memory_space<vmem>>, vector<16xi32>,
    %eq3A = arith.constant 0 : i32
    %eq3A_58 = arith.cmpi eq, %arg1, %eq3A : i32
    %convert_element_type3A = arith.extui %eq3A_58 : i1 to i32
    %cond3A = arith.constant 0 : i32
    %cond3A_59 = arith.cmpi ne, %convert_element_type3A, %cond3A : i32
    scf.if %cond3A_59 {
      "tpu.region"() ({
        %run_scoped3A = tpu.sem_alloc : memref<!tpu.dma_semaphore, #tpu.memory_space<semaphore_mem>>
        tpu.enqueue_dma source(%arg11 : memref<80x128xf32, #tpu.memory_space<vmem>>) target(%arg8 : memref<80x128xf32, #tpu.memory_space<vmem_shared>>) target_semaphore(%run_scoped3A : memref<!tpu.dma_semaphore, #tpu.memory_space<semaphore_mem>>)
        tpu.wait_dma2 semaphore(%run_scoped3A : memref<!tpu.dma_semaphore, #tpu.memory_space<semaphore_mem>>) src(%arg11 : memref<80x128xf32, #tpu.memory_space<vmem>>) dst(%arg8 : memref<80x128xf32, #tpu.memory_space<vmem_shared>>)
        tpu.yield
      }) : () -> ()
    } else {
    }
    %barrier3A = arith.constant 0 : index
    tpu.barrier barrier_id(%barrier3A)
    %scan3A_60 = arith.constant 0 : i32
    %scan3A_61 = arith.constant 4 : i32
    %scan3A_62 = arith.addi %scan3A_60, %scan3A_61 : i32
    %scan3A_63 = arith.constant 1 : i32
    scf.for %scan3A_75 = %scan3A_60 to %scan3A_62 step %scan3A_63  : i32 {
      %mul3A_76 = arith.constant 2 : i32
      %mul3A_77 = arith.muli %scan3A_75, %mul3A_76 : i32
      %add3A_78 = arith.constant 0 : i32
      %add3A_79 = arith.addi %add3A_78, %mul3A_77 : i32
      %add3A_80 = arith.constant 0 : i32
      %add3A_81 = arith.addi %add3A_79, %add3A_80 : i32
      %mul3A_82 = arith.constant 80 : i32
      %mul3A_83 = arith.muli %add3A, %mul3A_82 : i32
      %mul3A_84 = arith.constant 10 : i32
      %mul3A_85 = arith.muli %add3A_81, %mul3A_84 : i32
      %add3A_86 = arith.addi %mul3A_83, %mul3A_85 : i32
      %dma_wait3A = arith.constant 0 : i32
      %dma_wait3A_87 = arith.constant 0 : i32
      %dma_wait3A_88 = arith.constant 0 : i32
      %dma_wait3A_89 = arith.constant 0 : i32
      %dma_wait3A_90 = tpu.memref_slice %arg9[%dma_wait3A, %dma_wait3A_87, %dma_wait3A_88, %dma_wait3A_89] : memref<2x10x2x128xi32, #tpu.memory_space<vmem>> -> memref<1x10x2x128xi32, #tpu.memory_space<vmem>>
      %dma_wait3A_91 = tpu.memref_squeeze %dma_wait3A_90 : memref<1x10x2x128xi32, #tpu.memory_space<vmem>> -> memref<10x2x128xi32, #tpu.memory_space<vmem>>
      %dma_wait3A_92 = arith.constant 0 : i32
      %dma_wait3A_93 = arith.constant 0 : i32
      %dma_wait3A_94 = tpu.memref_slice %arg3[%add3A_86, %dma_wait3A_92, %dma_wait3A_93] : memref<2560x2x128xi32, #tpu.memory_space<hbm>> -> memref<10x2x128xi32, #tpu.memory_space<hbm>>
      %dma_wait3A_95 = arith.constant 0 : i32
      %dma_wait3A_96 = arith.constant 0 : i32
      %dma_wait3A_97 = arith.constant 0 : i32
      %dma_wait3A_98 = tpu.memref_slice %arg9[%dma_wait3A, %dma_wait3A_95, %dma_wait3A_96, %dma_wait3A_97] : memref<2x10x2x128xi32, #tpu.memory_space<vmem>> -> memref<1x10x2x128xi32, #tpu.memory_space<vmem>>
      %dma_wait3A_99 = tpu.memref_squeeze %dma_wait3A_98 : memref<1x10x2x128xi32, #tpu.memory_space<vmem>> -> memref<10x2x128xi32, #tpu.memory_space<vmem>>
      %dma_wait3A_100 = arith.constant 0 : i32
      %dma_wait3A_101 = arith.constant 0 : i32
      %dma_wait3A_102 = tpu.memref_slice %arg3[%add3A_86, %dma_wait3A_100, %dma_wait3A_101] : memref<2560x2x128xi32, #tpu.memory_space<hbm>> -> memref<10x2x128xi32, #tpu.memory_space<hbm>>
      tpu.wait_dma2 semaphore(%arg21 : memref<!tpu.dma_semaphore, #tpu.memory_space<semaphore_mem>>) src(%dma_wait3A_102 : memref<10x2x128xi32, #tpu.memory_space<hbm>>) dst(%dma_wait3A_99 : memref<10x2x128xi32, #tpu.memory_space<vmem>>)
      %add3A_103 = arith.constant 1 : i32
      %add3A_104 = arith.addi %add3A_81, %add3A_103 : i32
      %lt3A = arith.constant 8 : i32
      %lt3A_105 = arith.cmpi slt, %add3A_104, %lt3A : i32
      %convert_element_type3A_106 = arith.extui %lt3A_105 : i1 to i32
      %cond3A_107 = arith.constant 0 : i32
      %cond3A_108 = arith.cmpi ne, %convert_element_type3A_106, %cond3A_107 : i32
      scf.if %cond3A_108 {
        %mul3A_3497 = arith.constant 80 : i32
        %mul3A_3498 = arith.muli %add3A, %mul3A_3497 : i32
        %add3A_3499 = arith.constant 1 : i32
        %add3A_3500 = arith.addi %add3A_81, %add3A_3499 : i32
        %mul3A_3501 = arith.constant 10 : i32
        %mul3A_3502 = arith.muli %add3A_3500, %mul3A_3501 : i32
        %add3A_3503 = arith.addi %mul3A_3498, %mul3A_3502 : i32
        %dma_start3A_3504 = arith.constant 1 : i32
        %dma_start3A_3505 = arith.constant 0 : i32
        %dma_start3A_3506 = arith.constant 0 : i32
        %dma_start3A_3507 = arith.constant 0 : i32
        %dma_start3A_3508 = tpu.memref_slice %arg9[%dma_start3A_3504, %dma_start3A_3505, %dma_start3A_3506, %dma_start3A_3507] : memref<2x10x2x128xi32, #tpu.memory_space<vmem>> -> memref<1x10x2x128xi32, #tpu.memory_space<vmem>>
        %dma_start3A_3509 = tpu.memref_squeeze %dma_start3A_3508 : memref<1x10x2x128xi32, #tpu.memory_space<vmem>> -> memref<10x2x128xi32, #tpu.memory_space<vmem>>
        %dma_start3A_3510 = arith.constant 0 : i32
        %dma_start3A_3511 = arith.constant 0 : i32
        %dma_start3A_3512 = tpu.memref_slice %arg3[%add3A_3503, %dma_start3A_3510, %dma_start3A_3511] : memref<2560x2x128xi32, #tpu.memory_space<hbm>> -> memref<10x2x128xi32, #tpu.memory_space<hbm>>
        %dma_start3A_3513 = arith.constant 0 : i32
        %dma_start3A_3514 = arith.constant 0 : i32
        %dma_start3A_3515 = arith.constant 0 : i32
        %dma_start3A_3516 = tpu.memref_slice %arg9[%dma_start3A_3504, %dma_start3A_3513, %dma_start3A_3514, %dma_start3A_3515] : memref<2x10x2x128xi32, #tpu.memory_space<vmem>> -> memref<1x10x2x128xi32, #tpu.memory_space<vmem>>
        %dma_start3A_3517 = tpu.memref_squeeze %dma_start3A_3516 : memref<1x10x2x128xi32, #tpu.memory_space<vmem>> -> memref<10x2x128xi32, #tpu.memory_space<vmem>>
        %dma_start3A_3518 = arith.constant 0 : i32
        %dma_start3A_3519 = arith.constant 0 : i32
        %dma_start3A_3520 = tpu.memref_slice %arg3[%add3A_3503, %dma_start3A_3518, %dma_start3A_3519] : memref<2560x2x128xi32, #tpu.memory_space<hbm>> -> memref<10x2x128xi32, #tpu.memory_space<hbm>>
        tpu.enqueue_dma source(%dma_start3A_3520 : memref<10x2x128xi32, #tpu.memory_space<hbm>>) target(%dma_start3A_3517 : memref<10x2x128xi32, #tpu.memory_space<vmem>>) target_semaphore(%arg22 : memref<!tpu.dma_semaphore, #tpu.memory_space<semaphore_mem>>)
      } else {
      }
      %dma_start3A_109 = arith.constant 0 : i32
      %dma_start3A_110 = arith.constant 0 : i32
      %dma_start3A_111 = arith.constant 0 : i32
      %dma_start3A_112 = arith.constant 0 : i32
      %dma_start3A_113 = arith.constant 0 : i32
      %dma_start3A_114 = arith.constant 0 : i32
      %dma_start3A_115 = tpu.memref_slice %arg10[%dma_start3A_112, %dma_start3A_113, %dma_start3A_114] : memref<4x128x128xbf16, #tpu.memory_space<vmem>> -> memref<1x128x128xbf16, #tpu.memory_space<vmem>>
      %dma_start3A_116 = tpu.memref_squeeze %dma_start3A_115 : memref<1x128x128xbf16, #tpu.memory_space<vmem>> -> memref<128x128xbf16, #tpu.memory_space<vmem>>
      %dma_start3A_117 = arith.constant 0 : i32
      %dma_start3A_118 = tpu.memref_slice %arg9[%dma_start3A_109, %dma_start3A_110, %dma_start3A_111, %dma_start3A_117] : memref<2x10x2x128xi32, #tpu.memory_space<vmem>> -> memref<1x1x1x128xi32, #tpu.memory_space<vmem>>
      %dma_start3A_119 = tpu.memref_squeeze %dma_start3A_118 : memref<1x1x1x128xi32, #tpu.memory_space<vmem>> -> memref<128xi32, #tpu.memory_space<vmem>>
      %dma_start3A_120 = arith.constant 0 : i32
      %dma_start3A_121 = arith.constant 0 : i32
      %dma_start3A_122 = tpu.memref_slice %arg2[%dma_start3A_120, %dma_start3A_121] : memref<10000x128xbf16, #tpu.memory_space<hbm>> -> memref<10000x128xbf16, #tpu.memory_space<hbm>>
      tpu.enqueue_indirect_dma source(%dma_start3A_122 : memref<10000x128xbf16, #tpu.memory_space<hbm>>) target(%dma_start3A_116 : memref<128x128xbf16, #tpu.memory_space<vmem>>) offsets(%dma_start3A_119 : memref<128xi32, #tpu.memory_space<vmem>>) semaphore(%arg13 : memref<!tpu.dma_semaphore, #tpu.memory_space<semaphore_mem>>)
      %dma_wait3A_123 = arith.constant 0 : i32
      %dma_wait3A_124 = arith.constant 0 : i32
      %dma_wait3A_125 = arith.constant 0 : i32
      %dma_wait3A_126 = arith.constant 0 : i32
      %dma_wait3A_127 = arith.constant 0 : i32
      %dma_wait3A_128 = arith.constant 0 : i32
      %dma_wait3A_129 = tpu.memref_slice %arg10[%dma_wait3A_126, %dma_wait3A_127, %dma_wait3A_128] : memref<4x128x128xbf16, #tpu.memory_space<vmem>> -> memref<1x128x128xbf16, #tpu.memory_space<vmem>>
      %dma_wait3A_130 = tpu.memref_squeeze %dma_wait3A_129 : memref<1x128x128xbf16, #tpu.memory_space<vmem>> -> memref<128x128xbf16, #tpu.memory_space<vmem>>
      %dma_wait3A_131 = arith.constant 0 : i32
      %dma_wait3A_132 = tpu.memref_slice %arg9[%dma_wait3A_123, %dma_wait3A_124, %dma_wait3A_125, %dma_wait3A_131] : memref<2x10x2x128xi32, #tpu.memory_space<vmem>> -> memref<1x1x1x128xi32, #tpu.memory_space<vmem>>
      %dma_wait3A_133 = tpu.memref_squeeze %dma_wait3A_132 : memref<1x1x1x128xi32, #tpu.memory_space<vmem>> -> memref<128xi32, #tpu.memory_space<vmem>>
      %dma_wait3A_134 = arith.constant 0 : i32
      %dma_wait3A_135 = arith.constant 0 : i32
      %dma_wait3A_136 = tpu.memref_slice %arg2[%dma_wait3A_134, %dma_wait3A_135] : memref<10000x128xbf16, #tpu.memory_space<hbm>> -> memref<10000x128xbf16, #tpu.memory_space<hbm>>
      tpu.wait_indirect_dma semaphore(%arg13 : memref<!tpu.dma_semaphore, #tpu.memory_space<semaphore_mem>>) src(%dma_wait3A_136 : memref<10000x128xbf16, #tpu.memory_space<hbm>>) dst(%dma_wait3A_130 : memref<128x128xbf16, #tpu.memory_space<vmem>>)
      %dma_start3A_137 = arith.constant 0 : i32
      %dma_start3A_138 = arith.constant 0 : i32
      %dma_start3A_139 = arith.constant 0 : i32
      %dma_start3A_140 = arith.constant 1 : i32
      %dma_start3A_141 = arith.constant 0 : i32
      %dma_start3A_142 = arith.constant 0 : i32
      %dma_start3A_143 = tpu.memref_slice %arg10[%dma_start3A_137, %dma_start3A_141, %dma_start3A_142] : memref<4x128x128xbf16, #tpu.memory_space<vmem>> -> memref<1x128x128xbf16, #tpu.memory_space<vmem>>
      %dma_start3A_144 = tpu.memref_squeeze %dma_start3A_143 : memref<1x128x128xbf16, #tpu.memory_space<vmem>> -> memref<128x128xbf16, #tpu.memory_space<vmem>>
      %dma_start3A_145 = arith.constant 0 : i32
      %dma_start3A_146 = tpu.memref_slice %arg9[%dma_start3A_138, %dma_start3A_139, %dma_start3A_140, %dma_start3A_145] : memref<2x10x2x128xi32, #tpu.memory_space<vmem>> -> memref<1x1x1x128xi32, #tpu.memory_space<vmem>>
      %dma_start3A_147 = tpu.memref_squeeze %dma_start3A_146 : memref<1x1x1x128xi32, #tpu.memory_space<vmem>> -> memref<128xi32, #tpu.memory_space<vmem>>
      %dma_start3A_148 = arith.constant 0 : i32
      %dma_start3A_149 = arith.constant 0 : i32
      %dma_start3A_150 = tpu.memref_slice %arg7[%dma_start3A_148, %dma_start3A_149] : memref<10112x128xbf16, #tpu.memory_space<vmem_shared>> -> memref<10112x128xbf16, #tpu.memory_space<vmem_shared>>
      tpu.enqueue_indirect_dma source(%dma_start3A_144 : memref<128x128xbf16, #tpu.memory_space<vmem>>) target(%dma_start3A_150 : memref<10112x128xbf16, #tpu.memory_space<vmem_shared>>) offsets(%dma_start3A_147 : memref<128xi32, #tpu.memory_space<vmem>>) semaphore(%arg17 : memref<!tpu.dma_semaphore, #tpu.memory_space<semaphore_mem>>) {add = true}
      %get3A = arith.constant 0 : i32
      %get3A_151 = arith.constant 0 : i32
      %get3A_152 = arith.constant 1 : i32
      %get3A_153 = arith.index_cast %get3A : i32 to index
      %get3A_154 = arith.index_cast %get3A_151 : i32 to index
      %get3A_155 = arith.index_cast %get3A_152 : i32 to index
      %get3A_156 = arith.constant 0 : index
      %get3A_157 = tpu.vector_load %arg9[%get3A_153, %get3A_154, %get3A_155, %get3A_156] {strides = array<i32>} : memref<2x10x2x128xi32, #tpu.memory_space<vmem>>, vector<16xi32>,
      %shift_right_arithmetic3A = arith.constant 7 : i32
      %shift_right_arithmetic3A_158 = vector.broadcast %shift_right_arithmetic3A : i32 to vector<16xi32>
      %shift_right_arithmetic3A_159 = arith.shrsi %get3A_157, %shift_right_arithmetic3A_158 : vector<16xi32>
      %and3A = arith.constant 127 : i32
      %and3A_160 = vector.broadcast %and3A : i32 to vector<16xi32>
      %and3A_161 = arith.andi %get3A_157, %and3A_160 : vector<16xi32>
      tpu.vector_store_idx %arg11[%shift_right_arithmetic3A_159, %and3A_161], %broadcast_in_dim3A_23 {add = true} : memref<80x128xf32, #tpu.memory_space<vmem>>[vector<16xi32>, vector<16xi32>], vector<16xf32>,
      %get3A_162 = arith.constant 0 : i32
      %get3A_163 = arith.constant 0 : i32
      %get3A_164 = arith.constant 1 : i32
      %get3A_165 = arith.index_cast %get3A_162 : i32 to index
      %get3A_166 = arith.index_cast %get3A_163 : i32 to index
      %get3A_167 = arith.index_cast %get3A_164 : i32 to index
      %get3A_168 = arith.constant 16 : index
      %get3A_169 = tpu.vector_load %arg9[%get3A_165, %get3A_166, %get3A_167, %get3A_168] {strides = array<i32>} : memref<2x10x2x128xi32, #tpu.memory_space<vmem>>, vector<16xi32>,
      %shift_right_arithmetic3A_170 = arith.constant 7 : i32
      %shift_right_arithmetic3A_171 = vector.broadcast %shift_right_arithmetic3A_170 : i32 to vector<16xi32>
      %shift_right_arithmetic3A_172 = arith.shrsi %get3A_169, %shift_right_arithmetic3A_171 : vector<16xi32>
      %and3A_173 = arith.constant 127 : i32
      %and3A_174 = vector.broadcast %and3A_173 : i32 to vector<16xi32>
      %and3A_175 = arith.andi %get3A_169, %and3A_174 : vector<16xi32>
      tpu.vector_store_idx %arg11[%shift_right_arithmetic3A_172, %and3A_175], %broadcast_in_dim3A_23 {add = true} : memref<80x128xf32, #tpu.memory_space<vmem>>[vector<16xi32>, vector<16xi32>], vector<16xf32>,
      %get3A_176 = arith.constant 0 : i32
      %get3A_177 = arith.constant 0 : i32
      %get3A_178 = arith.constant 1 : i32
      %get3A_179 = arith.index_cast %get3A_176 : i32 to index
      %get3A_180 = arith.index_cast %get3A_177 : i32 to index
      %get3A_181 = arith.index_cast %get3A_178 : i32 to index
      %get3A_182 = arith.constant 32 : index
      %get3A_183 = tpu.vector_load %arg9[%get3A_179, %get3A_180, %get3A_181, %get3A_182] {strides = array<i32>} : memref<2x10x2x128xi32, #tpu.memory_space<vmem>>, vector<16xi32>,
      %shift_right_arithmetic3A_184 = arith.constant 7 : i32
      %shift_right_arithmetic3A_185 = vector.broadcast %shift_right_arithmetic3A_184 : i32 to vector<16xi32>
      %shift_right_arithmetic3A_186 = arith.shrsi %get3A_183, %shift_right_arithmetic3A_185 : vector<16xi32>
      %and3A_187 = arith.constant 127 : i32
      %and3A_188 = vector.broadcast %and3A_187 : i32 to vector<16xi32>
      %and3A_189 = arith.andi %get3A_183, %and3A_188 : vector<16xi32>
      tpu.vector_store_idx %arg11[%shift_right_arithmetic3A_186, %and3A_189], %broadcast_in_dim3A_23 {add = true} : memref<80x128xf32, #tpu.memory_space<vmem>>[vector<16xi32>, vector<16xi32>], vector<16xf32>,
      %get3A_190 = arith.constant 0 : i32
      %get3A_191 = arith.constant 0 : i32
      %get3A_192 = arith.constant 1 : i32
      %get3A_193 = arith.index_cast %get3A_190 : i32 to index
      %get3A_194 = arith.index_cast %get3A_191 : i32 to index
      %get3A_195 = arith.index_cast %get3A_192 : i32 to index
      %get3A_196 = arith.constant 48 : index
      %get3A_197 = tpu.vector_load %arg9[%get3A_193, %get3A_194, %get3A_195, %get3A_196] {strides = array<i32>} : memref<2x10x2x128xi32, #tpu.memory_space<vmem>>, vector<16xi32>,
      %shift_right_arithmetic3A_198 = arith.constant 7 : i32
      %shift_right_arithmetic3A_199 = vector.broadcast %shift_right_arithmetic3A_198 : i32 to vector<16xi32>
      %shift_right_arithmetic3A_200 = arith.shrsi %get3A_197, %shift_right_arithmetic3A_199 : vector<16xi32>
      %and3A_201 = arith.constant 127 : i32
      %and3A_202 = vector.broadcast %and3A_201 : i32 to vector<16xi32>
      %and3A_203 = arith.andi %get3A_197, %and3A_202 : vector<16xi32>
      tpu.vector_store_idx %arg11[%shift_right_arithmetic3A_200, %and3A_203], %broadcast_in_dim3A_23 {add = true} : memref<80x128xf32, #tpu.memory_space<vmem>>[vector<16xi32>, vector<16xi32>], vector<16xf32>,
      %get3A_204 = arith.constant 0 : i32
      %get3A_205 = arith.constant 0 : i32
      %get3A_206 = arith.constant 1 : i32
      %get3A_207 = arith.index_cast %get3A_204 : i32 to index
      %get3A_208 = arith.index_cast %get3A_205 : i32 to index
      %get3A_209 = arith.index_cast %get3A_206 : i32 to index
      %get3A_210 = arith.constant 64 : index
      %get3A_211 = tpu.vector_load %arg9[%get3A_207, %get3A_208, %get3A_209, %get3A_210] {strides = array<i32>} : memref<2x10x2x128xi32, #tpu.memory_space<vmem>>, vector<16xi32>,
      %shift_right_arithmetic3A_212 = arith.constant 7 : i32
      %shift_right_arithmetic3A_213 = vector.broadcast %shift_right_arithmetic3A_212 : i32 to vector<16xi32>
      %shift_right_arithmetic3A_214 = arith.shrsi %get3A_211, %shift_right_arithmetic3A_213 : vector<16xi32>
      %and3A_215 = arith.constant 127 : i32
      %and3A_216 = vector.broadcast %and3A_215 : i32 to vector<16xi32>
      %and3A_217 = arith.andi %get3A_211, %and3A_216 : vector<16xi32>
      tpu.vector_store_idx %arg11[%shift_right_arithmetic3A_214, %and3A_217], %broadcast_in_dim3A_23 {add = true} : memref<80x128xf32, #tpu.memory_space<vmem>>[vector<16xi32>, vector<16xi32>], vector<16xf32>,
      %get3A_218 = arith.constant 0 : i32
      %get3A_219 = arith.constant 0 : i32
      %get3A_220 = arith.constant 1 : i32
      %get3A_221 = arith.index_cast %get3A_218 : i32 to index
      %get3A_222 = arith.index_cast %get3A_219 : i32 to index
      %get3A_223 = arith.index_cast %get3A_220 : i32 to index
      %get3A_224 = arith.constant 80 : index
      %get3A_225 = tpu.vector_load %arg9[%get3A_221, %get3A_222, %get3A_223, %get3A_224] {strides = array<i32>} : memref<2x10x2x128xi32, #tpu.memory_space<vmem>>, vector<16xi32>,
      %shift_right_arithmetic3A_226 = arith.constant 7 : i32
      %shift_right_arithmetic3A_227 = vector.broadcast %shift_right_arithmetic3A_226 : i32 to vector<16xi32>
      %shift_right_arithmetic3A_228 = arith.shrsi %get3A_225, %shift_right_arithmetic3A_227 : vector<16xi32>
      %and3A_229 = arith.constant 127 : i32
      %and3A_230 = vector.broadcast %and3A_229 : i32 to vector<16xi32>
      %and3A_231 = arith.andi %get3A_225, %and3A_230 : vector<16xi32>
      tpu.vector_store_idx %arg11[%shift_right_arithmetic3A_228, %and3A_231], %broadcast_in_dim3A_23 {add = true} : memref<80x128xf32, #tpu.memory_space<vmem>>[vector<16xi32>, vector<16xi32>], vector<16xf32>,
      %get3A_232 = arith.constant 0 : i32
      %get3A_233 = arith.constant 0 : i32
      %get3A_234 = arith.constant 1 : i32
      %get3A_235 = arith.index_cast %get3A_232 : i32 to index
      %get3A_236 = arith.index_cast %get3A_233 : i32 to index
      %get3A_237 = arith.index_cast %get3A_234 : i32 to index
      %get3A_238 = arith.constant 96 : index
      %get3A_239 = tpu.vector_load %arg9[%get3A_235, %get3A_236, %get3A_237, %get3A_238] {strides = array<i32>} : memref<2x10x2x128xi32, #tpu.memory_space<vmem>>, vector<16xi32>,
      %shift_right_arithmetic3A_240 = arith.constant 7 : i32
      %shift_right_arithmetic3A_241 = vector.broadcast %shift_right_arithmetic3A_240 : i32 to vector<16xi32>
      %shift_right_arithmetic3A_242 = arith.shrsi %get3A_239, %shift_right_arithmetic3A_241 : vector<16xi32>
      %and3A_243 = arith.constant 127 : i32
      %and3A_244 = vector.broadcast %and3A_243 : i32 to vector<16xi32>
      %and3A_245 = arith.andi %get3A_239, %and3A_244 : vector<16xi32>
      tpu.vector_store_idx %arg11[%shift_right_arithmetic3A_242, %and3A_245], %broadcast_in_dim3A_23 {add = true} : memref<80x128xf32, #tpu.memory_space<vmem>>[vector<16xi32>, vector<16xi32>], vector<16xf32>,
      %get3A_246 = arith.constant 0 : i32
      %get3A_247 = arith.constant 0 : i32
      %get3A_248 = arith.constant 1 : i32
      %get3A_249 = arith.index_cast %get3A_246 : i32 to index
      %get3A_250 = arith.index_cast %get3A_247 : i32 to index
      %get3A_251 = arith.index_cast %get3A_248 : i32 to index
      %get3A_252 = arith.constant 112 : index
      %get3A_253 = tpu.vector_load %arg9[%get3A_249, %get3A_250, %get3A_251, %get3A_252] {strides = array<i32>} : memref<2x10x2x128xi32, #tpu.memory_space<vmem>>, vector<16xi32>,
      %shift_right_arithmetic3A_254 = arith.constant 7 : i32
      %shift_right_arithmetic3A_255 = vector.broadcast %shift_right_arithmetic3A_254 : i32 to vector<16xi32>
      %shift_right_arithmetic3A_256 = arith.shrsi %get3A_253, %shift_right_arithmetic3A_255 : vector<16xi32>
      %and3A_257 = arith.constant 127 : i32
      %and3A_258 = vector.broadcast %and3A_257 : i32 to vector<16xi32>
      %and3A_259 = arith.andi %get3A_253, %and3A_258 : vector<16xi32>
      tpu.vector_store_idx %arg11[%shift_right_arithmetic3A_256, %and3A_259], %broadcast_in_dim3A_23 {add = true} : memref<80x128xf32, #tpu.memory_space<vmem>>[vector<16xi32>, vector<16xi32>], vector<16xf32>,
      %dma_start3A_260 = arith.constant 0 : i32
      %dma_start3A_261 = arith.constant 1 : i32
      %dma_start3A_262 = arith.constant 0 : i32
      %dma_start3A_263 = arith.constant 1 : i32
      %dma_start3A_264 = arith.constant 0 : i32
      %dma_start3A_265 = arith.constant 0 : i32
      %dma_start3A_266 = tpu.memref_slice %arg10[%dma_start3A_263, %dma_start3A_264, %dma_start3A_265] : memref<4x128x128xbf16, #tpu.memory_space<vmem>> -> memref<1x128x128xbf16, #tpu.memory_space<vmem>>
      %dma_start3A_267 = tpu.memref_squeeze %dma_start3A_266 : memref<1x128x128xbf16, #tpu.memory_space<vmem>> -> memref<128x128xbf16, #tpu.memory_space<vmem>>
      %dma_start3A_268 = arith.constant 0 : i32
      %dma_start3A_269 = tpu.memref_slice %arg9[%dma_start3A_260, %dma_start3A_261, %dma_start3A_262, %dma_start3A_268] : memref<2x10x2x128xi32, #tpu.memory_space<vmem>> -> memref<1x1x1x128xi32, #tpu.memory_space<vmem>>
      %dma_start3A_270 = tpu.memref_squeeze %dma_start3A_269 : memref<1x1x1x128xi32, #tpu.memory_space<vmem>> -> memref<128xi32, #tpu.memory_space<vmem>>
      %dma_start3A_271 = arith.constant 0 : i32
      %dma_start3A_272 = arith.constant 0 : i32
      %dma_start3A_273 = tpu.memref_slice %arg2[%dma_start3A_271, %dma_start3A_272] : memref<10000x128xbf16, #tpu.memory_space<hbm>> -> memref<10000x128xbf16, #tpu.memory_space<hbm>>
      tpu.enqueue_indirect_dma source(%dma_start3A_273 : memref<10000x128xbf16, #tpu.memory_space<hbm>>) target(%dma_start3A_267 : memref<128x128xbf16, #tpu.memory_space<vmem>>) offsets(%dma_start3A_270 : memref<128xi32, #tpu.memory_space<vmem>>) semaphore(%arg14 : memref<!tpu.dma_semaphore, #tpu.memory_space<semaphore_mem>>)
      %dma_wait3A_274 = arith.constant 0 : i32
      %dma_wait3A_275 = arith.constant 1 : i32
      %dma_wait3A_276 = arith.constant 0 : i32
      %dma_wait3A_277 = arith.constant 1 : i32
      %dma_wait3A_278 = arith.constant 0 : i32
      %dma_wait3A_279 = arith.constant 0 : i32
      %dma_wait3A_280 = tpu.memref_slice %arg10[%dma_wait3A_277, %dma_wait3A_278, %dma_wait3A_279] : memref<4x128x128xbf16, #tpu.memory_space<vmem>> -> memref<1x128x128xbf16, #tpu.memory_space<vmem>>
      %dma_wait3A_281 = tpu.memref_squeeze %dma_wait3A_280 : memref<1x128x128xbf16, #tpu.memory_space<vmem>> -> memref<128x128xbf16, #tpu.memory_space<vmem>>
      %dma_wait3A_282 = arith.constant 0 : i32
      %dma_wait3A_283 = tpu.memref_slice %arg9[%dma_wait3A_274, %dma_wait3A_275, %dma_wait3A_276, %dma_wait3A_282] : memref<2x10x2x128xi32, #tpu.memory_space<vmem>> -> memref<1x1x1x128xi32, #tpu.memory_space<vmem>>
      %dma_wait3A_284 = tpu.memref_squeeze %dma_wait3A_283 : memref<1x1x1x128xi32, #tpu.memory_space<vmem>> -> memref<128xi32, #tpu.memory_space<vmem>>
      %dma_wait3A_285 = arith.constant 0 : i32
      %dma_wait3A_286 = arith.constant 0 : i32
      %dma_wait3A_287 = tpu.memref_slice %arg2[%dma_wait3A_285, %dma_wait3A_286] : memref<10000x128xbf16, #tpu.memory_space<hbm>> -> memref<10000x128xbf16, #tpu.memory_space<hbm>>
      tpu.wait_indirect_dma semaphore(%arg14 : memref<!tpu.dma_semaphore, #tpu.memory_space<semaphore_mem>>) src(%dma_wait3A_287 : memref<10000x128xbf16, #tpu.memory_space<hbm>>) dst(%dma_wait3A_281 : memref<128x128xbf16, #tpu.memory_space<vmem>>)
      %dma_start3A_288 = arith.constant 1 : i32
      %dma_start3A_289 = arith.constant 0 : i32
      %dma_start3A_290 = arith.constant 1 : i32
      %dma_start3A_291 = arith.constant 1 : i32
      %dma_start3A_292 = arith.constant 0 : i32
      %dma_start3A_293 = arith.constant 0 : i32
      %dma_start3A_294 = tpu.memref_slice %arg10[%dma_start3A_288, %dma_start3A_292, %dma_start3A_293] : memref<4x128x128xbf16, #tpu.memory_space<vmem>> -> memref<1x128x128xbf16, #tpu.memory_space<vmem>>
      %dma_start3A_295 = tpu.memref_squeeze %dma_start3A_294 : memref<1x128x128xbf16, #tpu.memory_space<vmem>> -> memref<128x128xbf16, #tpu.memory_space<vmem>>
      %dma_start3A_296 = arith.constant 0 : i32
      %dma_start3A_297 = tpu.memref_slice %arg9[%dma_start3A_289, %dma_start3A_290, %dma_start3A_291, %dma_start3A_296] : memref<2x10x2x128xi32, #tpu.memory_space<vmem>> -> memref<1x1x1x128xi32, #tpu.memory_space<vmem>>
      %dma_start3A_298 = tpu.memref_squeeze %dma_start3A_297 : memref<1x1x1x128xi32, #tpu.memory_space<vmem>> -> memref<128xi32, #tpu.memory_space<vmem>>
      %dma_start3A_299 = arith.constant 0 : i32
      %dma_start3A_300 = arith.constant 0 : i32
      %dma_start3A_301 = tpu.memref_slice %arg7[%dma_start3A_299, %dma_start3A_300] : memref<10112x128xbf16, #tpu.memory_space<vmem_shared>> -> memref<10112x128xbf16, #tpu.memory_space<vmem_shared>>
      tpu.enqueue_indirect_dma source(%dma_start3A_295 : memref<128x128xbf16, #tpu.memory_space<vmem>>) target(%dma_start3A_301 : memref<10112x128xbf16, #tpu.memory_space<vmem_shared>>) offsets(%dma_start3A_298 : memref<128xi32, #tpu.memory_space<vmem>>) semaphore(%arg18 : memref<!tpu.dma_semaphore, #tpu.memory_space<semaphore_mem>>) {add = true}
      %get3A_302 = arith.constant 0 : i32
      %get3A_303 = arith.constant 1 : i32
      %get3A_304 = arith.constant 1 : i32
      %get3A_305 = arith.index_cast %get3A_302 : i32 to index
      %get3A_306 = arith.index_cast %get3A_303 : i32 to index
      %get3A_307 = arith.index_cast %get3A_304 : i32 to index
      %get3A_308 = arith.constant 0 : index
      %get3A_309 = tpu.vector_load %arg9[%get3A_305, %get3A_306, %get3A_307, %get3A_308] {strides = array<i32>} : memref<2x10x2x128xi32, #tpu.memory_space<vmem>>, vector<16xi32>,
      %shift_right_arithmetic3A_310 = arith.constant 7 : i32
      %shift_right_arithmetic3A_311 = vector.broadcast %shift_right_arithmetic3A_310 : i32 to vector<16xi32>
      %shift_right_arithmetic3A_312 = arith.shrsi %get3A_309, %shift_right_arithmetic3A_311 : vector<16xi32>
      %and3A_313 = arith.constant 127 : i32
      %and3A_314 = vector.broadcast %and3A_313 : i32 to vector<16xi32>
      %and3A_315 = arith.andi %get3A_309, %and3A_314 : vector<16xi32>
      tpu.vector_store_idx %arg11[%shift_right_arithmetic3A_312, %and3A_315], %broadcast_in_dim3A_23 {add = true} : memref<80x128xf32, #tpu.memory_space<vmem>>[vector<16xi32>, vector<16xi32>], vector<16xf32>,
      %get3A_316 = arith.constant 0 : i32
      %get3A_317 = arith.constant 1 : i32
      %get3A_318 = arith.constant 1 : i32
      %get3A_319 = arith.index_cast %get3A_316 : i32 to index
      %get3A_320 = arith.index_cast %get3A_317 : i32 to index
      %get3A_321 = arith.index_cast %get3A_318 : i32 to index
      %get3A_322 = arith.constant 16 : index
      %get3A_323 = tpu.vector_load %arg9[%get3A_319, %get3A_320, %get3A_321, %get3A_322] {strides = array<i32>} : memref<2x10x2x128xi32, #tpu.memory_space<vmem>>, vector<16xi32>,
      %shift_right_arithmetic3A_324 = arith.constant 7 : i32
      %shift_right_arithmetic3A_325 = vector.broadcast %shift_right_arithmetic3A_324 : i32 to vector<16xi32>
      %shift_right_arithmetic3A_326 = arith.shrsi %get3A_323, %shift_right_arithmetic3A_325 : vector<16xi32>
      %and3A_327 = arith.constant 127 : i32
      %and3A_328 = vector.broadcast %and3A_327 : i32 to vector<16xi32>
      %and3A_329 = arith.andi %get3A_323, %and3A_328 : vector<16xi32>
      tpu.vector_store_idx %arg11[%shift_right_arithmetic3A_326, %and3A_329], %broadcast_in_dim3A_23 {add = true} : memref<80x128xf32, #tpu.memory_space<vmem>>[vector<16xi32>, vector<16xi32>], vector<16xf32>,
      %get3A_330 = arith.constant 0 : i32
      %get3A_331 = arith.constant 1 : i32
      %get3A_332 = arith.constant 1 : i32
      %get3A_333 = arith.index_cast %get3A_330 : i32 to index
      %get3A_334 = arith.index_cast %get3A_331 : i32 to index
      %get3A_335 = arith.index_cast %get3A_332 : i32 to index
      %get3A_336 = arith.constant 32 : index
      %get3A_337 = tpu.vector_load %arg9[%get3A_333, %get3A_334, %get3A_335, %get3A_336] {strides = array<i32>} : memref<2x10x2x128xi32, #tpu.memory_space<vmem>>, vector<16xi32>,
      %shift_right_arithmetic3A_338 = arith.constant 7 : i32
      %shift_right_arithmetic3A_339 = vector.broadcast %shift_right_arithmetic3A_338 : i32 to vector<16xi32>
      %shift_right_arithmetic3A_340 = arith.shrsi %get3A_337, %shift_right_arithmetic3A_339 : vector<16xi32>
      %and3A_341 = arith.constant 127 : i32
      %and3A_342 = vector.broadcast %and3A_341 : i32 to vector<16xi32>
      %and3A_343 = arith.andi %get3A_337, %and3A_342 : vector<16xi32>
      tpu.vector_store_idx %arg11[%shift_right_arithmetic3A_340, %and3A_343], %broadcast_in_dim3A_23 {add = true} : memref<80x128xf32, #tpu.memory_space<vmem>>[vector<16xi32>, vector<16xi32>], vector<16xf32>,
      %get3A_344 = arith.constant 0 : i32
      %get3A_345 = arith.constant 1 : i32
      %get3A_346 = arith.constant 1 : i32
      %get3A_347 = arith.index_cast %get3A_344 : i32 to index
      %get3A_348 = arith.index_cast %get3A_345 : i32 to index
      %get3A_349 = arith.index_cast %get3A_346 : i32 to index
      %get3A_350 = arith.constant 48 : index
      %get3A_351 = tpu.vector_load %arg9[%get3A_347, %get3A_348, %get3A_349, %get3A_350] {strides = array<i32>} : memref<2x10x2x128xi32, #tpu.memory_space<vmem>>, vector<16xi32>,
      %shift_right_arithmetic3A_352 = arith.constant 7 : i32
      %shift_right_arithmetic3A_353 = vector.broadcast %shift_right_arithmetic3A_352 : i32 to vector<16xi32>
      %shift_right_arithmetic3A_354 = arith.shrsi %get3A_351, %shift_right_arithmetic3A_353 : vector<16xi32>
      %and3A_355 = arith.constant 127 : i32
      %and3A_356 = vector.broadcast %and3A_355 : i32 to vector<16xi32>
      %and3A_357 = arith.andi %get3A_351, %and3A_356 : vector<16xi32>
      tpu.vector_store_idx %arg11[%shift_right_arithmetic3A_354, %and3A_357], %broadcast_in_dim3A_23 {add = true} : memref<80x128xf32, #tpu.memory_space<vmem>>[vector<16xi32>, vector<16xi32>], vector<16xf32>,
      %get3A_358 = arith.constant 0 : i32
      %get3A_359 = arith.constant 1 : i32
      %get3A_360 = arith.constant 1 : i32
      %get3A_361 = arith.index_cast %get3A_358 : i32 to index
      %get3A_362 = arith.index_cast %get3A_359 : i32 to index
      %get3A_363 = arith.index_cast %get3A_360 : i32 to index
      %get3A_364 = arith.constant 64 : index
      %get3A_365 = tpu.vector_load %arg9[%get3A_361, %get3A_362, %get3A_363, %get3A_364] {strides = array<i32>} : memref<2x10x2x128xi32, #tpu.memory_space<vmem>>, vector<16xi32>,
      %shift_right_arithmetic3A_366 = arith.constant 7 : i32
      %shift_right_arithmetic3A_367 = vector.broadcast %shift_right_arithmetic3A_366 : i32 to vector<16xi32>
      %shift_right_arithmetic3A_368 = arith.shrsi %get3A_365, %shift_right_arithmetic3A_367 : vector<16xi32>
      %and3A_369 = arith.constant 127 : i32
      %and3A_370 = vector.broadcast %and3A_369 : i32 to vector<16xi32>
      %and3A_371 = arith.andi %get3A_365, %and3A_370 : vector<16xi32>
      tpu.vector_store_idx %arg11[%shift_right_arithmetic3A_368, %and3A_371], %broadcast_in_dim3A_23 {add = true} : memref<80x128xf32, #tpu.memory_space<vmem>>[vector<16xi32>, vector<16xi32>], vector<16xf32>,
      %get3A_372 = arith.constant 0 : i32
      %get3A_373 = arith.constant 1 : i32
      %get3A_374 = arith.constant 1 : i32
      %get3A_375 = arith.index_cast %get3A_372 : i32 to index
      %get3A_376 = arith.index_cast %get3A_373 : i32 to index
      %get3A_377 = arith.index_cast %get3A_374 : i32 to index
      %get3A_378 = arith.constant 80 : index
      %get3A_379 = tpu.vector_load %arg9[%get3A_375, %get3A_376, %get3A_377, %get3A_378] {strides = array<i32>} : memref<2x10x2x128xi32, #tpu.memory_space<vmem>>, vector<16xi32>,
      %shift_right_arithmetic3A_380 = arith.constant 7 : i32
      %shift_right_arithmetic3A_381 = vector.broadcast %shift_right_arithmetic3A_380 : i32 to vector<16xi32>
      %shift_right_arithmetic3A_382 = arith.shrsi %get3A_379, %shift_right_arithmetic3A_381 : vector<16xi32>
      %and3A_383 = arith.constant 127 : i32
      %and3A_384 = vector.broadcast %and3A_383 : i32 to vector<16xi32>
      %and3A_385 = arith.andi %get3A_379, %and3A_384 : vector<16xi32>
      tpu.vector_store_idx %arg11[%shift_right_arithmetic3A_382, %and3A_385], %broadcast_in_dim3A_23 {add = true} : memref<80x128xf32, #tpu.memory_space<vmem>>[vector<16xi32>, vector<16xi32>], vector<16xf32>,
      %get3A_386 = arith.constant 0 : i32
      %get3A_387 = arith.constant 1 : i32
      %get3A_388 = arith.constant 1 : i32
      %get3A_389 = arith.index_cast %get3A_386 : i32 to index
      %get3A_390 = arith.index_cast %get3A_387 : i32 to index
      %get3A_391 = arith.index_cast %get3A_388 : i32 to index
      %get3A_392 = arith.constant 96 : index
      %get3A_393 = tpu.vector_load %arg9[%get3A_389, %get3A_390, %get3A_391, %get3A_392] {strides = array<i32>} : memref<2x10x2x128xi32, #tpu.memory_space<vmem>>, vector<16xi32>,
      %shift_right_arithmetic3A_394 = arith.constant 7 : i32
      %shift_right_arithmetic3A_395 = vector.broadcast %shift_right_arithmetic3A_394 : i32 to vector<16xi32>
      %shift_right_arithmetic3A_396 = arith.shrsi %get3A_393, %shift_right_arithmetic3A_395 : vector<16xi32>
      %and3A_397 = arith.constant 127 : i32
      %and3A_398 = vector.broadcast %and3A_397 : i32 to vector<16xi32>
      %and3A_399 = arith.andi %get3A_393, %and3A_398 : vector<16xi32>
      tpu.vector_store_idx %arg11[%shift_right_arithmetic3A_396, %and3A_399], %broadcast_in_dim3A_23 {add = true} : memref<80x128xf32, #tpu.memory_space<vmem>>[vector<16xi32>, vector<16xi32>], vector<16xf32>,
      %get3A_400 = arith.constant 0 : i32
      %get3A_401 = arith.constant 1 : i32
      %get3A_402 = arith.constant 1 : i32
      %get3A_403 = arith.index_cast %get3A_400 : i32 to index
      %get3A_404 = arith.index_cast %get3A_401 : i32 to index
      %get3A_405 = arith.index_cast %get3A_402 : i32 to index
      %get3A_406 = arith.constant 112 : index
      %get3A_407 = tpu.vector_load %arg9[%get3A_403, %get3A_404, %get3A_405, %get3A_406] {strides = array<i32>} : memref<2x10x2x128xi32, #tpu.memory_space<vmem>>, vector<16xi32>,
      %shift_right_arithmetic3A_408 = arith.constant 7 : i32
      %shift_right_arithmetic3A_409 = vector.broadcast %shift_right_arithmetic3A_408 : i32 to vector<16xi32>
      %shift_right_arithmetic3A_410 = arith.shrsi %get3A_407, %shift_right_arithmetic3A_409 : vector<16xi32>
      %and3A_411 = arith.constant 127 : i32
      %and3A_412 = vector.broadcast %and3A_411 : i32 to vector<16xi32>
      %and3A_413 = arith.andi %get3A_407, %and3A_412 : vector<16xi32>
      tpu.vector_store_idx %arg11[%shift_right_arithmetic3A_410, %and3A_413], %broadcast_in_dim3A_23 {add = true} : memref<80x128xf32, #tpu.memory_space<vmem>>[vector<16xi32>, vector<16xi32>], vector<16xf32>,
      %dma_start3A_414 = arith.constant 0 : i32
      %dma_start3A_415 = arith.constant 2 : i32
      %dma_start3A_416 = arith.constant 0 : i32
      %dma_start3A_417 = arith.constant 2 : i32
      %dma_start3A_418 = arith.constant 0 : i32
      %dma_start3A_419 = arith.constant 0 : i32
      %dma_start3A_420 = tpu.memref_slice %arg10[%dma_start3A_417, %dma_start3A_418, %dma_start3A_419] : memref<4x128x128xbf16, #tpu.memory_space<vmem>> -> memref<1x128x128xbf16, #tpu.memory_space<vmem>>
      %dma_start3A_421 = tpu.memref_squeeze %dma_start3A_420 : memref<1x128x128xbf16, #tpu.memory_space<vmem>> -> memref<128x128xbf16, #tpu.memory_space<vmem>>
      %dma_start3A_422 = arith.constant 0 : i32
      %dma_start3A_423 = tpu.memref_slice %arg9[%dma_start3A_414, %dma_start3A_415, %dma_start3A_416, %dma_start3A_422] : memref<2x10x2x128xi32, #tpu.memory_space<vmem>> -> memref<1x1x1x128xi32, #tpu.memory_space<vmem>>
      %dma_start3A_424 = tpu.memref_squeeze %dma_start3A_423 : memref<1x1x1x128xi32, #tpu.memory_space<vmem>> -> memref<128xi32, #tpu.memory_space<vmem>>
      %dma_start3A_425 = arith.constant 0 : i32
      %dma_start3A_426 = arith.constant 0 : i32
      %dma_start3A_427 = tpu.memref_slice %arg2[%dma_start3A_425, %dma_start3A_426] : memref<10000x128xbf16, #tpu.memory_space<hbm>> -> memref<10000x128xbf16, #tpu.memory_space<hbm>>
      tpu.enqueue_indirect_dma source(%dma_start3A_427 : memref<10000x128xbf16, #tpu.memory_space<hbm>>) target(%dma_start3A_421 : memref<128x128xbf16, #tpu.memory_space<vmem>>) offsets(%dma_start3A_424 : memref<128xi32, #tpu.memory_space<vmem>>) semaphore(%arg15 : memref<!tpu.dma_semaphore, #tpu.memory_space<semaphore_mem>>)
      %dma_wait3A_428 = arith.constant 0 : i32
      %dma_wait3A_429 = arith.constant 2 : i32
      %dma_wait3A_430 = arith.constant 0 : i32
      %dma_wait3A_431 = arith.constant 2 : i32
      %dma_wait3A_432 = arith.constant 0 : i32
      %dma_wait3A_433 = arith.constant 0 : i32
      %dma_wait3A_434 = tpu.memref_slice %arg10[%dma_wait3A_431, %dma_wait3A_432, %dma_wait3A_433] : memref<4x128x128xbf16, #tpu.memory_space<vmem>> -> memref<1x128x128xbf16, #tpu.memory_space<vmem>>
      %dma_wait3A_435 = tpu.memref_squeeze %dma_wait3A_434 : memref<1x128x128xbf16, #tpu.memory_space<vmem>> -> memref<128x128xbf16, #tpu.memory_space<vmem>>
      %dma_wait3A_436 = arith.constant 0 : i32
      %dma_wait3A_437 = tpu.memref_slice %arg9[%dma_wait3A_428, %dma_wait3A_429, %dma_wait3A_430, %dma_wait3A_436] : memref<2x10x2x128xi32, #tpu.memory_space<vmem>> -> memref<1x1x1x128xi32, #tpu.memory_space<vmem>>
      %dma_wait3A_438 = tpu.memref_squeeze %dma_wait3A_437 : memref<1x1x1x128xi32, #tpu.memory_space<vmem>> -> memref<128xi32, #tpu.memory_space<vmem>>
      %dma_wait3A_439 = arith.constant 0 : i32
      %dma_wait3A_440 = arith.constant 0 : i32
      %dma_wait3A_441 = tpu.memref_slice %arg2[%dma_wait3A_439, %dma_wait3A_440] : memref<10000x128xbf16, #tpu.memory_space<hbm>> -> memref<10000x128xbf16, #tpu.memory_space<hbm>>
      tpu.wait_indirect_dma semaphore(%arg15 : memref<!tpu.dma_semaphore, #tpu.memory_space<semaphore_mem>>) src(%dma_wait3A_441 : memref<10000x128xbf16, #tpu.memory_space<hbm>>) dst(%dma_wait3A_435 : memref<128x128xbf16, #tpu.memory_space<vmem>>)
      %dma_start3A_442 = arith.constant 2 : i32
      %dma_start3A_443 = arith.constant 0 : i32
      %dma_start3A_444 = arith.constant 2 : i32
      %dma_start3A_445 = arith.constant 1 : i32
      %dma_start3A_446 = arith.constant 0 : i32
      %dma_start3A_447 = arith.constant 0 : i32
      %dma_start3A_448 = tpu.memref_slice %arg10[%dma_start3A_442, %dma_start3A_446, %dma_start3A_447] : memref<4x128x128xbf16, #tpu.memory_space<vmem>> -> memref<1x128x128xbf16, #tpu.memory_space<vmem>>
      %dma_start3A_449 = tpu.memref_squeeze %dma_start3A_448 : memref<1x128x128xbf16, #tpu.memory_space<vmem>> -> memref<128x128xbf16, #tpu.memory_space<vmem>>
      %dma_start3A_450 = arith.constant 0 : i32
      %dma_start3A_451 = tpu.memref_slice %arg9[%dma_start3A_443, %dma_start3A_444, %dma_start3A_445, %dma_start3A_450] : memref<2x10x2x128xi32, #tpu.memory_space<vmem>> -> memref<1x1x1x128xi32, #tpu.memory_space<vmem>>
      %dma_start3A_452 = tpu.memref_squeeze %dma_start3A_451 : memref<1x1x1x128xi32, #tpu.memory_space<vmem>> -> memref<128xi32, #tpu.memory_space<vmem>>
      %dma_start3A_453 = arith.constant 0 : i32
      %dma_start3A_454 = arith.constant 0 : i32
      %dma_start3A_455 = tpu.memref_slice %arg7[%dma_start3A_453, %dma_start3A_454] : memref<10112x128xbf16, #tpu.memory_space<vmem_shared>> -> memref<10112x128xbf16, #tpu.memory_space<vmem_shared>>
      tpu.enqueue_indirect_dma source(%dma_start3A_449 : memref<128x128xbf16, #tpu.memory_space<vmem>>) target(%dma_start3A_455 : memref<10112x128xbf16, #tpu.memory_space<vmem_shared>>) offsets(%dma_start3A_452 : memref<128xi32, #tpu.memory_space<vmem>>) semaphore(%arg19 : memref<!tpu.dma_semaphore, #tpu.memory_space<semaphore_mem>>) {add = true}
      %get3A_456 = arith.constant 0 : i32
      %get3A_457 = arith.constant 2 : i32
      %get3A_458 = arith.constant 1 : i32
      %get3A_459 = arith.index_cast %get3A_456 : i32 to index
      %get3A_460 = arith.index_cast %get3A_457 : i32 to index
      %get3A_461 = arith.index_cast %get3A_458 : i32 to index
      %get3A_462 = arith.constant 0 : index
      %get3A_463 = tpu.vector_load %arg9[%get3A_459, %get3A_460, %get3A_461, %get3A_462] {strides = array<i32>} : memref<2x10x2x128xi32, #tpu.memory_space<vmem>>, vector<16xi32>,
      %shift_right_arithmetic3A_464 = arith.constant 7 : i32
      %shift_right_arithmetic3A_465 = vector.broadcast %shift_right_arithmetic3A_464 : i32 to vector<16xi32>
      %shift_right_arithmetic3A_466 = arith.shrsi %get3A_463, %shift_right_arithmetic3A_465 : vector<16xi32>
      %and3A_467 = arith.constant 127 : i32
      %and3A_468 = vector.broadcast %and3A_467 : i32 to vector<16xi32>
      %and3A_469 = arith.andi %get3A_463, %and3A_468 : vector<16xi32>
      tpu.vector_store_idx %arg11[%shift_right_arithmetic3A_466, %and3A_469], %broadcast_in_dim3A_23 {add = true} : memref<80x128xf32, #tpu.memory_space<vmem>>[vector<16xi32>, vector<16xi32>], vector<16xf32>,
      %get3A_470 = arith.constant 0 : i32
      %get3A_471 = arith.constant 2 : i32
      %get3A_472 = arith.constant 1 : i32
      %get3A_473 = arith.index_cast %get3A_470 : i32 to index
      %get3A_474 = arith.index_cast %get3A_471 : i32 to index
      %get3A_475 = arith.index_cast %get3A_472 : i32 to index
      %get3A_476 = arith.constant 16 : index
      %get3A_477 = tpu.vector_load %arg9[%get3A_473, %get3A_474, %get3A_475, %get3A_476] {strides = array<i32>} : memref<2x10x2x128xi32, #tpu.memory_space<vmem>>, vector<16xi32>,
      %shift_right_arithmetic3A_478 = arith.constant 7 : i32
      %shift_right_arithmetic3A_479 = vector.broadcast %shift_right_arithmetic3A_478 : i32 to vector<16xi32>
      %shift_right_arithmetic3A_480 = arith.shrsi %get3A_477, %shift_right_arithmetic3A_479 : vector<16xi32>
      %and3A_481 = arith.constant 127 : i32
      %and3A_482 = vector.broadcast %and3A_481 : i32 to vector<16xi32>
      %and3A_483 = arith.andi %get3A_477, %and3A_482 : vector<16xi32>
      tpu.vector_store_idx %arg11[%shift_right_arithmetic3A_480, %and3A_483], %broadcast_in_dim3A_23 {add = true} : memref<80x128xf32, #tpu.memory_space<vmem>>[vector<16xi32>, vector<16xi32>], vector<16xf32>,
      %get3A_484 = arith.constant 0 : i32
      %get3A_485 = arith.constant 2 : i32
      %get3A_486 = arith.constant 1 : i32
      %get3A_487 = arith.index_cast %get3A_484 : i32 to index
      %get3A_488 = arith.index_cast %get3A_485 : i32 to index
      %get3A_489 = arith.index_cast %get3A_486 : i32 to index
      %get3A_490 = arith.constant 32 : index
      %get3A_491 = tpu.vector_load %arg9[%get3A_487, %get3A_488, %get3A_489, %get3A_490] {strides = array<i32>} : memref<2x10x2x128xi32, #tpu.memory_space<vmem>>, vector<16xi32>,
      %shift_right_arithmetic3A_492 = arith.constant 7 : i32
      %shift_right_arithmetic3A_493 = vector.broadcast %shift_right_arithmetic3A_492 : i32 to vector<16xi32>
      %shift_right_arithmetic3A_494 = arith.shrsi %get3A_491, %shift_right_arithmetic3A_493 : vector<16xi32>
      %and3A_495 = arith.constant 127 : i32
      %and3A_496 = vector.broadcast %and3A_495 : i32 to vector<16xi32>
      %and3A_497 = arith.andi %get3A_491, %and3A_496 : vector<16xi32>
      tpu.vector_store_idx %arg11[%shift_right_arithmetic3A_494, %and3A_497], %broadcast_in_dim3A_23 {add = true} : memref<80x128xf32, #tpu.memory_space<vmem>>[vector<16xi32>, vector<16xi32>], vector<16xf32>,
      %get3A_498 = arith.constant 0 : i32
      %get3A_499 = arith.constant 2 : i32
      %get3A_500 = arith.constant 1 : i32
      %get3A_501 = arith.index_cast %get3A_498 : i32 to index
      %get3A_502 = arith.index_cast %get3A_499 : i32 to index
      %get3A_503 = arith.index_cast %get3A_500 : i32 to index
      %get3A_504 = arith.constant 48 : index
      %get3A_505 = tpu.vector_load %arg9[%get3A_501, %get3A_502, %get3A_503, %get3A_504] {strides = array<i32>} : memref<2x10x2x128xi32, #tpu.memory_space<vmem>>, vector<16xi32>,
      %shift_right_arithmetic3A_506 = arith.constant 7 : i32
      %shift_right_arithmetic3A_507 = vector.broadcast %shift_right_arithmetic3A_506 : i32 to vector<16xi32>
      %shift_right_arithmetic3A_508 = arith.shrsi %get3A_505, %shift_right_arithmetic3A_507 : vector<16xi32>
      %and3A_509 = arith.constant 127 : i32
      %and3A_510 = vector.broadcast %and3A_509 : i32 to vector<16xi32>
      %and3A_511 = arith.andi %get3A_505, %and3A_510 : vector<16xi32>
      tpu.vector_store_idx %arg11[%shift_right_arithmetic3A_508, %and3A_511], %broadcast_in_dim3A_23 {add = true} : memref<80x128xf32, #tpu.memory_space<vmem>>[vector<16xi32>, vector<16xi32>], vector<16xf32>,
      %get3A_512 = arith.constant 0 : i32
      %get3A_513 = arith.constant 2 : i32
      %get3A_514 = arith.constant 1 : i32
      %get3A_515 = arith.index_cast %get3A_512 : i32 to index
      %get3A_516 = arith.index_cast %get3A_513 : i32 to index
      %get3A_517 = arith.index_cast %get3A_514 : i32 to index
      %get3A_518 = arith.constant 64 : index
      %get3A_519 = tpu.vector_load %arg9[%get3A_515, %get3A_516, %get3A_517, %get3A_518] {strides = array<i32>} : memref<2x10x2x128xi32, #tpu.memory_space<vmem>>, vector<16xi32>,
      %shift_right_arithmetic3A_520 = arith.constant 7 : i32
      %shift_right_arithmetic3A_521 = vector.broadcast %shift_right_arithmetic3A_520 : i32 to vector<16xi32>
      %shift_right_arithmetic3A_522 = arith.shrsi %get3A_519, %shift_right_arithmetic3A_521 : vector<16xi32>
      %and3A_523 = arith.constant 127 : i32
      %and3A_524 = vector.broadcast %and3A_523 : i32 to vector<16xi32>
      %and3A_525 = arith.andi %get3A_519, %and3A_524 : vector<16xi32>
      tpu.vector_store_idx %arg11[%shift_right_arithmetic3A_522, %and3A_525], %broadcast_in_dim3A_23 {add = true} : memref<80x128xf32, #tpu.memory_space<vmem>>[vector<16xi32>, vector<16xi32>], vector<16xf32>,
      %get3A_526 = arith.constant 0 : i32
      %get3A_527 = arith.constant 2 : i32
      %get3A_528 = arith.constant 1 : i32
      %get3A_529 = arith.index_cast %get3A_526 : i32 to index
      %get3A_530 = arith.index_cast %get3A_527 : i32 to index
      %get3A_531 = arith.index_cast %get3A_528 : i32 to index
      %get3A_532 = arith.constant 80 : index
      %get3A_533 = tpu.vector_load %arg9[%get3A_529, %get3A_530, %get3A_531, %get3A_532] {strides = array<i32>} : memref<2x10x2x128xi32, #tpu.memory_space<vmem>>, vector<16xi32>,
      %shift_right_arithmetic3A_534 = arith.constant 7 : i32
      %shift_right_arithmetic3A_535 = vector.broadcast %shift_right_arithmetic3A_534 : i32 to vector<16xi32>
      %shift_right_arithmetic3A_536 = arith.shrsi %get3A_533, %shift_right_arithmetic3A_535 : vector<16xi32>
      %and3A_537 = arith.constant 127 : i32
      %and3A_538 = vector.broadcast %and3A_537 : i32 to vector<16xi32>
      %and3A_539 = arith.andi %get3A_533, %and3A_538 : vector<16xi32>
      tpu.vector_store_idx %arg11[%shift_right_arithmetic3A_536, %and3A_539], %broadcast_in_dim3A_23 {add = true} : memref<80x128xf32, #tpu.memory_space<vmem>>[vector<16xi32>, vector<16xi32>], vector<16xf32>,
      %get3A_540 = arith.constant 0 : i32
      %get3A_541 = arith.constant 2 : i32
      %get3A_542 = arith.constant 1 : i32
      %get3A_543 = arith.index_cast %get3A_540 : i32 to index
      %get3A_544 = arith.index_cast %get3A_541 : i32 to index
      %get3A_545 = arith.index_cast %get3A_542 : i32 to index
      %get3A_546 = arith.constant 96 : index
      %get3A_547 = tpu.vector_load %arg9[%get3A_543, %get3A_544, %get3A_545, %get3A_546] {strides = array<i32>} : memref<2x10x2x128xi32, #tpu.memory_space<vmem>>, vector<16xi32>,
      %shift_right_arithmetic3A_548 = arith.constant 7 : i32
      %shift_right_arithmetic3A_549 = vector.broadcast %shift_right_arithmetic3A_548 : i32 to vector<16xi32>
      %shift_right_arithmetic3A_550 = arith.shrsi %get3A_547, %shift_right_arithmetic3A_549 : vector<16xi32>
      %and3A_551 = arith.constant 127 : i32
      %and3A_552 = vector.broadcast %and3A_551 : i32 to vector<16xi32>
      %and3A_553 = arith.andi %get3A_547, %and3A_552 : vector<16xi32>
      tpu.vector_store_idx %arg11[%shift_right_arithmetic3A_550, %and3A_553], %broadcast_in_dim3A_23 {add = true} : memref<80x128xf32, #tpu.memory_space<vmem>>[vector<16xi32>, vector<16xi32>], vector<16xf32>,
      %get3A_554 = arith.constant 0 : i32
      %get3A_555 = arith.constant 2 : i32
      %get3A_556 = arith.constant 1 : i32
      %get3A_557 = arith.index_cast %get3A_554 : i32 to index
      %get3A_558 = arith.index_cast %get3A_555 : i32 to index
      %get3A_559 = arith.index_cast %get3A_556 : i32 to index
      %get3A_560 = arith.constant 112 : index
      %get3A_561 = tpu.vector_load %arg9[%get3A_557, %get3A_558, %get3A_559, %get3A_560] {strides = array<i32>} : memref<2x10x2x128xi32, #tpu.memory_space<vmem>>, vector<16xi32>,
      %shift_right_arithmetic3A_562 = arith.constant 7 : i32
      %shift_right_arithmetic3A_563 = vector.broadcast %shift_right_arithmetic3A_562 : i32 to vector<16xi32>
      %shift_right_arithmetic3A_564 = arith.shrsi %get3A_561, %shift_right_arithmetic3A_563 : vector<16xi32>
      %and3A_565 = arith.constant 127 : i32
      %and3A_566 = vector.broadcast %and3A_565 : i32 to vector<16xi32>
      %and3A_567 = arith.andi %get3A_561, %and3A_566 : vector<16xi32>
      tpu.vector_store_idx %arg11[%shift_right_arithmetic3A_564, %and3A_567], %broadcast_in_dim3A_23 {add = true} : memref<80x128xf32, #tpu.memory_space<vmem>>[vector<16xi32>, vector<16xi32>], vector<16xf32>,
      %dma_start3A_568 = arith.constant 0 : i32
      %dma_start3A_569 = arith.constant 3 : i32
      %dma_start3A_570 = arith.constant 0 : i32
      %dma_start3A_571 = arith.constant 3 : i32
      %dma_start3A_572 = arith.constant 0 : i32
      %dma_start3A_573 = arith.constant 0 : i32
      %dma_start3A_574 = tpu.memref_slice %arg10[%dma_start3A_571, %dma_start3A_572, %dma_start3A_573] : memref<4x128x128xbf16, #tpu.memory_space<vmem>> -> memref<1x128x128xbf16, #tpu.memory_space<vmem>>
      %dma_start3A_575 = tpu.memref_squeeze %dma_start3A_574 : memref<1x128x128xbf16, #tpu.memory_space<vmem>> -> memref<128x128xbf16, #tpu.memory_space<vmem>>
      %dma_start3A_576 = arith.constant 0 : i32
      %dma_start3A_577 = tpu.memref_slice %arg9[%dma_start3A_568, %dma_start3A_569, %dma_start3A_570, %dma_start3A_576] : memref<2x10x2x128xi32, #tpu.memory_space<vmem>> -> memref<1x1x1x128xi32, #tpu.memory_space<vmem>>
      %dma_start3A_578 = tpu.memref_squeeze %dma_start3A_577 : memref<1x1x1x128xi32, #tpu.memory_space<vmem>> -> memref<128xi32, #tpu.memory_space<vmem>>
      %dma_start3A_579 = arith.constant 0 : i32
      %dma_start3A_580 = arith.constant 0 : i32
      %dma_start3A_581 = tpu.memref_slice %arg2[%dma_start3A_579, %dma_start3A_580] : memref<10000x128xbf16, #tpu.memory_space<hbm>> -> memref<10000x128xbf16, #tpu.memory_space<hbm>>
      tpu.enqueue_indirect_dma source(%dma_start3A_581 : memref<10000x128xbf16, #tpu.memory_space<hbm>>) target(%dma_start3A_575 : memref<128x128xbf16, #tpu.memory_space<vmem>>) offsets(%dma_start3A_578 : memref<128xi32, #tpu.memory_space<vmem>>) semaphore(%arg16 : memref<!tpu.dma_semaphore, #tpu.memory_space<semaphore_mem>>)
      %dma_wait3A_582 = arith.constant 0 : i32
      %dma_wait3A_583 = arith.constant 3 : i32
      %dma_wait3A_584 = arith.constant 0 : i32
      %dma_wait3A_585 = arith.constant 3 : i32
      %dma_wait3A_586 = arith.constant 0 : i32
      %dma_wait3A_587 = arith.constant 0 : i32
      %dma_wait3A_588 = tpu.memref_slice %arg10[%dma_wait3A_585, %dma_wait3A_586, %dma_wait3A_587] : memref<4x128x128xbf16, #tpu.memory_space<vmem>> -> memref<1x128x128xbf16, #tpu.memory_space<vmem>>
      %dma_wait3A_589 = tpu.memref_squeeze %dma_wait3A_588 : memref<1x128x128xbf16, #tpu.memory_space<vmem>> -> memref<128x128xbf16, #tpu.memory_space<vmem>>
      %dma_wait3A_590 = arith.constant 0 : i32
      %dma_wait3A_591 = tpu.memref_slice %arg9[%dma_wait3A_582, %dma_wait3A_583, %dma_wait3A_584, %dma_wait3A_590] : memref<2x10x2x128xi32, #tpu.memory_space<vmem>> -> memref<1x1x1x128xi32, #tpu.memory_space<vmem>>
      %dma_wait3A_592 = tpu.memref_squeeze %dma_wait3A_591 : memref<1x1x1x128xi32, #tpu.memory_space<vmem>> -> memref<128xi32, #tpu.memory_space<vmem>>
      %dma_wait3A_593 = arith.constant 0 : i32
      %dma_wait3A_594 = arith.constant 0 : i32
      %dma_wait3A_595 = tpu.memref_slice %arg2[%dma_wait3A_593, %dma_wait3A_594] : memref<10000x128xbf16, #tpu.memory_space<hbm>> -> memref<10000x128xbf16, #tpu.memory_space<hbm>>
      tpu.wait_indirect_dma semaphore(%arg16 : memref<!tpu.dma_semaphore, #tpu.memory_space<semaphore_mem>>) src(%dma_wait3A_595 : memref<10000x128xbf16, #tpu.memory_space<hbm>>) dst(%dma_wait3A_589 : memref<128x128xbf16, #tpu.memory_space<vmem>>)
      %dma_start3A_596 = arith.constant 3 : i32
      %dma_start3A_597 = arith.constant 0 : i32
      %dma_start3A_598 = arith.constant 3 : i32
      %dma_start3A_599 = arith.constant 1 : i32
      %dma_start3A_600 = arith.constant 0 : i32
      %dma_start3A_601 = arith.constant 0 : i32
      %dma_start3A_602 = tpu.memref_slice %arg10[%dma_start3A_596, %dma_start3A_600, %dma_start3A_601] : memref<4x128x128xbf16, #tpu.memory_space<vmem>> -> memref<1x128x128xbf16, #tpu.memory_space<vmem>>
      %dma_start3A_603 = tpu.memref_squeeze %dma_start3A_602 : memref<1x128x128xbf16, #tpu.memory_space<vmem>> -> memref<128x128xbf16, #tpu.memory_space<vmem>>
      %dma_start3A_604 = arith.constant 0 : i32
      %dma_start3A_605 = tpu.memref_slice %arg9[%dma_start3A_597, %dma_start3A_598, %dma_start3A_599, %dma_start3A_604] : memref<2x10x2x128xi32, #tpu.memory_space<vmem>> -> memref<1x1x1x128xi32, #tpu.memory_space<vmem>>
      %dma_start3A_606 = tpu.memref_squeeze %dma_start3A_605 : memref<1x1x1x128xi32, #tpu.memory_space<vmem>> -> memref<128xi32, #tpu.memory_space<vmem>>
      %dma_start3A_607 = arith.constant 0 : i32
      %dma_start3A_608 = arith.constant 0 : i32
      %dma_start3A_609 = tpu.memref_slice %arg7[%dma_start3A_607, %dma_start3A_608] : memref<10112x128xbf16, #tpu.memory_space<vmem_shared>> -> memref<10112x128xbf16, #tpu.memory_space<vmem_shared>>
      tpu.enqueue_indirect_dma source(%dma_start3A_603 : memref<128x128xbf16, #tpu.memory_space<vmem>>) target(%dma_start3A_609 : memref<10112x128xbf16, #tpu.memory_space<vmem_shared>>) offsets(%dma_start3A_606 : memref<128xi32, #tpu.memory_space<vmem>>) semaphore(%arg20 : memref<!tpu.dma_semaphore, #tpu.memory_space<semaphore_mem>>) {add = true}
      %get3A_610 = arith.constant 0 : i32
      %get3A_611 = arith.constant 3 : i32
      %get3A_612 = arith.constant 1 : i32
      %get3A_613 = arith.index_cast %get3A_610 : i32 to index
      %get3A_614 = arith.index_cast %get3A_611 : i32 to index
      %get3A_615 = arith.index_cast %get3A_612 : i32 to index
      %get3A_616 = arith.constant 0 : index
      %get3A_617 = tpu.vector_load %arg9[%get3A_613, %get3A_614, %get3A_615, %get3A_616] {strides = array<i32>} : memref<2x10x2x128xi32, #tpu.memory_space<vmem>>, vector<16xi32>,
      %shift_right_arithmetic3A_618 = arith.constant 7 : i32
      %shift_right_arithmetic3A_619 = vector.broadcast %shift_right_arithmetic3A_618 : i32 to vector<16xi32>
      %shift_right_arithmetic3A_620 = arith.shrsi %get3A_617, %shift_right_arithmetic3A_619 : vector<16xi32>
      %and3A_621 = arith.constant 127 : i32
      %and3A_622 = vector.broadcast %and3A_621 : i32 to vector<16xi32>
      %and3A_623 = arith.andi %get3A_617, %and3A_622 : vector<16xi32>
      tpu.vector_store_idx %arg11[%shift_right_arithmetic3A_620, %and3A_623], %broadcast_in_dim3A_23 {add = true} : memref<80x128xf32, #tpu.memory_space<vmem>>[vector<16xi32>, vector<16xi32>], vector<16xf32>,
      %get3A_624 = arith.constant 0 : i32
      %get3A_625 = arith.constant 3 : i32
      %get3A_626 = arith.constant 1 : i32
      %get3A_627 = arith.index_cast %get3A_624 : i32 to index
      %get3A_628 = arith.index_cast %get3A_625 : i32 to index
      %get3A_629 = arith.index_cast %get3A_626 : i32 to index
      %get3A_630 = arith.constant 16 : index
      %get3A_631 = tpu.vector_load %arg9[%get3A_627, %get3A_628, %get3A_629, %get3A_630] {strides = array<i32>} : memref<2x10x2x128xi32, #tpu.memory_space<vmem>>, vector<16xi32>,
      %shift_right_arithmetic3A_632 = arith.constant 7 : i32
      %shift_right_arithmetic3A_633 = vector.broadcast %shift_right_arithmetic3A_632 : i32 to vector<16xi32>
      %shift_right_arithmetic3A_634 = arith.shrsi %get3A_631, %shift_right_arithmetic3A_633 : vector<16xi32>
      %and3A_635 = arith.constant 127 : i32
      %and3A_636 = vector.broadcast %and3A_635 : i32 to vector<16xi32>
      %and3A_637 = arith.andi %get3A_631, %and3A_636 : vector<16xi32>
      tpu.vector_store_idx %arg11[%shift_right_arithmetic3A_634, %and3A_637], %broadcast_in_dim3A_23 {add = true} : memref<80x128xf32, #tpu.memory_space<vmem>>[vector<16xi32>, vector<16xi32>], vector<16xf32>,
      %get3A_638 = arith.constant 0 : i32
      %get3A_639 = arith.constant 3 : i32
      %get3A_640 = arith.constant 1 : i32
      %get3A_641 = arith.index_cast %get3A_638 : i32 to index
      %get3A_642 = arith.index_cast %get3A_639 : i32 to index
      %get3A_643 = arith.index_cast %get3A_640 : i32 to index
      %get3A_644 = arith.constant 32 : index
      %get3A_645 = tpu.vector_load %arg9[%get3A_641, %get3A_642, %get3A_643, %get3A_644] {strides = array<i32>} : memref<2x10x2x128xi32, #tpu.memory_space<vmem>>, vector<16xi32>,
      %shift_right_arithmetic3A_646 = arith.constant 7 : i32
      %shift_right_arithmetic3A_647 = vector.broadcast %shift_right_arithmetic3A_646 : i32 to vector<16xi32>
      %shift_right_arithmetic3A_648 = arith.shrsi %get3A_645, %shift_right_arithmetic3A_647 : vector<16xi32>
      %and3A_649 = arith.constant 127 : i32
      %and3A_650 = vector.broadcast %and3A_649 : i32 to vector<16xi32>
      %and3A_651 = arith.andi %get3A_645, %and3A_650 : vector<16xi32>
      tpu.vector_store_idx %arg11[%shift_right_arithmetic3A_648, %and3A_651], %broadcast_in_dim3A_23 {add = true} : memref<80x128xf32, #tpu.memory_space<vmem>>[vector<16xi32>, vector<16xi32>], vector<16xf32>,
      %get3A_652 = arith.constant 0 : i32
      %get3A_653 = arith.constant 3 : i32
      %get3A_654 = arith.constant 1 : i32
      %get3A_655 = arith.index_cast %get3A_652 : i32 to index
      %get3A_656 = arith.index_cast %get3A_653 : i32 to index
      %get3A_657 = arith.index_cast %get3A_654 : i32 to index
      %get3A_658 = arith.constant 48 : index
      %get3A_659 = tpu.vector_load %arg9[%get3A_655, %get3A_656, %get3A_657, %get3A_658] {strides = array<i32>} : memref<2x10x2x128xi32, #tpu.memory_space<vmem>>, vector<16xi32>,
      %shift_right_arithmetic3A_660 = arith.constant 7 : i32
      %shift_right_arithmetic3A_661 = vector.broadcast %shift_right_arithmetic3A_660 : i32 to vector<16xi32>
      %shift_right_arithmetic3A_662 = arith.shrsi %get3A_659, %shift_right_arithmetic3A_661 : vector<16xi32>
      %and3A_663 = arith.constant 127 : i32
      %and3A_664 = vector.broadcast %and3A_663 : i32 to vector<16xi32>
      %and3A_665 = arith.andi %get3A_659, %and3A_664 : vector<16xi32>
      tpu.vector_store_idx %arg11[%shift_right_arithmetic3A_662, %and3A_665], %broadcast_in_dim3A_23 {add = true} : memref<80x128xf32, #tpu.memory_space<vmem>>[vector<16xi32>, vector<16xi32>], vector<16xf32>,
      %get3A_666 = arith.constant 0 : i32
      %get3A_667 = arith.constant 3 : i32
      %get3A_668 = arith.constant 1 : i32
      %get3A_669 = arith.index_cast %get3A_666 : i32 to index
      %get3A_670 = arith.index_cast %get3A_667 : i32 to index
      %get3A_671 = arith.index_cast %get3A_668 : i32 to index
      %get3A_672 = arith.constant 64 : index
      %get3A_673 = tpu.vector_load %arg9[%get3A_669, %get3A_670, %get3A_671, %get3A_672] {strides = array<i32>} : memref<2x10x2x128xi32, #tpu.memory_space<vmem>>, vector<16xi32>,
      %shift_right_arithmetic3A_674 = arith.constant 7 : i32
      %shift_right_arithmetic3A_675 = vector.broadcast %shift_right_arithmetic3A_674 : i32 to vector<16xi32>
      %shift_right_arithmetic3A_676 = arith.shrsi %get3A_673, %shift_right_arithmetic3A_675 : vector<16xi32>
      %and3A_677 = arith.constant 127 : i32
      %and3A_678 = vector.broadcast %and3A_677 : i32 to vector<16xi32>
      %and3A_679 = arith.andi %get3A_673, %and3A_678 : vector<16xi32>
      tpu.vector_store_idx %arg11[%shift_right_arithmetic3A_676, %and3A_679], %broadcast_in_dim3A_23 {add = true} : memref<80x128xf32, #tpu.memory_space<vmem>>[vector<16xi32>, vector<16xi32>], vector<16xf32>,
      %get3A_680 = arith.constant 0 : i32
      %get3A_681 = arith.constant 3 : i32
      %get3A_682 = arith.constant 1 : i32
      %get3A_683 = arith.index_cast %get3A_680 : i32 to index
      %get3A_684 = arith.index_cast %get3A_681 : i32 to index
      %get3A_685 = arith.index_cast %get3A_682 : i32 to index
      %get3A_686 = arith.constant 80 : index
      %get3A_687 = tpu.vector_load %arg9[%get3A_683, %get3A_684, %get3A_685, %get3A_686] {strides = array<i32>} : memref<2x10x2x128xi32, #tpu.memory_space<vmem>>, vector<16xi32>,
      %shift_right_arithmetic3A_688 = arith.constant 7 : i32
      %shift_right_arithmetic3A_689 = vector.broadcast %shift_right_arithmetic3A_688 : i32 to vector<16xi32>
      %shift_right_arithmetic3A_690 = arith.shrsi %get3A_687, %shift_right_arithmetic3A_689 : vector<16xi32>
      %and3A_691 = arith.constant 127 : i32
      %and3A_692 = vector.broadcast %and3A_691 : i32 to vector<16xi32>
      %and3A_693 = arith.andi %get3A_687, %and3A_692 : vector<16xi32>
      tpu.vector_store_idx %arg11[%shift_right_arithmetic3A_690, %and3A_693], %broadcast_in_dim3A_23 {add = true} : memref<80x128xf32, #tpu.memory_space<vmem>>[vector<16xi32>, vector<16xi32>], vector<16xf32>,
      %get3A_694 = arith.constant 0 : i32
      %get3A_695 = arith.constant 3 : i32
      %get3A_696 = arith.constant 1 : i32
      %get3A_697 = arith.index_cast %get3A_694 : i32 to index
      %get3A_698 = arith.index_cast %get3A_695 : i32 to index
      %get3A_699 = arith.index_cast %get3A_696 : i32 to index
      %get3A_700 = arith.constant 96 : index
      %get3A_701 = tpu.vector_load %arg9[%get3A_697, %get3A_698, %get3A_699, %get3A_700] {strides = array<i32>} : memref<2x10x2x128xi32, #tpu.memory_space<vmem>>, vector<16xi32>,
      %shift_right_arithmetic3A_702 = arith.constant 7 : i32
      %shift_right_arithmetic3A_703 = vector.broadcast %shift_right_arithmetic3A_702 : i32 to vector<16xi32>
      %shift_right_arithmetic3A_704 = arith.shrsi %get3A_701, %shift_right_arithmetic3A_703 : vector<16xi32>
      %and3A_705 = arith.constant 127 : i32
      %and3A_706 = vector.broadcast %and3A_705 : i32 to vector<16xi32>
      %and3A_707 = arith.andi %get3A_701, %and3A_706 : vector<16xi32>
      tpu.vector_store_idx %arg11[%shift_right_arithmetic3A_704, %and3A_707], %broadcast_in_dim3A_23 {add = true} : memref<80x128xf32, #tpu.memory_space<vmem>>[vector<16xi32>, vector<16xi32>], vector<16xf32>,
      %get3A_708 = arith.constant 0 : i32
      %get3A_709 = arith.constant 3 : i32
      %get3A_710 = arith.constant 1 : i32
      %get3A_711 = arith.index_cast %get3A_708 : i32 to index
      %get3A_712 = arith.index_cast %get3A_709 : i32 to index
      %get3A_713 = arith.index_cast %get3A_710 : i32 to index
      %get3A_714 = arith.constant 112 : index
      %get3A_715 = tpu.vector_load %arg9[%get3A_711, %get3A_712, %get3A_713, %get3A_714] {strides = array<i32>} : memref<2x10x2x128xi32, #tpu.memory_space<vmem>>, vector<16xi32>,
      %shift_right_arithmetic3A_716 = arith.constant 7 : i32
      %shift_right_arithmetic3A_717 = vector.broadcast %shift_right_arithmetic3A_716 : i32 to vector<16xi32>
      %shift_right_arithmetic3A_718 = arith.shrsi %get3A_715, %shift_right_arithmetic3A_717 : vector<16xi32>
      %and3A_719 = arith.constant 127 : i32
      %and3A_720 = vector.broadcast %and3A_719 : i32 to vector<16xi32>
      %and3A_721 = arith.andi %get3A_715, %and3A_720 : vector<16xi32>
      tpu.vector_store_idx %arg11[%shift_right_arithmetic3A_718, %and3A_721], %broadcast_in_dim3A_23 {add = true} : memref<80x128xf32, #tpu.memory_space<vmem>>[vector<16xi32>, vector<16xi32>], vector<16xf32>,
      %dma_wait3A_722 = arith.constant 0 : i32
      %dma_wait3A_723 = arith.constant 0 : i32
      %dma_wait3A_724 = arith.constant 0 : i32
      %dma_wait3A_725 = arith.constant 1 : i32
      %dma_wait3A_726 = arith.constant 0 : i32
      %dma_wait3A_727 = arith.constant 0 : i32
      %dma_wait3A_728 = tpu.memref_slice %arg10[%dma_wait3A_722, %dma_wait3A_726, %dma_wait3A_727] : memref<4x128x128xbf16, #tpu.memory_space<vmem>> -> memref<1x128x128xbf16, #tpu.memory_space<vmem>>
      %dma_wait3A_729 = tpu.memref_squeeze %dma_wait3A_728 : memref<1x128x128xbf16, #tpu.memory_space<vmem>> -> memref<128x128xbf16, #tpu.memory_space<vmem>>
      %dma_wait3A_730 = arith.constant 0 : i32
      %dma_wait3A_731 = tpu.memref_slice %arg9[%dma_wait3A_723, %dma_wait3A_724, %dma_wait3A_725, %dma_wait3A_730] : memref<2x10x2x128xi32, #tpu.memory_space<vmem>> -> memref<1x1x1x128xi32, #tpu.memory_space<vmem>>
      %dma_wait3A_732 = tpu.memref_squeeze %dma_wait3A_731 : memref<1x1x1x128xi32, #tpu.memory_space<vmem>> -> memref<128xi32, #tpu.memory_space<vmem>>
      %dma_wait3A_733 = arith.constant 0 : i32
      %dma_wait3A_734 = arith.constant 0 : i32
      %dma_wait3A_735 = tpu.memref_slice %arg7[%dma_wait3A_733, %dma_wait3A_734] : memref<10112x128xbf16, #tpu.memory_space<vmem_shared>> -> memref<10112x128xbf16, #tpu.memory_space<vmem_shared>>
      tpu.wait_indirect_dma semaphore(%arg17 : memref<!tpu.dma_semaphore, #tpu.memory_space<semaphore_mem>>) src(%dma_wait3A_729 : memref<128x128xbf16, #tpu.memory_space<vmem>>) dst(%dma_wait3A_735 : memref<10112x128xbf16, #tpu.memory_space<vmem_shared>>)
      %dma_start3A_736 = arith.constant 0 : i32
      %dma_start3A_737 = arith.constant 4 : i32
      %dma_start3A_738 = arith.constant 0 : i32
      %dma_start3A_739 = arith.constant 0 : i32
      %dma_start3A_740 = arith.constant 0 : i32
      %dma_start3A_741 = arith.constant 0 : i32
      %dma_start3A_742 = tpu.memref_slice %arg10[%dma_start3A_739, %dma_start3A_740, %dma_start3A_741] : memref<4x128x128xbf16, #tpu.memory_space<vmem>> -> memref<1x128x128xbf16, #tpu.memory_space<vmem>>
      %dma_start3A_743 = tpu.memref_squeeze %dma_start3A_742 : memref<1x128x128xbf16, #tpu.memory_space<vmem>> -> memref<128x128xbf16, #tpu.memory_space<vmem>>
      %dma_start3A_744 = arith.constant 0 : i32
      %dma_start3A_745 = tpu.memref_slice %arg9[%dma_start3A_736, %dma_start3A_737, %dma_start3A_738, %dma_start3A_744] : memref<2x10x2x128xi32, #tpu.memory_space<vmem>> -> memref<1x1x1x128xi32, #tpu.memory_space<vmem>>
      %dma_start3A_746 = tpu.memref_squeeze %dma_start3A_745 : memref<1x1x1x128xi32, #tpu.memory_space<vmem>> -> memref<128xi32, #tpu.memory_space<vmem>>
      %dma_start3A_747 = arith.constant 0 : i32
      %dma_start3A_748 = arith.constant 0 : i32
      %dma_start3A_749 = tpu.memref_slice %arg2[%dma_start3A_747, %dma_start3A_748] : memref<10000x128xbf16, #tpu.memory_space<hbm>> -> memref<10000x128xbf16, #tpu.memory_space<hbm>>
      tpu.enqueue_indirect_dma source(%dma_start3A_749 : memref<10000x128xbf16, #tpu.memory_space<hbm>>) target(%dma_start3A_743 : memref<128x128xbf16, #tpu.memory_space<vmem>>) offsets(%dma_start3A_746 : memref<128xi32, #tpu.memory_space<vmem>>) semaphore(%arg13 : memref<!tpu.dma_semaphore, #tpu.memory_space<semaphore_mem>>)
      %dma_wait3A_750 = arith.constant 0 : i32
      %dma_wait3A_751 = arith.constant 4 : i32
      %dma_wait3A_752 = arith.constant 0 : i32
      %dma_wait3A_753 = arith.constant 0 : i32
      %dma_wait3A_754 = arith.constant 0 : i32
      %dma_wait3A_755 = arith.constant 0 : i32
      %dma_wait3A_756 = tpu.memref_slice %arg10[%dma_wait3A_753, %dma_wait3A_754, %dma_wait3A_755] : memref<4x128x128xbf16, #tpu.memory_space<vmem>> -> memref<1x128x128xbf16, #tpu.memory_space<vmem>>
      %dma_wait3A_757 = tpu.memref_squeeze %dma_wait3A_756 : memref<1x128x128xbf16, #tpu.memory_space<vmem>> -> memref<128x128xbf16, #tpu.memory_space<vmem>>
      %dma_wait3A_758 = arith.constant 0 : i32
      %dma_wait3A_759 = tpu.memref_slice %arg9[%dma_wait3A_750, %dma_wait3A_751, %dma_wait3A_752, %dma_wait3A_758] : memref<2x10x2x128xi32, #tpu.memory_space<vmem>> -> memref<1x1x1x128xi32, #tpu.memory_space<vmem>>
      %dma_wait3A_760 = tpu.memref_squeeze %dma_wait3A_759 : memref<1x1x1x128xi32, #tpu.memory_space<vmem>> -> memref<128xi32, #tpu.memory_space<vmem>>
      %dma_wait3A_761 = arith.constant 0 : i32
      %dma_wait3A_762 = arith.constant 0 : i32
      %dma_wait3A_763 = tpu.memref_slice %arg2[%dma_wait3A_761, %dma_wait3A_762] : memref<10000x128xbf16, #tpu.memory_space<hbm>> -> memref<10000x128xbf16, #tpu.memory_space<hbm>>
      tpu.wait_indirect_dma semaphore(%arg13 : memref<!tpu.dma_semaphore, #tpu.memory_space<semaphore_mem>>) src(%dma_wait3A_763 : memref<10000x128xbf16, #tpu.memory_space<hbm>>) dst(%dma_wait3A_757 : memref<128x128xbf16, #tpu.memory_space<vmem>>)
      %dma_start3A_764 = arith.constant 0 : i32
      %dma_start3A_765 = arith.constant 0 : i32
      %dma_start3A_766 = arith.constant 4 : i32
      %dma_start3A_767 = arith.constant 1 : i32
      %dma_start3A_768 = arith.constant 0 : i32
      %dma_start3A_769 = arith.constant 0 : i32
      %dma_start3A_770 = tpu.memref_slice %arg10[%dma_start3A_764, %dma_start3A_768, %dma_start3A_769] : memref<4x128x128xbf16, #tpu.memory_space<vmem>> -> memref<1x128x128xbf16, #tpu.memory_space<vmem>>
      %dma_start3A_771 = tpu.memref_squeeze %dma_start3A_770 : memref<1x128x128xbf16, #tpu.memory_space<vmem>> -> memref<128x128xbf16, #tpu.memory_space<vmem>>
      %dma_start3A_772 = arith.constant 0 : i32
      %dma_start3A_773 = tpu.memref_slice %arg9[%dma_start3A_765, %dma_start3A_766, %dma_start3A_767, %dma_start3A_772] : memref<2x10x2x128xi32, #tpu.memory_space<vmem>> -> memref<1x1x1x128xi32, #tpu.memory_space<vmem>>
      %dma_start3A_774 = tpu.memref_squeeze %dma_start3A_773 : memref<1x1x1x128xi32, #tpu.memory_space<vmem>> -> memref<128xi32, #tpu.memory_space<vmem>>
      %dma_start3A_775 = arith.constant 0 : i32
      %dma_start3A_776 = arith.constant 0 : i32
      %dma_start3A_777 = tpu.memref_slice %arg7[%dma_start3A_775, %dma_start3A_776] : memref<10112x128xbf16, #tpu.memory_space<vmem_shared>> -> memref<10112x128xbf16, #tpu.memory_space<vmem_shared>>
      tpu.enqueue_indirect_dma source(%dma_start3A_771 : memref<128x128xbf16, #tpu.memory_space<vmem>>) target(%dma_start3A_777 : memref<10112x128xbf16, #tpu.memory_space<vmem_shared>>) offsets(%dma_start3A_774 : memref<128xi32, #tpu.memory_space<vmem>>) semaphore(%arg17 : memref<!tpu.dma_semaphore, #tpu.memory_space<semaphore_mem>>) {add = true}
      %get3A_778 = arith.constant 0 : i32
      %get3A_779 = arith.constant 4 : i32
      %get3A_780 = arith.constant 1 : i32
      %get3A_781 = arith.index_cast %get3A_778 : i32 to index
      %get3A_782 = arith.index_cast %get3A_779 : i32 to index
      %get3A_783 = arith.index_cast %get3A_780 : i32 to index
      %get3A_784 = arith.constant 0 : index
      %get3A_785 = tpu.vector_load %arg9[%get3A_781, %get3A_782, %get3A_783, %get3A_784] {strides = array<i32>} : memref<2x10x2x128xi32, #tpu.memory_space<vmem>>, vector<16xi32>,
      %shift_right_arithmetic3A_786 = arith.constant 7 : i32
      %shift_right_arithmetic3A_787 = vector.broadcast %shift_right_arithmetic3A_786 : i32 to vector<16xi32>
      %shift_right_arithmetic3A_788 = arith.shrsi %get3A_785, %shift_right_arithmetic3A_787 : vector<16xi32>
      %and3A_789 = arith.constant 127 : i32
      %and3A_790 = vector.broadcast %and3A_789 : i32 to vector<16xi32>
      %and3A_791 = arith.andi %get3A_785, %and3A_790 : vector<16xi32>
      tpu.vector_store_idx %arg11[%shift_right_arithmetic3A_788, %and3A_791], %broadcast_in_dim3A_23 {add = true} : memref<80x128xf32, #tpu.memory_space<vmem>>[vector<16xi32>, vector<16xi32>], vector<16xf32>,
      %get3A_792 = arith.constant 0 : i32
      %get3A_793 = arith.constant 4 : i32
      %get3A_794 = arith.constant 1 : i32
      %get3A_795 = arith.index_cast %get3A_792 : i32 to index
      %get3A_796 = arith.index_cast %get3A_793 : i32 to index
      %get3A_797 = arith.index_cast %get3A_794 : i32 to index
      %get3A_798 = arith.constant 16 : index
      %get3A_799 = tpu.vector_load %arg9[%get3A_795, %get3A_796, %get3A_797, %get3A_798] {strides = array<i32>} : memref<2x10x2x128xi32, #tpu.memory_space<vmem>>, vector<16xi32>,
      %shift_right_arithmetic3A_800 = arith.constant 7 : i32
      %shift_right_arithmetic3A_801 = vector.broadcast %shift_right_arithmetic3A_800 : i32 to vector<16xi32>
      %shift_right_arithmetic3A_802 = arith.shrsi %get3A_799, %shift_right_arithmetic3A_801 : vector<16xi32>
      %and3A_803 = arith.constant 127 : i32
      %and3A_804 = vector.broadcast %and3A_803 : i32 to vector<16xi32>
      %and3A_805 = arith.andi %get3A_799, %and3A_804 : vector<16xi32>
      tpu.vector_store_idx %arg11[%shift_right_arithmetic3A_802, %and3A_805], %broadcast_in_dim3A_23 {add = true} : memref<80x128xf32, #tpu.memory_space<vmem>>[vector<16xi32>, vector<16xi32>], vector<16xf32>,
      %get3A_806 = arith.constant 0 : i32
      %get3A_807 = arith.constant 4 : i32
      %get3A_808 = arith.constant 1 : i32
      %get3A_809 = arith.index_cast %get3A_806 : i32 to index
      %get3A_810 = arith.index_cast %get3A_807 : i32 to index
      %get3A_811 = arith.index_cast %get3A_808 : i32 to index
      %get3A_812 = arith.constant 32 : index
      %get3A_813 = tpu.vector_load %arg9[%get3A_809, %get3A_810, %get3A_811, %get3A_812] {strides = array<i32>} : memref<2x10x2x128xi32, #tpu.memory_space<vmem>>, vector<16xi32>,
      %shift_right_arithmetic3A_814 = arith.constant 7 : i32
      %shift_right_arithmetic3A_815 = vector.broadcast %shift_right_arithmetic3A_814 : i32 to vector<16xi32>
      %shift_right_arithmetic3A_816 = arith.shrsi %get3A_813, %shift_right_arithmetic3A_815 : vector<16xi32>
      %and3A_817 = arith.constant 127 : i32
      %and3A_818 = vector.broadcast %and3A_817 : i32 to vector<16xi32>
      %and3A_819 = arith.andi %get3A_813, %and3A_818 : vector<16xi32>
      tpu.vector_store_idx %arg11[%shift_right_arithmetic3A_816, %and3A_819], %broadcast_in_dim3A_23 {add = true} : memref<80x128xf32, #tpu.memory_space<vmem>>[vector<16xi32>, vector<16xi32>], vector<16xf32>,
      %get3A_820 = arith.constant 0 : i32
      %get3A_821 = arith.constant 4 : i32
      %get3A_822 = arith.constant 1 : i32
      %get3A_823 = arith.index_cast %get3A_820 : i32 to index
      %get3A_824 = arith.index_cast %get3A_821 : i32 to index
      %get3A_825 = arith.index_cast %get3A_822 : i32 to index
      %get3A_826 = arith.constant 48 : index
      %get3A_827 = tpu.vector_load %arg9[%get3A_823, %get3A_824, %get3A_825, %get3A_826] {strides = array<i32>} : memref<2x10x2x128xi32, #tpu.memory_space<vmem>>, vector<16xi32>,
      %shift_right_arithmetic3A_828 = arith.constant 7 : i32
      %shift_right_arithmetic3A_829 = vector.broadcast %shift_right_arithmetic3A_828 : i32 to vector<16xi32>
      %shift_right_arithmetic3A_830 = arith.shrsi %get3A_827, %shift_right_arithmetic3A_829 : vector<16xi32>
      %and3A_831 = arith.constant 127 : i32
      %and3A_832 = vector.broadcast %and3A_831 : i32 to vector<16xi32>
      %and3A_833 = arith.andi %get3A_827, %and3A_832 : vector<16xi32>
      tpu.vector_store_idx %arg11[%shift_right_arithmetic3A_830, %and3A_833], %broadcast_in_dim3A_23 {add = true} : memref<80x128xf32, #tpu.memory_space<vmem>>[vector<16xi32>, vector<16xi32>], vector<16xf32>,
      %get3A_834 = arith.constant 0 : i32
      %get3A_835 = arith.constant 4 : i32
      %get3A_836 = arith.constant 1 : i32
      %get3A_837 = arith.index_cast %get3A_834 : i32 to index
      %get3A_838 = arith.index_cast %get3A_835 : i32 to index
      %get3A_839 = arith.index_cast %get3A_836 : i32 to index
      %get3A_840 = arith.constant 64 : index
      %get3A_841 = tpu.vector_load %arg9[%get3A_837, %get3A_838, %get3A_839, %get3A_840] {strides = array<i32>} : memref<2x10x2x128xi32, #tpu.memory_space<vmem>>, vector<16xi32>,
      %shift_right_arithmetic3A_842 = arith.constant 7 : i32
      %shift_right_arithmetic3A_843 = vector.broadcast %shift_right_arithmetic3A_842 : i32 to vector<16xi32>
      %shift_right_arithmetic3A_844 = arith.shrsi %get3A_841, %shift_right_arithmetic3A_843 : vector<16xi32>
      %and3A_845 = arith.constant 127 : i32
      %and3A_846 = vector.broadcast %and3A_845 : i32 to vector<16xi32>
      %and3A_847 = arith.andi %get3A_841, %and3A_846 : vector<16xi32>
      tpu.vector_store_idx %arg11[%shift_right_arithmetic3A_844, %and3A_847], %broadcast_in_dim3A_23 {add = true} : memref<80x128xf32, #tpu.memory_space<vmem>>[vector<16xi32>, vector<16xi32>], vector<16xf32>,
      %get3A_848 = arith.constant 0 : i32
      %get3A_849 = arith.constant 4 : i32
      %get3A_850 = arith.constant 1 : i32
      %get3A_851 = arith.index_cast %get3A_848 : i32 to index
      %get3A_852 = arith.index_cast %get3A_849 : i32 to index
      %get3A_853 = arith.index_cast %get3A_850 : i32 to index
      %get3A_854 = arith.constant 80 : index
      %get3A_855 = tpu.vector_load %arg9[%get3A_851, %get3A_852, %get3A_853, %get3A_854] {strides = array<i32>} : memref<2x10x2x128xi32, #tpu.memory_space<vmem>>, vector<16xi32>,
      %shift_right_arithmetic3A_856 = arith.constant 7 : i32
      %shift_right_arithmetic3A_857 = vector.broadcast %shift_right_arithmetic3A_856 : i32 to vector<16xi32>
      %shift_right_arithmetic3A_858 = arith.shrsi %get3A_855, %shift_right_arithmetic3A_857 : vector<16xi32>
      %and3A_859 = arith.constant 127 : i32
      %and3A_860 = vector.broadcast %and3A_859 : i32 to vector<16xi32>
      %and3A_861 = arith.andi %get3A_855, %and3A_860 : vector<16xi32>
      tpu.vector_store_idx %arg11[%shift_right_arithmetic3A_858, %and3A_861], %broadcast_in_dim3A_23 {add = true} : memref<80x128xf32, #tpu.memory_space<vmem>>[vector<16xi32>, vector<16xi32>], vector<16xf32>,
      %get3A_862 = arith.constant 0 : i32
      %get3A_863 = arith.constant 4 : i32
      %get3A_864 = arith.constant 1 : i32
      %get3A_865 = arith.index_cast %get3A_862 : i32 to index
      %get3A_866 = arith.index_cast %get3A_863 : i32 to index
      %get3A_867 = arith.index_cast %get3A_864 : i32 to index
      %get3A_868 = arith.constant 96 : index
      %get3A_869 = tpu.vector_load %arg9[%get3A_865, %get3A_866, %get3A_867, %get3A_868] {strides = array<i32>} : memref<2x10x2x128xi32, #tpu.memory_space<vmem>>, vector<16xi32>,
      %shift_right_arithmetic3A_870 = arith.constant 7 : i32
      %shift_right_arithmetic3A_871 = vector.broadcast %shift_right_arithmetic3A_870 : i32 to vector<16xi32>
      %shift_right_arithmetic3A_872 = arith.shrsi %get3A_869, %shift_right_arithmetic3A_871 : vector<16xi32>
      %and3A_873 = arith.constant 127 : i32
      %and3A_874 = vector.broadcast %and3A_873 : i32 to vector<16xi32>
      %and3A_875 = arith.andi %get3A_869, %and3A_874 : vector<16xi32>
      tpu.vector_store_idx %arg11[%shift_right_arithmetic3A_872, %and3A_875], %broadcast_in_dim3A_23 {add = true} : memref<80x128xf32, #tpu.memory_space<vmem>>[vector<16xi32>, vector<16xi32>], vector<16xf32>,
      %get3A_876 = arith.constant 0 : i32
      %get3A_877 = arith.constant 4 : i32
      %get3A_878 = arith.constant 1 : i32
      %get3A_879 = arith.index_cast %get3A_876 : i32 to index
      %get3A_880 = arith.index_cast %get3A_877 : i32 to index
      %get3A_881 = arith.index_cast %get3A_878 : i32 to index
      %get3A_882 = arith.constant 112 : index
      %get3A_883 = tpu.vector_load %arg9[%get3A_879, %get3A_880, %get3A_881, %get3A_882] {strides = array<i32>} : memref<2x10x2x128xi32, #tpu.memory_space<vmem>>, vector<16xi32>,
      %shift_right_arithmetic3A_884 = arith.constant 7 : i32
      %shift_right_arithmetic3A_885 = vector.broadcast %shift_right_arithmetic3A_884 : i32 to vector<16xi32>
      %shift_right_arithmetic3A_886 = arith.shrsi %get3A_883, %shift_right_arithmetic3A_885 : vector<16xi32>
      %and3A_887 = arith.constant 127 : i32
      %and3A_888 = vector.broadcast %and3A_887 : i32 to vector<16xi32>
      %and3A_889 = arith.andi %get3A_883, %and3A_888 : vector<16xi32>
      tpu.vector_store_idx %arg11[%shift_right_arithmetic3A_886, %and3A_889], %broadcast_in_dim3A_23 {add = true} : memref<80x128xf32, #tpu.memory_space<vmem>>[vector<16xi32>, vector<16xi32>], vector<16xf32>,
      %dma_wait3A_890 = arith.constant 1 : i32
      %dma_wait3A_891 = arith.constant 0 : i32
      %dma_wait3A_892 = arith.constant 1 : i32
      %dma_wait3A_893 = arith.constant 1 : i32
      %dma_wait3A_894 = arith.constant 0 : i32
      %dma_wait3A_895 = arith.constant 0 : i32
      %dma_wait3A_896 = tpu.memref_slice %arg10[%dma_wait3A_890, %dma_wait3A_894, %dma_wait3A_895] : memref<4x128x128xbf16, #tpu.memory_space<vmem>> -> memref<1x128x128xbf16, #tpu.memory_space<vmem>>
      %dma_wait3A_897 = tpu.memref_squeeze %dma_wait3A_896 : memref<1x128x128xbf16, #tpu.memory_space<vmem>> -> memref<128x128xbf16, #tpu.memory_space<vmem>>
      %dma_wait3A_898 = arith.constant 0 : i32
      %dma_wait3A_899 = tpu.memref_slice %arg9[%dma_wait3A_891, %dma_wait3A_892, %dma_wait3A_893, %dma_wait3A_898] : memref<2x10x2x128xi32, #tpu.memory_space<vmem>> -> memref<1x1x1x128xi32, #tpu.memory_space<vmem>>
      %dma_wait3A_900 = tpu.memref_squeeze %dma_wait3A_899 : memref<1x1x1x128xi32, #tpu.memory_space<vmem>> -> memref<128xi32, #tpu.memory_space<vmem>>
      %dma_wait3A_901 = arith.constant 0 : i32
      %dma_wait3A_902 = arith.constant 0 : i32
      %dma_wait3A_903 = tpu.memref_slice %arg7[%dma_wait3A_901, %dma_wait3A_902] : memref<10112x128xbf16, #tpu.memory_space<vmem_shared>> -> memref<10112x128xbf16, #tpu.memory_space<vmem_shared>>
      tpu.wait_indirect_dma semaphore(%arg18 : memref<!tpu.dma_semaphore, #tpu.memory_space<semaphore_mem>>) src(%dma_wait3A_897 : memref<128x128xbf16, #tpu.memory_space<vmem>>) dst(%dma_wait3A_903 : memref<10112x128xbf16, #tpu.memory_space<vmem_shared>>)
      %dma_start3A_904 = arith.constant 0 : i32
      %dma_start3A_905 = arith.constant 5 : i32
      %dma_start3A_906 = arith.constant 0 : i32
      %dma_start3A_907 = arith.constant 1 : i32
      %dma_start3A_908 = arith.constant 0 : i32
      %dma_start3A_909 = arith.constant 0 : i32
      %dma_start3A_910 = tpu.memref_slice %arg10[%dma_start3A_907, %dma_start3A_908, %dma_start3A_909] : memref<4x128x128xbf16, #tpu.memory_space<vmem>> -> memref<1x128x128xbf16, #tpu.memory_space<vmem>>
      %dma_start3A_911 = tpu.memref_squeeze %dma_start3A_910 : memref<1x128x128xbf16, #tpu.memory_space<vmem>> -> memref<128x128xbf16, #tpu.memory_space<vmem>>
      %dma_start3A_912 = arith.constant 0 : i32
      %dma_start3A_913 = tpu.memref_slice %arg9[%dma_start3A_904, %dma_start3A_905, %dma_start3A_906, %dma_start3A_912] : memref<2x10x2x128xi32, #tpu.memory_space<vmem>> -> memref<1x1x1x128xi32, #tpu.memory_space<vmem>>
      %dma_start3A_914 = tpu.memref_squeeze %dma_start3A_913 : memref<1x1x1x128xi32, #tpu.memory_space<vmem>> -> memref<128xi32, #tpu.memory_space<vmem>>
      %dma_start3A_915 = arith.constant 0 : i32
      %dma_start3A_916 = arith.constant 0 : i32
      %dma_start3A_917 = tpu.memref_slice %arg2[%dma_start3A_915, %dma_start3A_916] : memref<10000x128xbf16, #tpu.memory_space<hbm>> -> memref<10000x128xbf16, #tpu.memory_space<hbm>>
      tpu.enqueue_indirect_dma source(%dma_start3A_917 : memref<10000x128xbf16, #tpu.memory_space<hbm>>) target(%dma_start3A_911 : memref<128x128xbf16, #tpu.memory_space<vmem>>) offsets(%dma_start3A_914 : memref<128xi32, #tpu.memory_space<vmem>>) semaphore(%arg14 : memref<!tpu.dma_semaphore, #tpu.memory_space<semaphore_mem>>)
      %dma_wait3A_918 = arith.constant 0 : i32
      %dma_wait3A_919 = arith.constant 5 : i32
      %dma_wait3A_920 = arith.constant 0 : i32
      %dma_wait3A_921 = arith.constant 1 : i32
      %dma_wait3A_922 = arith.constant 0 : i32
      %dma_wait3A_923 = arith.constant 0 : i32
      %dma_wait3A_924 = tpu.memref_slice %arg10[%dma_wait3A_921, %dma_wait3A_922, %dma_wait3A_923] : memref<4x128x128xbf16, #tpu.memory_space<vmem>> -> memref<1x128x128xbf16, #tpu.memory_space<vmem>>
      %dma_wait3A_925 = tpu.memref_squeeze %dma_wait3A_924 : memref<1x128x128xbf16, #tpu.memory_space<vmem>> -> memref<128x128xbf16, #tpu.memory_space<vmem>>
      %dma_wait3A_926 = arith.constant 0 : i32
      %dma_wait3A_927 = tpu.memref_slice %arg9[%dma_wait3A_918, %dma_wait3A_919, %dma_wait3A_920, %dma_wait3A_926] : memref<2x10x2x128xi32, #tpu.memory_space<vmem>> -> memref<1x1x1x128xi32, #tpu.memory_space<vmem>>
      %dma_wait3A_928 = tpu.memref_squeeze %dma_wait3A_927 : memref<1x1x1x128xi32, #tpu.memory_space<vmem>> -> memref<128xi32, #tpu.memory_space<vmem>>
      %dma_wait3A_929 = arith.constant 0 : i32
      %dma_wait3A_930 = arith.constant 0 : i32
      %dma_wait3A_931 = tpu.memref_slice %arg2[%dma_wait3A_929, %dma_wait3A_930] : memref<10000x128xbf16, #tpu.memory_space<hbm>> -> memref<10000x128xbf16, #tpu.memory_space<hbm>>
      tpu.wait_indirect_dma semaphore(%arg14 : memref<!tpu.dma_semaphore, #tpu.memory_space<semaphore_mem>>) src(%dma_wait3A_931 : memref<10000x128xbf16, #tpu.memory_space<hbm>>) dst(%dma_wait3A_925 : memref<128x128xbf16, #tpu.memory_space<vmem>>)
      %dma_start3A_932 = arith.constant 1 : i32
      %dma_start3A_933 = arith.constant 0 : i32
      %dma_start3A_934 = arith.constant 5 : i32
      %dma_start3A_935 = arith.constant 1 : i32
      %dma_start3A_936 = arith.constant 0 : i32
      %dma_start3A_937 = arith.constant 0 : i32
      %dma_start3A_938 = tpu.memref_slice %arg10[%dma_start3A_932, %dma_start3A_936, %dma_start3A_937] : memref<4x128x128xbf16, #tpu.memory_space<vmem>> -> memref<1x128x128xbf16, #tpu.memory_space<vmem>>
      %dma_start3A_939 = tpu.memref_squeeze %dma_start3A_938 : memref<1x128x128xbf16, #tpu.memory_space<vmem>> -> memref<128x128xbf16, #tpu.memory_space<vmem>>
      %dma_start3A_940 = arith.constant 0 : i32
      %dma_start3A_941 = tpu.memref_slice %arg9[%dma_start3A_933, %dma_start3A_934, %dma_start3A_935, %dma_start3A_940] : memref<2x10x2x128xi32, #tpu.memory_space<vmem>> -> memref<1x1x1x128xi32, #tpu.memory_space<vmem>>
      %dma_start3A_942 = tpu.memref_squeeze %dma_start3A_941 : memref<1x1x1x128xi32, #tpu.memory_space<vmem>> -> memref<128xi32, #tpu.memory_space<vmem>>
      %dma_start3A_943 = arith.constant 0 : i32
      %dma_start3A_944 = arith.constant 0 : i32
      %dma_start3A_945 = tpu.memref_slice %arg7[%dma_start3A_943, %dma_start3A_944] : memref<10112x128xbf16, #tpu.memory_space<vmem_shared>> -> memref<10112x128xbf16, #tpu.memory_space<vmem_shared>>
      tpu.enqueue_indirect_dma source(%dma_start3A_939 : memref<128x128xbf16, #tpu.memory_space<vmem>>) target(%dma_start3A_945 : memref<10112x128xbf16, #tpu.memory_space<vmem_shared>>) offsets(%dma_start3A_942 : memref<128xi32, #tpu.memory_space<vmem>>) semaphore(%arg18 : memref<!tpu.dma_semaphore, #tpu.memory_space<semaphore_mem>>) {add = true}
      %get3A_946 = arith.constant 0 : i32
      %get3A_947 = arith.constant 5 : i32
      %get3A_948 = arith.constant 1 : i32
      %get3A_949 = arith.index_cast %get3A_946 : i32 to index
      %get3A_950 = arith.index_cast %get3A_947 : i32 to index
      %get3A_951 = arith.index_cast %get3A_948 : i32 to index
      %get3A_952 = arith.constant 0 : index
      %get3A_953 = tpu.vector_load %arg9[%get3A_949, %get3A_950, %get3A_951, %get3A_952] {strides = array<i32>} : memref<2x10x2x128xi32, #tpu.memory_space<vmem>>, vector<16xi32>,
      %shift_right_arithmetic3A_954 = arith.constant 7 : i32
      %shift_right_arithmetic3A_955 = vector.broadcast %shift_right_arithmetic3A_954 : i32 to vector<16xi32>
      %shift_right_arithmetic3A_956 = arith.shrsi %get3A_953, %shift_right_arithmetic3A_955 : vector<16xi32>
      %and3A_957 = arith.constant 127 : i32
      %and3A_958 = vector.broadcast %and3A_957 : i32 to vector<16xi32>
      %and3A_959 = arith.andi %get3A_953, %and3A_958 : vector<16xi32>
      tpu.vector_store_idx %arg11[%shift_right_arithmetic3A_956, %and3A_959], %broadcast_in_dim3A_23 {add = true} : memref<80x128xf32, #tpu.memory_space<vmem>>[vector<16xi32>, vector<16xi32>], vector<16xf32>,
      %get3A_960 = arith.constant 0 : i32
      %get3A_961 = arith.constant 5 : i32
      %get3A_962 = arith.constant 1 : i32
      %get3A_963 = arith.index_cast %get3A_960 : i32 to index
      %get3A_964 = arith.index_cast %get3A_961 : i32 to index
      %get3A_965 = arith.index_cast %get3A_962 : i32 to index
      %get3A_966 = arith.constant 16 : index
      %get3A_967 = tpu.vector_load %arg9[%get3A_963, %get3A_964, %get3A_965, %get3A_966] {strides = array<i32>} : memref<2x10x2x128xi32, #tpu.memory_space<vmem>>, vector<16xi32>,
      %shift_right_arithmetic3A_968 = arith.constant 7 : i32
      %shift_right_arithmetic3A_969 = vector.broadcast %shift_right_arithmetic3A_968 : i32 to vector<16xi32>
      %shift_right_arithmetic3A_970 = arith.shrsi %get3A_967, %shift_right_arithmetic3A_969 : vector<16xi32>
      %and3A_971 = arith.constant 127 : i32
      %and3A_972 = vector.broadcast %and3A_971 : i32 to vector<16xi32>
      %and3A_973 = arith.andi %get3A_967, %and3A_972 : vector<16xi32>
      tpu.vector_store_idx %arg11[%shift_right_arithmetic3A_970, %and3A_973], %broadcast_in_dim3A_23 {add = true} : memref<80x128xf32, #tpu.memory_space<vmem>>[vector<16xi32>, vector<16xi32>], vector<16xf32>,
      %get3A_974 = arith.constant 0 : i32
      %get3A_975 = arith.constant 5 : i32
      %get3A_976 = arith.constant 1 : i32
      %get3A_977 = arith.index_cast %get3A_974 : i32 to index
      %get3A_978 = arith.index_cast %get3A_975 : i32 to index
      %get3A_979 = arith.index_cast %get3A_976 : i32 to index
      %get3A_980 = arith.constant 32 : index
      %get3A_981 = tpu.vector_load %arg9[%get3A_977, %get3A_978, %get3A_979, %get3A_980] {strides = array<i32>} : memref<2x10x2x128xi32, #tpu.memory_space<vmem>>, vector<16xi32>,
      %shift_right_arithmetic3A_982 = arith.constant 7 : i32
      %shift_right_arithmetic3A_983 = vector.broadcast %shift_right_arithmetic3A_982 : i32 to vector<16xi32>
      %shift_right_arithmetic3A_984 = arith.shrsi %get3A_981, %shift_right_arithmetic3A_983 : vector<16xi32>
      %and3A_985 = arith.constant 127 : i32
      %and3A_986 = vector.broadcast %and3A_985 : i32 to vector<16xi32>
      %and3A_987 = arith.andi %get3A_981, %and3A_986 : vector<16xi32>
      tpu.vector_store_idx %arg11[%shift_right_arithmetic3A_984, %and3A_987], %broadcast_in_dim3A_23 {add = true} : memref<80x128xf32, #tpu.memory_space<vmem>>[vector<16xi32>, vector<16xi32>], vector<16xf32>,
      %get3A_988 = arith.constant 0 : i32
      %get3A_989 = arith.constant 5 : i32
      %get3A_990 = arith.constant 1 : i32
      %get3A_991 = arith.index_cast %get3A_988 : i32 to index
      %get3A_992 = arith.index_cast %get3A_989 : i32 to index
      %get3A_993 = arith.index_cast %get3A_990 : i32 to index
      %get3A_994 = arith.constant 48 : index
      %get3A_995 = tpu.vector_load %arg9[%get3A_991, %get3A_992, %get3A_993, %get3A_994] {strides = array<i32>} : memref<2x10x2x128xi32, #tpu.memory_space<vmem>>, vector<16xi32>,
      %shift_right_arithmetic3A_996 = arith.constant 7 : i32
      %shift_right_arithmetic3A_997 = vector.broadcast %shift_right_arithmetic3A_996 : i32 to vector<16xi32>
      %shift_right_arithmetic3A_998 = arith.shrsi %get3A_995, %shift_right_arithmetic3A_997 : vector<16xi32>
      %and3A_999 = arith.constant 127 : i32
      %and3A_1000 = vector.broadcast %and3A_999 : i32 to vector<16xi32>
      %and3A_1001 = arith.andi %get3A_995, %and3A_1000 : vector<16xi32>
      tpu.vector_store_idx %arg11[%shift_right_arithmetic3A_998, %and3A_1001], %broadcast_in_dim3A_23 {add = true} : memref<80x128xf32, #tpu.memory_space<vmem>>[vector<16xi32>, vector<16xi32>], vector<16xf32>,
      %get3A_1002 = arith.constant 0 : i32
      %get3A_1003 = arith.constant 5 : i32
      %get3A_1004 = arith.constant 1 : i32
      %get3A_1005 = arith.index_cast %get3A_1002 : i32 to index
      %get3A_1006 = arith.index_cast %get3A_1003 : i32 to index
      %get3A_1007 = arith.index_cast %get3A_1004 : i32 to index
      %get3A_1008 = arith.constant 64 : index
      %get3A_1009 = tpu.vector_load %arg9[%get3A_1005, %get3A_1006, %get3A_1007, %get3A_1008] {strides = array<i32>} : memref<2x10x2x128xi32, #tpu.memory_space<vmem>>, vector<16xi32>,
      %shift_right_arithmetic3A_1010 = arith.constant 7 : i32
      %shift_right_arithmetic3A_1011 = vector.broadcast %shift_right_arithmetic3A_1010 : i32 to vector<16xi32>
      %shift_right_arithmetic3A_1012 = arith.shrsi %get3A_1009, %shift_right_arithmetic3A_1011 : vector<16xi32>
      %and3A_1013 = arith.constant 127 : i32
      %and3A_1014 = vector.broadcast %and3A_1013 : i32 to vector<16xi32>
      %and3A_1015 = arith.andi %get3A_1009, %and3A_1014 : vector<16xi32>
      tpu.vector_store_idx %arg11[%shift_right_arithmetic3A_1012, %and3A_1015], %broadcast_in_dim3A_23 {add = true} : memref<80x128xf32, #tpu.memory_space<vmem>>[vector<16xi32>, vector<16xi32>], vector<16xf32>,
      %get3A_1016 = arith.constant 0 : i32
      %get3A_1017 = arith.constant 5 : i32
      %get3A_1018 = arith.constant 1 : i32
      %get3A_1019 = arith.index_cast %get3A_1016 : i32 to index
      %get3A_1020 = arith.index_cast %get3A_1017 : i32 to index
      %get3A_1021 = arith.index_cast %get3A_1018 : i32 to index
      %get3A_1022 = arith.constant 80 : index
      %get3A_1023 = tpu.vector_load %arg9[%get3A_1019, %get3A_1020, %get3A_1021, %get3A_1022] {strides = array<i32>} : memref<2x10x2x128xi32, #tpu.memory_space<vmem>>, vector<16xi32>,
      %shift_right_arithmetic3A_1024 = arith.constant 7 : i32
      %shift_right_arithmetic3A_1025 = vector.broadcast %shift_right_arithmetic3A_1024 : i32 to vector<16xi32>
      %shift_right_arithmetic3A_1026 = arith.shrsi %get3A_1023, %shift_right_arithmetic3A_1025 : vector<16xi32>
      %and3A_1027 = arith.constant 127 : i32
      %and3A_1028 = vector.broadcast %and3A_1027 : i32 to vector<16xi32>
      %and3A_1029 = arith.andi %get3A_1023, %and3A_1028 : vector<16xi32>
      tpu.vector_store_idx %arg11[%shift_right_arithmetic3A_1026, %and3A_1029], %broadcast_in_dim3A_23 {add = true} : memref<80x128xf32, #tpu.memory_space<vmem>>[vector<16xi32>, vector<16xi32>], vector<16xf32>,
      %get3A_1030 = arith.constant 0 : i32
      %get3A_1031 = arith.constant 5 : i32
      %get3A_1032 = arith.constant 1 : i32
      %get3A_1033 = arith.index_cast %get3A_1030 : i32 to index
      %get3A_1034 = arith.index_cast %get3A_1031 : i32 to index
      %get3A_1035 = arith.index_cast %get3A_1032 : i32 to index
      %get3A_1036 = arith.constant 96 : index
      %get3A_1037 = tpu.vector_load %arg9[%get3A_1033, %get3A_1034, %get3A_1035, %get3A_1036] {strides = array<i32>} : memref<2x10x2x128xi32, #tpu.memory_space<vmem>>, vector<16xi32>,
      %shift_right_arithmetic3A_1038 = arith.constant 7 : i32
      %shift_right_arithmetic3A_1039 = vector.broadcast %shift_right_arithmetic3A_1038 : i32 to vector<16xi32>
      %shift_right_arithmetic3A_1040 = arith.shrsi %get3A_1037, %shift_right_arithmetic3A_1039 : vector<16xi32>
      %and3A_1041 = arith.constant 127 : i32
      %and3A_1042 = vector.broadcast %and3A_1041 : i32 to vector<16xi32>
      %and3A_1043 = arith.andi %get3A_1037, %and3A_1042 : vector<16xi32>
      tpu.vector_store_idx %arg11[%shift_right_arithmetic3A_1040, %and3A_1043], %broadcast_in_dim3A_23 {add = true} : memref<80x128xf32, #tpu.memory_space<vmem>>[vector<16xi32>, vector<16xi32>], vector<16xf32>,
      %get3A_1044 = arith.constant 0 : i32
      %get3A_1045 = arith.constant 5 : i32
      %get3A_1046 = arith.constant 1 : i32
      %get3A_1047 = arith.index_cast %get3A_1044 : i32 to index
      %get3A_1048 = arith.index_cast %get3A_1045 : i32 to index
      %get3A_1049 = arith.index_cast %get3A_1046 : i32 to index
      %get3A_1050 = arith.constant 112 : index
      %get3A_1051 = tpu.vector_load %arg9[%get3A_1047, %get3A_1048, %get3A_1049, %get3A_1050] {strides = array<i32>} : memref<2x10x2x128xi32, #tpu.memory_space<vmem>>, vector<16xi32>,
      %shift_right_arithmetic3A_1052 = arith.constant 7 : i32
      %shift_right_arithmetic3A_1053 = vector.broadcast %shift_right_arithmetic3A_1052 : i32 to vector<16xi32>
      %shift_right_arithmetic3A_1054 = arith.shrsi %get3A_1051, %shift_right_arithmetic3A_1053 : vector<16xi32>
      %and3A_1055 = arith.constant 127 : i32
      %and3A_1056 = vector.broadcast %and3A_1055 : i32 to vector<16xi32>
      %and3A_1057 = arith.andi %get3A_1051, %and3A_1056 : vector<16xi32>
      tpu.vector_store_idx %arg11[%shift_right_arithmetic3A_1054, %and3A_1057], %broadcast_in_dim3A_23 {add = true} : memref<80x128xf32, #tpu.memory_space<vmem>>[vector<16xi32>, vector<16xi32>], vector<16xf32>,
      %dma_wait3A_1058 = arith.constant 2 : i32
      %dma_wait3A_1059 = arith.constant 0 : i32
      %dma_wait3A_1060 = arith.constant 2 : i32
      %dma_wait3A_1061 = arith.constant 1 : i32
      %dma_wait3A_1062 = arith.constant 0 : i32
      %dma_wait3A_1063 = arith.constant 0 : i32
      %dma_wait3A_1064 = tpu.memref_slice %arg10[%dma_wait3A_1058, %dma_wait3A_1062, %dma_wait3A_1063] : memref<4x128x128xbf16, #tpu.memory_space<vmem>> -> memref<1x128x128xbf16, #tpu.memory_space<vmem>>
      %dma_wait3A_1065 = tpu.memref_squeeze %dma_wait3A_1064 : memref<1x128x128xbf16, #tpu.memory_space<vmem>> -> memref<128x128xbf16, #tpu.memory_space<vmem>>
      %dma_wait3A_1066 = arith.constant 0 : i32
      %dma_wait3A_1067 = tpu.memref_slice %arg9[%dma_wait3A_1059, %dma_wait3A_1060, %dma_wait3A_1061, %dma_wait3A_1066] : memref<2x10x2x128xi32, #tpu.memory_space<vmem>> -> memref<1x1x1x128xi32, #tpu.memory_space<vmem>>
      %dma_wait3A_1068 = tpu.memref_squeeze %dma_wait3A_1067 : memref<1x1x1x128xi32, #tpu.memory_space<vmem>> -> memref<128xi32, #tpu.memory_space<vmem>>
      %dma_wait3A_1069 = arith.constant 0 : i32
      %dma_wait3A_1070 = arith.constant 0 : i32
      %dma_wait3A_1071 = tpu.memref_slice %arg7[%dma_wait3A_1069, %dma_wait3A_1070] : memref<10112x128xbf16, #tpu.memory_space<vmem_shared>> -> memref<10112x128xbf16, #tpu.memory_space<vmem_shared>>
      tpu.wait_indirect_dma semaphore(%arg19 : memref<!tpu.dma_semaphore, #tpu.memory_space<semaphore_mem>>) src(%dma_wait3A_1065 : memref<128x128xbf16, #tpu.memory_space<vmem>>) dst(%dma_wait3A_1071 : memref<10112x128xbf16, #tpu.memory_space<vmem_shared>>)
      %dma_start3A_1072 = arith.constant 0 : i32
      %dma_start3A_1073 = arith.constant 6 : i32
      %dma_start3A_1074 = arith.constant 0 : i32
      %dma_start3A_1075 = arith.constant 2 : i32
      %dma_start3A_1076 = arith.constant 0 : i32
      %dma_start3A_1077 = arith.constant 0 : i32
      %dma_start3A_1078 = tpu.memref_slice %arg10[%dma_start3A_1075, %dma_start3A_1076, %dma_start3A_1077] : memref<4x128x128xbf16, #tpu.memory_space<vmem>> -> memref<1x128x128xbf16, #tpu.memory_space<vmem>>
      %dma_start3A_1079 = tpu.memref_squeeze %dma_start3A_1078 : memref<1x128x128xbf16, #tpu.memory_space<vmem>> -> memref<128x128xbf16, #tpu.memory_space<vmem>>
      %dma_start3A_1080 = arith.constant 0 : i32
      %dma_start3A_1081 = tpu.memref_slice %arg9[%dma_start3A_1072, %dma_start3A_1073, %dma_start3A_1074, %dma_start3A_1080] : memref<2x10x2x128xi32, #tpu.memory_space<vmem>> -> memref<1x1x1x128xi32, #tpu.memory_space<vmem>>
      %dma_start3A_1082 = tpu.memref_squeeze %dma_start3A_1081 : memref<1x1x1x128xi32, #tpu.memory_space<vmem>> -> memref<128xi32, #tpu.memory_space<vmem>>
      %dma_start3A_1083 = arith.constant 0 : i32
      %dma_start3A_1084 = arith.constant 0 : i32
      %dma_start3A_1085 = tpu.memref_slice %arg2[%dma_start3A_1083, %dma_start3A_1084] : memref<10000x128xbf16, #tpu.memory_space<hbm>> -> memref<10000x128xbf16, #tpu.memory_space<hbm>>
      tpu.enqueue_indirect_dma source(%dma_start3A_1085 : memref<10000x128xbf16, #tpu.memory_space<hbm>>) target(%dma_start3A_1079 : memref<128x128xbf16, #tpu.memory_space<vmem>>) offsets(%dma_start3A_1082 : memref<128xi32, #tpu.memory_space<vmem>>) semaphore(%arg15 : memref<!tpu.dma_semaphore, #tpu.memory_space<semaphore_mem>>)
      %dma_wait3A_1086 = arith.constant 0 : i32
      %dma_wait3A_1087 = arith.constant 6 : i32
      %dma_wait3A_1088 = arith.constant 0 : i32
      %dma_wait3A_1089 = arith.constant 2 : i32
      %dma_wait3A_1090 = arith.constant 0 : i32
      %dma_wait3A_1091 = arith.constant 0 : i32
      %dma_wait3A_1092 = tpu.memref_slice %arg10[%dma_wait3A_1089, %dma_wait3A_1090, %dma_wait3A_1091] : memref<4x128x128xbf16, #tpu.memory_space<vmem>> -> memref<1x128x128xbf16, #tpu.memory_space<vmem>>
      %dma_wait3A_1093 = tpu.memref_squeeze %dma_wait3A_1092 : memref<1x128x128xbf16, #tpu.memory_space<vmem>> -> memref<128x128xbf16, #tpu.memory_space<vmem>>
      %dma_wait3A_1094 = arith.constant 0 : i32
      %dma_wait3A_1095 = tpu.memref_slice %arg9[%dma_wait3A_1086, %dma_wait3A_1087, %dma_wait3A_1088, %dma_wait3A_1094] : memref<2x10x2x128xi32, #tpu.memory_space<vmem>> -> memref<1x1x1x128xi32, #tpu.memory_space<vmem>>
      %dma_wait3A_1096 = tpu.memref_squeeze %dma_wait3A_1095 : memref<1x1x1x128xi32, #tpu.memory_space<vmem>> -> memref<128xi32, #tpu.memory_space<vmem>>
      %dma_wait3A_1097 = arith.constant 0 : i32
      %dma_wait3A_1098 = arith.constant 0 : i32
      %dma_wait3A_1099 = tpu.memref_slice %arg2[%dma_wait3A_1097, %dma_wait3A_1098] : memref<10000x128xbf16, #tpu.memory_space<hbm>> -> memref<10000x128xbf16, #tpu.memory_space<hbm>>
      tpu.wait_indirect_dma semaphore(%arg15 : memref<!tpu.dma_semaphore, #tpu.memory_space<semaphore_mem>>) src(%dma_wait3A_1099 : memref<10000x128xbf16, #tpu.memory_space<hbm>>) dst(%dma_wait3A_1093 : memref<128x128xbf16, #tpu.memory_space<vmem>>)
      %dma_start3A_1100 = arith.constant 2 : i32
      %dma_start3A_1101 = arith.constant 0 : i32
      %dma_start3A_1102 = arith.constant 6 : i32
      %dma_start3A_1103 = arith.constant 1 : i32
      %dma_start3A_1104 = arith.constant 0 : i32
      %dma_start3A_1105 = arith.constant 0 : i32
      %dma_start3A_1106 = tpu.memref_slice %arg10[%dma_start3A_1100, %dma_start3A_1104, %dma_start3A_1105] : memref<4x128x128xbf16, #tpu.memory_space<vmem>> -> memref<1x128x128xbf16, #tpu.memory_space<vmem>>
      %dma_start3A_1107 = tpu.memref_squeeze %dma_start3A_1106 : memref<1x128x128xbf16, #tpu.memory_space<vmem>> -> memref<128x128xbf16, #tpu.memory_space<vmem>>
      %dma_start3A_1108 = arith.constant 0 : i32
      %dma_start3A_1109 = tpu.memref_slice %arg9[%dma_start3A_1101, %dma_start3A_1102, %dma_start3A_1103, %dma_start3A_1108] : memref<2x10x2x128xi32, #tpu.memory_space<vmem>> -> memref<1x1x1x128xi32, #tpu.memory_space<vmem>>
      %dma_start3A_1110 = tpu.memref_squeeze %dma_start3A_1109 : memref<1x1x1x128xi32, #tpu.memory_space<vmem>> -> memref<128xi32, #tpu.memory_space<vmem>>
      %dma_start3A_1111 = arith.constant 0 : i32
      %dma_start3A_1112 = arith.constant 0 : i32
      %dma_start3A_1113 = tpu.memref_slice %arg7[%dma_start3A_1111, %dma_start3A_1112] : memref<10112x128xbf16, #tpu.memory_space<vmem_shared>> -> memref<10112x128xbf16, #tpu.memory_space<vmem_shared>>
      tpu.enqueue_indirect_dma source(%dma_start3A_1107 : memref<128x128xbf16, #tpu.memory_space<vmem>>) target(%dma_start3A_1113 : memref<10112x128xbf16, #tpu.memory_space<vmem_shared>>) offsets(%dma_start3A_1110 : memref<128xi32, #tpu.memory_space<vmem>>) semaphore(%arg19 : memref<!tpu.dma_semaphore, #tpu.memory_space<semaphore_mem>>) {add = true}
      %get3A_1114 = arith.constant 0 : i32
      %get3A_1115 = arith.constant 6 : i32
      %get3A_1116 = arith.constant 1 : i32
      %get3A_1117 = arith.index_cast %get3A_1114 : i32 to index
      %get3A_1118 = arith.index_cast %get3A_1115 : i32 to index
      %get3A_1119 = arith.index_cast %get3A_1116 : i32 to index
      %get3A_1120 = arith.constant 0 : index
      %get3A_1121 = tpu.vector_load %arg9[%get3A_1117, %get3A_1118, %get3A_1119, %get3A_1120] {strides = array<i32>} : memref<2x10x2x128xi32, #tpu.memory_space<vmem>>, vector<16xi32>,
      %shift_right_arithmetic3A_1122 = arith.constant 7 : i32
      %shift_right_arithmetic3A_1123 = vector.broadcast %shift_right_arithmetic3A_1122 : i32 to vector<16xi32>
      %shift_right_arithmetic3A_1124 = arith.shrsi %get3A_1121, %shift_right_arithmetic3A_1123 : vector<16xi32>
      %and3A_1125 = arith.constant 127 : i32
      %and3A_1126 = vector.broadcast %and3A_1125 : i32 to vector<16xi32>
      %and3A_1127 = arith.andi %get3A_1121, %and3A_1126 : vector<16xi32>
      tpu.vector_store_idx %arg11[%shift_right_arithmetic3A_1124, %and3A_1127], %broadcast_in_dim3A_23 {add = true} : memref<80x128xf32, #tpu.memory_space<vmem>>[vector<16xi32>, vector<16xi32>], vector<16xf32>,
      %get3A_1128 = arith.constant 0 : i32
      %get3A_1129 = arith.constant 6 : i32
      %get3A_1130 = arith.constant 1 : i32
      %get3A_1131 = arith.index_cast %get3A_1128 : i32 to index
      %get3A_1132 = arith.index_cast %get3A_1129 : i32 to index
      %get3A_1133 = arith.index_cast %get3A_1130 : i32 to index
      %get3A_1134 = arith.constant 16 : index
      %get3A_1135 = tpu.vector_load %arg9[%get3A_1131, %get3A_1132, %get3A_1133, %get3A_1134] {strides = array<i32>} : memref<2x10x2x128xi32, #tpu.memory_space<vmem>>, vector<16xi32>,
      %shift_right_arithmetic3A_1136 = arith.constant 7 : i32
      %shift_right_arithmetic3A_1137 = vector.broadcast %shift_right_arithmetic3A_1136 : i32 to vector<16xi32>
      %shift_right_arithmetic3A_1138 = arith.shrsi %get3A_1135, %shift_right_arithmetic3A_1137 : vector<16xi32>
      %and3A_1139 = arith.constant 127 : i32
      %and3A_1140 = vector.broadcast %and3A_1139 : i32 to vector<16xi32>
      %and3A_1141 = arith.andi %get3A_1135, %and3A_1140 : vector<16xi32>
      tpu.vector_store_idx %arg11[%shift_right_arithmetic3A_1138, %and3A_1141], %broadcast_in_dim3A_23 {add = true} : memref<80x128xf32, #tpu.memory_space<vmem>>[vector<16xi32>, vector<16xi32>], vector<16xf32>,
      %get3A_1142 = arith.constant 0 : i32
      %get3A_1143 = arith.constant 6 : i32
      %get3A_1144 = arith.constant 1 : i32
      %get3A_1145 = arith.index_cast %get3A_1142 : i32 to index
      %get3A_1146 = arith.index_cast %get3A_1143 : i32 to index
      %get3A_1147 = arith.index_cast %get3A_1144 : i32 to index
      %get3A_1148 = arith.constant 32 : index
      %get3A_1149 = tpu.vector_load %arg9[%get3A_1145, %get3A_1146, %get3A_1147, %get3A_1148] {strides = array<i32>} : memref<2x10x2x128xi32, #tpu.memory_space<vmem>>, vector<16xi32>,
      %shift_right_arithmetic3A_1150 = arith.constant 7 : i32
      %shift_right_arithmetic3A_1151 = vector.broadcast %shift_right_arithmetic3A_1150 : i32 to vector<16xi32>
      %shift_right_arithmetic3A_1152 = arith.shrsi %get3A_1149, %shift_right_arithmetic3A_1151 : vector<16xi32>
      %and3A_1153 = arith.constant 127 : i32
      %and3A_1154 = vector.broadcast %and3A_1153 : i32 to vector<16xi32>
      %and3A_1155 = arith.andi %get3A_1149, %and3A_1154 : vector<16xi32>
      tpu.vector_store_idx %arg11[%shift_right_arithmetic3A_1152, %and3A_1155], %broadcast_in_dim3A_23 {add = true} : memref<80x128xf32, #tpu.memory_space<vmem>>[vector<16xi32>, vector<16xi32>], vector<16xf32>,
      %get3A_1156 = arith.constant 0 : i32
      %get3A_1157 = arith.constant 6 : i32
      %get3A_1158 = arith.constant 1 : i32
      %get3A_1159 = arith.index_cast %get3A_1156 : i32 to index
      %get3A_1160 = arith.index_cast %get3A_1157 : i32 to index
      %get3A_1161 = arith.index_cast %get3A_1158 : i32 to index
      %get3A_1162 = arith.constant 48 : index
      %get3A_1163 = tpu.vector_load %arg9[%get3A_1159, %get3A_1160, %get3A_1161, %get3A_1162] {strides = array<i32>} : memref<2x10x2x128xi32, #tpu.memory_space<vmem>>, vector<16xi32>,
      %shift_right_arithmetic3A_1164 = arith.constant 7 : i32
      %shift_right_arithmetic3A_1165 = vector.broadcast %shift_right_arithmetic3A_1164 : i32 to vector<16xi32>
      %shift_right_arithmetic3A_1166 = arith.shrsi %get3A_1163, %shift_right_arithmetic3A_1165 : vector<16xi32>
      %and3A_1167 = arith.constant 127 : i32
      %and3A_1168 = vector.broadcast %and3A_1167 : i32 to vector<16xi32>
      %and3A_1169 = arith.andi %get3A_1163, %and3A_1168 : vector<16xi32>
      tpu.vector_store_idx %arg11[%shift_right_arithmetic3A_1166, %and3A_1169], %broadcast_in_dim3A_23 {add = true} : memref<80x128xf32, #tpu.memory_space<vmem>>[vector<16xi32>, vector<16xi32>], vector<16xf32>,
      %get3A_1170 = arith.constant 0 : i32
      %get3A_1171 = arith.constant 6 : i32
      %get3A_1172 = arith.constant 1 : i32
      %get3A_1173 = arith.index_cast %get3A_1170 : i32 to index
      %get3A_1174 = arith.index_cast %get3A_1171 : i32 to index
      %get3A_1175 = arith.index_cast %get3A_1172 : i32 to index
      %get3A_1176 = arith.constant 64 : index
      %get3A_1177 = tpu.vector_load %arg9[%get3A_1173, %get3A_1174, %get3A_1175, %get3A_1176] {strides = array<i32>} : memref<2x10x2x128xi32, #tpu.memory_space<vmem>>, vector<16xi32>,
      %shift_right_arithmetic3A_1178 = arith.constant 7 : i32
      %shift_right_arithmetic3A_1179 = vector.broadcast %shift_right_arithmetic3A_1178 : i32 to vector<16xi32>
      %shift_right_arithmetic3A_1180 = arith.shrsi %get3A_1177, %shift_right_arithmetic3A_1179 : vector<16xi32>
      %and3A_1181 = arith.constant 127 : i32
      %and3A_1182 = vector.broadcast %and3A_1181 : i32 to vector<16xi32>
      %and3A_1183 = arith.andi %get3A_1177, %and3A_1182 : vector<16xi32>
      tpu.vector_store_idx %arg11[%shift_right_arithmetic3A_1180, %and3A_1183], %broadcast_in_dim3A_23 {add = true} : memref<80x128xf32, #tpu.memory_space<vmem>>[vector<16xi32>, vector<16xi32>], vector<16xf32>,
      %get3A_1184 = arith.constant 0 : i32
      %get3A_1185 = arith.constant 6 : i32
      %get3A_1186 = arith.constant 1 : i32
      %get3A_1187 = arith.index_cast %get3A_1184 : i32 to index
      %get3A_1188 = arith.index_cast %get3A_1185 : i32 to index
      %get3A_1189 = arith.index_cast %get3A_1186 : i32 to index
      %get3A_1190 = arith.constant 80 : index
      %get3A_1191 = tpu.vector_load %arg9[%get3A_1187, %get3A_1188, %get3A_1189, %get3A_1190] {strides = array<i32>} : memref<2x10x2x128xi32, #tpu.memory_space<vmem>>, vector<16xi32>,
      %shift_right_arithmetic3A_1192 = arith.constant 7 : i32
      %shift_right_arithmetic3A_1193 = vector.broadcast %shift_right_arithmetic3A_1192 : i32 to vector<16xi32>
      %shift_right_arithmetic3A_1194 = arith.shrsi %get3A_1191, %shift_right_arithmetic3A_1193 : vector<16xi32>
      %and3A_1195 = arith.constant 127 : i32
      %and3A_1196 = vector.broadcast %and3A_1195 : i32 to vector<16xi32>
      %and3A_1197 = arith.andi %get3A_1191, %and3A_1196 : vector<16xi32>
      tpu.vector_store_idx %arg11[%shift_right_arithmetic3A_1194, %and3A_1197], %broadcast_in_dim3A_23 {add = true} : memref<80x128xf32, #tpu.memory_space<vmem>>[vector<16xi32>, vector<16xi32>], vector<16xf32>,
      %get3A_1198 = arith.constant 0 : i32
      %get3A_1199 = arith.constant 6 : i32
      %get3A_1200 = arith.constant 1 : i32
      %get3A_1201 = arith.index_cast %get3A_1198 : i32 to index
      %get3A_1202 = arith.index_cast %get3A_1199 : i32 to index
      %get3A_1203 = arith.index_cast %get3A_1200 : i32 to index
      %get3A_1204 = arith.constant 96 : index
      %get3A_1205 = tpu.vector_load %arg9[%get3A_1201, %get3A_1202, %get3A_1203, %get3A_1204] {strides = array<i32>} : memref<2x10x2x128xi32, #tpu.memory_space<vmem>>, vector<16xi32>,
      %shift_right_arithmetic3A_1206 = arith.constant 7 : i32
      %shift_right_arithmetic3A_1207 = vector.broadcast %shift_right_arithmetic3A_1206 : i32 to vector<16xi32>
      %shift_right_arithmetic3A_1208 = arith.shrsi %get3A_1205, %shift_right_arithmetic3A_1207 : vector<16xi32>
      %and3A_1209 = arith.constant 127 : i32
      %and3A_1210 = vector.broadcast %and3A_1209 : i32 to vector<16xi32>
      %and3A_1211 = arith.andi %get3A_1205, %and3A_1210 : vector<16xi32>
      tpu.vector_store_idx %arg11[%shift_right_arithmetic3A_1208, %and3A_1211], %broadcast_in_dim3A_23 {add = true} : memref<80x128xf32, #tpu.memory_space<vmem>>[vector<16xi32>, vector<16xi32>], vector<16xf32>,
      %get3A_1212 = arith.constant 0 : i32
      %get3A_1213 = arith.constant 6 : i32
      %get3A_1214 = arith.constant 1 : i32
      %get3A_1215 = arith.index_cast %get3A_1212 : i32 to index
      %get3A_1216 = arith.index_cast %get3A_1213 : i32 to index
      %get3A_1217 = arith.index_cast %get3A_1214 : i32 to index
      %get3A_1218 = arith.constant 112 : index
      %get3A_1219 = tpu.vector_load %arg9[%get3A_1215, %get3A_1216, %get3A_1217, %get3A_1218] {strides = array<i32>} : memref<2x10x2x128xi32, #tpu.memory_space<vmem>>, vector<16xi32>,
      %shift_right_arithmetic3A_1220 = arith.constant 7 : i32
      %shift_right_arithmetic3A_1221 = vector.broadcast %shift_right_arithmetic3A_1220 : i32 to vector<16xi32>
      %shift_right_arithmetic3A_1222 = arith.shrsi %get3A_1219, %shift_right_arithmetic3A_1221 : vector<16xi32>
      %and3A_1223 = arith.constant 127 : i32
      %and3A_1224 = vector.broadcast %and3A_1223 : i32 to vector<16xi32>
      %and3A_1225 = arith.andi %get3A_1219, %and3A_1224 : vector<16xi32>
      tpu.vector_store_idx %arg11[%shift_right_arithmetic3A_1222, %and3A_1225], %broadcast_in_dim3A_23 {add = true} : memref<80x128xf32, #tpu.memory_space<vmem>>[vector<16xi32>, vector<16xi32>], vector<16xf32>,
      %dma_wait3A_1226 = arith.constant 3 : i32
      %dma_wait3A_1227 = arith.constant 0 : i32
      %dma_wait3A_1228 = arith.constant 3 : i32
      %dma_wait3A_1229 = arith.constant 1 : i32
      %dma_wait3A_1230 = arith.constant 0 : i32
      %dma_wait3A_1231 = arith.constant 0 : i32
      %dma_wait3A_1232 = tpu.memref_slice %arg10[%dma_wait3A_1226, %dma_wait3A_1230, %dma_wait3A_1231] : memref<4x128x128xbf16, #tpu.memory_space<vmem>> -> memref<1x128x128xbf16, #tpu.memory_space<vmem>>
      %dma_wait3A_1233 = tpu.memref_squeeze %dma_wait3A_1232 : memref<1x128x128xbf16, #tpu.memory_space<vmem>> -> memref<128x128xbf16, #tpu.memory_space<vmem>>
      %dma_wait3A_1234 = arith.constant 0 : i32
      %dma_wait3A_1235 = tpu.memref_slice %arg9[%dma_wait3A_1227, %dma_wait3A_1228, %dma_wait3A_1229, %dma_wait3A_1234] : memref<2x10x2x128xi32, #tpu.memory_space<vmem>> -> memref<1x1x1x128xi32, #tpu.memory_space<vmem>>
      %dma_wait3A_1236 = tpu.memref_squeeze %dma_wait3A_1235 : memref<1x1x1x128xi32, #tpu.memory_space<vmem>> -> memref<128xi32, #tpu.memory_space<vmem>>
      %dma_wait3A_1237 = arith.constant 0 : i32
      %dma_wait3A_1238 = arith.constant 0 : i32
      %dma_wait3A_1239 = tpu.memref_slice %arg7[%dma_wait3A_1237, %dma_wait3A_1238] : memref<10112x128xbf16, #tpu.memory_space<vmem_shared>> -> memref<10112x128xbf16, #tpu.memory_space<vmem_shared>>
      tpu.wait_indirect_dma semaphore(%arg20 : memref<!tpu.dma_semaphore, #tpu.memory_space<semaphore_mem>>) src(%dma_wait3A_1233 : memref<128x128xbf16, #tpu.memory_space<vmem>>) dst(%dma_wait3A_1239 : memref<10112x128xbf16, #tpu.memory_space<vmem_shared>>)
      %dma_start3A_1240 = arith.constant 0 : i32
      %dma_start3A_1241 = arith.constant 7 : i32
      %dma_start3A_1242 = arith.constant 0 : i32
      %dma_start3A_1243 = arith.constant 3 : i32
      %dma_start3A_1244 = arith.constant 0 : i32
      %dma_start3A_1245 = arith.constant 0 : i32
      %dma_start3A_1246 = tpu.memref_slice %arg10[%dma_start3A_1243, %dma_start3A_1244, %dma_start3A_1245] : memref<4x128x128xbf16, #tpu.memory_space<vmem>> -> memref<1x128x128xbf16, #tpu.memory_space<vmem>>
      %dma_start3A_1247 = tpu.memref_squeeze %dma_start3A_1246 : memref<1x128x128xbf16, #tpu.memory_space<vmem>> -> memref<128x128xbf16, #tpu.memory_space<vmem>>
      %dma_start3A_1248 = arith.constant 0 : i32
      %dma_start3A_1249 = tpu.memref_slice %arg9[%dma_start3A_1240, %dma_start3A_1241, %dma_start3A_1242, %dma_start3A_1248] : memref<2x10x2x128xi32, #tpu.memory_space<vmem>> -> memref<1x1x1x128xi32, #tpu.memory_space<vmem>>
      %dma_start3A_1250 = tpu.memref_squeeze %dma_start3A_1249 : memref<1x1x1x128xi32, #tpu.memory_space<vmem>> -> memref<128xi32, #tpu.memory_space<vmem>>
      %dma_start3A_1251 = arith.constant 0 : i32
      %dma_start3A_1252 = arith.constant 0 : i32
      %dma_start3A_1253 = tpu.memref_slice %arg2[%dma_start3A_1251, %dma_start3A_1252] : memref<10000x128xbf16, #tpu.memory_space<hbm>> -> memref<10000x128xbf16, #tpu.memory_space<hbm>>
      tpu.enqueue_indirect_dma source(%dma_start3A_1253 : memref<10000x128xbf16, #tpu.memory_space<hbm>>) target(%dma_start3A_1247 : memref<128x128xbf16, #tpu.memory_space<vmem>>) offsets(%dma_start3A_1250 : memref<128xi32, #tpu.memory_space<vmem>>) semaphore(%arg16 : memref<!tpu.dma_semaphore, #tpu.memory_space<semaphore_mem>>)
      %dma_wait3A_1254 = arith.constant 0 : i32
      %dma_wait3A_1255 = arith.constant 7 : i32
      %dma_wait3A_1256 = arith.constant 0 : i32
      %dma_wait3A_1257 = arith.constant 3 : i32
      %dma_wait3A_1258 = arith.constant 0 : i32
      %dma_wait3A_1259 = arith.constant 0 : i32
      %dma_wait3A_1260 = tpu.memref_slice %arg10[%dma_wait3A_1257, %dma_wait3A_1258, %dma_wait3A_1259] : memref<4x128x128xbf16, #tpu.memory_space<vmem>> -> memref<1x128x128xbf16, #tpu.memory_space<vmem>>
      %dma_wait3A_1261 = tpu.memref_squeeze %dma_wait3A_1260 : memref<1x128x128xbf16, #tpu.memory_space<vmem>> -> memref<128x128xbf16, #tpu.memory_space<vmem>>
      %dma_wait3A_1262 = arith.constant 0 : i32
      %dma_wait3A_1263 = tpu.memref_slice %arg9[%dma_wait3A_1254, %dma_wait3A_1255, %dma_wait3A_1256, %dma_wait3A_1262] : memref<2x10x2x128xi32, #tpu.memory_space<vmem>> -> memref<1x1x1x128xi32, #tpu.memory_space<vmem>>
      %dma_wait3A_1264 = tpu.memref_squeeze %dma_wait3A_1263 : memref<1x1x1x128xi32, #tpu.memory_space<vmem>> -> memref<128xi32, #tpu.memory_space<vmem>>
      %dma_wait3A_1265 = arith.constant 0 : i32
      %dma_wait3A_1266 = arith.constant 0 : i32
      %dma_wait3A_1267 = tpu.memref_slice %arg2[%dma_wait3A_1265, %dma_wait3A_1266] : memref<10000x128xbf16, #tpu.memory_space<hbm>> -> memref<10000x128xbf16, #tpu.memory_space<hbm>>
      tpu.wait_indirect_dma semaphore(%arg16 : memref<!tpu.dma_semaphore, #tpu.memory_space<semaphore_mem>>) src(%dma_wait3A_1267 : memref<10000x128xbf16, #tpu.memory_space<hbm>>) dst(%dma_wait3A_1261 : memref<128x128xbf16, #tpu.memory_space<vmem>>)
      %dma_start3A_1268 = arith.constant 3 : i32
      %dma_start3A_1269 = arith.constant 0 : i32
      %dma_start3A_1270 = arith.constant 7 : i32
      %dma_start3A_1271 = arith.constant 1 : i32
      %dma_start3A_1272 = arith.constant 0 : i32
      %dma_start3A_1273 = arith.constant 0 : i32
      %dma_start3A_1274 = tpu.memref_slice %arg10[%dma_start3A_1268, %dma_start3A_1272, %dma_start3A_1273] : memref<4x128x128xbf16, #tpu.memory_space<vmem>> -> memref<1x128x128xbf16, #tpu.memory_space<vmem>>
      %dma_start3A_1275 = tpu.memref_squeeze %dma_start3A_1274 : memref<1x128x128xbf16, #tpu.memory_space<vmem>> -> memref<128x128xbf16, #tpu.memory_space<vmem>>
      %dma_start3A_1276 = arith.constant 0 : i32
      %dma_start3A_1277 = tpu.memref_slice %arg9[%dma_start3A_1269, %dma_start3A_1270, %dma_start3A_1271, %dma_start3A_1276] : memref<2x10x2x128xi32, #tpu.memory_space<vmem>> -> memref<1x1x1x128xi32, #tpu.memory_space<vmem>>
      %dma_start3A_1278 = tpu.memref_squeeze %dma_start3A_1277 : memref<1x1x1x128xi32, #tpu.memory_space<vmem>> -> memref<128xi32, #tpu.memory_space<vmem>>
      %dma_start3A_1279 = arith.constant 0 : i32
      %dma_start3A_1280 = arith.constant 0 : i32
      %dma_start3A_1281 = tpu.memref_slice %arg7[%dma_start3A_1279, %dma_start3A_1280] : memref<10112x128xbf16, #tpu.memory_space<vmem_shared>> -> memref<10112x128xbf16, #tpu.memory_space<vmem_shared>>
      tpu.enqueue_indirect_dma source(%dma_start3A_1275 : memref<128x128xbf16, #tpu.memory_space<vmem>>) target(%dma_start3A_1281 : memref<10112x128xbf16, #tpu.memory_space<vmem_shared>>) offsets(%dma_start3A_1278 : memref<128xi32, #tpu.memory_space<vmem>>) semaphore(%arg20 : memref<!tpu.dma_semaphore, #tpu.memory_space<semaphore_mem>>) {add = true}
      %get3A_1282 = arith.constant 0 : i32
      %get3A_1283 = arith.constant 7 : i32
      %get3A_1284 = arith.constant 1 : i32
      %get3A_1285 = arith.index_cast %get3A_1282 : i32 to index
      %get3A_1286 = arith.index_cast %get3A_1283 : i32 to index
      %get3A_1287 = arith.index_cast %get3A_1284 : i32 to index
      %get3A_1288 = arith.constant 0 : index
      %get3A_1289 = tpu.vector_load %arg9[%get3A_1285, %get3A_1286, %get3A_1287, %get3A_1288] {strides = array<i32>} : memref<2x10x2x128xi32, #tpu.memory_space<vmem>>, vector<16xi32>,
      %shift_right_arithmetic3A_1290 = arith.constant 7 : i32
      %shift_right_arithmetic3A_1291 = vector.broadcast %shift_right_arithmetic3A_1290 : i32 to vector<16xi32>
      %shift_right_arithmetic3A_1292 = arith.shrsi %get3A_1289, %shift_right_arithmetic3A_1291 : vector<16xi32>
      %and3A_1293 = arith.constant 127 : i32
      %and3A_1294 = vector.broadcast %and3A_1293 : i32 to vector<16xi32>
      %and3A_1295 = arith.andi %get3A_1289, %and3A_1294 : vector<16xi32>
      tpu.vector_store_idx %arg11[%shift_right_arithmetic3A_1292, %and3A_1295], %broadcast_in_dim3A_23 {add = true} : memref<80x128xf32, #tpu.memory_space<vmem>>[vector<16xi32>, vector<16xi32>], vector<16xf32>,
      %get3A_1296 = arith.constant 0 : i32
      %get3A_1297 = arith.constant 7 : i32
      %get3A_1298 = arith.constant 1 : i32
      %get3A_1299 = arith.index_cast %get3A_1296 : i32 to index
      %get3A_1300 = arith.index_cast %get3A_1297 : i32 to index
      %get3A_1301 = arith.index_cast %get3A_1298 : i32 to index
      %get3A_1302 = arith.constant 16 : index
      %get3A_1303 = tpu.vector_load %arg9[%get3A_1299, %get3A_1300, %get3A_1301, %get3A_1302] {strides = array<i32>} : memref<2x10x2x128xi32, #tpu.memory_space<vmem>>, vector<16xi32>,
      %shift_right_arithmetic3A_1304 = arith.constant 7 : i32
      %shift_right_arithmetic3A_1305 = vector.broadcast %shift_right_arithmetic3A_1304 : i32 to vector<16xi32>
      %shift_right_arithmetic3A_1306 = arith.shrsi %get3A_1303, %shift_right_arithmetic3A_1305 : vector<16xi32>
      %and3A_1307 = arith.constant 127 : i32
      %and3A_1308 = vector.broadcast %and3A_1307 : i32 to vector<16xi32>
      %and3A_1309 = arith.andi %get3A_1303, %and3A_1308 : vector<16xi32>
      tpu.vector_store_idx %arg11[%shift_right_arithmetic3A_1306, %and3A_1309], %broadcast_in_dim3A_23 {add = true} : memref<80x128xf32, #tpu.memory_space<vmem>>[vector<16xi32>, vector<16xi32>], vector<16xf32>,
      %get3A_1310 = arith.constant 0 : i32
      %get3A_1311 = arith.constant 7 : i32
      %get3A_1312 = arith.constant 1 : i32
      %get3A_1313 = arith.index_cast %get3A_1310 : i32 to index
      %get3A_1314 = arith.index_cast %get3A_1311 : i32 to index
      %get3A_1315 = arith.index_cast %get3A_1312 : i32 to index
      %get3A_1316 = arith.constant 32 : index
      %get3A_1317 = tpu.vector_load %arg9[%get3A_1313, %get3A_1314, %get3A_1315, %get3A_1316] {strides = array<i32>} : memref<2x10x2x128xi32, #tpu.memory_space<vmem>>, vector<16xi32>,
      %shift_right_arithmetic3A_1318 = arith.constant 7 : i32
      %shift_right_arithmetic3A_1319 = vector.broadcast %shift_right_arithmetic3A_1318 : i32 to vector<16xi32>
      %shift_right_arithmetic3A_1320 = arith.shrsi %get3A_1317, %shift_right_arithmetic3A_1319 : vector<16xi32>
      %and3A_1321 = arith.constant 127 : i32
      %and3A_1322 = vector.broadcast %and3A_1321 : i32 to vector<16xi32>
      %and3A_1323 = arith.andi %get3A_1317, %and3A_1322 : vector<16xi32>
      tpu.vector_store_idx %arg11[%shift_right_arithmetic3A_1320, %and3A_1323], %broadcast_in_dim3A_23 {add = true} : memref<80x128xf32, #tpu.memory_space<vmem>>[vector<16xi32>, vector<16xi32>], vector<16xf32>,
      %get3A_1324 = arith.constant 0 : i32
      %get3A_1325 = arith.constant 7 : i32
      %get3A_1326 = arith.constant 1 : i32
      %get3A_1327 = arith.index_cast %get3A_1324 : i32 to index
      %get3A_1328 = arith.index_cast %get3A_1325 : i32 to index
      %get3A_1329 = arith.index_cast %get3A_1326 : i32 to index
      %get3A_1330 = arith.constant 48 : index
      %get3A_1331 = tpu.vector_load %arg9[%get3A_1327, %get3A_1328, %get3A_1329, %get3A_1330] {strides = array<i32>} : memref<2x10x2x128xi32, #tpu.memory_space<vmem>>, vector<16xi32>,
      %shift_right_arithmetic3A_1332 = arith.constant 7 : i32
      %shift_right_arithmetic3A_1333 = vector.broadcast %shift_right_arithmetic3A_1332 : i32 to vector<16xi32>
      %shift_right_arithmetic3A_1334 = arith.shrsi %get3A_1331, %shift_right_arithmetic3A_1333 : vector<16xi32>
      %and3A_1335 = arith.constant 127 : i32
      %and3A_1336 = vector.broadcast %and3A_1335 : i32 to vector<16xi32>
      %and3A_1337 = arith.andi %get3A_1331, %and3A_1336 : vector<16xi32>
      tpu.vector_store_idx %arg11[%shift_right_arithmetic3A_1334, %and3A_1337], %broadcast_in_dim3A_23 {add = true} : memref<80x128xf32, #tpu.memory_space<vmem>>[vector<16xi32>, vector<16xi32>], vector<16xf32>,
      %get3A_1338 = arith.constant 0 : i32
      %get3A_1339 = arith.constant 7 : i32
      %get3A_1340 = arith.constant 1 : i32
      %get3A_1341 = arith.index_cast %get3A_1338 : i32 to index
      %get3A_1342 = arith.index_cast %get3A_1339 : i32 to index
      %get3A_1343 = arith.index_cast %get3A_1340 : i32 to index
      %get3A_1344 = arith.constant 64 : index
      %get3A_1345 = tpu.vector_load %arg9[%get3A_1341, %get3A_1342, %get3A_1343, %get3A_1344] {strides = array<i32>} : memref<2x10x2x128xi32, #tpu.memory_space<vmem>>, vector<16xi32>,
      %shift_right_arithmetic3A_1346 = arith.constant 7 : i32
      %shift_right_arithmetic3A_1347 = vector.broadcast %shift_right_arithmetic3A_1346 : i32 to vector<16xi32>
      %shift_right_arithmetic3A_1348 = arith.shrsi %get3A_1345, %shift_right_arithmetic3A_1347 : vector<16xi32>
      %and3A_1349 = arith.constant 127 : i32
      %and3A_1350 = vector.broadcast %and3A_1349 : i32 to vector<16xi32>
      %and3A_1351 = arith.andi %get3A_1345, %and3A_1350 : vector<16xi32>
      tpu.vector_store_idx %arg11[%shift_right_arithmetic3A_1348, %and3A_1351], %broadcast_in_dim3A_23 {add = true} : memref<80x128xf32, #tpu.memory_space<vmem>>[vector<16xi32>, vector<16xi32>], vector<16xf32>,
      %get3A_1352 = arith.constant 0 : i32
      %get3A_1353 = arith.constant 7 : i32
      %get3A_1354 = arith.constant 1 : i32
      %get3A_1355 = arith.index_cast %get3A_1352 : i32 to index
      %get3A_1356 = arith.index_cast %get3A_1353 : i32 to index
      %get3A_1357 = arith.index_cast %get3A_1354 : i32 to index
      %get3A_1358 = arith.constant 80 : index
      %get3A_1359 = tpu.vector_load %arg9[%get3A_1355, %get3A_1356, %get3A_1357, %get3A_1358] {strides = array<i32>} : memref<2x10x2x128xi32, #tpu.memory_space<vmem>>, vector<16xi32>,
      %shift_right_arithmetic3A_1360 = arith.constant 7 : i32
      %shift_right_arithmetic3A_1361 = vector.broadcast %shift_right_arithmetic3A_1360 : i32 to vector<16xi32>
      %shift_right_arithmetic3A_1362 = arith.shrsi %get3A_1359, %shift_right_arithmetic3A_1361 : vector<16xi32>
      %and3A_1363 = arith.constant 127 : i32
      %and3A_1364 = vector.broadcast %and3A_1363 : i32 to vector<16xi32>
      %and3A_1365 = arith.andi %get3A_1359, %and3A_1364 : vector<16xi32>
      tpu.vector_store_idx %arg11[%shift_right_arithmetic3A_1362, %and3A_1365], %broadcast_in_dim3A_23 {add = true} : memref<80x128xf32, #tpu.memory_space<vmem>>[vector<16xi32>, vector<16xi32>], vector<16xf32>,
      %get3A_1366 = arith.constant 0 : i32
      %get3A_1367 = arith.constant 7 : i32
      %get3A_1368 = arith.constant 1 : i32
      %get3A_1369 = arith.index_cast %get3A_1366 : i32 to index
      %get3A_1370 = arith.index_cast %get3A_1367 : i32 to index
      %get3A_1371 = arith.index_cast %get3A_1368 : i32 to index
      %get3A_1372 = arith.constant 96 : index
      %get3A_1373 = tpu.vector_load %arg9[%get3A_1369, %get3A_1370, %get3A_1371, %get3A_1372] {strides = array<i32>} : memref<2x10x2x128xi32, #tpu.memory_space<vmem>>, vector<16xi32>,
      %shift_right_arithmetic3A_1374 = arith.constant 7 : i32
      %shift_right_arithmetic3A_1375 = vector.broadcast %shift_right_arithmetic3A_1374 : i32 to vector<16xi32>
      %shift_right_arithmetic3A_1376 = arith.shrsi %get3A_1373, %shift_right_arithmetic3A_1375 : vector<16xi32>
      %and3A_1377 = arith.constant 127 : i32
      %and3A_1378 = vector.broadcast %and3A_1377 : i32 to vector<16xi32>
      %and3A_1379 = arith.andi %get3A_1373, %and3A_1378 : vector<16xi32>
      tpu.vector_store_idx %arg11[%shift_right_arithmetic3A_1376, %and3A_1379], %broadcast_in_dim3A_23 {add = true} : memref<80x128xf32, #tpu.memory_space<vmem>>[vector<16xi32>, vector<16xi32>], vector<16xf32>,
      %get3A_1380 = arith.constant 0 : i32
      %get3A_1381 = arith.constant 7 : i32
      %get3A_1382 = arith.constant 1 : i32
      %get3A_1383 = arith.index_cast %get3A_1380 : i32 to index
      %get3A_1384 = arith.index_cast %get3A_1381 : i32 to index
      %get3A_1385 = arith.index_cast %get3A_1382 : i32 to index
      %get3A_1386 = arith.constant 112 : index
      %get3A_1387 = tpu.vector_load %arg9[%get3A_1383, %get3A_1384, %get3A_1385, %get3A_1386] {strides = array<i32>} : memref<2x10x2x128xi32, #tpu.memory_space<vmem>>, vector<16xi32>,
      %shift_right_arithmetic3A_1388 = arith.constant 7 : i32
      %shift_right_arithmetic3A_1389 = vector.broadcast %shift_right_arithmetic3A_1388 : i32 to vector<16xi32>
      %shift_right_arithmetic3A_1390 = arith.shrsi %get3A_1387, %shift_right_arithmetic3A_1389 : vector<16xi32>
      %and3A_1391 = arith.constant 127 : i32
      %and3A_1392 = vector.broadcast %and3A_1391 : i32 to vector<16xi32>
      %and3A_1393 = arith.andi %get3A_1387, %and3A_1392 : vector<16xi32>
      tpu.vector_store_idx %arg11[%shift_right_arithmetic3A_1390, %and3A_1393], %broadcast_in_dim3A_23 {add = true} : memref<80x128xf32, #tpu.memory_space<vmem>>[vector<16xi32>, vector<16xi32>], vector<16xf32>,
      %dma_wait3A_1394 = arith.constant 0 : i32
      %dma_wait3A_1395 = arith.constant 0 : i32
      %dma_wait3A_1396 = arith.constant 4 : i32
      %dma_wait3A_1397 = arith.constant 1 : i32
      %dma_wait3A_1398 = arith.constant 0 : i32
      %dma_wait3A_1399 = arith.constant 0 : i32
      %dma_wait3A_1400 = tpu.memref_slice %arg10[%dma_wait3A_1394, %dma_wait3A_1398, %dma_wait3A_1399] : memref<4x128x128xbf16, #tpu.memory_space<vmem>> -> memref<1x128x128xbf16, #tpu.memory_space<vmem>>
      %dma_wait3A_1401 = tpu.memref_squeeze %dma_wait3A_1400 : memref<1x128x128xbf16, #tpu.memory_space<vmem>> -> memref<128x128xbf16, #tpu.memory_space<vmem>>
      %dma_wait3A_1402 = arith.constant 0 : i32
      %dma_wait3A_1403 = tpu.memref_slice %arg9[%dma_wait3A_1395, %dma_wait3A_1396, %dma_wait3A_1397, %dma_wait3A_1402] : memref<2x10x2x128xi32, #tpu.memory_space<vmem>> -> memref<1x1x1x128xi32, #tpu.memory_space<vmem>>
      %dma_wait3A_1404 = tpu.memref_squeeze %dma_wait3A_1403 : memref<1x1x1x128xi32, #tpu.memory_space<vmem>> -> memref<128xi32, #tpu.memory_space<vmem>>
      %dma_wait3A_1405 = arith.constant 0 : i32
      %dma_wait3A_1406 = arith.constant 0 : i32
      %dma_wait3A_1407 = tpu.memref_slice %arg7[%dma_wait3A_1405, %dma_wait3A_1406] : memref<10112x128xbf16, #tpu.memory_space<vmem_shared>> -> memref<10112x128xbf16, #tpu.memory_space<vmem_shared>>
      tpu.wait_indirect_dma semaphore(%arg17 : memref<!tpu.dma_semaphore, #tpu.memory_space<semaphore_mem>>) src(%dma_wait3A_1401 : memref<128x128xbf16, #tpu.memory_space<vmem>>) dst(%dma_wait3A_1407 : memref<10112x128xbf16, #tpu.memory_space<vmem_shared>>)
      %dma_start3A_1408 = arith.constant 0 : i32
      %dma_start3A_1409 = arith.constant 8 : i32
      %dma_start3A_1410 = arith.constant 0 : i32
      %dma_start3A_1411 = arith.constant 0 : i32
      %dma_start3A_1412 = arith.constant 0 : i32
      %dma_start3A_1413 = arith.constant 0 : i32
      %dma_start3A_1414 = tpu.memref_slice %arg10[%dma_start3A_1411, %dma_start3A_1412, %dma_start3A_1413] : memref<4x128x128xbf16, #tpu.memory_space<vmem>> -> memref<1x128x128xbf16, #tpu.memory_space<vmem>>
      %dma_start3A_1415 = tpu.memref_squeeze %dma_start3A_1414 : memref<1x128x128xbf16, #tpu.memory_space<vmem>> -> memref<128x128xbf16, #tpu.memory_space<vmem>>
      %dma_start3A_1416 = arith.constant 0 : i32
      %dma_start3A_1417 = tpu.memref_slice %arg9[%dma_start3A_1408, %dma_start3A_1409, %dma_start3A_1410, %dma_start3A_1416] : memref<2x10x2x128xi32, #tpu.memory_space<vmem>> -> memref<1x1x1x128xi32, #tpu.memory_space<vmem>>
      %dma_start3A_1418 = tpu.memref_squeeze %dma_start3A_1417 : memref<1x1x1x128xi32, #tpu.memory_space<vmem>> -> memref<128xi32, #tpu.memory_space<vmem>>
      %dma_start3A_1419 = arith.constant 0 : i32
      %dma_start3A_1420 = arith.constant 0 : i32
      %dma_start3A_1421 = tpu.memref_slice %arg2[%dma_start3A_1419, %dma_start3A_1420] : memref<10000x128xbf16, #tpu.memory_space<hbm>> -> memref<10000x128xbf16, #tpu.memory_space<hbm>>
      tpu.enqueue_indirect_dma source(%dma_start3A_1421 : memref<10000x128xbf16, #tpu.memory_space<hbm>>) target(%dma_start3A_1415 : memref<128x128xbf16, #tpu.memory_space<vmem>>) offsets(%dma_start3A_1418 : memref<128xi32, #tpu.memory_space<vmem>>) semaphore(%arg13 : memref<!tpu.dma_semaphore, #tpu.memory_space<semaphore_mem>>)
      %dma_wait3A_1422 = arith.constant 0 : i32
      %dma_wait3A_1423 = arith.constant 8 : i32
      %dma_wait3A_1424 = arith.constant 0 : i32
      %dma_wait3A_1425 = arith.constant 0 : i32
      %dma_wait3A_1426 = arith.constant 0 : i32
      %dma_wait3A_1427 = arith.constant 0 : i32
      %dma_wait3A_1428 = tpu.memref_slice %arg10[%dma_wait3A_1425, %dma_wait3A_1426, %dma_wait3A_1427] : memref<4x128x128xbf16, #tpu.memory_space<vmem>> -> memref<1x128x128xbf16, #tpu.memory_space<vmem>>
      %dma_wait3A_1429 = tpu.memref_squeeze %dma_wait3A_1428 : memref<1x128x128xbf16, #tpu.memory_space<vmem>> -> memref<128x128xbf16, #tpu.memory_space<vmem>>
      %dma_wait3A_1430 = arith.constant 0 : i32
      %dma_wait3A_1431 = tpu.memref_slice %arg9[%dma_wait3A_1422, %dma_wait3A_1423, %dma_wait3A_1424, %dma_wait3A_1430] : memref<2x10x2x128xi32, #tpu.memory_space<vmem>> -> memref<1x1x1x128xi32, #tpu.memory_space<vmem>>
      %dma_wait3A_1432 = tpu.memref_squeeze %dma_wait3A_1431 : memref<1x1x1x128xi32, #tpu.memory_space<vmem>> -> memref<128xi32, #tpu.memory_space<vmem>>
      %dma_wait3A_1433 = arith.constant 0 : i32
      %dma_wait3A_1434 = arith.constant 0 : i32
      %dma_wait3A_1435 = tpu.memref_slice %arg2[%dma_wait3A_1433, %dma_wait3A_1434] : memref<10000x128xbf16, #tpu.memory_space<hbm>> -> memref<10000x128xbf16, #tpu.memory_space<hbm>>
      tpu.wait_indirect_dma semaphore(%arg13 : memref<!tpu.dma_semaphore, #tpu.memory_space<semaphore_mem>>) src(%dma_wait3A_1435 : memref<10000x128xbf16, #tpu.memory_space<hbm>>) dst(%dma_wait3A_1429 : memref<128x128xbf16, #tpu.memory_space<vmem>>)
      %dma_start3A_1436 = arith.constant 0 : i32
      %dma_start3A_1437 = arith.constant 0 : i32
      %dma_start3A_1438 = arith.constant 8 : i32
      %dma_start3A_1439 = arith.constant 1 : i32
      %dma_start3A_1440 = arith.constant 0 : i32
      %dma_start3A_1441 = arith.constant 0 : i32
      %dma_start3A_1442 = tpu.memref_slice %arg10[%dma_start3A_1436, %dma_start3A_1440, %dma_start3A_1441] : memref<4x128x128xbf16, #tpu.memory_space<vmem>> -> memref<1x128x128xbf16, #tpu.memory_space<vmem>>
      %dma_start3A_1443 = tpu.memref_squeeze %dma_start3A_1442 : memref<1x128x128xbf16, #tpu.memory_space<vmem>> -> memref<128x128xbf16, #tpu.memory_space<vmem>>
      %dma_start3A_1444 = arith.constant 0 : i32
      %dma_start3A_1445 = tpu.memref_slice %arg9[%dma_start3A_1437, %dma_start3A_1438, %dma_start3A_1439, %dma_start3A_1444] : memref<2x10x2x128xi32, #tpu.memory_space<vmem>> -> memref<1x1x1x128xi32, #tpu.memory_space<vmem>>
      %dma_start3A_1446 = tpu.memref_squeeze %dma_start3A_1445 : memref<1x1x1x128xi32, #tpu.memory_space<vmem>> -> memref<128xi32, #tpu.memory_space<vmem>>
      %dma_start3A_1447 = arith.constant 0 : i32
      %dma_start3A_1448 = arith.constant 0 : i32
      %dma_start3A_1449 = tpu.memref_slice %arg7[%dma_start3A_1447, %dma_start3A_1448] : memref<10112x128xbf16, #tpu.memory_space<vmem_shared>> -> memref<10112x128xbf16, #tpu.memory_space<vmem_shared>>
      tpu.enqueue_indirect_dma source(%dma_start3A_1443 : memref<128x128xbf16, #tpu.memory_space<vmem>>) target(%dma_start3A_1449 : memref<10112x128xbf16, #tpu.memory_space<vmem_shared>>) offsets(%dma_start3A_1446 : memref<128xi32, #tpu.memory_space<vmem>>) semaphore(%arg17 : memref<!tpu.dma_semaphore, #tpu.memory_space<semaphore_mem>>) {add = true}
      %get3A_1450 = arith.constant 0 : i32
      %get3A_1451 = arith.constant 8 : i32
      %get3A_1452 = arith.constant 1 : i32
      %get3A_1453 = arith.index_cast %get3A_1450 : i32 to index
      %get3A_1454 = arith.index_cast %get3A_1451 : i32 to index
      %get3A_1455 = arith.index_cast %get3A_1452 : i32 to index
      %get3A_1456 = arith.constant 0 : index
      %get3A_1457 = tpu.vector_load %arg9[%get3A_1453, %get3A_1454, %get3A_1455, %get3A_1456] {strides = array<i32>} : memref<2x10x2x128xi32, #tpu.memory_space<vmem>>, vector<16xi32>,
      %shift_right_arithmetic3A_1458 = arith.constant 7 : i32
      %shift_right_arithmetic3A_1459 = vector.broadcast %shift_right_arithmetic3A_1458 : i32 to vector<16xi32>
      %shift_right_arithmetic3A_1460 = arith.shrsi %get3A_1457, %shift_right_arithmetic3A_1459 : vector<16xi32>
      %and3A_1461 = arith.constant 127 : i32
      %and3A_1462 = vector.broadcast %and3A_1461 : i32 to vector<16xi32>
      %and3A_1463 = arith.andi %get3A_1457, %and3A_1462 : vector<16xi32>
      tpu.vector_store_idx %arg11[%shift_right_arithmetic3A_1460, %and3A_1463], %broadcast_in_dim3A_23 {add = true} : memref<80x128xf32, #tpu.memory_space<vmem>>[vector<16xi32>, vector<16xi32>], vector<16xf32>,
      %get3A_1464 = arith.constant 0 : i32
      %get3A_1465 = arith.constant 8 : i32
      %get3A_1466 = arith.constant 1 : i32
      %get3A_1467 = arith.index_cast %get3A_1464 : i32 to index
      %get3A_1468 = arith.index_cast %get3A_1465 : i32 to index
      %get3A_1469 = arith.index_cast %get3A_1466 : i32 to index
      %get3A_1470 = arith.constant 16 : index
      %get3A_1471 = tpu.vector_load %arg9[%get3A_1467, %get3A_1468, %get3A_1469, %get3A_1470] {strides = array<i32>} : memref<2x10x2x128xi32, #tpu.memory_space<vmem>>, vector<16xi32>,
      %shift_right_arithmetic3A_1472 = arith.constant 7 : i32
      %shift_right_arithmetic3A_1473 = vector.broadcast %shift_right_arithmetic3A_1472 : i32 to vector<16xi32>
      %shift_right_arithmetic3A_1474 = arith.shrsi %get3A_1471, %shift_right_arithmetic3A_1473 : vector<16xi32>
      %and3A_1475 = arith.constant 127 : i32
      %and3A_1476 = vector.broadcast %and3A_1475 : i32 to vector<16xi32>
      %and3A_1477 = arith.andi %get3A_1471, %and3A_1476 : vector<16xi32>
      tpu.vector_store_idx %arg11[%shift_right_arithmetic3A_1474, %and3A_1477], %broadcast_in_dim3A_23 {add = true} : memref<80x128xf32, #tpu.memory_space<vmem>>[vector<16xi32>, vector<16xi32>], vector<16xf32>,
      %get3A_1478 = arith.constant 0 : i32
      %get3A_1479 = arith.constant 8 : i32
      %get3A_1480 = arith.constant 1 : i32
      %get3A_1481 = arith.index_cast %get3A_1478 : i32 to index
      %get3A_1482 = arith.index_cast %get3A_1479 : i32 to index
      %get3A_1483 = arith.index_cast %get3A_1480 : i32 to index
      %get3A_1484 = arith.constant 32 : index
      %get3A_1485 = tpu.vector_load %arg9[%get3A_1481, %get3A_1482, %get3A_1483, %get3A_1484] {strides = array<i32>} : memref<2x10x2x128xi32, #tpu.memory_space<vmem>>, vector<16xi32>,
      %shift_right_arithmetic3A_1486 = arith.constant 7 : i32
      %shift_right_arithmetic3A_1487 = vector.broadcast %shift_right_arithmetic3A_1486 : i32 to vector<16xi32>
      %shift_right_arithmetic3A_1488 = arith.shrsi %get3A_1485, %shift_right_arithmetic3A_1487 : vector<16xi32>
      %and3A_1489 = arith.constant 127 : i32
      %and3A_1490 = vector.broadcast %and3A_1489 : i32 to vector<16xi32>
      %and3A_1491 = arith.andi %get3A_1485, %and3A_1490 : vector<16xi32>
      tpu.vector_store_idx %arg11[%shift_right_arithmetic3A_1488, %and3A_1491], %broadcast_in_dim3A_23 {add = true} : memref<80x128xf32, #tpu.memory_space<vmem>>[vector<16xi32>, vector<16xi32>], vector<16xf32>,
      %get3A_1492 = arith.constant 0 : i32
      %get3A_1493 = arith.constant 8 : i32
      %get3A_1494 = arith.constant 1 : i32
      %get3A_1495 = arith.index_cast %get3A_1492 : i32 to index
      %get3A_1496 = arith.index_cast %get3A_1493 : i32 to index
      %get3A_1497 = arith.index_cast %get3A_1494 : i32 to index
      %get3A_1498 = arith.constant 48 : index
      %get3A_1499 = tpu.vector_load %arg9[%get3A_1495, %get3A_1496, %get3A_1497, %get3A_1498] {strides = array<i32>} : memref<2x10x2x128xi32, #tpu.memory_space<vmem>>, vector<16xi32>,
      %shift_right_arithmetic3A_1500 = arith.constant 7 : i32
      %shift_right_arithmetic3A_1501 = vector.broadcast %shift_right_arithmetic3A_1500 : i32 to vector<16xi32>
      %shift_right_arithmetic3A_1502 = arith.shrsi %get3A_1499, %shift_right_arithmetic3A_1501 : vector<16xi32>
      %and3A_1503 = arith.constant 127 : i32
      %and3A_1504 = vector.broadcast %and3A_1503 : i32 to vector<16xi32>
      %and3A_1505 = arith.andi %get3A_1499, %and3A_1504 : vector<16xi32>
      tpu.vector_store_idx %arg11[%shift_right_arithmetic3A_1502, %and3A_1505], %broadcast_in_dim3A_23 {add = true} : memref<80x128xf32, #tpu.memory_space<vmem>>[vector<16xi32>, vector<16xi32>], vector<16xf32>,
      %get3A_1506 = arith.constant 0 : i32
      %get3A_1507 = arith.constant 8 : i32
      %get3A_1508 = arith.constant 1 : i32
      %get3A_1509 = arith.index_cast %get3A_1506 : i32 to index
      %get3A_1510 = arith.index_cast %get3A_1507 : i32 to index
      %get3A_1511 = arith.index_cast %get3A_1508 : i32 to index
      %get3A_1512 = arith.constant 64 : index
      %get3A_1513 = tpu.vector_load %arg9[%get3A_1509, %get3A_1510, %get3A_1511, %get3A_1512] {strides = array<i32>} : memref<2x10x2x128xi32, #tpu.memory_space<vmem>>, vector<16xi32>,
      %shift_right_arithmetic3A_1514 = arith.constant 7 : i32
      %shift_right_arithmetic3A_1515 = vector.broadcast %shift_right_arithmetic3A_1514 : i32 to vector<16xi32>
      %shift_right_arithmetic3A_1516 = arith.shrsi %get3A_1513, %shift_right_arithmetic3A_1515 : vector<16xi32>
      %and3A_1517 = arith.constant 127 : i32
      %and3A_1518 = vector.broadcast %and3A_1517 : i32 to vector<16xi32>
      %and3A_1519 = arith.andi %get3A_1513, %and3A_1518 : vector<16xi32>
      tpu.vector_store_idx %arg11[%shift_right_arithmetic3A_1516, %and3A_1519], %broadcast_in_dim3A_23 {add = true} : memref<80x128xf32, #tpu.memory_space<vmem>>[vector<16xi32>, vector<16xi32>], vector<16xf32>,
      %get3A_1520 = arith.constant 0 : i32
      %get3A_1521 = arith.constant 8 : i32
      %get3A_1522 = arith.constant 1 : i32
      %get3A_1523 = arith.index_cast %get3A_1520 : i32 to index
      %get3A_1524 = arith.index_cast %get3A_1521 : i32 to index
      %get3A_1525 = arith.index_cast %get3A_1522 : i32 to index
      %get3A_1526 = arith.constant 80 : index
      %get3A_1527 = tpu.vector_load %arg9[%get3A_1523, %get3A_1524, %get3A_1525, %get3A_1526] {strides = array<i32>} : memref<2x10x2x128xi32, #tpu.memory_space<vmem>>, vector<16xi32>,
      %shift_right_arithmetic3A_1528 = arith.constant 7 : i32
      %shift_right_arithmetic3A_1529 = vector.broadcast %shift_right_arithmetic3A_1528 : i32 to vector<16xi32>
      %shift_right_arithmetic3A_1530 = arith.shrsi %get3A_1527, %shift_right_arithmetic3A_1529 : vector<16xi32>
      %and3A_1531 = arith.constant 127 : i32
      %and3A_1532 = vector.broadcast %and3A_1531 : i32 to vector<16xi32>
      %and3A_1533 = arith.andi %get3A_1527, %and3A_1532 : vector<16xi32>
      tpu.vector_store_idx %arg11[%shift_right_arithmetic3A_1530, %and3A_1533], %broadcast_in_dim3A_23 {add = true} : memref<80x128xf32, #tpu.memory_space<vmem>>[vector<16xi32>, vector<16xi32>], vector<16xf32>,
      %get3A_1534 = arith.constant 0 : i32
      %get3A_1535 = arith.constant 8 : i32
      %get3A_1536 = arith.constant 1 : i32
      %get3A_1537 = arith.index_cast %get3A_1534 : i32 to index
      %get3A_1538 = arith.index_cast %get3A_1535 : i32 to index
      %get3A_1539 = arith.index_cast %get3A_1536 : i32 to index
      %get3A_1540 = arith.constant 96 : index
      %get3A_1541 = tpu.vector_load %arg9[%get3A_1537, %get3A_1538, %get3A_1539, %get3A_1540] {strides = array<i32>} : memref<2x10x2x128xi32, #tpu.memory_space<vmem>>, vector<16xi32>,
      %shift_right_arithmetic3A_1542 = arith.constant 7 : i32
      %shift_right_arithmetic3A_1543 = vector.broadcast %shift_right_arithmetic3A_1542 : i32 to vector<16xi32>
      %shift_right_arithmetic3A_1544 = arith.shrsi %get3A_1541, %shift_right_arithmetic3A_1543 : vector<16xi32>
      %and3A_1545 = arith.constant 127 : i32
      %and3A_1546 = vector.broadcast %and3A_1545 : i32 to vector<16xi32>
      %and3A_1547 = arith.andi %get3A_1541, %and3A_1546 : vector<16xi32>
      tpu.vector_store_idx %arg11[%shift_right_arithmetic3A_1544, %and3A_1547], %broadcast_in_dim3A_23 {add = true} : memref<80x128xf32, #tpu.memory_space<vmem>>[vector<16xi32>, vector<16xi32>], vector<16xf32>,
      %get3A_1548 = arith.constant 0 : i32
      %get3A_1549 = arith.constant 8 : i32
      %get3A_1550 = arith.constant 1 : i32
      %get3A_1551 = arith.index_cast %get3A_1548 : i32 to index
      %get3A_1552 = arith.index_cast %get3A_1549 : i32 to index
      %get3A_1553 = arith.index_cast %get3A_1550 : i32 to index
      %get3A_1554 = arith.constant 112 : index
      %get3A_1555 = tpu.vector_load %arg9[%get3A_1551, %get3A_1552, %get3A_1553, %get3A_1554] {strides = array<i32>} : memref<2x10x2x128xi32, #tpu.memory_space<vmem>>, vector<16xi32>,
      %shift_right_arithmetic3A_1556 = arith.constant 7 : i32
      %shift_right_arithmetic3A_1557 = vector.broadcast %shift_right_arithmetic3A_1556 : i32 to vector<16xi32>
      %shift_right_arithmetic3A_1558 = arith.shrsi %get3A_1555, %shift_right_arithmetic3A_1557 : vector<16xi32>
      %and3A_1559 = arith.constant 127 : i32
      %and3A_1560 = vector.broadcast %and3A_1559 : i32 to vector<16xi32>
      %and3A_1561 = arith.andi %get3A_1555, %and3A_1560 : vector<16xi32>
      tpu.vector_store_idx %arg11[%shift_right_arithmetic3A_1558, %and3A_1561], %broadcast_in_dim3A_23 {add = true} : memref<80x128xf32, #tpu.memory_space<vmem>>[vector<16xi32>, vector<16xi32>], vector<16xf32>,
      %dma_wait3A_1562 = arith.constant 1 : i32
      %dma_wait3A_1563 = arith.constant 0 : i32
      %dma_wait3A_1564 = arith.constant 5 : i32
      %dma_wait3A_1565 = arith.constant 1 : i32
      %dma_wait3A_1566 = arith.constant 0 : i32
      %dma_wait3A_1567 = arith.constant 0 : i32
      %dma_wait3A_1568 = tpu.memref_slice %arg10[%dma_wait3A_1562, %dma_wait3A_1566, %dma_wait3A_1567] : memref<4x128x128xbf16, #tpu.memory_space<vmem>> -> memref<1x128x128xbf16, #tpu.memory_space<vmem>>
      %dma_wait3A_1569 = tpu.memref_squeeze %dma_wait3A_1568 : memref<1x128x128xbf16, #tpu.memory_space<vmem>> -> memref<128x128xbf16, #tpu.memory_space<vmem>>
      %dma_wait3A_1570 = arith.constant 0 : i32
      %dma_wait3A_1571 = tpu.memref_slice %arg9[%dma_wait3A_1563, %dma_wait3A_1564, %dma_wait3A_1565, %dma_wait3A_1570] : memref<2x10x2x128xi32, #tpu.memory_space<vmem>> -> memref<1x1x1x128xi32, #tpu.memory_space<vmem>>
      %dma_wait3A_1572 = tpu.memref_squeeze %dma_wait3A_1571 : memref<1x1x1x128xi32, #tpu.memory_space<vmem>> -> memref<128xi32, #tpu.memory_space<vmem>>
      %dma_wait3A_1573 = arith.constant 0 : i32
      %dma_wait3A_1574 = arith.constant 0 : i32
      %dma_wait3A_1575 = tpu.memref_slice %arg7[%dma_wait3A_1573, %dma_wait3A_1574] : memref<10112x128xbf16, #tpu.memory_space<vmem_shared>> -> memref<10112x128xbf16, #tpu.memory_space<vmem_shared>>
      tpu.wait_indirect_dma semaphore(%arg18 : memref<!tpu.dma_semaphore, #tpu.memory_space<semaphore_mem>>) src(%dma_wait3A_1569 : memref<128x128xbf16, #tpu.memory_space<vmem>>) dst(%dma_wait3A_1575 : memref<10112x128xbf16, #tpu.memory_space<vmem_shared>>)
      %dma_start3A_1576 = arith.constant 0 : i32
      %dma_start3A_1577 = arith.constant 9 : i32
      %dma_start3A_1578 = arith.constant 0 : i32
      %dma_start3A_1579 = arith.constant 1 : i32
      %dma_start3A_1580 = arith.constant 0 : i32
      %dma_start3A_1581 = arith.constant 0 : i32
      %dma_start3A_1582 = tpu.memref_slice %arg10[%dma_start3A_1579, %dma_start3A_1580, %dma_start3A_1581] : memref<4x128x128xbf16, #tpu.memory_space<vmem>> -> memref<1x128x128xbf16, #tpu.memory_space<vmem>>
      %dma_start3A_1583 = tpu.memref_squeeze %dma_start3A_1582 : memref<1x128x128xbf16, #tpu.memory_space<vmem>> -> memref<128x128xbf16, #tpu.memory_space<vmem>>
      %dma_start3A_1584 = arith.constant 0 : i32
      %dma_start3A_1585 = tpu.memref_slice %arg9[%dma_start3A_1576, %dma_start3A_1577, %dma_start3A_1578, %dma_start3A_1584] : memref<2x10x2x128xi32, #tpu.memory_space<vmem>> -> memref<1x1x1x128xi32, #tpu.memory_space<vmem>>
      %dma_start3A_1586 = tpu.memref_squeeze %dma_start3A_1585 : memref<1x1x1x128xi32, #tpu.memory_space<vmem>> -> memref<128xi32, #tpu.memory_space<vmem>>
      %dma_start3A_1587 = arith.constant 0 : i32
      %dma_start3A_1588 = arith.constant 0 : i32
      %dma_start3A_1589 = tpu.memref_slice %arg2[%dma_start3A_1587, %dma_start3A_1588] : memref<10000x128xbf16, #tpu.memory_space<hbm>> -> memref<10000x128xbf16, #tpu.memory_space<hbm>>
      tpu.enqueue_indirect_dma source(%dma_start3A_1589 : memref<10000x128xbf16, #tpu.memory_space<hbm>>) target(%dma_start3A_1583 : memref<128x128xbf16, #tpu.memory_space<vmem>>) offsets(%dma_start3A_1586 : memref<128xi32, #tpu.memory_space<vmem>>) semaphore(%arg14 : memref<!tpu.dma_semaphore, #tpu.memory_space<semaphore_mem>>)
      %dma_wait3A_1590 = arith.constant 0 : i32
      %dma_wait3A_1591 = arith.constant 9 : i32
      %dma_wait3A_1592 = arith.constant 0 : i32
      %dma_wait3A_1593 = arith.constant 1 : i32
      %dma_wait3A_1594 = arith.constant 0 : i32
      %dma_wait3A_1595 = arith.constant 0 : i32
      %dma_wait3A_1596 = tpu.memref_slice %arg10[%dma_wait3A_1593, %dma_wait3A_1594, %dma_wait3A_1595] : memref<4x128x128xbf16, #tpu.memory_space<vmem>> -> memref<1x128x128xbf16, #tpu.memory_space<vmem>>
      %dma_wait3A_1597 = tpu.memref_squeeze %dma_wait3A_1596 : memref<1x128x128xbf16, #tpu.memory_space<vmem>> -> memref<128x128xbf16, #tpu.memory_space<vmem>>
      %dma_wait3A_1598 = arith.constant 0 : i32
      %dma_wait3A_1599 = tpu.memref_slice %arg9[%dma_wait3A_1590, %dma_wait3A_1591, %dma_wait3A_1592, %dma_wait3A_1598] : memref<2x10x2x128xi32, #tpu.memory_space<vmem>> -> memref<1x1x1x128xi32, #tpu.memory_space<vmem>>
      %dma_wait3A_1600 = tpu.memref_squeeze %dma_wait3A_1599 : memref<1x1x1x128xi32, #tpu.memory_space<vmem>> -> memref<128xi32, #tpu.memory_space<vmem>>
      %dma_wait3A_1601 = arith.constant 0 : i32
      %dma_wait3A_1602 = arith.constant 0 : i32
      %dma_wait3A_1603 = tpu.memref_slice %arg2[%dma_wait3A_1601, %dma_wait3A_1602] : memref<10000x128xbf16, #tpu.memory_space<hbm>> -> memref<10000x128xbf16, #tpu.memory_space<hbm>>
      tpu.wait_indirect_dma semaphore(%arg14 : memref<!tpu.dma_semaphore, #tpu.memory_space<semaphore_mem>>) src(%dma_wait3A_1603 : memref<10000x128xbf16, #tpu.memory_space<hbm>>) dst(%dma_wait3A_1597 : memref<128x128xbf16, #tpu.memory_space<vmem>>)
      %dma_start3A_1604 = arith.constant 1 : i32
      %dma_start3A_1605 = arith.constant 0 : i32
      %dma_start3A_1606 = arith.constant 9 : i32
      %dma_start3A_1607 = arith.constant 1 : i32
      %dma_start3A_1608 = arith.constant 0 : i32
      %dma_start3A_1609 = arith.constant 0 : i32
      %dma_start3A_1610 = tpu.memref_slice %arg10[%dma_start3A_1604, %dma_start3A_1608, %dma_start3A_1609] : memref<4x128x128xbf16, #tpu.memory_space<vmem>> -> memref<1x128x128xbf16, #tpu.memory_space<vmem>>
      %dma_start3A_1611 = tpu.memref_squeeze %dma_start3A_1610 : memref<1x128x128xbf16, #tpu.memory_space<vmem>> -> memref<128x128xbf16, #tpu.memory_space<vmem>>
      %dma_start3A_1612 = arith.constant 0 : i32
      %dma_start3A_1613 = tpu.memref_slice %arg9[%dma_start3A_1605, %dma_start3A_1606, %dma_start3A_1607, %dma_start3A_1612] : memref<2x10x2x128xi32, #tpu.memory_space<vmem>> -> memref<1x1x1x128xi32, #tpu.memory_space<vmem>>
      %dma_start3A_1614 = tpu.memref_squeeze %dma_start3A_1613 : memref<1x1x1x128xi32, #tpu.memory_space<vmem>> -> memref<128xi32, #tpu.memory_space<vmem>>
      %dma_start3A_1615 = arith.constant 0 : i32
      %dma_start3A_1616 = arith.constant 0 : i32
      %dma_start3A_1617 = tpu.memref_slice %arg7[%dma_start3A_1615, %dma_start3A_1616] : memref<10112x128xbf16, #tpu.memory_space<vmem_shared>> -> memref<10112x128xbf16, #tpu.memory_space<vmem_shared>>
      tpu.enqueue_indirect_dma source(%dma_start3A_1611 : memref<128x128xbf16, #tpu.memory_space<vmem>>) target(%dma_start3A_1617 : memref<10112x128xbf16, #tpu.memory_space<vmem_shared>>) offsets(%dma_start3A_1614 : memref<128xi32, #tpu.memory_space<vmem>>) semaphore(%arg18 : memref<!tpu.dma_semaphore, #tpu.memory_space<semaphore_mem>>) {add = true}
      %get3A_1618 = arith.constant 0 : i32
      %get3A_1619 = arith.constant 9 : i32
      %get3A_1620 = arith.constant 1 : i32
      %get3A_1621 = arith.index_cast %get3A_1618 : i32 to index
      %get3A_1622 = arith.index_cast %get3A_1619 : i32 to index
      %get3A_1623 = arith.index_cast %get3A_1620 : i32 to index
      %get3A_1624 = arith.constant 0 : index
      %get3A_1625 = tpu.vector_load %arg9[%get3A_1621, %get3A_1622, %get3A_1623, %get3A_1624] {strides = array<i32>} : memref<2x10x2x128xi32, #tpu.memory_space<vmem>>, vector<16xi32>,
      %shift_right_arithmetic3A_1626 = arith.constant 7 : i32
      %shift_right_arithmetic3A_1627 = vector.broadcast %shift_right_arithmetic3A_1626 : i32 to vector<16xi32>
      %shift_right_arithmetic3A_1628 = arith.shrsi %get3A_1625, %shift_right_arithmetic3A_1627 : vector<16xi32>
      %and3A_1629 = arith.constant 127 : i32
      %and3A_1630 = vector.broadcast %and3A_1629 : i32 to vector<16xi32>
      %and3A_1631 = arith.andi %get3A_1625, %and3A_1630 : vector<16xi32>
      tpu.vector_store_idx %arg11[%shift_right_arithmetic3A_1628, %and3A_1631], %broadcast_in_dim3A_23 {add = true} : memref<80x128xf32, #tpu.memory_space<vmem>>[vector<16xi32>, vector<16xi32>], vector<16xf32>,
      %get3A_1632 = arith.constant 0 : i32
      %get3A_1633 = arith.constant 9 : i32
      %get3A_1634 = arith.constant 1 : i32
      %get3A_1635 = arith.index_cast %get3A_1632 : i32 to index
      %get3A_1636 = arith.index_cast %get3A_1633 : i32 to index
      %get3A_1637 = arith.index_cast %get3A_1634 : i32 to index
      %get3A_1638 = arith.constant 16 : index
      %get3A_1639 = tpu.vector_load %arg9[%get3A_1635, %get3A_1636, %get3A_1637, %get3A_1638] {strides = array<i32>} : memref<2x10x2x128xi32, #tpu.memory_space<vmem>>, vector<16xi32>,
      %shift_right_arithmetic3A_1640 = arith.constant 7 : i32
      %shift_right_arithmetic3A_1641 = vector.broadcast %shift_right_arithmetic3A_1640 : i32 to vector<16xi32>
      %shift_right_arithmetic3A_1642 = arith.shrsi %get3A_1639, %shift_right_arithmetic3A_1641 : vector<16xi32>
      %and3A_1643 = arith.constant 127 : i32
      %and3A_1644 = vector.broadcast %and3A_1643 : i32 to vector<16xi32>
      %and3A_1645 = arith.andi %get3A_1639, %and3A_1644 : vector<16xi32>
      tpu.vector_store_idx %arg11[%shift_right_arithmetic3A_1642, %and3A_1645], %broadcast_in_dim3A_23 {add = true} : memref<80x128xf32, #tpu.memory_space<vmem>>[vector<16xi32>, vector<16xi32>], vector<16xf32>,
      %get3A_1646 = arith.constant 0 : i32
      %get3A_1647 = arith.constant 9 : i32
      %get3A_1648 = arith.constant 1 : i32
      %get3A_1649 = arith.index_cast %get3A_1646 : i32 to index
      %get3A_1650 = arith.index_cast %get3A_1647 : i32 to index
      %get3A_1651 = arith.index_cast %get3A_1648 : i32 to index
      %get3A_1652 = arith.constant 32 : index
      %get3A_1653 = tpu.vector_load %arg9[%get3A_1649, %get3A_1650, %get3A_1651, %get3A_1652] {strides = array<i32>} : memref<2x10x2x128xi32, #tpu.memory_space<vmem>>, vector<16xi32>,
      %shift_right_arithmetic3A_1654 = arith.constant 7 : i32
      %shift_right_arithmetic3A_1655 = vector.broadcast %shift_right_arithmetic3A_1654 : i32 to vector<16xi32>
      %shift_right_arithmetic3A_1656 = arith.shrsi %get3A_1653, %shift_right_arithmetic3A_1655 : vector<16xi32>
      %and3A_1657 = arith.constant 127 : i32
      %and3A_1658 = vector.broadcast %and3A_1657 : i32 to vector<16xi32>
      %and3A_1659 = arith.andi %get3A_1653, %and3A_1658 : vector<16xi32>
      tpu.vector_store_idx %arg11[%shift_right_arithmetic3A_1656, %and3A_1659], %broadcast_in_dim3A_23 {add = true} : memref<80x128xf32, #tpu.memory_space<vmem>>[vector<16xi32>, vector<16xi32>], vector<16xf32>,
      %get3A_1660 = arith.constant 0 : i32
      %get3A_1661 = arith.constant 9 : i32
      %get3A_1662 = arith.constant 1 : i32
      %get3A_1663 = arith.index_cast %get3A_1660 : i32 to index
      %get3A_1664 = arith.index_cast %get3A_1661 : i32 to index
      %get3A_1665 = arith.index_cast %get3A_1662 : i32 to index
      %get3A_1666 = arith.constant 48 : index
      %get3A_1667 = tpu.vector_load %arg9[%get3A_1663, %get3A_1664, %get3A_1665, %get3A_1666] {strides = array<i32>} : memref<2x10x2x128xi32, #tpu.memory_space<vmem>>, vector<16xi32>,
      %shift_right_arithmetic3A_1668 = arith.constant 7 : i32
      %shift_right_arithmetic3A_1669 = vector.broadcast %shift_right_arithmetic3A_1668 : i32 to vector<16xi32>
      %shift_right_arithmetic3A_1670 = arith.shrsi %get3A_1667, %shift_right_arithmetic3A_1669 : vector<16xi32>
      %and3A_1671 = arith.constant 127 : i32
      %and3A_1672 = vector.broadcast %and3A_1671 : i32 to vector<16xi32>
      %and3A_1673 = arith.andi %get3A_1667, %and3A_1672 : vector<16xi32>
      tpu.vector_store_idx %arg11[%shift_right_arithmetic3A_1670, %and3A_1673], %broadcast_in_dim3A_23 {add = true} : memref<80x128xf32, #tpu.memory_space<vmem>>[vector<16xi32>, vector<16xi32>], vector<16xf32>,
      %get3A_1674 = arith.constant 0 : i32
      %get3A_1675 = arith.constant 9 : i32
      %get3A_1676 = arith.constant 1 : i32
      %get3A_1677 = arith.index_cast %get3A_1674 : i32 to index
      %get3A_1678 = arith.index_cast %get3A_1675 : i32 to index
      %get3A_1679 = arith.index_cast %get3A_1676 : i32 to index
      %get3A_1680 = arith.constant 64 : index
      %get3A_1681 = tpu.vector_load %arg9[%get3A_1677, %get3A_1678, %get3A_1679, %get3A_1680] {strides = array<i32>} : memref<2x10x2x128xi32, #tpu.memory_space<vmem>>, vector<16xi32>,
      %shift_right_arithmetic3A_1682 = arith.constant 7 : i32
      %shift_right_arithmetic3A_1683 = vector.broadcast %shift_right_arithmetic3A_1682 : i32 to vector<16xi32>
      %shift_right_arithmetic3A_1684 = arith.shrsi %get3A_1681, %shift_right_arithmetic3A_1683 : vector<16xi32>
      %and3A_1685 = arith.constant 127 : i32
      %and3A_1686 = vector.broadcast %and3A_1685 : i32 to vector<16xi32>
      %and3A_1687 = arith.andi %get3A_1681, %and3A_1686 : vector<16xi32>
      tpu.vector_store_idx %arg11[%shift_right_arithmetic3A_1684, %and3A_1687], %broadcast_in_dim3A_23 {add = true} : memref<80x128xf32, #tpu.memory_space<vmem>>[vector<16xi32>, vector<16xi32>], vector<16xf32>,
      %get3A_1688 = arith.constant 0 : i32
      %get3A_1689 = arith.constant 9 : i32
      %get3A_1690 = arith.constant 1 : i32
      %get3A_1691 = arith.index_cast %get3A_1688 : i32 to index
      %get3A_1692 = arith.index_cast %get3A_1689 : i32 to index
      %get3A_1693 = arith.index_cast %get3A_1690 : i32 to index
      %get3A_1694 = arith.constant 80 : index
      %get3A_1695 = tpu.vector_load %arg9[%get3A_1691, %get3A_1692, %get3A_1693, %get3A_1694] {strides = array<i32>} : memref<2x10x2x128xi32, #tpu.memory_space<vmem>>, vector<16xi32>,
      %shift_right_arithmetic3A_1696 = arith.constant 7 : i32
      %shift_right_arithmetic3A_1697 = vector.broadcast %shift_right_arithmetic3A_1696 : i32 to vector<16xi32>
      %shift_right_arithmetic3A_1698 = arith.shrsi %get3A_1695, %shift_right_arithmetic3A_1697 : vector<16xi32>
      %and3A_1699 = arith.constant 127 : i32
      %and3A_1700 = vector.broadcast %and3A_1699 : i32 to vector<16xi32>
      %and3A_1701 = arith.andi %get3A_1695, %and3A_1700 : vector<16xi32>
      tpu.vector_store_idx %arg11[%shift_right_arithmetic3A_1698, %and3A_1701], %broadcast_in_dim3A_23 {add = true} : memref<80x128xf32, #tpu.memory_space<vmem>>[vector<16xi32>, vector<16xi32>], vector<16xf32>,
      %get3A_1702 = arith.constant 0 : i32
      %get3A_1703 = arith.constant 9 : i32
      %get3A_1704 = arith.constant 1 : i32
      %get3A_1705 = arith.index_cast %get3A_1702 : i32 to index
      %get3A_1706 = arith.index_cast %get3A_1703 : i32 to index
      %get3A_1707 = arith.index_cast %get3A_1704 : i32 to index
      %get3A_1708 = arith.constant 96 : index
      %get3A_1709 = tpu.vector_load %arg9[%get3A_1705, %get3A_1706, %get3A_1707, %get3A_1708] {strides = array<i32>} : memref<2x10x2x128xi32, #tpu.memory_space<vmem>>, vector<16xi32>,
      %shift_right_arithmetic3A_1710 = arith.constant 7 : i32
      %shift_right_arithmetic3A_1711 = vector.broadcast %shift_right_arithmetic3A_1710 : i32 to vector<16xi32>
      %shift_right_arithmetic3A_1712 = arith.shrsi %get3A_1709, %shift_right_arithmetic3A_1711 : vector<16xi32>
      %and3A_1713 = arith.constant 127 : i32
      %and3A_1714 = vector.broadcast %and3A_1713 : i32 to vector<16xi32>
      %and3A_1715 = arith.andi %get3A_1709, %and3A_1714 : vector<16xi32>
      tpu.vector_store_idx %arg11[%shift_right_arithmetic3A_1712, %and3A_1715], %broadcast_in_dim3A_23 {add = true} : memref<80x128xf32, #tpu.memory_space<vmem>>[vector<16xi32>, vector<16xi32>], vector<16xf32>,
      %get3A_1716 = arith.constant 0 : i32
      %get3A_1717 = arith.constant 9 : i32
      %get3A_1718 = arith.constant 1 : i32
      %get3A_1719 = arith.index_cast %get3A_1716 : i32 to index
      %get3A_1720 = arith.index_cast %get3A_1717 : i32 to index
      %get3A_1721 = arith.index_cast %get3A_1718 : i32 to index
      %get3A_1722 = arith.constant 112 : index
      %get3A_1723 = tpu.vector_load %arg9[%get3A_1719, %get3A_1720, %get3A_1721, %get3A_1722] {strides = array<i32>} : memref<2x10x2x128xi32, #tpu.memory_space<vmem>>, vector<16xi32>,
      %shift_right_arithmetic3A_1724 = arith.constant 7 : i32
      %shift_right_arithmetic3A_1725 = vector.broadcast %shift_right_arithmetic3A_1724 : i32 to vector<16xi32>
      %shift_right_arithmetic3A_1726 = arith.shrsi %get3A_1723, %shift_right_arithmetic3A_1725 : vector<16xi32>
      %and3A_1727 = arith.constant 127 : i32
      %and3A_1728 = vector.broadcast %and3A_1727 : i32 to vector<16xi32>
      %and3A_1729 = arith.andi %get3A_1723, %and3A_1728 : vector<16xi32>
      tpu.vector_store_idx %arg11[%shift_right_arithmetic3A_1726, %and3A_1729], %broadcast_in_dim3A_23 {add = true} : memref<80x128xf32, #tpu.memory_space<vmem>>[vector<16xi32>, vector<16xi32>], vector<16xf32>,
      %dma_wait3A_1730 = arith.constant 0 : i32
      %dma_wait3A_1731 = arith.constant 0 : i32
      %dma_wait3A_1732 = arith.constant 8 : i32
      %dma_wait3A_1733 = arith.constant 1 : i32
      %dma_wait3A_1734 = arith.constant 0 : i32
      %dma_wait3A_1735 = arith.constant 0 : i32
      %dma_wait3A_1736 = tpu.memref_slice %arg10[%dma_wait3A_1730, %dma_wait3A_1734, %dma_wait3A_1735] : memref<4x128x128xbf16, #tpu.memory_space<vmem>> -> memref<1x128x128xbf16, #tpu.memory_space<vmem>>
      %dma_wait3A_1737 = tpu.memref_squeeze %dma_wait3A_1736 : memref<1x128x128xbf16, #tpu.memory_space<vmem>> -> memref<128x128xbf16, #tpu.memory_space<vmem>>
      %dma_wait3A_1738 = arith.constant 0 : i32
      %dma_wait3A_1739 = tpu.memref_slice %arg9[%dma_wait3A_1731, %dma_wait3A_1732, %dma_wait3A_1733, %dma_wait3A_1738] : memref<2x10x2x128xi32, #tpu.memory_space<vmem>> -> memref<1x1x1x128xi32, #tpu.memory_space<vmem>>
      %dma_wait3A_1740 = tpu.memref_squeeze %dma_wait3A_1739 : memref<1x1x1x128xi32, #tpu.memory_space<vmem>> -> memref<128xi32, #tpu.memory_space<vmem>>
      %dma_wait3A_1741 = arith.constant 0 : i32
      %dma_wait3A_1742 = arith.constant 0 : i32
      %dma_wait3A_1743 = tpu.memref_slice %arg7[%dma_wait3A_1741, %dma_wait3A_1742] : memref<10112x128xbf16, #tpu.memory_space<vmem_shared>> -> memref<10112x128xbf16, #tpu.memory_space<vmem_shared>>
      tpu.wait_indirect_dma semaphore(%arg17 : memref<!tpu.dma_semaphore, #tpu.memory_space<semaphore_mem>>) src(%dma_wait3A_1737 : memref<128x128xbf16, #tpu.memory_space<vmem>>) dst(%dma_wait3A_1743 : memref<10112x128xbf16, #tpu.memory_space<vmem_shared>>)
      %dma_wait3A_1744 = arith.constant 1 : i32
      %dma_wait3A_1745 = arith.constant 0 : i32
      %dma_wait3A_1746 = arith.constant 9 : i32
      %dma_wait3A_1747 = arith.constant 1 : i32
      %dma_wait3A_1748 = arith.constant 0 : i32
      %dma_wait3A_1749 = arith.constant 0 : i32
      %dma_wait3A_1750 = tpu.memref_slice %arg10[%dma_wait3A_1744, %dma_wait3A_1748, %dma_wait3A_1749] : memref<4x128x128xbf16, #tpu.memory_space<vmem>> -> memref<1x128x128xbf16, #tpu.memory_space<vmem>>
      %dma_wait3A_1751 = tpu.memref_squeeze %dma_wait3A_1750 : memref<1x128x128xbf16, #tpu.memory_space<vmem>> -> memref<128x128xbf16, #tpu.memory_space<vmem>>
      %dma_wait3A_1752 = arith.constant 0 : i32
      %dma_wait3A_1753 = tpu.memref_slice %arg9[%dma_wait3A_1745, %dma_wait3A_1746, %dma_wait3A_1747, %dma_wait3A_1752] : memref<2x10x2x128xi32, #tpu.memory_space<vmem>> -> memref<1x1x1x128xi32, #tpu.memory_space<vmem>>
      %dma_wait3A_1754 = tpu.memref_squeeze %dma_wait3A_1753 : memref<1x1x1x128xi32, #tpu.memory_space<vmem>> -> memref<128xi32, #tpu.memory_space<vmem>>
      %dma_wait3A_1755 = arith.constant 0 : i32
      %dma_wait3A_1756 = arith.constant 0 : i32
      %dma_wait3A_1757 = tpu.memref_slice %arg7[%dma_wait3A_1755, %dma_wait3A_1756] : memref<10112x128xbf16, #tpu.memory_space<vmem_shared>> -> memref<10112x128xbf16, #tpu.memory_space<vmem_shared>>
      tpu.wait_indirect_dma semaphore(%arg18 : memref<!tpu.dma_semaphore, #tpu.memory_space<semaphore_mem>>) src(%dma_wait3A_1751 : memref<128x128xbf16, #tpu.memory_space<vmem>>) dst(%dma_wait3A_1757 : memref<10112x128xbf16, #tpu.memory_space<vmem_shared>>)
      %dma_wait3A_1758 = arith.constant 2 : i32
      %dma_wait3A_1759 = arith.constant 0 : i32
      %dma_wait3A_1760 = arith.constant 6 : i32
      %dma_wait3A_1761 = arith.constant 1 : i32
      %dma_wait3A_1762 = arith.constant 0 : i32
      %dma_wait3A_1763 = arith.constant 0 : i32
      %dma_wait3A_1764 = tpu.memref_slice %arg10[%dma_wait3A_1758, %dma_wait3A_1762, %dma_wait3A_1763] : memref<4x128x128xbf16, #tpu.memory_space<vmem>> -> memref<1x128x128xbf16, #tpu.memory_space<vmem>>
      %dma_wait3A_1765 = tpu.memref_squeeze %dma_wait3A_1764 : memref<1x128x128xbf16, #tpu.memory_space<vmem>> -> memref<128x128xbf16, #tpu.memory_space<vmem>>
      %dma_wait3A_1766 = arith.constant 0 : i32
      %dma_wait3A_1767 = tpu.memref_slice %arg9[%dma_wait3A_1759, %dma_wait3A_1760, %dma_wait3A_1761, %dma_wait3A_1766] : memref<2x10x2x128xi32, #tpu.memory_space<vmem>> -> memref<1x1x1x128xi32, #tpu.memory_space<vmem>>
      %dma_wait3A_1768 = tpu.memref_squeeze %dma_wait3A_1767 : memref<1x1x1x128xi32, #tpu.memory_space<vmem>> -> memref<128xi32, #tpu.memory_space<vmem>>
      %dma_wait3A_1769 = arith.constant 0 : i32
      %dma_wait3A_1770 = arith.constant 0 : i32
      %dma_wait3A_1771 = tpu.memref_slice %arg7[%dma_wait3A_1769, %dma_wait3A_1770] : memref<10112x128xbf16, #tpu.memory_space<vmem_shared>> -> memref<10112x128xbf16, #tpu.memory_space<vmem_shared>>
      tpu.wait_indirect_dma semaphore(%arg19 : memref<!tpu.dma_semaphore, #tpu.memory_space<semaphore_mem>>) src(%dma_wait3A_1765 : memref<128x128xbf16, #tpu.memory_space<vmem>>) dst(%dma_wait3A_1771 : memref<10112x128xbf16, #tpu.memory_space<vmem_shared>>)
      %dma_wait3A_1772 = arith.constant 3 : i32
      %dma_wait3A_1773 = arith.constant 0 : i32
      %dma_wait3A_1774 = arith.constant 7 : i32
      %dma_wait3A_1775 = arith.constant 1 : i32
      %dma_wait3A_1776 = arith.constant 0 : i32
      %dma_wait3A_1777 = arith.constant 0 : i32
      %dma_wait3A_1778 = tpu.memref_slice %arg10[%dma_wait3A_1772, %dma_wait3A_1776, %dma_wait3A_1777] : memref<4x128x128xbf16, #tpu.memory_space<vmem>> -> memref<1x128x128xbf16, #tpu.memory_space<vmem>>
      %dma_wait3A_1779 = tpu.memref_squeeze %dma_wait3A_1778 : memref<1x128x128xbf16, #tpu.memory_space<vmem>> -> memref<128x128xbf16, #tpu.memory_space<vmem>>
      %dma_wait3A_1780 = arith.constant 0 : i32
      %dma_wait3A_1781 = tpu.memref_slice %arg9[%dma_wait3A_1773, %dma_wait3A_1774, %dma_wait3A_1775, %dma_wait3A_1780] : memref<2x10x2x128xi32, #tpu.memory_space<vmem>> -> memref<1x1x1x128xi32, #tpu.memory_space<vmem>>
      %dma_wait3A_1782 = tpu.memref_squeeze %dma_wait3A_1781 : memref<1x1x1x128xi32, #tpu.memory_space<vmem>> -> memref<128xi32, #tpu.memory_space<vmem>>
      %dma_wait3A_1783 = arith.constant 0 : i32
      %dma_wait3A_1784 = arith.constant 0 : i32
      %dma_wait3A_1785 = tpu.memref_slice %arg7[%dma_wait3A_1783, %dma_wait3A_1784] : memref<10112x128xbf16, #tpu.memory_space<vmem_shared>> -> memref<10112x128xbf16, #tpu.memory_space<vmem_shared>>
      tpu.wait_indirect_dma semaphore(%arg20 : memref<!tpu.dma_semaphore, #tpu.memory_space<semaphore_mem>>) src(%dma_wait3A_1779 : memref<128x128xbf16, #tpu.memory_space<vmem>>) dst(%dma_wait3A_1785 : memref<10112x128xbf16, #tpu.memory_space<vmem_shared>>)
      %add3A_1786 = arith.constant 1 : i32
      %add3A_1787 = arith.addi %add3A_79, %add3A_1786 : i32
      %mul3A_1788 = arith.constant 80 : i32
      %mul3A_1789 = arith.muli %add3A, %mul3A_1788 : i32
      %mul3A_1790 = arith.constant 10 : i32
      %mul3A_1791 = arith.muli %add3A_1787, %mul3A_1790 : i32
      %add3A_1792 = arith.addi %mul3A_1789, %mul3A_1791 : i32
      %dma_wait3A_1793 = arith.constant 1 : i32
      %dma_wait3A_1794 = arith.constant 0 : i32
      %dma_wait3A_1795 = arith.constant 0 : i32
      %dma_wait3A_1796 = arith.constant 0 : i32
      %dma_wait3A_1797 = tpu.memref_slice %arg9[%dma_wait3A_1793, %dma_wait3A_1794, %dma_wait3A_1795, %dma_wait3A_1796] : memref<2x10x2x128xi32, #tpu.memory_space<vmem>> -> memref<1x10x2x128xi32, #tpu.memory_space<vmem>>
      %dma_wait3A_1798 = tpu.memref_squeeze %dma_wait3A_1797 : memref<1x10x2x128xi32, #tpu.memory_space<vmem>> -> memref<10x2x128xi32, #tpu.memory_space<vmem>>
      %dma_wait3A_1799 = arith.constant 0 : i32
      %dma_wait3A_1800 = arith.constant 0 : i32
      %dma_wait3A_1801 = tpu.memref_slice %arg3[%add3A_1792, %dma_wait3A_1799, %dma_wait3A_1800] : memref<2560x2x128xi32, #tpu.memory_space<hbm>> -> memref<10x2x128xi32, #tpu.memory_space<hbm>>
      %dma_wait3A_1802 = arith.constant 0 : i32
      %dma_wait3A_1803 = arith.constant 0 : i32
      %dma_wait3A_1804 = arith.constant 0 : i32
      %dma_wait3A_1805 = tpu.memref_slice %arg9[%dma_wait3A_1793, %dma_wait3A_1802, %dma_wait3A_1803, %dma_wait3A_1804] : memref<2x10x2x128xi32, #tpu.memory_space<vmem>> -> memref<1x10x2x128xi32, #tpu.memory_space<vmem>>
      %dma_wait3A_1806 = tpu.memref_squeeze %dma_wait3A_1805 : memref<1x10x2x128xi32, #tpu.memory_space<vmem>> -> memref<10x2x128xi32, #tpu.memory_space<vmem>>
      %dma_wait3A_1807 = arith.constant 0 : i32
      %dma_wait3A_1808 = arith.constant 0 : i32
      %dma_wait3A_1809 = tpu.memref_slice %arg3[%add3A_1792, %dma_wait3A_1807, %dma_wait3A_1808] : memref<2560x2x128xi32, #tpu.memory_space<hbm>> -> memref<10x2x128xi32, #tpu.memory_space<hbm>>
      tpu.wait_dma2 semaphore(%arg22 : memref<!tpu.dma_semaphore, #tpu.memory_space<semaphore_mem>>) src(%dma_wait3A_1809 : memref<10x2x128xi32, #tpu.memory_space<hbm>>) dst(%dma_wait3A_1806 : memref<10x2x128xi32, #tpu.memory_space<vmem>>)
      %add3A_1810 = arith.constant 1 : i32
      %add3A_1811 = arith.addi %add3A_1787, %add3A_1810 : i32
      %lt3A_1812 = arith.constant 8 : i32
      %lt3A_1813 = arith.cmpi slt, %add3A_1811, %lt3A_1812 : i32
      %convert_element_type3A_1814 = arith.extui %lt3A_1813 : i1 to i32
      %cond3A_1815 = arith.constant 0 : i32
      %cond3A_1816 = arith.cmpi ne, %convert_element_type3A_1814, %cond3A_1815 : i32
      scf.if %cond3A_1816 {
        %mul3A_3497 = arith.constant 80 : i32
        %mul3A_3498 = arith.muli %add3A, %mul3A_3497 : i32
        %add3A_3499 = arith.constant 1 : i32
        %add3A_3500 = arith.addi %add3A_1787, %add3A_3499 : i32
        %mul3A_3501 = arith.constant 10 : i32
        %mul3A_3502 = arith.muli %add3A_3500, %mul3A_3501 : i32
        %add3A_3503 = arith.addi %mul3A_3498, %mul3A_3502 : i32
        %dma_start3A_3504 = arith.constant 0 : i32
        %dma_start3A_3505 = arith.constant 0 : i32
        %dma_start3A_3506 = arith.constant 0 : i32
        %dma_start3A_3507 = arith.constant 0 : i32
        %dma_start3A_3508 = tpu.memref_slice %arg9[%dma_start3A_3504, %dma_start3A_3505, %dma_start3A_3506, %dma_start3A_3507] : memref<2x10x2x128xi32, #tpu.memory_space<vmem>> -> memref<1x10x2x128xi32, #tpu.memory_space<vmem>>
        %dma_start3A_3509 = tpu.memref_squeeze %dma_start3A_3508 : memref<1x10x2x128xi32, #tpu.memory_space<vmem>> -> memref<10x2x128xi32, #tpu.memory_space<vmem>>
        %dma_start3A_3510 = arith.constant 0 : i32
        %dma_start3A_3511 = arith.constant 0 : i32
        %dma_start3A_3512 = tpu.memref_slice %arg3[%add3A_3503, %dma_start3A_3510, %dma_start3A_3511] : memref<2560x2x128xi32, #tpu.memory_space<hbm>> -> memref<10x2x128xi32, #tpu.memory_space<hbm>>
        %dma_start3A_3513 = arith.constant 0 : i32
        %dma_start3A_3514 = arith.constant 0 : i32
        %dma_start3A_3515 = arith.constant 0 : i32
        %dma_start3A_3516 = tpu.memref_slice %arg9[%dma_start3A_3504, %dma_start3A_3513, %dma_start3A_3514, %dma_start3A_3515] : memref<2x10x2x128xi32, #tpu.memory_space<vmem>> -> memref<1x10x2x128xi32, #tpu.memory_space<vmem>>
        %dma_start3A_3517 = tpu.memref_squeeze %dma_start3A_3516 : memref<1x10x2x128xi32, #tpu.memory_space<vmem>> -> memref<10x2x128xi32, #tpu.memory_space<vmem>>
        %dma_start3A_3518 = arith.constant 0 : i32
        %dma_start3A_3519 = arith.constant 0 : i32
        %dma_start3A_3520 = tpu.memref_slice %arg3[%add3A_3503, %dma_start3A_3518, %dma_start3A_3519] : memref<2560x2x128xi32, #tpu.memory_space<hbm>> -> memref<10x2x128xi32, #tpu.memory_space<hbm>>
        tpu.enqueue_dma source(%dma_start3A_3520 : memref<10x2x128xi32, #tpu.memory_space<hbm>>) target(%dma_start3A_3517 : memref<10x2x128xi32, #tpu.memory_space<vmem>>) target_semaphore(%arg21 : memref<!tpu.dma_semaphore, #tpu.memory_space<semaphore_mem>>)
      } else {
      }
      %dma_start3A_1817 = arith.constant 1 : i32
      %dma_start3A_1818 = arith.constant 0 : i32
      %dma_start3A_1819 = arith.constant 0 : i32
      %dma_start3A_1820 = arith.constant 0 : i32
      %dma_start3A_1821 = arith.constant 0 : i32
      %dma_start3A_1822 = arith.constant 0 : i32
      %dma_start3A_1823 = tpu.memref_slice %arg10[%dma_start3A_1820, %dma_start3A_1821, %dma_start3A_1822] : memref<4x128x128xbf16, #tpu.memory_space<vmem>> -> memref<1x128x128xbf16, #tpu.memory_space<vmem>>
      %dma_start3A_1824 = tpu.memref_squeeze %dma_start3A_1823 : memref<1x128x128xbf16, #tpu.memory_space<vmem>> -> memref<128x128xbf16, #tpu.memory_space<vmem>>
      %dma_start3A_1825 = arith.constant 0 : i32
      %dma_start3A_1826 = tpu.memref_slice %arg9[%dma_start3A_1817, %dma_start3A_1818, %dma_start3A_1819, %dma_start3A_1825] : memref<2x10x2x128xi32, #tpu.memory_space<vmem>> -> memref<1x1x1x128xi32, #tpu.memory_space<vmem>>
      %dma_start3A_1827 = tpu.memref_squeeze %dma_start3A_1826 : memref<1x1x1x128xi32, #tpu.memory_space<vmem>> -> memref<128xi32, #tpu.memory_space<vmem>>
      %dma_start3A_1828 = arith.constant 0 : i32
      %dma_start3A_1829 = arith.constant 0 : i32
      %dma_start3A_1830 = tpu.memref_slice %arg2[%dma_start3A_1828, %dma_start3A_1829] : memref<10000x128xbf16, #tpu.memory_space<hbm>> -> memref<10000x128xbf16, #tpu.memory_space<hbm>>
      tpu.enqueue_indirect_dma source(%dma_start3A_1830 : memref<10000x128xbf16, #tpu.memory_space<hbm>>) target(%dma_start3A_1824 : memref<128x128xbf16, #tpu.memory_space<vmem>>) offsets(%dma_start3A_1827 : memref<128xi32, #tpu.memory_space<vmem>>) semaphore(%arg13 : memref<!tpu.dma_semaphore, #tpu.memory_space<semaphore_mem>>)
      %dma_wait3A_1831 = arith.constant 1 : i32
      %dma_wait3A_1832 = arith.constant 0 : i32
      %dma_wait3A_1833 = arith.constant 0 : i32
      %dma_wait3A_1834 = arith.constant 0 : i32
      %dma_wait3A_1835 = arith.constant 0 : i32
      %dma_wait3A_1836 = arith.constant 0 : i32
      %dma_wait3A_1837 = tpu.memref_slice %arg10[%dma_wait3A_1834, %dma_wait3A_1835, %dma_wait3A_1836] : memref<4x128x128xbf16, #tpu.memory_space<vmem>> -> memref<1x128x128xbf16, #tpu.memory_space<vmem>>
      %dma_wait3A_1838 = tpu.memref_squeeze %dma_wait3A_1837 : memref<1x128x128xbf16, #tpu.memory_space<vmem>> -> memref<128x128xbf16, #tpu.memory_space<vmem>>
      %dma_wait3A_1839 = arith.constant 0 : i32
      %dma_wait3A_1840 = tpu.memref_slice %arg9[%dma_wait3A_1831, %dma_wait3A_1832, %dma_wait3A_1833, %dma_wait3A_1839] : memref<2x10x2x128xi32, #tpu.memory_space<vmem>> -> memref<1x1x1x128xi32, #tpu.memory_space<vmem>>
      %dma_wait3A_1841 = tpu.memref_squeeze %dma_wait3A_1840 : memref<1x1x1x128xi32, #tpu.memory_space<vmem>> -> memref<128xi32, #tpu.memory_space<vmem>>
      %dma_wait3A_1842 = arith.constant 0 : i32
      %dma_wait3A_1843 = arith.constant 0 : i32
      %dma_wait3A_1844 = tpu.memref_slice %arg2[%dma_wait3A_1842, %dma_wait3A_1843] : memref<10000x128xbf16, #tpu.memory_space<hbm>> -> memref<10000x128xbf16, #tpu.memory_space<hbm>>
      tpu.wait_indirect_dma semaphore(%arg13 : memref<!tpu.dma_semaphore, #tpu.memory_space<semaphore_mem>>) src(%dma_wait3A_1844 : memref<10000x128xbf16, #tpu.memory_space<hbm>>) dst(%dma_wait3A_1838 : memref<128x128xbf16, #tpu.memory_space<vmem>>)
      %dma_start3A_1845 = arith.constant 0 : i32
      %dma_start3A_1846 = arith.constant 1 : i32
      %dma_start3A_1847 = arith.constant 0 : i32
      %dma_start3A_1848 = arith.constant 1 : i32
      %dma_start3A_1849 = arith.constant 0 : i32
      %dma_start3A_1850 = arith.constant 0 : i32
      %dma_start3A_1851 = tpu.memref_slice %arg10[%dma_start3A_1845, %dma_start3A_1849, %dma_start3A_1850] : memref<4x128x128xbf16, #tpu.memory_space<vmem>> -> memref<1x128x128xbf16, #tpu.memory_space<vmem>>
      %dma_start3A_1852 = tpu.memref_squeeze %dma_start3A_1851 : memref<1x128x128xbf16, #tpu.memory_space<vmem>> -> memref<128x128xbf16, #tpu.memory_space<vmem>>
      %dma_start3A_1853 = arith.constant 0 : i32
      %dma_start3A_1854 = tpu.memref_slice %arg9[%dma_start3A_1846, %dma_start3A_1847, %dma_start3A_1848, %dma_start3A_1853] : memref<2x10x2x128xi32, #tpu.memory_space<vmem>> -> memref<1x1x1x128xi32, #tpu.memory_space<vmem>>
      %dma_start3A_1855 = tpu.memref_squeeze %dma_start3A_1854 : memref<1x1x1x128xi32, #tpu.memory_space<vmem>> -> memref<128xi32, #tpu.memory_space<vmem>>
      %dma_start3A_1856 = arith.constant 0 : i32
      %dma_start3A_1857 = arith.constant 0 : i32
      %dma_start3A_1858 = tpu.memref_slice %arg7[%dma_start3A_1856, %dma_start3A_1857] : memref<10112x128xbf16, #tpu.memory_space<vmem_shared>> -> memref<10112x128xbf16, #tpu.memory_space<vmem_shared>>
      tpu.enqueue_indirect_dma source(%dma_start3A_1852 : memref<128x128xbf16, #tpu.memory_space<vmem>>) target(%dma_start3A_1858 : memref<10112x128xbf16, #tpu.memory_space<vmem_shared>>) offsets(%dma_start3A_1855 : memref<128xi32, #tpu.memory_space<vmem>>) semaphore(%arg17 : memref<!tpu.dma_semaphore, #tpu.memory_space<semaphore_mem>>) {add = true}
      %get3A_1859 = arith.constant 1 : i32
      %get3A_1860 = arith.constant 0 : i32
      %get3A_1861 = arith.constant 1 : i32
      %get3A_1862 = arith.index_cast %get3A_1859 : i32 to index
      %get3A_1863 = arith.index_cast %get3A_1860 : i32 to index
      %get3A_1864 = arith.index_cast %get3A_1861 : i32 to index
      %get3A_1865 = arith.constant 0 : index
      %get3A_1866 = tpu.vector_load %arg9[%get3A_1862, %get3A_1863, %get3A_1864, %get3A_1865] {strides = array<i32>} : memref<2x10x2x128xi32, #tpu.memory_space<vmem>>, vector<16xi32>,
      %shift_right_arithmetic3A_1867 = arith.constant 7 : i32
      %shift_right_arithmetic3A_1868 = vector.broadcast %shift_right_arithmetic3A_1867 : i32 to vector<16xi32>
      %shift_right_arithmetic3A_1869 = arith.shrsi %get3A_1866, %shift_right_arithmetic3A_1868 : vector<16xi32>
      %and3A_1870 = arith.constant 127 : i32
      %and3A_1871 = vector.broadcast %and3A_1870 : i32 to vector<16xi32>
      %and3A_1872 = arith.andi %get3A_1866, %and3A_1871 : vector<16xi32>
      tpu.vector_store_idx %arg11[%shift_right_arithmetic3A_1869, %and3A_1872], %broadcast_in_dim3A_23 {add = true} : memref<80x128xf32, #tpu.memory_space<vmem>>[vector<16xi32>, vector<16xi32>], vector<16xf32>,
      %get3A_1873 = arith.constant 1 : i32
      %get3A_1874 = arith.constant 0 : i32
      %get3A_1875 = arith.constant 1 : i32
      %get3A_1876 = arith.index_cast %get3A_1873 : i32 to index
      %get3A_1877 = arith.index_cast %get3A_1874 : i32 to index
      %get3A_1878 = arith.index_cast %get3A_1875 : i32 to index
      %get3A_1879 = arith.constant 16 : index
      %get3A_1880 = tpu.vector_load %arg9[%get3A_1876, %get3A_1877, %get3A_1878, %get3A_1879] {strides = array<i32>} : memref<2x10x2x128xi32, #tpu.memory_space<vmem>>, vector<16xi32>,
      %shift_right_arithmetic3A_1881 = arith.constant 7 : i32
      %shift_right_arithmetic3A_1882 = vector.broadcast %shift_right_arithmetic3A_1881 : i32 to vector<16xi32>
      %shift_right_arithmetic3A_1883 = arith.shrsi %get3A_1880, %shift_right_arithmetic3A_1882 : vector<16xi32>
      %and3A_1884 = arith.constant 127 : i32
      %and3A_1885 = vector.broadcast %and3A_1884 : i32 to vector<16xi32>
      %and3A_1886 = arith.andi %get3A_1880, %and3A_1885 : vector<16xi32>
      tpu.vector_store_idx %arg11[%shift_right_arithmetic3A_1883, %and3A_1886], %broadcast_in_dim3A_23 {add = true} : memref<80x128xf32, #tpu.memory_space<vmem>>[vector<16xi32>, vector<16xi32>], vector<16xf32>,
      %get3A_1887 = arith.constant 1 : i32
      %get3A_1888 = arith.constant 0 : i32
      %get3A_1889 = arith.constant 1 : i32
      %get3A_1890 = arith.index_cast %get3A_1887 : i32 to index
      %get3A_1891 = arith.index_cast %get3A_1888 : i32 to index
      %get3A_1892 = arith.index_cast %get3A_1889 : i32 to index
      %get3A_1893 = arith.constant 32 : index
      %get3A_1894 = tpu.vector_load %arg9[%get3A_1890, %get3A_1891, %get3A_1892, %get3A_1893] {strides = array<i32>} : memref<2x10x2x128xi32, #tpu.memory_space<vmem>>, vector<16xi32>,
      %shift_right_arithmetic3A_1895 = arith.constant 7 : i32
      %shift_right_arithmetic3A_1896 = vector.broadcast %shift_right_arithmetic3A_1895 : i32 to vector<16xi32>
      %shift_right_arithmetic3A_1897 = arith.shrsi %get3A_1894, %shift_right_arithmetic3A_1896 : vector<16xi32>
      %and3A_1898 = arith.constant 127 : i32
      %and3A_1899 = vector.broadcast %and3A_1898 : i32 to vector<16xi32>
      %and3A_1900 = arith.andi %get3A_1894, %and3A_1899 : vector<16xi32>
      tpu.vector_store_idx %arg11[%shift_right_arithmetic3A_1897, %and3A_1900], %broadcast_in_dim3A_23 {add = true} : memref<80x128xf32, #tpu.memory_space<vmem>>[vector<16xi32>, vector<16xi32>], vector<16xf32>,
      %get3A_1901 = arith.constant 1 : i32
      %get3A_1902 = arith.constant 0 : i32
      %get3A_1903 = arith.constant 1 : i32
      %get3A_1904 = arith.index_cast %get3A_1901 : i32 to index
      %get3A_1905 = arith.index_cast %get3A_1902 : i32 to index
      %get3A_1906 = arith.index_cast %get3A_1903 : i32 to index
      %get3A_1907 = arith.constant 48 : index
      %get3A_1908 = tpu.vector_load %arg9[%get3A_1904, %get3A_1905, %get3A_1906, %get3A_1907] {strides = array<i32>} : memref<2x10x2x128xi32, #tpu.memory_space<vmem>>, vector<16xi32>,
      %shift_right_arithmetic3A_1909 = arith.constant 7 : i32
      %shift_right_arithmetic3A_1910 = vector.broadcast %shift_right_arithmetic3A_1909 : i32 to vector<16xi32>
      %shift_right_arithmetic3A_1911 = arith.shrsi %get3A_1908, %shift_right_arithmetic3A_1910 : vector<16xi32>
      %and3A_1912 = arith.constant 127 : i32
      %and3A_1913 = vector.broadcast %and3A_1912 : i32 to vector<16xi32>
      %and3A_1914 = arith.andi %get3A_1908, %and3A_1913 : vector<16xi32>
      tpu.vector_store_idx %arg11[%shift_right_arithmetic3A_1911, %and3A_1914], %broadcast_in_dim3A_23 {add = true} : memref<80x128xf32, #tpu.memory_space<vmem>>[vector<16xi32>, vector<16xi32>], vector<16xf32>,
      %get3A_1915 = arith.constant 1 : i32
      %get3A_1916 = arith.constant 0 : i32
      %get3A_1917 = arith.constant 1 : i32
      %get3A_1918 = arith.index_cast %get3A_1915 : i32 to index
      %get3A_1919 = arith.index_cast %get3A_1916 : i32 to index
      %get3A_1920 = arith.index_cast %get3A_1917 : i32 to index
      %get3A_1921 = arith.constant 64 : index
      %get3A_1922 = tpu.vector_load %arg9[%get3A_1918, %get3A_1919, %get3A_1920, %get3A_1921] {strides = array<i32>} : memref<2x10x2x128xi32, #tpu.memory_space<vmem>>, vector<16xi32>,
      %shift_right_arithmetic3A_1923 = arith.constant 7 : i32
      %shift_right_arithmetic3A_1924 = vector.broadcast %shift_right_arithmetic3A_1923 : i32 to vector<16xi32>
      %shift_right_arithmetic3A_1925 = arith.shrsi %get3A_1922, %shift_right_arithmetic3A_1924 : vector<16xi32>
      %and3A_1926 = arith.constant 127 : i32
      %and3A_1927 = vector.broadcast %and3A_1926 : i32 to vector<16xi32>
      %and3A_1928 = arith.andi %get3A_1922, %and3A_1927 : vector<16xi32>
      tpu.vector_store_idx %arg11[%shift_right_arithmetic3A_1925, %and3A_1928], %broadcast_in_dim3A_23 {add = true} : memref<80x128xf32, #tpu.memory_space<vmem>>[vector<16xi32>, vector<16xi32>], vector<16xf32>,
      %get3A_1929 = arith.constant 1 : i32
      %get3A_1930 = arith.constant 0 : i32
      %get3A_1931 = arith.constant 1 : i32
      %get3A_1932 = arith.index_cast %get3A_1929 : i32 to index
      %get3A_1933 = arith.index_cast %get3A_1930 : i32 to index
      %get3A_1934 = arith.index_cast %get3A_1931 : i32 to index
      %get3A_1935 = arith.constant 80 : index
      %get3A_1936 = tpu.vector_load %arg9[%get3A_1932, %get3A_1933, %get3A_1934, %get3A_1935] {strides = array<i32>} : memref<2x10x2x128xi32, #tpu.memory_space<vmem>>, vector<16xi32>,
      %shift_right_arithmetic3A_1937 = arith.constant 7 : i32
      %shift_right_arithmetic3A_1938 = vector.broadcast %shift_right_arithmetic3A_1937 : i32 to vector<16xi32>
      %shift_right_arithmetic3A_1939 = arith.shrsi %get3A_1936, %shift_right_arithmetic3A_1938 : vector<16xi32>
      %and3A_1940 = arith.constant 127 : i32
      %and3A_1941 = vector.broadcast %and3A_1940 : i32 to vector<16xi32>
      %and3A_1942 = arith.andi %get3A_1936, %and3A_1941 : vector<16xi32>
      tpu.vector_store_idx %arg11[%shift_right_arithmetic3A_1939, %and3A_1942], %broadcast_in_dim3A_23 {add = true} : memref<80x128xf32, #tpu.memory_space<vmem>>[vector<16xi32>, vector<16xi32>], vector<16xf32>,
      %get3A_1943 = arith.constant 1 : i32
      %get3A_1944 = arith.constant 0 : i32
      %get3A_1945 = arith.constant 1 : i32
      %get3A_1946 = arith.index_cast %get3A_1943 : i32 to index
      %get3A_1947 = arith.index_cast %get3A_1944 : i32 to index
      %get3A_1948 = arith.index_cast %get3A_1945 : i32 to index
      %get3A_1949 = arith.constant 96 : index
      %get3A_1950 = tpu.vector_load %arg9[%get3A_1946, %get3A_1947, %get3A_1948, %get3A_1949] {strides = array<i32>} : memref<2x10x2x128xi32, #tpu.memory_space<vmem>>, vector<16xi32>,
      %shift_right_arithmetic3A_1951 = arith.constant 7 : i32
      %shift_right_arithmetic3A_1952 = vector.broadcast %shift_right_arithmetic3A_1951 : i32 to vector<16xi32>
      %shift_right_arithmetic3A_1953 = arith.shrsi %get3A_1950, %shift_right_arithmetic3A_1952 : vector<16xi32>
      %and3A_1954 = arith.constant 127 : i32
      %and3A_1955 = vector.broadcast %and3A_1954 : i32 to vector<16xi32>
      %and3A_1956 = arith.andi %get3A_1950, %and3A_1955 : vector<16xi32>
      tpu.vector_store_idx %arg11[%shift_right_arithmetic3A_1953, %and3A_1956], %broadcast_in_dim3A_23 {add = true} : memref<80x128xf32, #tpu.memory_space<vmem>>[vector<16xi32>, vector<16xi32>], vector<16xf32>,
      %get3A_1957 = arith.constant 1 : i32
      %get3A_1958 = arith.constant 0 : i32
      %get3A_1959 = arith.constant 1 : i32
      %get3A_1960 = arith.index_cast %get3A_1957 : i32 to index
      %get3A_1961 = arith.index_cast %get3A_1958 : i32 to index
      %get3A_1962 = arith.index_cast %get3A_1959 : i32 to index
      %get3A_1963 = arith.constant 112 : index
      %get3A_1964 = tpu.vector_load %arg9[%get3A_1960, %get3A_1961, %get3A_1962, %get3A_1963] {strides = array<i32>} : memref<2x10x2x128xi32, #tpu.memory_space<vmem>>, vector<16xi32>,
      %shift_right_arithmetic3A_1965 = arith.constant 7 : i32
      %shift_right_arithmetic3A_1966 = vector.broadcast %shift_right_arithmetic3A_1965 : i32 to vector<16xi32>
      %shift_right_arithmetic3A_1967 = arith.shrsi %get3A_1964, %shift_right_arithmetic3A_1966 : vector<16xi32>
      %and3A_1968 = arith.constant 127 : i32
      %and3A_1969 = vector.broadcast %and3A_1968 : i32 to vector<16xi32>
      %and3A_1970 = arith.andi %get3A_1964, %and3A_1969 : vector<16xi32>
      tpu.vector_store_idx %arg11[%shift_right_arithmetic3A_1967, %and3A_1970], %broadcast_in_dim3A_23 {add = true} : memref<80x128xf32, #tpu.memory_space<vmem>>[vector<16xi32>, vector<16xi32>], vector<16xf32>,
      %dma_start3A_1971 = arith.constant 1 : i32
      %dma_start3A_1972 = arith.constant 1 : i32
      %dma_start3A_1973 = arith.constant 0 : i32
      %dma_start3A_1974 = arith.constant 1 : i32
      %dma_start3A_1975 = arith.constant 0 : i32
      %dma_start3A_1976 = arith.constant 0 : i32
      %dma_start3A_1977 = tpu.memref_slice %arg10[%dma_start3A_1974, %dma_start3A_1975, %dma_start3A_1976] : memref<4x128x128xbf16, #tpu.memory_space<vmem>> -> memref<1x128x128xbf16, #tpu.memory_space<vmem>>
      %dma_start3A_1978 = tpu.memref_squeeze %dma_start3A_1977 : memref<1x128x128xbf16, #tpu.memory_space<vmem>> -> memref<128x128xbf16, #tpu.memory_space<vmem>>
      %dma_start3A_1979 = arith.constant 0 : i32
      %dma_start3A_1980 = tpu.memref_slice %arg9[%dma_start3A_1971, %dma_start3A_1972, %dma_start3A_1973, %dma_start3A_1979] : memref<2x10x2x128xi32, #tpu.memory_space<vmem>> -> memref<1x1x1x128xi32, #tpu.memory_space<vmem>>
      %dma_start3A_1981 = tpu.memref_squeeze %dma_start3A_1980 : memref<1x1x1x128xi32, #tpu.memory_space<vmem>> -> memref<128xi32, #tpu.memory_space<vmem>>
      %dma_start3A_1982 = arith.constant 0 : i32
      %dma_start3A_1983 = arith.constant 0 : i32
      %dma_start3A_1984 = tpu.memref_slice %arg2[%dma_start3A_1982, %dma_start3A_1983] : memref<10000x128xbf16, #tpu.memory_space<hbm>> -> memref<10000x128xbf16, #tpu.memory_space<hbm>>
      tpu.enqueue_indirect_dma source(%dma_start3A_1984 : memref<10000x128xbf16, #tpu.memory_space<hbm>>) target(%dma_start3A_1978 : memref<128x128xbf16, #tpu.memory_space<vmem>>) offsets(%dma_start3A_1981 : memref<128xi32, #tpu.memory_space<vmem>>) semaphore(%arg14 : memref<!tpu.dma_semaphore, #tpu.memory_space<semaphore_mem>>)
      %dma_wait3A_1985 = arith.constant 1 : i32
      %dma_wait3A_1986 = arith.constant 1 : i32
      %dma_wait3A_1987 = arith.constant 0 : i32
      %dma_wait3A_1988 = arith.constant 1 : i32
      %dma_wait3A_1989 = arith.constant 0 : i32
      %dma_wait3A_1990 = arith.constant 0 : i32
      %dma_wait3A_1991 = tpu.memref_slice %arg10[%dma_wait3A_1988, %dma_wait3A_1989, %dma_wait3A_1990] : memref<4x128x128xbf16, #tpu.memory_space<vmem>> -> memref<1x128x128xbf16, #tpu.memory_space<vmem>>
      %dma_wait3A_1992 = tpu.memref_squeeze %dma_wait3A_1991 : memref<1x128x128xbf16, #tpu.memory_space<vmem>> -> memref<128x128xbf16, #tpu.memory_space<vmem>>
      %dma_wait3A_1993 = arith.constant 0 : i32
      %dma_wait3A_1994 = tpu.memref_slice %arg9[%dma_wait3A_1985, %dma_wait3A_1986, %dma_wait3A_1987, %dma_wait3A_1993] : memref<2x10x2x128xi32, #tpu.memory_space<vmem>> -> memref<1x1x1x128xi32, #tpu.memory_space<vmem>>
      %dma_wait3A_1995 = tpu.memref_squeeze %dma_wait3A_1994 : memref<1x1x1x128xi32, #tpu.memory_space<vmem>> -> memref<128xi32, #tpu.memory_space<vmem>>
      %dma_wait3A_1996 = arith.constant 0 : i32
      %dma_wait3A_1997 = arith.constant 0 : i32
      %dma_wait3A_1998 = tpu.memref_slice %arg2[%dma_wait3A_1996, %dma_wait3A_1997] : memref<10000x128xbf16, #tpu.memory_space<hbm>> -> memref<10000x128xbf16, #tpu.memory_space<hbm>>
      tpu.wait_indirect_dma semaphore(%arg14 : memref<!tpu.dma_semaphore, #tpu.memory_space<semaphore_mem>>) src(%dma_wait3A_1998 : memref<10000x128xbf16, #tpu.memory_space<hbm>>) dst(%dma_wait3A_1992 : memref<128x128xbf16, #tpu.memory_space<vmem>>)
      %dma_start3A_1999 = arith.constant 1 : i32
      %dma_start3A_2000 = arith.constant 1 : i32
      %dma_start3A_2001 = arith.constant 1 : i32
      %dma_start3A_2002 = arith.constant 1 : i32
      %dma_start3A_2003 = arith.constant 0 : i32
      %dma_start3A_2004 = arith.constant 0 : i32
      %dma_start3A_2005 = tpu.memref_slice %arg10[%dma_start3A_1999, %dma_start3A_2003, %dma_start3A_2004] : memref<4x128x128xbf16, #tpu.memory_space<vmem>> -> memref<1x128x128xbf16, #tpu.memory_space<vmem>>
      %dma_start3A_2006 = tpu.memref_squeeze %dma_start3A_2005 : memref<1x128x128xbf16, #tpu.memory_space<vmem>> -> memref<128x128xbf16, #tpu.memory_space<vmem>>
      %dma_start3A_2007 = arith.constant 0 : i32
      %dma_start3A_2008 = tpu.memref_slice %arg9[%dma_start3A_2000, %dma_start3A_2001, %dma_start3A_2002, %dma_start3A_2007] : memref<2x10x2x128xi32, #tpu.memory_space<vmem>> -> memref<1x1x1x128xi32, #tpu.memory_space<vmem>>
      %dma_start3A_2009 = tpu.memref_squeeze %dma_start3A_2008 : memref<1x1x1x128xi32, #tpu.memory_space<vmem>> -> memref<128xi32, #tpu.memory_space<vmem>>
      %dma_start3A_2010 = arith.constant 0 : i32
      %dma_start3A_2011 = arith.constant 0 : i32
      %dma_start3A_2012 = tpu.memref_slice %arg7[%dma_start3A_2010, %dma_start3A_2011] : memref<10112x128xbf16, #tpu.memory_space<vmem_shared>> -> memref<10112x128xbf16, #tpu.memory_space<vmem_shared>>
      tpu.enqueue_indirect_dma source(%dma_start3A_2006 : memref<128x128xbf16, #tpu.memory_space<vmem>>) target(%dma_start3A_2012 : memref<10112x128xbf16, #tpu.memory_space<vmem_shared>>) offsets(%dma_start3A_2009 : memref<128xi32, #tpu.memory_space<vmem>>) semaphore(%arg18 : memref<!tpu.dma_semaphore, #tpu.memory_space<semaphore_mem>>) {add = true}
      %get3A_2013 = arith.constant 1 : i32
      %get3A_2014 = arith.constant 1 : i32
      %get3A_2015 = arith.constant 1 : i32
      %get3A_2016 = arith.index_cast %get3A_2013 : i32 to index
      %get3A_2017 = arith.index_cast %get3A_2014 : i32 to index
      %get3A_2018 = arith.index_cast %get3A_2015 : i32 to index
      %get3A_2019 = arith.constant 0 : index
      %get3A_2020 = tpu.vector_load %arg9[%get3A_2016, %get3A_2017, %get3A_2018, %get3A_2019] {strides = array<i32>} : memref<2x10x2x128xi32, #tpu.memory_space<vmem>>, vector<16xi32>,
      %shift_right_arithmetic3A_2021 = arith.constant 7 : i32
      %shift_right_arithmetic3A_2022 = vector.broadcast %shift_right_arithmetic3A_2021 : i32 to vector<16xi32>
      %shift_right_arithmetic3A_2023 = arith.shrsi %get3A_2020, %shift_right_arithmetic3A_2022 : vector<16xi32>
      %and3A_2024 = arith.constant 127 : i32
      %and3A_2025 = vector.broadcast %and3A_2024 : i32 to vector<16xi32>
      %and3A_2026 = arith.andi %get3A_2020, %and3A_2025 : vector<16xi32>
      tpu.vector_store_idx %arg11[%shift_right_arithmetic3A_2023, %and3A_2026], %broadcast_in_dim3A_23 {add = true} : memref<80x128xf32, #tpu.memory_space<vmem>>[vector<16xi32>, vector<16xi32>], vector<16xf32>,
      %get3A_2027 = arith.constant 1 : i32
      %get3A_2028 = arith.constant 1 : i32
      %get3A_2029 = arith.constant 1 : i32
      %get3A_2030 = arith.index_cast %get3A_2027 : i32 to index
      %get3A_2031 = arith.index_cast %get3A_2028 : i32 to index
      %get3A_2032 = arith.index_cast %get3A_2029 : i32 to index
      %get3A_2033 = arith.constant 16 : index
      %get3A_2034 = tpu.vector_load %arg9[%get3A_2030, %get3A_2031, %get3A_2032, %get3A_2033] {strides = array<i32>} : memref<2x10x2x128xi32, #tpu.memory_space<vmem>>, vector<16xi32>,
      %shift_right_arithmetic3A_2035 = arith.constant 7 : i32
      %shift_right_arithmetic3A_2036 = vector.broadcast %shift_right_arithmetic3A_2035 : i32 to vector<16xi32>
      %shift_right_arithmetic3A_2037 = arith.shrsi %get3A_2034, %shift_right_arithmetic3A_2036 : vector<16xi32>
      %and3A_2038 = arith.constant 127 : i32
      %and3A_2039 = vector.broadcast %and3A_2038 : i32 to vector<16xi32>
      %and3A_2040 = arith.andi %get3A_2034, %and3A_2039 : vector<16xi32>
      tpu.vector_store_idx %arg11[%shift_right_arithmetic3A_2037, %and3A_2040], %broadcast_in_dim3A_23 {add = true} : memref<80x128xf32, #tpu.memory_space<vmem>>[vector<16xi32>, vector<16xi32>], vector<16xf32>,
      %get3A_2041 = arith.constant 1 : i32
      %get3A_2042 = arith.constant 1 : i32
      %get3A_2043 = arith.constant 1 : i32
      %get3A_2044 = arith.index_cast %get3A_2041 : i32 to index
      %get3A_2045 = arith.index_cast %get3A_2042 : i32 to index
      %get3A_2046 = arith.index_cast %get3A_2043 : i32 to index
      %get3A_2047 = arith.constant 32 : index
      %get3A_2048 = tpu.vector_load %arg9[%get3A_2044, %get3A_2045, %get3A_2046, %get3A_2047] {strides = array<i32>} : memref<2x10x2x128xi32, #tpu.memory_space<vmem>>, vector<16xi32>,
      %shift_right_arithmetic3A_2049 = arith.constant 7 : i32
      %shift_right_arithmetic3A_2050 = vector.broadcast %shift_right_arithmetic3A_2049 : i32 to vector<16xi32>
      %shift_right_arithmetic3A_2051 = arith.shrsi %get3A_2048, %shift_right_arithmetic3A_2050 : vector<16xi32>
      %and3A_2052 = arith.constant 127 : i32
      %and3A_2053 = vector.broadcast %and3A_2052 : i32 to vector<16xi32>
      %and3A_2054 = arith.andi %get3A_2048, %and3A_2053 : vector<16xi32>
      tpu.vector_store_idx %arg11[%shift_right_arithmetic3A_2051, %and3A_2054], %broadcast_in_dim3A_23 {add = true} : memref<80x128xf32, #tpu.memory_space<vmem>>[vector<16xi32>, vector<16xi32>], vector<16xf32>,
      %get3A_2055 = arith.constant 1 : i32
      %get3A_2056 = arith.constant 1 : i32
      %get3A_2057 = arith.constant 1 : i32
      %get3A_2058 = arith.index_cast %get3A_2055 : i32 to index
      %get3A_2059 = arith.index_cast %get3A_2056 : i32 to index
      %get3A_2060 = arith.index_cast %get3A_2057 : i32 to index
      %get3A_2061 = arith.constant 48 : index
      %get3A_2062 = tpu.vector_load %arg9[%get3A_2058, %get3A_2059, %get3A_2060, %get3A_2061] {strides = array<i32>} : memref<2x10x2x128xi32, #tpu.memory_space<vmem>>, vector<16xi32>,
      %shift_right_arithmetic3A_2063 = arith.constant 7 : i32
      %shift_right_arithmetic3A_2064 = vector.broadcast %shift_right_arithmetic3A_2063 : i32 to vector<16xi32>
      %shift_right_arithmetic3A_2065 = arith.shrsi %get3A_2062, %shift_right_arithmetic3A_2064 : vector<16xi32>
      %and3A_2066 = arith.constant 127 : i32
      %and3A_2067 = vector.broadcast %and3A_2066 : i32 to vector<16xi32>
      %and3A_2068 = arith.andi %get3A_2062, %and3A_2067 : vector<16xi32>
      tpu.vector_store_idx %arg11[%shift_right_arithmetic3A_2065, %and3A_2068], %broadcast_in_dim3A_23 {add = true} : memref<80x128xf32, #tpu.memory_space<vmem>>[vector<16xi32>, vector<16xi32>], vector<16xf32>,
      %get3A_2069 = arith.constant 1 : i32
      %get3A_2070 = arith.constant 1 : i32
      %get3A_2071 = arith.constant 1 : i32
      %get3A_2072 = arith.index_cast %get3A_2069 : i32 to index
      %get3A_2073 = arith.index_cast %get3A_2070 : i32 to index
      %get3A_2074 = arith.index_cast %get3A_2071 : i32 to index
      %get3A_2075 = arith.constant 64 : index
      %get3A_2076 = tpu.vector_load %arg9[%get3A_2072, %get3A_2073, %get3A_2074, %get3A_2075] {strides = array<i32>} : memref<2x10x2x128xi32, #tpu.memory_space<vmem>>, vector<16xi32>,
      %shift_right_arithmetic3A_2077 = arith.constant 7 : i32
      %shift_right_arithmetic3A_2078 = vector.broadcast %shift_right_arithmetic3A_2077 : i32 to vector<16xi32>
      %shift_right_arithmetic3A_2079 = arith.shrsi %get3A_2076, %shift_right_arithmetic3A_2078 : vector<16xi32>
      %and3A_2080 = arith.constant 127 : i32
      %and3A_2081 = vector.broadcast %and3A_2080 : i32 to vector<16xi32>
      %and3A_2082 = arith.andi %get3A_2076, %and3A_2081 : vector<16xi32>
      tpu.vector_store_idx %arg11[%shift_right_arithmetic3A_2079, %and3A_2082], %broadcast_in_dim3A_23 {add = true} : memref<80x128xf32, #tpu.memory_space<vmem>>[vector<16xi32>, vector<16xi32>], vector<16xf32>,
      %get3A_2083 = arith.constant 1 : i32
      %get3A_2084 = arith.constant 1 : i32
      %get3A_2085 = arith.constant 1 : i32
      %get3A_2086 = arith.index_cast %get3A_2083 : i32 to index
      %get3A_2087 = arith.index_cast %get3A_2084 : i32 to index
      %get3A_2088 = arith.index_cast %get3A_2085 : i32 to index
      %get3A_2089 = arith.constant 80 : index
      %get3A_2090 = tpu.vector_load %arg9[%get3A_2086, %get3A_2087, %get3A_2088, %get3A_2089] {strides = array<i32>} : memref<2x10x2x128xi32, #tpu.memory_space<vmem>>, vector<16xi32>,
      %shift_right_arithmetic3A_2091 = arith.constant 7 : i32
      %shift_right_arithmetic3A_2092 = vector.broadcast %shift_right_arithmetic3A_2091 : i32 to vector<16xi32>
      %shift_right_arithmetic3A_2093 = arith.shrsi %get3A_2090, %shift_right_arithmetic3A_2092 : vector<16xi32>
      %and3A_2094 = arith.constant 127 : i32
      %and3A_2095 = vector.broadcast %and3A_2094 : i32 to vector<16xi32>
      %and3A_2096 = arith.andi %get3A_2090, %and3A_2095 : vector<16xi32>
      tpu.vector_store_idx %arg11[%shift_right_arithmetic3A_2093, %and3A_2096], %broadcast_in_dim3A_23 {add = true} : memref<80x128xf32, #tpu.memory_space<vmem>>[vector<16xi32>, vector<16xi32>], vector<16xf32>,
      %get3A_2097 = arith.constant 1 : i32
      %get3A_2098 = arith.constant 1 : i32
      %get3A_2099 = arith.constant 1 : i32
      %get3A_2100 = arith.index_cast %get3A_2097 : i32 to index
      %get3A_2101 = arith.index_cast %get3A_2098 : i32 to index
      %get3A_2102 = arith.index_cast %get3A_2099 : i32 to index
      %get3A_2103 = arith.constant 96 : index
      %get3A_2104 = tpu.vector_load %arg9[%get3A_2100, %get3A_2101, %get3A_2102, %get3A_2103] {strides = array<i32>} : memref<2x10x2x128xi32, #tpu.memory_space<vmem>>, vector<16xi32>,
      %shift_right_arithmetic3A_2105 = arith.constant 7 : i32
      %shift_right_arithmetic3A_2106 = vector.broadcast %shift_right_arithmetic3A_2105 : i32 to vector<16xi32>
      %shift_right_arithmetic3A_2107 = arith.shrsi %get3A_2104, %shift_right_arithmetic3A_2106 : vector<16xi32>
      %and3A_2108 = arith.constant 127 : i32
      %and3A_2109 = vector.broadcast %and3A_2108 : i32 to vector<16xi32>
      %and3A_2110 = arith.andi %get3A_2104, %and3A_2109 : vector<16xi32>
      tpu.vector_store_idx %arg11[%shift_right_arithmetic3A_2107, %and3A_2110], %broadcast_in_dim3A_23 {add = true} : memref<80x128xf32, #tpu.memory_space<vmem>>[vector<16xi32>, vector<16xi32>], vector<16xf32>,
      %get3A_2111 = arith.constant 1 : i32
      %get3A_2112 = arith.constant 1 : i32
      %get3A_2113 = arith.constant 1 : i32
      %get3A_2114 = arith.index_cast %get3A_2111 : i32 to index
      %get3A_2115 = arith.index_cast %get3A_2112 : i32 to index
      %get3A_2116 = arith.index_cast %get3A_2113 : i32 to index
      %get3A_2117 = arith.constant 112 : index
      %get3A_2118 = tpu.vector_load %arg9[%get3A_2114, %get3A_2115, %get3A_2116, %get3A_2117] {strides = array<i32>} : memref<2x10x2x128xi32, #tpu.memory_space<vmem>>, vector<16xi32>,
      %shift_right_arithmetic3A_2119 = arith.constant 7 : i32
      %shift_right_arithmetic3A_2120 = vector.broadcast %shift_right_arithmetic3A_2119 : i32 to vector<16xi32>
      %shift_right_arithmetic3A_2121 = arith.shrsi %get3A_2118, %shift_right_arithmetic3A_2120 : vector<16xi32>
      %and3A_2122 = arith.constant 127 : i32
      %and3A_2123 = vector.broadcast %and3A_2122 : i32 to vector<16xi32>
      %and3A_2124 = arith.andi %get3A_2118, %and3A_2123 : vector<16xi32>
      tpu.vector_store_idx %arg11[%shift_right_arithmetic3A_2121, %and3A_2124], %broadcast_in_dim3A_23 {add = true} : memref<80x128xf32, #tpu.memory_space<vmem>>[vector<16xi32>, vector<16xi32>], vector<16xf32>,
      %dma_start3A_2125 = arith.constant 1 : i32
      %dma_start3A_2126 = arith.constant 2 : i32
      %dma_start3A_2127 = arith.constant 0 : i32
      %dma_start3A_2128 = arith.constant 2 : i32
      %dma_start3A_2129 = arith.constant 0 : i32
      %dma_start3A_2130 = arith.constant 0 : i32
      %dma_start3A_2131 = tpu.memref_slice %arg10[%dma_start3A_2128, %dma_start3A_2129, %dma_start3A_2130] : memref<4x128x128xbf16, #tpu.memory_space<vmem>> -> memref<1x128x128xbf16, #tpu.memory_space<vmem>>
      %dma_start3A_2132 = tpu.memref_squeeze %dma_start3A_2131 : memref<1x128x128xbf16, #tpu.memory_space<vmem>> -> memref<128x128xbf16, #tpu.memory_space<vmem>>
      %dma_start3A_2133 = arith.constant 0 : i32
      %dma_start3A_2134 = tpu.memref_slice %arg9[%dma_start3A_2125, %dma_start3A_2126, %dma_start3A_2127, %dma_start3A_2133] : memref<2x10x2x128xi32, #tpu.memory_space<vmem>> -> memref<1x1x1x128xi32, #tpu.memory_space<vmem>>
      %dma_start3A_2135 = tpu.memref_squeeze %dma_start3A_2134 : memref<1x1x1x128xi32, #tpu.memory_space<vmem>> -> memref<128xi32, #tpu.memory_space<vmem>>
      %dma_start3A_2136 = arith.constant 0 : i32
      %dma_start3A_2137 = arith.constant 0 : i32
      %dma_start3A_2138 = tpu.memref_slice %arg2[%dma_start3A_2136, %dma_start3A_2137] : memref<10000x128xbf16, #tpu.memory_space<hbm>> -> memref<10000x128xbf16, #tpu.memory_space<hbm>>
      tpu.enqueue_indirect_dma source(%dma_start3A_2138 : memref<10000x128xbf16, #tpu.memory_space<hbm>>) target(%dma_start3A_2132 : memref<128x128xbf16, #tpu.memory_space<vmem>>) offsets(%dma_start3A_2135 : memref<128xi32, #tpu.memory_space<vmem>>) semaphore(%arg15 : memref<!tpu.dma_semaphore, #tpu.memory_space<semaphore_mem>>)
      %dma_wait3A_2139 = arith.constant 1 : i32
      %dma_wait3A_2140 = arith.constant 2 : i32
      %dma_wait3A_2141 = arith.constant 0 : i32
      %dma_wait3A_2142 = arith.constant 2 : i32
      %dma_wait3A_2143 = arith.constant 0 : i32
      %dma_wait3A_2144 = arith.constant 0 : i32
      %dma_wait3A_2145 = tpu.memref_slice %arg10[%dma_wait3A_2142, %dma_wait3A_2143, %dma_wait3A_2144] : memref<4x128x128xbf16, #tpu.memory_space<vmem>> -> memref<1x128x128xbf16, #tpu.memory_space<vmem>>
      %dma_wait3A_2146 = tpu.memref_squeeze %dma_wait3A_2145 : memref<1x128x128xbf16, #tpu.memory_space<vmem>> -> memref<128x128xbf16, #tpu.memory_space<vmem>>
      %dma_wait3A_2147 = arith.constant 0 : i32
      %dma_wait3A_2148 = tpu.memref_slice %arg9[%dma_wait3A_2139, %dma_wait3A_2140, %dma_wait3A_2141, %dma_wait3A_2147] : memref<2x10x2x128xi32, #tpu.memory_space<vmem>> -> memref<1x1x1x128xi32, #tpu.memory_space<vmem>>
      %dma_wait3A_2149 = tpu.memref_squeeze %dma_wait3A_2148 : memref<1x1x1x128xi32, #tpu.memory_space<vmem>> -> memref<128xi32, #tpu.memory_space<vmem>>
      %dma_wait3A_2150 = arith.constant 0 : i32
      %dma_wait3A_2151 = arith.constant 0 : i32
      %dma_wait3A_2152 = tpu.memref_slice %arg2[%dma_wait3A_2150, %dma_wait3A_2151] : memref<10000x128xbf16, #tpu.memory_space<hbm>> -> memref<10000x128xbf16, #tpu.memory_space<hbm>>
      tpu.wait_indirect_dma semaphore(%arg15 : memref<!tpu.dma_semaphore, #tpu.memory_space<semaphore_mem>>) src(%dma_wait3A_2152 : memref<10000x128xbf16, #tpu.memory_space<hbm>>) dst(%dma_wait3A_2146 : memref<128x128xbf16, #tpu.memory_space<vmem>>)
      %dma_start3A_2153 = arith.constant 2 : i32
      %dma_start3A_2154 = arith.constant 1 : i32
      %dma_start3A_2155 = arith.constant 2 : i32
      %dma_start3A_2156 = arith.constant 1 : i32
      %dma_start3A_2157 = arith.constant 0 : i32
      %dma_start3A_2158 = arith.constant 0 : i32
      %dma_start3A_2159 = tpu.memref_slice %arg10[%dma_start3A_2153, %dma_start3A_2157, %dma_start3A_2158] : memref<4x128x128xbf16, #tpu.memory_space<vmem>> -> memref<1x128x128xbf16, #tpu.memory_space<vmem>>
      %dma_start3A_2160 = tpu.memref_squeeze %dma_start3A_2159 : memref<1x128x128xbf16, #tpu.memory_space<vmem>> -> memref<128x128xbf16, #tpu.memory_space<vmem>>
      %dma_start3A_2161 = arith.constant 0 : i32
      %dma_start3A_2162 = tpu.memref_slice %arg9[%dma_start3A_2154, %dma_start3A_2155, %dma_start3A_2156, %dma_start3A_2161] : memref<2x10x2x128xi32, #tpu.memory_space<vmem>> -> memref<1x1x1x128xi32, #tpu.memory_space<vmem>>
      %dma_start3A_2163 = tpu.memref_squeeze %dma_start3A_2162 : memref<1x1x1x128xi32, #tpu.memory_space<vmem>> -> memref<128xi32, #tpu.memory_space<vmem>>
      %dma_start3A_2164 = arith.constant 0 : i32
      %dma_start3A_2165 = arith.constant 0 : i32
      %dma_start3A_2166 = tpu.memref_slice %arg7[%dma_start3A_2164, %dma_start3A_2165] : memref<10112x128xbf16, #tpu.memory_space<vmem_shared>> -> memref<10112x128xbf16, #tpu.memory_space<vmem_shared>>
      tpu.enqueue_indirect_dma source(%dma_start3A_2160 : memref<128x128xbf16, #tpu.memory_space<vmem>>) target(%dma_start3A_2166 : memref<10112x128xbf16, #tpu.memory_space<vmem_shared>>) offsets(%dma_start3A_2163 : memref<128xi32, #tpu.memory_space<vmem>>) semaphore(%arg19 : memref<!tpu.dma_semaphore, #tpu.memory_space<semaphore_mem>>) {add = true}
      %get3A_2167 = arith.constant 1 : i32
      %get3A_2168 = arith.constant 2 : i32
      %get3A_2169 = arith.constant 1 : i32
      %get3A_2170 = arith.index_cast %get3A_2167 : i32 to index
      %get3A_2171 = arith.index_cast %get3A_2168 : i32 to index
      %get3A_2172 = arith.index_cast %get3A_2169 : i32 to index
      %get3A_2173 = arith.constant 0 : index
      %get3A_2174 = tpu.vector_load %arg9[%get3A_2170, %get3A_2171, %get3A_2172, %get3A_2173] {strides = array<i32>} : memref<2x10x2x128xi32, #tpu.memory_space<vmem>>, vector<16xi32>,
      %shift_right_arithmetic3A_2175 = arith.constant 7 : i32
      %shift_right_arithmetic3A_2176 = vector.broadcast %shift_right_arithmetic3A_2175 : i32 to vector<16xi32>
      %shift_right_arithmetic3A_2177 = arith.shrsi %get3A_2174, %shift_right_arithmetic3A_2176 : vector<16xi32>
      %and3A_2178 = arith.constant 127 : i32
      %and3A_2179 = vector.broadcast %and3A_2178 : i32 to vector<16xi32>
      %and3A_2180 = arith.andi %get3A_2174, %and3A_2179 : vector<16xi32>
      tpu.vector_store_idx %arg11[%shift_right_arithmetic3A_2177, %and3A_2180], %broadcast_in_dim3A_23 {add = true} : memref<80x128xf32, #tpu.memory_space<vmem>>[vector<16xi32>, vector<16xi32>], vector<16xf32>,
      %get3A_2181 = arith.constant 1 : i32
      %get3A_2182 = arith.constant 2 : i32
      %get3A_2183 = arith.constant 1 : i32
      %get3A_2184 = arith.index_cast %get3A_2181 : i32 to index
      %get3A_2185 = arith.index_cast %get3A_2182 : i32 to index
      %get3A_2186 = arith.index_cast %get3A_2183 : i32 to index
      %get3A_2187 = arith.constant 16 : index
      %get3A_2188 = tpu.vector_load %arg9[%get3A_2184, %get3A_2185, %get3A_2186, %get3A_2187] {strides = array<i32>} : memref<2x10x2x128xi32, #tpu.memory_space<vmem>>, vector<16xi32>,
      %shift_right_arithmetic3A_2189 = arith.constant 7 : i32
      %shift_right_arithmetic3A_2190 = vector.broadcast %shift_right_arithmetic3A_2189 : i32 to vector<16xi32>
      %shift_right_arithmetic3A_2191 = arith.shrsi %get3A_2188, %shift_right_arithmetic3A_2190 : vector<16xi32>
      %and3A_2192 = arith.constant 127 : i32
      %and3A_2193 = vector.broadcast %and3A_2192 : i32 to vector<16xi32>
      %and3A_2194 = arith.andi %get3A_2188, %and3A_2193 : vector<16xi32>
      tpu.vector_store_idx %arg11[%shift_right_arithmetic3A_2191, %and3A_2194], %broadcast_in_dim3A_23 {add = true} : memref<80x128xf32, #tpu.memory_space<vmem>>[vector<16xi32>, vector<16xi32>], vector<16xf32>,
      %get3A_2195 = arith.constant 1 : i32
      %get3A_2196 = arith.constant 2 : i32
      %get3A_2197 = arith.constant 1 : i32
      %get3A_2198 = arith.index_cast %get3A_2195 : i32 to index
      %get3A_2199 = arith.index_cast %get3A_2196 : i32 to index
      %get3A_2200 = arith.index_cast %get3A_2197 : i32 to index
      %get3A_2201 = arith.constant 32 : index
      %get3A_2202 = tpu.vector_load %arg9[%get3A_2198, %get3A_2199, %get3A_2200, %get3A_2201] {strides = array<i32>} : memref<2x10x2x128xi32, #tpu.memory_space<vmem>>, vector<16xi32>,
      %shift_right_arithmetic3A_2203 = arith.constant 7 : i32
      %shift_right_arithmetic3A_2204 = vector.broadcast %shift_right_arithmetic3A_2203 : i32 to vector<16xi32>
      %shift_right_arithmetic3A_2205 = arith.shrsi %get3A_2202, %shift_right_arithmetic3A_2204 : vector<16xi32>
      %and3A_2206 = arith.constant 127 : i32
      %and3A_2207 = vector.broadcast %and3A_2206 : i32 to vector<16xi32>
      %and3A_2208 = arith.andi %get3A_2202, %and3A_2207 : vector<16xi32>
      tpu.vector_store_idx %arg11[%shift_right_arithmetic3A_2205, %and3A_2208], %broadcast_in_dim3A_23 {add = true} : memref<80x128xf32, #tpu.memory_space<vmem>>[vector<16xi32>, vector<16xi32>], vector<16xf32>,
      %get3A_2209 = arith.constant 1 : i32
      %get3A_2210 = arith.constant 2 : i32
      %get3A_2211 = arith.constant 1 : i32
      %get3A_2212 = arith.index_cast %get3A_2209 : i32 to index
      %get3A_2213 = arith.index_cast %get3A_2210 : i32 to index
      %get3A_2214 = arith.index_cast %get3A_2211 : i32 to index
      %get3A_2215 = arith.constant 48 : index
      %get3A_2216 = tpu.vector_load %arg9[%get3A_2212, %get3A_2213, %get3A_2214, %get3A_2215] {strides = array<i32>} : memref<2x10x2x128xi32, #tpu.memory_space<vmem>>, vector<16xi32>,
      %shift_right_arithmetic3A_2217 = arith.constant 7 : i32
      %shift_right_arithmetic3A_2218 = vector.broadcast %shift_right_arithmetic3A_2217 : i32 to vector<16xi32>
      %shift_right_arithmetic3A_2219 = arith.shrsi %get3A_2216, %shift_right_arithmetic3A_2218 : vector<16xi32>
      %and3A_2220 = arith.constant 127 : i32
      %and3A_2221 = vector.broadcast %and3A_2220 : i32 to vector<16xi32>
      %and3A_2222 = arith.andi %get3A_2216, %and3A_2221 : vector<16xi32>
      tpu.vector_store_idx %arg11[%shift_right_arithmetic3A_2219, %and3A_2222], %broadcast_in_dim3A_23 {add = true} : memref<80x128xf32, #tpu.memory_space<vmem>>[vector<16xi32>, vector<16xi32>], vector<16xf32>,
      %get3A_2223 = arith.constant 1 : i32
      %get3A_2224 = arith.constant 2 : i32
      %get3A_2225 = arith.constant 1 : i32
      %get3A_2226 = arith.index_cast %get3A_2223 : i32 to index
      %get3A_2227 = arith.index_cast %get3A_2224 : i32 to index
      %get3A_2228 = arith.index_cast %get3A_2225 : i32 to index
      %get3A_2229 = arith.constant 64 : index
      %get3A_2230 = tpu.vector_load %arg9[%get3A_2226, %get3A_2227, %get3A_2228, %get3A_2229] {strides = array<i32>} : memref<2x10x2x128xi32, #tpu.memory_space<vmem>>, vector<16xi32>,
      %shift_right_arithmetic3A_2231 = arith.constant 7 : i32
      %shift_right_arithmetic3A_2232 = vector.broadcast %shift_right_arithmetic3A_2231 : i32 to vector<16xi32>
      %shift_right_arithmetic3A_2233 = arith.shrsi %get3A_2230, %shift_right_arithmetic3A_2232 : vector<16xi32>
      %and3A_2234 = arith.constant 127 : i32
      %and3A_2235 = vector.broadcast %and3A_2234 : i32 to vector<16xi32>
      %and3A_2236 = arith.andi %get3A_2230, %and3A_2235 : vector<16xi32>
      tpu.vector_store_idx %arg11[%shift_right_arithmetic3A_2233, %and3A_2236], %broadcast_in_dim3A_23 {add = true} : memref<80x128xf32, #tpu.memory_space<vmem>>[vector<16xi32>, vector<16xi32>], vector<16xf32>,
      %get3A_2237 = arith.constant 1 : i32
      %get3A_2238 = arith.constant 2 : i32
      %get3A_2239 = arith.constant 1 : i32
      %get3A_2240 = arith.index_cast %get3A_2237 : i32 to index
      %get3A_2241 = arith.index_cast %get3A_2238 : i32 to index
      %get3A_2242 = arith.index_cast %get3A_2239 : i32 to index
      %get3A_2243 = arith.constant 80 : index
      %get3A_2244 = tpu.vector_load %arg9[%get3A_2240, %get3A_2241, %get3A_2242, %get3A_2243] {strides = array<i32>} : memref<2x10x2x128xi32, #tpu.memory_space<vmem>>, vector<16xi32>,
      %shift_right_arithmetic3A_2245 = arith.constant 7 : i32
      %shift_right_arithmetic3A_2246 = vector.broadcast %shift_right_arithmetic3A_2245 : i32 to vector<16xi32>
      %shift_right_arithmetic3A_2247 = arith.shrsi %get3A_2244, %shift_right_arithmetic3A_2246 : vector<16xi32>
      %and3A_2248 = arith.constant 127 : i32
      %and3A_2249 = vector.broadcast %and3A_2248 : i32 to vector<16xi32>
      %and3A_2250 = arith.andi %get3A_2244, %and3A_2249 : vector<16xi32>
      tpu.vector_store_idx %arg11[%shift_right_arithmetic3A_2247, %and3A_2250], %broadcast_in_dim3A_23 {add = true} : memref<80x128xf32, #tpu.memory_space<vmem>>[vector<16xi32>, vector<16xi32>], vector<16xf32>,
      %get3A_2251 = arith.constant 1 : i32
      %get3A_2252 = arith.constant 2 : i32
      %get3A_2253 = arith.constant 1 : i32
      %get3A_2254 = arith.index_cast %get3A_2251 : i32 to index
      %get3A_2255 = arith.index_cast %get3A_2252 : i32 to index
      %get3A_2256 = arith.index_cast %get3A_2253 : i32 to index
      %get3A_2257 = arith.constant 96 : index
      %get3A_2258 = tpu.vector_load %arg9[%get3A_2254, %get3A_2255, %get3A_2256, %get3A_2257] {strides = array<i32>} : memref<2x10x2x128xi32, #tpu.memory_space<vmem>>, vector<16xi32>,
      %shift_right_arithmetic3A_2259 = arith.constant 7 : i32
      %shift_right_arithmetic3A_2260 = vector.broadcast %shift_right_arithmetic3A_2259 : i32 to vector<16xi32>
      %shift_right_arithmetic3A_2261 = arith.shrsi %get3A_2258, %shift_right_arithmetic3A_2260 : vector<16xi32>
      %and3A_2262 = arith.constant 127 : i32
      %and3A_2263 = vector.broadcast %and3A_2262 : i32 to vector<16xi32>
      %and3A_2264 = arith.andi %get3A_2258, %and3A_2263 : vector<16xi32>
      tpu.vector_store_idx %arg11[%shift_right_arithmetic3A_2261, %and3A_2264], %broadcast_in_dim3A_23 {add = true} : memref<80x128xf32, #tpu.memory_space<vmem>>[vector<16xi32>, vector<16xi32>], vector<16xf32>,
      %get3A_2265 = arith.constant 1 : i32
      %get3A_2266 = arith.constant 2 : i32
      %get3A_2267 = arith.constant 1 : i32
      %get3A_2268 = arith.index_cast %get3A_2265 : i32 to index
      %get3A_2269 = arith.index_cast %get3A_2266 : i32 to index
      %get3A_2270 = arith.index_cast %get3A_2267 : i32 to index
      %get3A_2271 = arith.constant 112 : index
      %get3A_2272 = tpu.vector_load %arg9[%get3A_2268, %get3A_2269, %get3A_2270, %get3A_2271] {strides = array<i32>} : memref<2x10x2x128xi32, #tpu.memory_space<vmem>>, vector<16xi32>,
      %shift_right_arithmetic3A_2273 = arith.constant 7 : i32
      %shift_right_arithmetic3A_2274 = vector.broadcast %shift_right_arithmetic3A_2273 : i32 to vector<16xi32>
      %shift_right_arithmetic3A_2275 = arith.shrsi %get3A_2272, %shift_right_arithmetic3A_2274 : vector<16xi32>
      %and3A_2276 = arith.constant 127 : i32
      %and3A_2277 = vector.broadcast %and3A_2276 : i32 to vector<16xi32>
      %and3A_2278 = arith.andi %get3A_2272, %and3A_2277 : vector<16xi32>
      tpu.vector_store_idx %arg11[%shift_right_arithmetic3A_2275, %and3A_2278], %broadcast_in_dim3A_23 {add = true} : memref<80x128xf32, #tpu.memory_space<vmem>>[vector<16xi32>, vector<16xi32>], vector<16xf32>,
      %dma_start3A_2279 = arith.constant 1 : i32
      %dma_start3A_2280 = arith.constant 3 : i32
      %dma_start3A_2281 = arith.constant 0 : i32
      %dma_start3A_2282 = arith.constant 3 : i32
      %dma_start3A_2283 = arith.constant 0 : i32
      %dma_start3A_2284 = arith.constant 0 : i32
      %dma_start3A_2285 = tpu.memref_slice %arg10[%dma_start3A_2282, %dma_start3A_2283, %dma_start3A_2284] : memref<4x128x128xbf16, #tpu.memory_space<vmem>> -> memref<1x128x128xbf16, #tpu.memory_space<vmem>>
      %dma_start3A_2286 = tpu.memref_squeeze %dma_start3A_2285 : memref<1x128x128xbf16, #tpu.memory_space<vmem>> -> memref<128x128xbf16, #tpu.memory_space<vmem>>
      %dma_start3A_2287 = arith.constant 0 : i32
      %dma_start3A_2288 = tpu.memref_slice %arg9[%dma_start3A_2279, %dma_start3A_2280, %dma_start3A_2281, %dma_start3A_2287] : memref<2x10x2x128xi32, #tpu.memory_space<vmem>> -> memref<1x1x1x128xi32, #tpu.memory_space<vmem>>
      %dma_start3A_2289 = tpu.memref_squeeze %dma_start3A_2288 : memref<1x1x1x128xi32, #tpu.memory_space<vmem>> -> memref<128xi32, #tpu.memory_space<vmem>>
      %dma_start3A_2290 = arith.constant 0 : i32
      %dma_start3A_2291 = arith.constant 0 : i32
      %dma_start3A_2292 = tpu.memref_slice %arg2[%dma_start3A_2290, %dma_start3A_2291] : memref<10000x128xbf16, #tpu.memory_space<hbm>> -> memref<10000x128xbf16, #tpu.memory_space<hbm>>
      tpu.enqueue_indirect_dma source(%dma_start3A_2292 : memref<10000x128xbf16, #tpu.memory_space<hbm>>) target(%dma_start3A_2286 : memref<128x128xbf16, #tpu.memory_space<vmem>>) offsets(%dma_start3A_2289 : memref<128xi32, #tpu.memory_space<vmem>>) semaphore(%arg16 : memref<!tpu.dma_semaphore, #tpu.memory_space<semaphore_mem>>)
      %dma_wait3A_2293 = arith.constant 1 : i32
      %dma_wait3A_2294 = arith.constant 3 : i32
      %dma_wait3A_2295 = arith.constant 0 : i32
      %dma_wait3A_2296 = arith.constant 3 : i32
      %dma_wait3A_2297 = arith.constant 0 : i32
      %dma_wait3A_2298 = arith.constant 0 : i32
      %dma_wait3A_2299 = tpu.memref_slice %arg10[%dma_wait3A_2296, %dma_wait3A_2297, %dma_wait3A_2298] : memref<4x128x128xbf16, #tpu.memory_space<vmem>> -> memref<1x128x128xbf16, #tpu.memory_space<vmem>>
      %dma_wait3A_2300 = tpu.memref_squeeze %dma_wait3A_2299 : memref<1x128x128xbf16, #tpu.memory_space<vmem>> -> memref<128x128xbf16, #tpu.memory_space<vmem>>
      %dma_wait3A_2301 = arith.constant 0 : i32
      %dma_wait3A_2302 = tpu.memref_slice %arg9[%dma_wait3A_2293, %dma_wait3A_2294, %dma_wait3A_2295, %dma_wait3A_2301] : memref<2x10x2x128xi32, #tpu.memory_space<vmem>> -> memref<1x1x1x128xi32, #tpu.memory_space<vmem>>
      %dma_wait3A_2303 = tpu.memref_squeeze %dma_wait3A_2302 : memref<1x1x1x128xi32, #tpu.memory_space<vmem>> -> memref<128xi32, #tpu.memory_space<vmem>>
      %dma_wait3A_2304 = arith.constant 0 : i32
      %dma_wait3A_2305 = arith.constant 0 : i32
      %dma_wait3A_2306 = tpu.memref_slice %arg2[%dma_wait3A_2304, %dma_wait3A_2305] : memref<10000x128xbf16, #tpu.memory_space<hbm>> -> memref<10000x128xbf16, #tpu.memory_space<hbm>>
      tpu.wait_indirect_dma semaphore(%arg16 : memref<!tpu.dma_semaphore, #tpu.memory_space<semaphore_mem>>) src(%dma_wait3A_2306 : memref<10000x128xbf16, #tpu.memory_space<hbm>>) dst(%dma_wait3A_2300 : memref<128x128xbf16, #tpu.memory_space<vmem>>)
      %dma_start3A_2307 = arith.constant 3 : i32
      %dma_start3A_2308 = arith.constant 1 : i32
      %dma_start3A_2309 = arith.constant 3 : i32
      %dma_start3A_2310 = arith.constant 1 : i32
      %dma_start3A_2311 = arith.constant 0 : i32
      %dma_start3A_2312 = arith.constant 0 : i32
      %dma_start3A_2313 = tpu.memref_slice %arg10[%dma_start3A_2307, %dma_start3A_2311, %dma_start3A_2312] : memref<4x128x128xbf16, #tpu.memory_space<vmem>> -> memref<1x128x128xbf16, #tpu.memory_space<vmem>>
      %dma_start3A_2314 = tpu.memref_squeeze %dma_start3A_2313 : memref<1x128x128xbf16, #tpu.memory_space<vmem>> -> memref<128x128xbf16, #tpu.memory_space<vmem>>
      %dma_start3A_2315 = arith.constant 0 : i32
      %dma_start3A_2316 = tpu.memref_slice %arg9[%dma_start3A_2308, %dma_start3A_2309, %dma_start3A_2310, %dma_start3A_2315] : memref<2x10x2x128xi32, #tpu.memory_space<vmem>> -> memref<1x1x1x128xi32, #tpu.memory_space<vmem>>
      %dma_start3A_2317 = tpu.memref_squeeze %dma_start3A_2316 : memref<1x1x1x128xi32, #tpu.memory_space<vmem>> -> memref<128xi32, #tpu.memory_space<vmem>>
      %dma_start3A_2318 = arith.constant 0 : i32
      %dma_start3A_2319 = arith.constant 0 : i32
      %dma_start3A_2320 = tpu.memref_slice %arg7[%dma_start3A_2318, %dma_start3A_2319] : memref<10112x128xbf16, #tpu.memory_space<vmem_shared>> -> memref<10112x128xbf16, #tpu.memory_space<vmem_shared>>
      tpu.enqueue_indirect_dma source(%dma_start3A_2314 : memref<128x128xbf16, #tpu.memory_space<vmem>>) target(%dma_start3A_2320 : memref<10112x128xbf16, #tpu.memory_space<vmem_shared>>) offsets(%dma_start3A_2317 : memref<128xi32, #tpu.memory_space<vmem>>) semaphore(%arg20 : memref<!tpu.dma_semaphore, #tpu.memory_space<semaphore_mem>>) {add = true}
      %get3A_2321 = arith.constant 1 : i32
      %get3A_2322 = arith.constant 3 : i32
      %get3A_2323 = arith.constant 1 : i32
      %get3A_2324 = arith.index_cast %get3A_2321 : i32 to index
      %get3A_2325 = arith.index_cast %get3A_2322 : i32 to index
      %get3A_2326 = arith.index_cast %get3A_2323 : i32 to index
      %get3A_2327 = arith.constant 0 : index
      %get3A_2328 = tpu.vector_load %arg9[%get3A_2324, %get3A_2325, %get3A_2326, %get3A_2327] {strides = array<i32>} : memref<2x10x2x128xi32, #tpu.memory_space<vmem>>, vector<16xi32>,
      %shift_right_arithmetic3A_2329 = arith.constant 7 : i32
      %shift_right_arithmetic3A_2330 = vector.broadcast %shift_right_arithmetic3A_2329 : i32 to vector<16xi32>
      %shift_right_arithmetic3A_2331 = arith.shrsi %get3A_2328, %shift_right_arithmetic3A_2330 : vector<16xi32>
      %and3A_2332 = arith.constant 127 : i32
      %and3A_2333 = vector.broadcast %and3A_2332 : i32 to vector<16xi32>
      %and3A_2334 = arith.andi %get3A_2328, %and3A_2333 : vector<16xi32>
      tpu.vector_store_idx %arg11[%shift_right_arithmetic3A_2331, %and3A_2334], %broadcast_in_dim3A_23 {add = true} : memref<80x128xf32, #tpu.memory_space<vmem>>[vector<16xi32>, vector<16xi32>], vector<16xf32>,
      %get3A_2335 = arith.constant 1 : i32
      %get3A_2336 = arith.constant 3 : i32
      %get3A_2337 = arith.constant 1 : i32
      %get3A_2338 = arith.index_cast %get3A_2335 : i32 to index
      %get3A_2339 = arith.index_cast %get3A_2336 : i32 to index
      %get3A_2340 = arith.index_cast %get3A_2337 : i32 to index
      %get3A_2341 = arith.constant 16 : index
      %get3A_2342 = tpu.vector_load %arg9[%get3A_2338, %get3A_2339, %get3A_2340, %get3A_2341] {strides = array<i32>} : memref<2x10x2x128xi32, #tpu.memory_space<vmem>>, vector<16xi32>,
      %shift_right_arithmetic3A_2343 = arith.constant 7 : i32
      %shift_right_arithmetic3A_2344 = vector.broadcast %shift_right_arithmetic3A_2343 : i32 to vector<16xi32>
      %shift_right_arithmetic3A_2345 = arith.shrsi %get3A_2342, %shift_right_arithmetic3A_2344 : vector<16xi32>
      %and3A_2346 = arith.constant 127 : i32
      %and3A_2347 = vector.broadcast %and3A_2346 : i32 to vector<16xi32>
      %and3A_2348 = arith.andi %get3A_2342, %and3A_2347 : vector<16xi32>
      tpu.vector_store_idx %arg11[%shift_right_arithmetic3A_2345, %and3A_2348], %broadcast_in_dim3A_23 {add = true} : memref<80x128xf32, #tpu.memory_space<vmem>>[vector<16xi32>, vector<16xi32>], vector<16xf32>,
      %get3A_2349 = arith.constant 1 : i32
      %get3A_2350 = arith.constant 3 : i32
      %get3A_2351 = arith.constant 1 : i32
      %get3A_2352 = arith.index_cast %get3A_2349 : i32 to index
      %get3A_2353 = arith.index_cast %get3A_2350 : i32 to index
      %get3A_2354 = arith.index_cast %get3A_2351 : i32 to index
      %get3A_2355 = arith.constant 32 : index
      %get3A_2356 = tpu.vector_load %arg9[%get3A_2352, %get3A_2353, %get3A_2354, %get3A_2355] {strides = array<i32>} : memref<2x10x2x128xi32, #tpu.memory_space<vmem>>, vector<16xi32>,
      %shift_right_arithmetic3A_2357 = arith.constant 7 : i32
      %shift_right_arithmetic3A_2358 = vector.broadcast %shift_right_arithmetic3A_2357 : i32 to vector<16xi32>
      %shift_right_arithmetic3A_2359 = arith.shrsi %get3A_2356, %shift_right_arithmetic3A_2358 : vector<16xi32>
      %and3A_2360 = arith.constant 127 : i32
      %and3A_2361 = vector.broadcast %and3A_2360 : i32 to vector<16xi32>
      %and3A_2362 = arith.andi %get3A_2356, %and3A_2361 : vector<16xi32>
      tpu.vector_store_idx %arg11[%shift_right_arithmetic3A_2359, %and3A_2362], %broadcast_in_dim3A_23 {add = true} : memref<80x128xf32, #tpu.memory_space<vmem>>[vector<16xi32>, vector<16xi32>], vector<16xf32>,
      %get3A_2363 = arith.constant 1 : i32
      %get3A_2364 = arith.constant 3 : i32
      %get3A_2365 = arith.constant 1 : i32
      %get3A_2366 = arith.index_cast %get3A_2363 : i32 to index
      %get3A_2367 = arith.index_cast %get3A_2364 : i32 to index
      %get3A_2368 = arith.index_cast %get3A_2365 : i32 to index
      %get3A_2369 = arith.constant 48 : index
      %get3A_2370 = tpu.vector_load %arg9[%get3A_2366, %get3A_2367, %get3A_2368, %get3A_2369] {strides = array<i32>} : memref<2x10x2x128xi32, #tpu.memory_space<vmem>>, vector<16xi32>,
      %shift_right_arithmetic3A_2371 = arith.constant 7 : i32
      %shift_right_arithmetic3A_2372 = vector.broadcast %shift_right_arithmetic3A_2371 : i32 to vector<16xi32>
      %shift_right_arithmetic3A_2373 = arith.shrsi %get3A_2370, %shift_right_arithmetic3A_2372 : vector<16xi32>
      %and3A_2374 = arith.constant 127 : i32
      %and3A_2375 = vector.broadcast %and3A_2374 : i32 to vector<16xi32>
      %and3A_2376 = arith.andi %get3A_2370, %and3A_2375 : vector<16xi32>
      tpu.vector_store_idx %arg11[%shift_right_arithmetic3A_2373, %and3A_2376], %broadcast_in_dim3A_23 {add = true} : memref<80x128xf32, #tpu.memory_space<vmem>>[vector<16xi32>, vector<16xi32>], vector<16xf32>,
      %get3A_2377 = arith.constant 1 : i32
      %get3A_2378 = arith.constant 3 : i32
      %get3A_2379 = arith.constant 1 : i32
      %get3A_2380 = arith.index_cast %get3A_2377 : i32 to index
      %get3A_2381 = arith.index_cast %get3A_2378 : i32 to index
      %get3A_2382 = arith.index_cast %get3A_2379 : i32 to index
      %get3A_2383 = arith.constant 64 : index
      %get3A_2384 = tpu.vector_load %arg9[%get3A_2380, %get3A_2381, %get3A_2382, %get3A_2383] {strides = array<i32>} : memref<2x10x2x128xi32, #tpu.memory_space<vmem>>, vector<16xi32>,
      %shift_right_arithmetic3A_2385 = arith.constant 7 : i32
      %shift_right_arithmetic3A_2386 = vector.broadcast %shift_right_arithmetic3A_2385 : i32 to vector<16xi32>
      %shift_right_arithmetic3A_2387 = arith.shrsi %get3A_2384, %shift_right_arithmetic3A_2386 : vector<16xi32>
      %and3A_2388 = arith.constant 127 : i32
      %and3A_2389 = vector.broadcast %and3A_2388 : i32 to vector<16xi32>
      %and3A_2390 = arith.andi %get3A_2384, %and3A_2389 : vector<16xi32>
      tpu.vector_store_idx %arg11[%shift_right_arithmetic3A_2387, %and3A_2390], %broadcast_in_dim3A_23 {add = true} : memref<80x128xf32, #tpu.memory_space<vmem>>[vector<16xi32>, vector<16xi32>], vector<16xf32>,
      %get3A_2391 = arith.constant 1 : i32
      %get3A_2392 = arith.constant 3 : i32
      %get3A_2393 = arith.constant 1 : i32
      %get3A_2394 = arith.index_cast %get3A_2391 : i32 to index
      %get3A_2395 = arith.index_cast %get3A_2392 : i32 to index
      %get3A_2396 = arith.index_cast %get3A_2393 : i32 to index
      %get3A_2397 = arith.constant 80 : index
      %get3A_2398 = tpu.vector_load %arg9[%get3A_2394, %get3A_2395, %get3A_2396, %get3A_2397] {strides = array<i32>} : memref<2x10x2x128xi32, #tpu.memory_space<vmem>>, vector<16xi32>,
      %shift_right_arithmetic3A_2399 = arith.constant 7 : i32
      %shift_right_arithmetic3A_2400 = vector.broadcast %shift_right_arithmetic3A_2399 : i32 to vector<16xi32>
      %shift_right_arithmetic3A_2401 = arith.shrsi %get3A_2398, %shift_right_arithmetic3A_2400 : vector<16xi32>
      %and3A_2402 = arith.constant 127 : i32
      %and3A_2403 = vector.broadcast %and3A_2402 : i32 to vector<16xi32>
      %and3A_2404 = arith.andi %get3A_2398, %and3A_2403 : vector<16xi32>
      tpu.vector_store_idx %arg11[%shift_right_arithmetic3A_2401, %and3A_2404], %broadcast_in_dim3A_23 {add = true} : memref<80x128xf32, #tpu.memory_space<vmem>>[vector<16xi32>, vector<16xi32>], vector<16xf32>,
      %get3A_2405 = arith.constant 1 : i32
      %get3A_2406 = arith.constant 3 : i32
      %get3A_2407 = arith.constant 1 : i32
      %get3A_2408 = arith.index_cast %get3A_2405 : i32 to index
      %get3A_2409 = arith.index_cast %get3A_2406 : i32 to index
      %get3A_2410 = arith.index_cast %get3A_2407 : i32 to index
      %get3A_2411 = arith.constant 96 : index
      %get3A_2412 = tpu.vector_load %arg9[%get3A_2408, %get3A_2409, %get3A_2410, %get3A_2411] {strides = array<i32>} : memref<2x10x2x128xi32, #tpu.memory_space<vmem>>, vector<16xi32>,
      %shift_right_arithmetic3A_2413 = arith.constant 7 : i32
      %shift_right_arithmetic3A_2414 = vector.broadcast %shift_right_arithmetic3A_2413 : i32 to vector<16xi32>
      %shift_right_arithmetic3A_2415 = arith.shrsi %get3A_2412, %shift_right_arithmetic3A_2414 : vector<16xi32>
      %and3A_2416 = arith.constant 127 : i32
      %and3A_2417 = vector.broadcast %and3A_2416 : i32 to vector<16xi32>
      %and3A_2418 = arith.andi %get3A_2412, %and3A_2417 : vector<16xi32>
      tpu.vector_store_idx %arg11[%shift_right_arithmetic3A_2415, %and3A_2418], %broadcast_in_dim3A_23 {add = true} : memref<80x128xf32, #tpu.memory_space<vmem>>[vector<16xi32>, vector<16xi32>], vector<16xf32>,
      %get3A_2419 = arith.constant 1 : i32
      %get3A_2420 = arith.constant 3 : i32
      %get3A_2421 = arith.constant 1 : i32
      %get3A_2422 = arith.index_cast %get3A_2419 : i32 to index
      %get3A_2423 = arith.index_cast %get3A_2420 : i32 to index
      %get3A_2424 = arith.index_cast %get3A_2421 : i32 to index
      %get3A_2425 = arith.constant 112 : index
      %get3A_2426 = tpu.vector_load %arg9[%get3A_2422, %get3A_2423, %get3A_2424, %get3A_2425] {strides = array<i32>} : memref<2x10x2x128xi32, #tpu.memory_space<vmem>>, vector<16xi32>,
      %shift_right_arithmetic3A_2427 = arith.constant 7 : i32
      %shift_right_arithmetic3A_2428 = vector.broadcast %shift_right_arithmetic3A_2427 : i32 to vector<16xi32>
      %shift_right_arithmetic3A_2429 = arith.shrsi %get3A_2426, %shift_right_arithmetic3A_2428 : vector<16xi32>
      %and3A_2430 = arith.constant 127 : i32
      %and3A_2431 = vector.broadcast %and3A_2430 : i32 to vector<16xi32>
      %and3A_2432 = arith.andi %get3A_2426, %and3A_2431 : vector<16xi32>
      tpu.vector_store_idx %arg11[%shift_right_arithmetic3A_2429, %and3A_2432], %broadcast_in_dim3A_23 {add = true} : memref<80x128xf32, #tpu.memory_space<vmem>>[vector<16xi32>, vector<16xi32>], vector<16xf32>,
      %dma_wait3A_2433 = arith.constant 0 : i32
      %dma_wait3A_2434 = arith.constant 1 : i32
      %dma_wait3A_2435 = arith.constant 0 : i32
      %dma_wait3A_2436 = arith.constant 1 : i32
      %dma_wait3A_2437 = arith.constant 0 : i32
      %dma_wait3A_2438 = arith.constant 0 : i32
      %dma_wait3A_2439 = tpu.memref_slice %arg10[%dma_wait3A_2433, %dma_wait3A_2437, %dma_wait3A_2438] : memref<4x128x128xbf16, #tpu.memory_space<vmem>> -> memref<1x128x128xbf16, #tpu.memory_space<vmem>>
      %dma_wait3A_2440 = tpu.memref_squeeze %dma_wait3A_2439 : memref<1x128x128xbf16, #tpu.memory_space<vmem>> -> memref<128x128xbf16, #tpu.memory_space<vmem>>
      %dma_wait3A_2441 = arith.constant 0 : i32
      %dma_wait3A_2442 = tpu.memref_slice %arg9[%dma_wait3A_2434, %dma_wait3A_2435, %dma_wait3A_2436, %dma_wait3A_2441] : memref<2x10x2x128xi32, #tpu.memory_space<vmem>> -> memref<1x1x1x128xi32, #tpu.memory_space<vmem>>
      %dma_wait3A_2443 = tpu.memref_squeeze %dma_wait3A_2442 : memref<1x1x1x128xi32, #tpu.memory_space<vmem>> -> memref<128xi32, #tpu.memory_space<vmem>>
      %dma_wait3A_2444 = arith.constant 0 : i32
      %dma_wait3A_2445 = arith.constant 0 : i32
      %dma_wait3A_2446 = tpu.memref_slice %arg7[%dma_wait3A_2444, %dma_wait3A_2445] : memref<10112x128xbf16, #tpu.memory_space<vmem_shared>> -> memref<10112x128xbf16, #tpu.memory_space<vmem_shared>>
      tpu.wait_indirect_dma semaphore(%arg17 : memref<!tpu.dma_semaphore, #tpu.memory_space<semaphore_mem>>) src(%dma_wait3A_2440 : memref<128x128xbf16, #tpu.memory_space<vmem>>) dst(%dma_wait3A_2446 : memref<10112x128xbf16, #tpu.memory_space<vmem_shared>>)
      %dma_start3A_2447 = arith.constant 1 : i32
      %dma_start3A_2448 = arith.constant 4 : i32
      %dma_start3A_2449 = arith.constant 0 : i32
      %dma_start3A_2450 = arith.constant 0 : i32
      %dma_start3A_2451 = arith.constant 0 : i32
      %dma_start3A_2452 = arith.constant 0 : i32
      %dma_start3A_2453 = tpu.memref_slice %arg10[%dma_start3A_2450, %dma_start3A_2451, %dma_start3A_2452] : memref<4x128x128xbf16, #tpu.memory_space<vmem>> -> memref<1x128x128xbf16, #tpu.memory_space<vmem>>
      %dma_start3A_2454 = tpu.memref_squeeze %dma_start3A_2453 : memref<1x128x128xbf16, #tpu.memory_space<vmem>> -> memref<128x128xbf16, #tpu.memory_space<vmem>>
      %dma_start3A_2455 = arith.constant 0 : i32
      %dma_start3A_2456 = tpu.memref_slice %arg9[%dma_start3A_2447, %dma_start3A_2448, %dma_start3A_2449, %dma_start3A_2455] : memref<2x10x2x128xi32, #tpu.memory_space<vmem>> -> memref<1x1x1x128xi32, #tpu.memory_space<vmem>>
      %dma_start3A_2457 = tpu.memref_squeeze %dma_start3A_2456 : memref<1x1x1x128xi32, #tpu.memory_space<vmem>> -> memref<128xi32, #tpu.memory_space<vmem>>
      %dma_start3A_2458 = arith.constant 0 : i32
      %dma_start3A_2459 = arith.constant 0 : i32
      %dma_start3A_2460 = tpu.memref_slice %arg2[%dma_start3A_2458, %dma_start3A_2459] : memref<10000x128xbf16, #tpu.memory_space<hbm>> -> memref<10000x128xbf16, #tpu.memory_space<hbm>>
      tpu.enqueue_indirect_dma source(%dma_start3A_2460 : memref<10000x128xbf16, #tpu.memory_space<hbm>>) target(%dma_start3A_2454 : memref<128x128xbf16, #tpu.memory_space<vmem>>) offsets(%dma_start3A_2457 : memref<128xi32, #tpu.memory_space<vmem>>) semaphore(%arg13 : memref<!tpu.dma_semaphore, #tpu.memory_space<semaphore_mem>>)
      %dma_wait3A_2461 = arith.constant 1 : i32
      %dma_wait3A_2462 = arith.constant 4 : i32
      %dma_wait3A_2463 = arith.constant 0 : i32
      %dma_wait3A_2464 = arith.constant 0 : i32
      %dma_wait3A_2465 = arith.constant 0 : i32
      %dma_wait3A_2466 = arith.constant 0 : i32
      %dma_wait3A_2467 = tpu.memref_slice %arg10[%dma_wait3A_2464, %dma_wait3A_2465, %dma_wait3A_2466] : memref<4x128x128xbf16, #tpu.memory_space<vmem>> -> memref<1x128x128xbf16, #tpu.memory_space<vmem>>
      %dma_wait3A_2468 = tpu.memref_squeeze %dma_wait3A_2467 : memref<1x128x128xbf16, #tpu.memory_space<vmem>> -> memref<128x128xbf16, #tpu.memory_space<vmem>>
      %dma_wait3A_2469 = arith.constant 0 : i32
      %dma_wait3A_2470 = tpu.memref_slice %arg9[%dma_wait3A_2461, %dma_wait3A_2462, %dma_wait3A_2463, %dma_wait3A_2469] : memref<2x10x2x128xi32, #tpu.memory_space<vmem>> -> memref<1x1x1x128xi32, #tpu.memory_space<vmem>>
      %dma_wait3A_2471 = tpu.memref_squeeze %dma_wait3A_2470 : memref<1x1x1x128xi32, #tpu.memory_space<vmem>> -> memref<128xi32, #tpu.memory_space<vmem>>
      %dma_wait3A_2472 = arith.constant 0 : i32
      %dma_wait3A_2473 = arith.constant 0 : i32
      %dma_wait3A_2474 = tpu.memref_slice %arg2[%dma_wait3A_2472, %dma_wait3A_2473] : memref<10000x128xbf16, #tpu.memory_space<hbm>> -> memref<10000x128xbf16, #tpu.memory_space<hbm>>
      tpu.wait_indirect_dma semaphore(%arg13 : memref<!tpu.dma_semaphore, #tpu.memory_space<semaphore_mem>>) src(%dma_wait3A_2474 : memref<10000x128xbf16, #tpu.memory_space<hbm>>) dst(%dma_wait3A_2468 : memref<128x128xbf16, #tpu.memory_space<vmem>>)
      %dma_start3A_2475 = arith.constant 0 : i32
      %dma_start3A_2476 = arith.constant 1 : i32
      %dma_start3A_2477 = arith.constant 4 : i32
      %dma_start3A_2478 = arith.constant 1 : i32
      %dma_start3A_2479 = arith.constant 0 : i32
      %dma_start3A_2480 = arith.constant 0 : i32
      %dma_start3A_2481 = tpu.memref_slice %arg10[%dma_start3A_2475, %dma_start3A_2479, %dma_start3A_2480] : memref<4x128x128xbf16, #tpu.memory_space<vmem>> -> memref<1x128x128xbf16, #tpu.memory_space<vmem>>
      %dma_start3A_2482 = tpu.memref_squeeze %dma_start3A_2481 : memref<1x128x128xbf16, #tpu.memory_space<vmem>> -> memref<128x128xbf16, #tpu.memory_space<vmem>>
      %dma_start3A_2483 = arith.constant 0 : i32
      %dma_start3A_2484 = tpu.memref_slice %arg9[%dma_start3A_2476, %dma_start3A_2477, %dma_start3A_2478, %dma_start3A_2483] : memref<2x10x2x128xi32, #tpu.memory_space<vmem>> -> memref<1x1x1x128xi32, #tpu.memory_space<vmem>>
      %dma_start3A_2485 = tpu.memref_squeeze %dma_start3A_2484 : memref<1x1x1x128xi32, #tpu.memory_space<vmem>> -> memref<128xi32, #tpu.memory_space<vmem>>
      %dma_start3A_2486 = arith.constant 0 : i32
      %dma_start3A_2487 = arith.constant 0 : i32
      %dma_start3A_2488 = tpu.memref_slice %arg7[%dma_start3A_2486, %dma_start3A_2487] : memref<10112x128xbf16, #tpu.memory_space<vmem_shared>> -> memref<10112x128xbf16, #tpu.memory_space<vmem_shared>>
      tpu.enqueue_indirect_dma source(%dma_start3A_2482 : memref<128x128xbf16, #tpu.memory_space<vmem>>) target(%dma_start3A_2488 : memref<10112x128xbf16, #tpu.memory_space<vmem_shared>>) offsets(%dma_start3A_2485 : memref<128xi32, #tpu.memory_space<vmem>>) semaphore(%arg17 : memref<!tpu.dma_semaphore, #tpu.memory_space<semaphore_mem>>) {add = true}
      %get3A_2489 = arith.constant 1 : i32
      %get3A_2490 = arith.constant 4 : i32
      %get3A_2491 = arith.constant 1 : i32
      %get3A_2492 = arith.index_cast %get3A_2489 : i32 to index
      %get3A_2493 = arith.index_cast %get3A_2490 : i32 to index
      %get3A_2494 = arith.index_cast %get3A_2491 : i32 to index
      %get3A_2495 = arith.constant 0 : index
      %get3A_2496 = tpu.vector_load %arg9[%get3A_2492, %get3A_2493, %get3A_2494, %get3A_2495] {strides = array<i32>} : memref<2x10x2x128xi32, #tpu.memory_space<vmem>>, vector<16xi32>,
      %shift_right_arithmetic3A_2497 = arith.constant 7 : i32
      %shift_right_arithmetic3A_2498 = vector.broadcast %shift_right_arithmetic3A_2497 : i32 to vector<16xi32>
      %shift_right_arithmetic3A_2499 = arith.shrsi %get3A_2496, %shift_right_arithmetic3A_2498 : vector<16xi32>
      %and3A_2500 = arith.constant 127 : i32
      %and3A_2501 = vector.broadcast %and3A_2500 : i32 to vector<16xi32>
      %and3A_2502 = arith.andi %get3A_2496, %and3A_2501 : vector<16xi32>
      tpu.vector_store_idx %arg11[%shift_right_arithmetic3A_2499, %and3A_2502], %broadcast_in_dim3A_23 {add = true} : memref<80x128xf32, #tpu.memory_space<vmem>>[vector<16xi32>, vector<16xi32>], vector<16xf32>,
      %get3A_2503 = arith.constant 1 : i32
      %get3A_2504 = arith.constant 4 : i32
      %get3A_2505 = arith.constant 1 : i32
      %get3A_2506 = arith.index_cast %get3A_2503 : i32 to index
      %get3A_2507 = arith.index_cast %get3A_2504 : i32 to index
      %get3A_2508 = arith.index_cast %get3A_2505 : i32 to index
      %get3A_2509 = arith.constant 16 : index
      %get3A_2510 = tpu.vector_load %arg9[%get3A_2506, %get3A_2507, %get3A_2508, %get3A_2509] {strides = array<i32>} : memref<2x10x2x128xi32, #tpu.memory_space<vmem>>, vector<16xi32>,
      %shift_right_arithmetic3A_2511 = arith.constant 7 : i32
      %shift_right_arithmetic3A_2512 = vector.broadcast %shift_right_arithmetic3A_2511 : i32 to vector<16xi32>
      %shift_right_arithmetic3A_2513 = arith.shrsi %get3A_2510, %shift_right_arithmetic3A_2512 : vector<16xi32>
      %and3A_2514 = arith.constant 127 : i32
      %and3A_2515 = vector.broadcast %and3A_2514 : i32 to vector<16xi32>
      %and3A_2516 = arith.andi %get3A_2510, %and3A_2515 : vector<16xi32>
      tpu.vector_store_idx %arg11[%shift_right_arithmetic3A_2513, %and3A_2516], %broadcast_in_dim3A_23 {add = true} : memref<80x128xf32, #tpu.memory_space<vmem>>[vector<16xi32>, vector<16xi32>], vector<16xf32>,
      %get3A_2517 = arith.constant 1 : i32
      %get3A_2518 = arith.constant 4 : i32
      %get3A_2519 = arith.constant 1 : i32
      %get3A_2520 = arith.index_cast %get3A_2517 : i32 to index
      %get3A_2521 = arith.index_cast %get3A_2518 : i32 to index
      %get3A_2522 = arith.index_cast %get3A_2519 : i32 to index
      %get3A_2523 = arith.constant 32 : index
      %get3A_2524 = tpu.vector_load %arg9[%get3A_2520, %get3A_2521, %get3A_2522, %get3A_2523] {strides = array<i32>} : memref<2x10x2x128xi32, #tpu.memory_space<vmem>>, vector<16xi32>,
      %shift_right_arithmetic3A_2525 = arith.constant 7 : i32
      %shift_right_arithmetic3A_2526 = vector.broadcast %shift_right_arithmetic3A_2525 : i32 to vector<16xi32>
      %shift_right_arithmetic3A_2527 = arith.shrsi %get3A_2524, %shift_right_arithmetic3A_2526 : vector<16xi32>
      %and3A_2528 = arith.constant 127 : i32
      %and3A_2529 = vector.broadcast %and3A_2528 : i32 to vector<16xi32>
      %and3A_2530 = arith.andi %get3A_2524, %and3A_2529 : vector<16xi32>
      tpu.vector_store_idx %arg11[%shift_right_arithmetic3A_2527, %and3A_2530], %broadcast_in_dim3A_23 {add = true} : memref<80x128xf32, #tpu.memory_space<vmem>>[vector<16xi32>, vector<16xi32>], vector<16xf32>,
      %get3A_2531 = arith.constant 1 : i32
      %get3A_2532 = arith.constant 4 : i32
      %get3A_2533 = arith.constant 1 : i32
      %get3A_2534 = arith.index_cast %get3A_2531 : i32 to index
      %get3A_2535 = arith.index_cast %get3A_2532 : i32 to index
      %get3A_2536 = arith.index_cast %get3A_2533 : i32 to index
      %get3A_2537 = arith.constant 48 : index
      %get3A_2538 = tpu.vector_load %arg9[%get3A_2534, %get3A_2535, %get3A_2536, %get3A_2537] {strides = array<i32>} : memref<2x10x2x128xi32, #tpu.memory_space<vmem>>, vector<16xi32>,
      %shift_right_arithmetic3A_2539 = arith.constant 7 : i32
      %shift_right_arithmetic3A_2540 = vector.broadcast %shift_right_arithmetic3A_2539 : i32 to vector<16xi32>
      %shift_right_arithmetic3A_2541 = arith.shrsi %get3A_2538, %shift_right_arithmetic3A_2540 : vector<16xi32>
      %and3A_2542 = arith.constant 127 : i32
      %and3A_2543 = vector.broadcast %and3A_2542 : i32 to vector<16xi32>
      %and3A_2544 = arith.andi %get3A_2538, %and3A_2543 : vector<16xi32>
      tpu.vector_store_idx %arg11[%shift_right_arithmetic3A_2541, %and3A_2544], %broadcast_in_dim3A_23 {add = true} : memref<80x128xf32, #tpu.memory_space<vmem>>[vector<16xi32>, vector<16xi32>], vector<16xf32>,
      %get3A_2545 = arith.constant 1 : i32
      %get3A_2546 = arith.constant 4 : i32
      %get3A_2547 = arith.constant 1 : i32
      %get3A_2548 = arith.index_cast %get3A_2545 : i32 to index
      %get3A_2549 = arith.index_cast %get3A_2546 : i32 to index
      %get3A_2550 = arith.index_cast %get3A_2547 : i32 to index
      %get3A_2551 = arith.constant 64 : index
      %get3A_2552 = tpu.vector_load %arg9[%get3A_2548, %get3A_2549, %get3A_2550, %get3A_2551] {strides = array<i32>} : memref<2x10x2x128xi32, #tpu.memory_space<vmem>>, vector<16xi32>,
      %shift_right_arithmetic3A_2553 = arith.constant 7 : i32
      %shift_right_arithmetic3A_2554 = vector.broadcast %shift_right_arithmetic3A_2553 : i32 to vector<16xi32>
      %shift_right_arithmetic3A_2555 = arith.shrsi %get3A_2552, %shift_right_arithmetic3A_2554 : vector<16xi32>
      %and3A_2556 = arith.constant 127 : i32
      %and3A_2557 = vector.broadcast %and3A_2556 : i32 to vector<16xi32>
      %and3A_2558 = arith.andi %get3A_2552, %and3A_2557 : vector<16xi32>
      tpu.vector_store_idx %arg11[%shift_right_arithmetic3A_2555, %and3A_2558], %broadcast_in_dim3A_23 {add = true} : memref<80x128xf32, #tpu.memory_space<vmem>>[vector<16xi32>, vector<16xi32>], vector<16xf32>,
      %get3A_2559 = arith.constant 1 : i32
      %get3A_2560 = arith.constant 4 : i32
      %get3A_2561 = arith.constant 1 : i32
      %get3A_2562 = arith.index_cast %get3A_2559 : i32 to index
      %get3A_2563 = arith.index_cast %get3A_2560 : i32 to index
      %get3A_2564 = arith.index_cast %get3A_2561 : i32 to index
      %get3A_2565 = arith.constant 80 : index
      %get3A_2566 = tpu.vector_load %arg9[%get3A_2562, %get3A_2563, %get3A_2564, %get3A_2565] {strides = array<i32>} : memref<2x10x2x128xi32, #tpu.memory_space<vmem>>, vector<16xi32>,
      %shift_right_arithmetic3A_2567 = arith.constant 7 : i32
      %shift_right_arithmetic3A_2568 = vector.broadcast %shift_right_arithmetic3A_2567 : i32 to vector<16xi32>
      %shift_right_arithmetic3A_2569 = arith.shrsi %get3A_2566, %shift_right_arithmetic3A_2568 : vector<16xi32>
      %and3A_2570 = arith.constant 127 : i32
      %and3A_2571 = vector.broadcast %and3A_2570 : i32 to vector<16xi32>
      %and3A_2572 = arith.andi %get3A_2566, %and3A_2571 : vector<16xi32>
      tpu.vector_store_idx %arg11[%shift_right_arithmetic3A_2569, %and3A_2572], %broadcast_in_dim3A_23 {add = true} : memref<80x128xf32, #tpu.memory_space<vmem>>[vector<16xi32>, vector<16xi32>], vector<16xf32>,
      %get3A_2573 = arith.constant 1 : i32
      %get3A_2574 = arith.constant 4 : i32
      %get3A_2575 = arith.constant 1 : i32
      %get3A_2576 = arith.index_cast %get3A_2573 : i32 to index
      %get3A_2577 = arith.index_cast %get3A_2574 : i32 to index
      %get3A_2578 = arith.index_cast %get3A_2575 : i32 to index
      %get3A_2579 = arith.constant 96 : index
      %get3A_2580 = tpu.vector_load %arg9[%get3A_2576, %get3A_2577, %get3A_2578, %get3A_2579] {strides = array<i32>} : memref<2x10x2x128xi32, #tpu.memory_space<vmem>>, vector<16xi32>,
      %shift_right_arithmetic3A_2581 = arith.constant 7 : i32
      %shift_right_arithmetic3A_2582 = vector.broadcast %shift_right_arithmetic3A_2581 : i32 to vector<16xi32>
      %shift_right_arithmetic3A_2583 = arith.shrsi %get3A_2580, %shift_right_arithmetic3A_2582 : vector<16xi32>
      %and3A_2584 = arith.constant 127 : i32
      %and3A_2585 = vector.broadcast %and3A_2584 : i32 to vector<16xi32>
      %and3A_2586 = arith.andi %get3A_2580, %and3A_2585 : vector<16xi32>
      tpu.vector_store_idx %arg11[%shift_right_arithmetic3A_2583, %and3A_2586], %broadcast_in_dim3A_23 {add = true} : memref<80x128xf32, #tpu.memory_space<vmem>>[vector<16xi32>, vector<16xi32>], vector<16xf32>,
      %get3A_2587 = arith.constant 1 : i32
      %get3A_2588 = arith.constant 4 : i32
      %get3A_2589 = arith.constant 1 : i32
      %get3A_2590 = arith.index_cast %get3A_2587 : i32 to index
      %get3A_2591 = arith.index_cast %get3A_2588 : i32 to index
      %get3A_2592 = arith.index_cast %get3A_2589 : i32 to index
      %get3A_2593 = arith.constant 112 : index
      %get3A_2594 = tpu.vector_load %arg9[%get3A_2590, %get3A_2591, %get3A_2592, %get3A_2593] {strides = array<i32>} : memref<2x10x2x128xi32, #tpu.memory_space<vmem>>, vector<16xi32>,
      %shift_right_arithmetic3A_2595 = arith.constant 7 : i32
      %shift_right_arithmetic3A_2596 = vector.broadcast %shift_right_arithmetic3A_2595 : i32 to vector<16xi32>
      %shift_right_arithmetic3A_2597 = arith.shrsi %get3A_2594, %shift_right_arithmetic3A_2596 : vector<16xi32>
      %and3A_2598 = arith.constant 127 : i32
      %and3A_2599 = vector.broadcast %and3A_2598 : i32 to vector<16xi32>
      %and3A_2600 = arith.andi %get3A_2594, %and3A_2599 : vector<16xi32>
      tpu.vector_store_idx %arg11[%shift_right_arithmetic3A_2597, %and3A_2600], %broadcast_in_dim3A_23 {add = true} : memref<80x128xf32, #tpu.memory_space<vmem>>[vector<16xi32>, vector<16xi32>], vector<16xf32>,
      %dma_wait3A_2601 = arith.constant 1 : i32
      %dma_wait3A_2602 = arith.constant 1 : i32
      %dma_wait3A_2603 = arith.constant 1 : i32
      %dma_wait3A_2604 = arith.constant 1 : i32
      %dma_wait3A_2605 = arith.constant 0 : i32
      %dma_wait3A_2606 = arith.constant 0 : i32
      %dma_wait3A_2607 = tpu.memref_slice %arg10[%dma_wait3A_2601, %dma_wait3A_2605, %dma_wait3A_2606] : memref<4x128x128xbf16, #tpu.memory_space<vmem>> -> memref<1x128x128xbf16, #tpu.memory_space<vmem>>
      %dma_wait3A_2608 = tpu.memref_squeeze %dma_wait3A_2607 : memref<1x128x128xbf16, #tpu.memory_space<vmem>> -> memref<128x128xbf16, #tpu.memory_space<vmem>>
      %dma_wait3A_2609 = arith.constant 0 : i32
      %dma_wait3A_2610 = tpu.memref_slice %arg9[%dma_wait3A_2602, %dma_wait3A_2603, %dma_wait3A_2604, %dma_wait3A_2609] : memref<2x10x2x128xi32, #tpu.memory_space<vmem>> -> memref<1x1x1x128xi32, #tpu.memory_space<vmem>>
      %dma_wait3A_2611 = tpu.memref_squeeze %dma_wait3A_2610 : memref<1x1x1x128xi32, #tpu.memory_space<vmem>> -> memref<128xi32, #tpu.memory_space<vmem>>
      %dma_wait3A_2612 = arith.constant 0 : i32
      %dma_wait3A_2613 = arith.constant 0 : i32
      %dma_wait3A_2614 = tpu.memref_slice %arg7[%dma_wait3A_2612, %dma_wait3A_2613] : memref<10112x128xbf16, #tpu.memory_space<vmem_shared>> -> memref<10112x128xbf16, #tpu.memory_space<vmem_shared>>
      tpu.wait_indirect_dma semaphore(%arg18 : memref<!tpu.dma_semaphore, #tpu.memory_space<semaphore_mem>>) src(%dma_wait3A_2608 : memref<128x128xbf16, #tpu.memory_space<vmem>>) dst(%dma_wait3A_2614 : memref<10112x128xbf16, #tpu.memory_space<vmem_shared>>)
      %dma_start3A_2615 = arith.constant 1 : i32
      %dma_start3A_2616 = arith.constant 5 : i32
      %dma_start3A_2617 = arith.constant 0 : i32
      %dma_start3A_2618 = arith.constant 1 : i32
      %dma_start3A_2619 = arith.constant 0 : i32
      %dma_start3A_2620 = arith.constant 0 : i32
      %dma_start3A_2621 = tpu.memref_slice %arg10[%dma_start3A_2618, %dma_start3A_2619, %dma_start3A_2620] : memref<4x128x128xbf16, #tpu.memory_space<vmem>> -> memref<1x128x128xbf16, #tpu.memory_space<vmem>>
      %dma_start3A_2622 = tpu.memref_squeeze %dma_start3A_2621 : memref<1x128x128xbf16, #tpu.memory_space<vmem>> -> memref<128x128xbf16, #tpu.memory_space<vmem>>
      %dma_start3A_2623 = arith.constant 0 : i32
      %dma_start3A_2624 = tpu.memref_slice %arg9[%dma_start3A_2615, %dma_start3A_2616, %dma_start3A_2617, %dma_start3A_2623] : memref<2x10x2x128xi32, #tpu.memory_space<vmem>> -> memref<1x1x1x128xi32, #tpu.memory_space<vmem>>
      %dma_start3A_2625 = tpu.memref_squeeze %dma_start3A_2624 : memref<1x1x1x128xi32, #tpu.memory_space<vmem>> -> memref<128xi32, #tpu.memory_space<vmem>>
      %dma_start3A_2626 = arith.constant 0 : i32
      %dma_start3A_2627 = arith.constant 0 : i32
      %dma_start3A_2628 = tpu.memref_slice %arg2[%dma_start3A_2626, %dma_start3A_2627] : memref<10000x128xbf16, #tpu.memory_space<hbm>> -> memref<10000x128xbf16, #tpu.memory_space<hbm>>
      tpu.enqueue_indirect_dma source(%dma_start3A_2628 : memref<10000x128xbf16, #tpu.memory_space<hbm>>) target(%dma_start3A_2622 : memref<128x128xbf16, #tpu.memory_space<vmem>>) offsets(%dma_start3A_2625 : memref<128xi32, #tpu.memory_space<vmem>>) semaphore(%arg14 : memref<!tpu.dma_semaphore, #tpu.memory_space<semaphore_mem>>)
      %dma_wait3A_2629 = arith.constant 1 : i32
      %dma_wait3A_2630 = arith.constant 5 : i32
      %dma_wait3A_2631 = arith.constant 0 : i32
      %dma_wait3A_2632 = arith.constant 1 : i32
      %dma_wait3A_2633 = arith.constant 0 : i32
      %dma_wait3A_2634 = arith.constant 0 : i32
      %dma_wait3A_2635 = tpu.memref_slice %arg10[%dma_wait3A_2632, %dma_wait3A_2633, %dma_wait3A_2634] : memref<4x128x128xbf16, #tpu.memory_space<vmem>> -> memref<1x128x128xbf16, #tpu.memory_space<vmem>>
      %dma_wait3A_2636 = tpu.memref_squeeze %dma_wait3A_2635 : memref<1x128x128xbf16, #tpu.memory_space<vmem>> -> memref<128x128xbf16, #tpu.memory_space<vmem>>
      %dma_wait3A_2637 = arith.constant 0 : i32
      %dma_wait3A_2638 = tpu.memref_slice %arg9[%dma_wait3A_2629, %dma_wait3A_2630, %dma_wait3A_2631, %dma_wait3A_2637] : memref<2x10x2x128xi32, #tpu.memory_space<vmem>> -> memref<1x1x1x128xi32, #tpu.memory_space<vmem>>
      %dma_wait3A_2639 = tpu.memref_squeeze %dma_wait3A_2638 : memref<1x1x1x128xi32, #tpu.memory_space<vmem>> -> memref<128xi32, #tpu.memory_space<vmem>>
      %dma_wait3A_2640 = arith.constant 0 : i32
      %dma_wait3A_2641 = arith.constant 0 : i32
      %dma_wait3A_2642 = tpu.memref_slice %arg2[%dma_wait3A_2640, %dma_wait3A_2641] : memref<10000x128xbf16, #tpu.memory_space<hbm>> -> memref<10000x128xbf16, #tpu.memory_space<hbm>>
      tpu.wait_indirect_dma semaphore(%arg14 : memref<!tpu.dma_semaphore, #tpu.memory_space<semaphore_mem>>) src(%dma_wait3A_2642 : memref<10000x128xbf16, #tpu.memory_space<hbm>>) dst(%dma_wait3A_2636 : memref<128x128xbf16, #tpu.memory_space<vmem>>)
      %dma_start3A_2643 = arith.constant 1 : i32
      %dma_start3A_2644 = arith.constant 1 : i32
      %dma_start3A_2645 = arith.constant 5 : i32
      %dma_start3A_2646 = arith.constant 1 : i32
      %dma_start3A_2647 = arith.constant 0 : i32
      %dma_start3A_2648 = arith.constant 0 : i32
      %dma_start3A_2649 = tpu.memref_slice %arg10[%dma_start3A_2643, %dma_start3A_2647, %dma_start3A_2648] : memref<4x128x128xbf16, #tpu.memory_space<vmem>> -> memref<1x128x128xbf16, #tpu.memory_space<vmem>>
      %dma_start3A_2650 = tpu.memref_squeeze %dma_start3A_2649 : memref<1x128x128xbf16, #tpu.memory_space<vmem>> -> memref<128x128xbf16, #tpu.memory_space<vmem>>
      %dma_start3A_2651 = arith.constant 0 : i32
      %dma_start3A_2652 = tpu.memref_slice %arg9[%dma_start3A_2644, %dma_start3A_2645, %dma_start3A_2646, %dma_start3A_2651] : memref<2x10x2x128xi32, #tpu.memory_space<vmem>> -> memref<1x1x1x128xi32, #tpu.memory_space<vmem>>
      %dma_start3A_2653 = tpu.memref_squeeze %dma_start3A_2652 : memref<1x1x1x128xi32, #tpu.memory_space<vmem>> -> memref<128xi32, #tpu.memory_space<vmem>>
      %dma_start3A_2654 = arith.constant 0 : i32
      %dma_start3A_2655 = arith.constant 0 : i32
      %dma_start3A_2656 = tpu.memref_slice %arg7[%dma_start3A_2654, %dma_start3A_2655] : memref<10112x128xbf16, #tpu.memory_space<vmem_shared>> -> memref<10112x128xbf16, #tpu.memory_space<vmem_shared>>
      tpu.enqueue_indirect_dma source(%dma_start3A_2650 : memref<128x128xbf16, #tpu.memory_space<vmem>>) target(%dma_start3A_2656 : memref<10112x128xbf16, #tpu.memory_space<vmem_shared>>) offsets(%dma_start3A_2653 : memref<128xi32, #tpu.memory_space<vmem>>) semaphore(%arg18 : memref<!tpu.dma_semaphore, #tpu.memory_space<semaphore_mem>>) {add = true}
      %get3A_2657 = arith.constant 1 : i32
      %get3A_2658 = arith.constant 5 : i32
      %get3A_2659 = arith.constant 1 : i32
      %get3A_2660 = arith.index_cast %get3A_2657 : i32 to index
      %get3A_2661 = arith.index_cast %get3A_2658 : i32 to index
      %get3A_2662 = arith.index_cast %get3A_2659 : i32 to index
      %get3A_2663 = arith.constant 0 : index
      %get3A_2664 = tpu.vector_load %arg9[%get3A_2660, %get3A_2661, %get3A_2662, %get3A_2663] {strides = array<i32>} : memref<2x10x2x128xi32, #tpu.memory_space<vmem>>, vector<16xi32>,
      %shift_right_arithmetic3A_2665 = arith.constant 7 : i32
      %shift_right_arithmetic3A_2666 = vector.broadcast %shift_right_arithmetic3A_2665 : i32 to vector<16xi32>
      %shift_right_arithmetic3A_2667 = arith.shrsi %get3A_2664, %shift_right_arithmetic3A_2666 : vector<16xi32>
      %and3A_2668 = arith.constant 127 : i32
      %and3A_2669 = vector.broadcast %and3A_2668 : i32 to vector<16xi32>
      %and3A_2670 = arith.andi %get3A_2664, %and3A_2669 : vector<16xi32>
      tpu.vector_store_idx %arg11[%shift_right_arithmetic3A_2667, %and3A_2670], %broadcast_in_dim3A_23 {add = true} : memref<80x128xf32, #tpu.memory_space<vmem>>[vector<16xi32>, vector<16xi32>], vector<16xf32>,
      %get3A_2671 = arith.constant 1 : i32
      %get3A_2672 = arith.constant 5 : i32
      %get3A_2673 = arith.constant 1 : i32
      %get3A_2674 = arith.index_cast %get3A_2671 : i32 to index
      %get3A_2675 = arith.index_cast %get3A_2672 : i32 to index
      %get3A_2676 = arith.index_cast %get3A_2673 : i32 to index
      %get3A_2677 = arith.constant 16 : index
      %get3A_2678 = tpu.vector_load %arg9[%get3A_2674, %get3A_2675, %get3A_2676, %get3A_2677] {strides = array<i32>} : memref<2x10x2x128xi32, #tpu.memory_space<vmem>>, vector<16xi32>,
      %shift_right_arithmetic3A_2679 = arith.constant 7 : i32
      %shift_right_arithmetic3A_2680 = vector.broadcast %shift_right_arithmetic3A_2679 : i32 to vector<16xi32>
      %shift_right_arithmetic3A_2681 = arith.shrsi %get3A_2678, %shift_right_arithmetic3A_2680 : vector<16xi32>
      %and3A_2682 = arith.constant 127 : i32
      %and3A_2683 = vector.broadcast %and3A_2682 : i32 to vector<16xi32>
      %and3A_2684 = arith.andi %get3A_2678, %and3A_2683 : vector<16xi32>
      tpu.vector_store_idx %arg11[%shift_right_arithmetic3A_2681, %and3A_2684], %broadcast_in_dim3A_23 {add = true} : memref<80x128xf32, #tpu.memory_space<vmem>>[vector<16xi32>, vector<16xi32>], vector<16xf32>,
      %get3A_2685 = arith.constant 1 : i32
      %get3A_2686 = arith.constant 5 : i32
      %get3A_2687 = arith.constant 1 : i32
      %get3A_2688 = arith.index_cast %get3A_2685 : i32 to index
      %get3A_2689 = arith.index_cast %get3A_2686 : i32 to index
      %get3A_2690 = arith.index_cast %get3A_2687 : i32 to index
      %get3A_2691 = arith.constant 32 : index
      %get3A_2692 = tpu.vector_load %arg9[%get3A_2688, %get3A_2689, %get3A_2690, %get3A_2691] {strides = array<i32>} : memref<2x10x2x128xi32, #tpu.memory_space<vmem>>, vector<16xi32>,
      %shift_right_arithmetic3A_2693 = arith.constant 7 : i32
      %shift_right_arithmetic3A_2694 = vector.broadcast %shift_right_arithmetic3A_2693 : i32 to vector<16xi32>
      %shift_right_arithmetic3A_2695 = arith.shrsi %get3A_2692, %shift_right_arithmetic3A_2694 : vector<16xi32>
      %and3A_2696 = arith.constant 127 : i32
      %and3A_2697 = vector.broadcast %and3A_2696 : i32 to vector<16xi32>
      %and3A_2698 = arith.andi %get3A_2692, %and3A_2697 : vector<16xi32>
      tpu.vector_store_idx %arg11[%shift_right_arithmetic3A_2695, %and3A_2698], %broadcast_in_dim3A_23 {add = true} : memref<80x128xf32, #tpu.memory_space<vmem>>[vector<16xi32>, vector<16xi32>], vector<16xf32>,
      %get3A_2699 = arith.constant 1 : i32
      %get3A_2700 = arith.constant 5 : i32
      %get3A_2701 = arith.constant 1 : i32
      %get3A_2702 = arith.index_cast %get3A_2699 : i32 to index
      %get3A_2703 = arith.index_cast %get3A_2700 : i32 to index
      %get3A_2704 = arith.index_cast %get3A_2701 : i32 to index
      %get3A_2705 = arith.constant 48 : index
      %get3A_2706 = tpu.vector_load %arg9[%get3A_2702, %get3A_2703, %get3A_2704, %get3A_2705] {strides = array<i32>} : memref<2x10x2x128xi32, #tpu.memory_space<vmem>>, vector<16xi32>,
      %shift_right_arithmetic3A_2707 = arith.constant 7 : i32
      %shift_right_arithmetic3A_2708 = vector.broadcast %shift_right_arithmetic3A_2707 : i32 to vector<16xi32>
      %shift_right_arithmetic3A_2709 = arith.shrsi %get3A_2706, %shift_right_arithmetic3A_2708 : vector<16xi32>
      %and3A_2710 = arith.constant 127 : i32
      %and3A_2711 = vector.broadcast %and3A_2710 : i32 to vector<16xi32>
      %and3A_2712 = arith.andi %get3A_2706, %and3A_2711 : vector<16xi32>
      tpu.vector_store_idx %arg11[%shift_right_arithmetic3A_2709, %and3A_2712], %broadcast_in_dim3A_23 {add = true} : memref<80x128xf32, #tpu.memory_space<vmem>>[vector<16xi32>, vector<16xi32>], vector<16xf32>,
      %get3A_2713 = arith.constant 1 : i32
      %get3A_2714 = arith.constant 5 : i32
      %get3A_2715 = arith.constant 1 : i32
      %get3A_2716 = arith.index_cast %get3A_2713 : i32 to index
      %get3A_2717 = arith.index_cast %get3A_2714 : i32 to index
      %get3A_2718 = arith.index_cast %get3A_2715 : i32 to index
      %get3A_2719 = arith.constant 64 : index
      %get3A_2720 = tpu.vector_load %arg9[%get3A_2716, %get3A_2717, %get3A_2718, %get3A_2719] {strides = array<i32>} : memref<2x10x2x128xi32, #tpu.memory_space<vmem>>, vector<16xi32>,
      %shift_right_arithmetic3A_2721 = arith.constant 7 : i32
      %shift_right_arithmetic3A_2722 = vector.broadcast %shift_right_arithmetic3A_2721 : i32 to vector<16xi32>
      %shift_right_arithmetic3A_2723 = arith.shrsi %get3A_2720, %shift_right_arithmetic3A_2722 : vector<16xi32>
      %and3A_2724 = arith.constant 127 : i32
      %and3A_2725 = vector.broadcast %and3A_2724 : i32 to vector<16xi32>
      %and3A_2726 = arith.andi %get3A_2720, %and3A_2725 : vector<16xi32>
      tpu.vector_store_idx %arg11[%shift_right_arithmetic3A_2723, %and3A_2726], %broadcast_in_dim3A_23 {add = true} : memref<80x128xf32, #tpu.memory_space<vmem>>[vector<16xi32>, vector<16xi32>], vector<16xf32>,
      %get3A_2727 = arith.constant 1 : i32
      %get3A_2728 = arith.constant 5 : i32
      %get3A_2729 = arith.constant 1 : i32
      %get3A_2730 = arith.index_cast %get3A_2727 : i32 to index
      %get3A_2731 = arith.index_cast %get3A_2728 : i32 to index
      %get3A_2732 = arith.index_cast %get3A_2729 : i32 to index
      %get3A_2733 = arith.constant 80 : index
      %get3A_2734 = tpu.vector_load %arg9[%get3A_2730, %get3A_2731, %get3A_2732, %get3A_2733] {strides = array<i32>} : memref<2x10x2x128xi32, #tpu.memory_space<vmem>>, vector<16xi32>,
      %shift_right_arithmetic3A_2735 = arith.constant 7 : i32
      %shift_right_arithmetic3A_2736 = vector.broadcast %shift_right_arithmetic3A_2735 : i32 to vector<16xi32>
      %shift_right_arithmetic3A_2737 = arith.shrsi %get3A_2734, %shift_right_arithmetic3A_2736 : vector<16xi32>
      %and3A_2738 = arith.constant 127 : i32
      %and3A_2739 = vector.broadcast %and3A_2738 : i32 to vector<16xi32>
      %and3A_2740 = arith.andi %get3A_2734, %and3A_2739 : vector<16xi32>
      tpu.vector_store_idx %arg11[%shift_right_arithmetic3A_2737, %and3A_2740], %broadcast_in_dim3A_23 {add = true} : memref<80x128xf32, #tpu.memory_space<vmem>>[vector<16xi32>, vector<16xi32>], vector<16xf32>,
      %get3A_2741 = arith.constant 1 : i32
      %get3A_2742 = arith.constant 5 : i32
      %get3A_2743 = arith.constant 1 : i32
      %get3A_2744 = arith.index_cast %get3A_2741 : i32 to index
      %get3A_2745 = arith.index_cast %get3A_2742 : i32 to index
      %get3A_2746 = arith.index_cast %get3A_2743 : i32 to index
      %get3A_2747 = arith.constant 96 : index
      %get3A_2748 = tpu.vector_load %arg9[%get3A_2744, %get3A_2745, %get3A_2746, %get3A_2747] {strides = array<i32>} : memref<2x10x2x128xi32, #tpu.memory_space<vmem>>, vector<16xi32>,
      %shift_right_arithmetic3A_2749 = arith.constant 7 : i32
      %shift_right_arithmetic3A_2750 = vector.broadcast %shift_right_arithmetic3A_2749 : i32 to vector<16xi32>
      %shift_right_arithmetic3A_2751 = arith.shrsi %get3A_2748, %shift_right_arithmetic3A_2750 : vector<16xi32>
      %and3A_2752 = arith.constant 127 : i32
      %and3A_2753 = vector.broadcast %and3A_2752 : i32 to vector<16xi32>
      %and3A_2754 = arith.andi %get3A_2748, %and3A_2753 : vector<16xi32>
      tpu.vector_store_idx %arg11[%shift_right_arithmetic3A_2751, %and3A_2754], %broadcast_in_dim3A_23 {add = true} : memref<80x128xf32, #tpu.memory_space<vmem>>[vector<16xi32>, vector<16xi32>], vector<16xf32>,
      %get3A_2755 = arith.constant 1 : i32
      %get3A_2756 = arith.constant 5 : i32
      %get3A_2757 = arith.constant 1 : i32
      %get3A_2758 = arith.index_cast %get3A_2755 : i32 to index
      %get3A_2759 = arith.index_cast %get3A_2756 : i32 to index
      %get3A_2760 = arith.index_cast %get3A_2757 : i32 to index
      %get3A_2761 = arith.constant 112 : index
      %get3A_2762 = tpu.vector_load %arg9[%get3A_2758, %get3A_2759, %get3A_2760, %get3A_2761] {strides = array<i32>} : memref<2x10x2x128xi32, #tpu.memory_space<vmem>>, vector<16xi32>,
      %shift_right_arithmetic3A_2763 = arith.constant 7 : i32
      %shift_right_arithmetic3A_2764 = vector.broadcast %shift_right_arithmetic3A_2763 : i32 to vector<16xi32>
      %shift_right_arithmetic3A_2765 = arith.shrsi %get3A_2762, %shift_right_arithmetic3A_2764 : vector<16xi32>
      %and3A_2766 = arith.constant 127 : i32
      %and3A_2767 = vector.broadcast %and3A_2766 : i32 to vector<16xi32>
      %and3A_2768 = arith.andi %get3A_2762, %and3A_2767 : vector<16xi32>
      tpu.vector_store_idx %arg11[%shift_right_arithmetic3A_2765, %and3A_2768], %broadcast_in_dim3A_23 {add = true} : memref<80x128xf32, #tpu.memory_space<vmem>>[vector<16xi32>, vector<16xi32>], vector<16xf32>,
      %dma_wait3A_2769 = arith.constant 2 : i32
      %dma_wait3A_2770 = arith.constant 1 : i32
      %dma_wait3A_2771 = arith.constant 2 : i32
      %dma_wait3A_2772 = arith.constant 1 : i32
      %dma_wait3A_2773 = arith.constant 0 : i32
      %dma_wait3A_2774 = arith.constant 0 : i32
      %dma_wait3A_2775 = tpu.memref_slice %arg10[%dma_wait3A_2769, %dma_wait3A_2773, %dma_wait3A_2774] : memref<4x128x128xbf16, #tpu.memory_space<vmem>> -> memref<1x128x128xbf16, #tpu.memory_space<vmem>>
      %dma_wait3A_2776 = tpu.memref_squeeze %dma_wait3A_2775 : memref<1x128x128xbf16, #tpu.memory_space<vmem>> -> memref<128x128xbf16, #tpu.memory_space<vmem>>
      %dma_wait3A_2777 = arith.constant 0 : i32
      %dma_wait3A_2778 = tpu.memref_slice %arg9[%dma_wait3A_2770, %dma_wait3A_2771, %dma_wait3A_2772, %dma_wait3A_2777] : memref<2x10x2x128xi32, #tpu.memory_space<vmem>> -> memref<1x1x1x128xi32, #tpu.memory_space<vmem>>
      %dma_wait3A_2779 = tpu.memref_squeeze %dma_wait3A_2778 : memref<1x1x1x128xi32, #tpu.memory_space<vmem>> -> memref<128xi32, #tpu.memory_space<vmem>>
      %dma_wait3A_2780 = arith.constant 0 : i32
      %dma_wait3A_2781 = arith.constant 0 : i32
      %dma_wait3A_2782 = tpu.memref_slice %arg7[%dma_wait3A_2780, %dma_wait3A_2781] : memref<10112x128xbf16, #tpu.memory_space<vmem_shared>> -> memref<10112x128xbf16, #tpu.memory_space<vmem_shared>>
      tpu.wait_indirect_dma semaphore(%arg19 : memref<!tpu.dma_semaphore, #tpu.memory_space<semaphore_mem>>) src(%dma_wait3A_2776 : memref<128x128xbf16, #tpu.memory_space<vmem>>) dst(%dma_wait3A_2782 : memref<10112x128xbf16, #tpu.memory_space<vmem_shared>>)
      %dma_start3A_2783 = arith.constant 1 : i32
      %dma_start3A_2784 = arith.constant 6 : i32
      %dma_start3A_2785 = arith.constant 0 : i32
      %dma_start3A_2786 = arith.constant 2 : i32
      %dma_start3A_2787 = arith.constant 0 : i32
      %dma_start3A_2788 = arith.constant 0 : i32
      %dma_start3A_2789 = tpu.memref_slice %arg10[%dma_start3A_2786, %dma_start3A_2787, %dma_start3A_2788] : memref<4x128x128xbf16, #tpu.memory_space<vmem>> -> memref<1x128x128xbf16, #tpu.memory_space<vmem>>
      %dma_start3A_2790 = tpu.memref_squeeze %dma_start3A_2789 : memref<1x128x128xbf16, #tpu.memory_space<vmem>> -> memref<128x128xbf16, #tpu.memory_space<vmem>>
      %dma_start3A_2791 = arith.constant 0 : i32
      %dma_start3A_2792 = tpu.memref_slice %arg9[%dma_start3A_2783, %dma_start3A_2784, %dma_start3A_2785, %dma_start3A_2791] : memref<2x10x2x128xi32, #tpu.memory_space<vmem>> -> memref<1x1x1x128xi32, #tpu.memory_space<vmem>>
      %dma_start3A_2793 = tpu.memref_squeeze %dma_start3A_2792 : memref<1x1x1x128xi32, #tpu.memory_space<vmem>> -> memref<128xi32, #tpu.memory_space<vmem>>
      %dma_start3A_2794 = arith.constant 0 : i32
      %dma_start3A_2795 = arith.constant 0 : i32
      %dma_start3A_2796 = tpu.memref_slice %arg2[%dma_start3A_2794, %dma_start3A_2795] : memref<10000x128xbf16, #tpu.memory_space<hbm>> -> memref<10000x128xbf16, #tpu.memory_space<hbm>>
      tpu.enqueue_indirect_dma source(%dma_start3A_2796 : memref<10000x128xbf16, #tpu.memory_space<hbm>>) target(%dma_start3A_2790 : memref<128x128xbf16, #tpu.memory_space<vmem>>) offsets(%dma_start3A_2793 : memref<128xi32, #tpu.memory_space<vmem>>) semaphore(%arg15 : memref<!tpu.dma_semaphore, #tpu.memory_space<semaphore_mem>>)
      %dma_wait3A_2797 = arith.constant 1 : i32
      %dma_wait3A_2798 = arith.constant 6 : i32
      %dma_wait3A_2799 = arith.constant 0 : i32
      %dma_wait3A_2800 = arith.constant 2 : i32
      %dma_wait3A_2801 = arith.constant 0 : i32
      %dma_wait3A_2802 = arith.constant 0 : i32
      %dma_wait3A_2803 = tpu.memref_slice %arg10[%dma_wait3A_2800, %dma_wait3A_2801, %dma_wait3A_2802] : memref<4x128x128xbf16, #tpu.memory_space<vmem>> -> memref<1x128x128xbf16, #tpu.memory_space<vmem>>
      %dma_wait3A_2804 = tpu.memref_squeeze %dma_wait3A_2803 : memref<1x128x128xbf16, #tpu.memory_space<vmem>> -> memref<128x128xbf16, #tpu.memory_space<vmem>>
      %dma_wait3A_2805 = arith.constant 0 : i32
      %dma_wait3A_2806 = tpu.memref_slice %arg9[%dma_wait3A_2797, %dma_wait3A_2798, %dma_wait3A_2799, %dma_wait3A_2805] : memref<2x10x2x128xi32, #tpu.memory_space<vmem>> -> memref<1x1x1x128xi32, #tpu.memory_space<vmem>>
      %dma_wait3A_2807 = tpu.memref_squeeze %dma_wait3A_2806 : memref<1x1x1x128xi32, #tpu.memory_space<vmem>> -> memref<128xi32, #tpu.memory_space<vmem>>
      %dma_wait3A_2808 = arith.constant 0 : i32
      %dma_wait3A_2809 = arith.constant 0 : i32
      %dma_wait3A_2810 = tpu.memref_slice %arg2[%dma_wait3A_2808, %dma_wait3A_2809] : memref<10000x128xbf16, #tpu.memory_space<hbm>> -> memref<10000x128xbf16, #tpu.memory_space<hbm>>
      tpu.wait_indirect_dma semaphore(%arg15 : memref<!tpu.dma_semaphore, #tpu.memory_space<semaphore_mem>>) src(%dma_wait3A_2810 : memref<10000x128xbf16, #tpu.memory_space<hbm>>) dst(%dma_wait3A_2804 : memref<128x128xbf16, #tpu.memory_space<vmem>>)
      %dma_start3A_2811 = arith.constant 2 : i32
      %dma_start3A_2812 = arith.constant 1 : i32
      %dma_start3A_2813 = arith.constant 6 : i32
      %dma_start3A_2814 = arith.constant 1 : i32
      %dma_start3A_2815 = arith.constant 0 : i32
      %dma_start3A_2816 = arith.constant 0 : i32
      %dma_start3A_2817 = tpu.memref_slice %arg10[%dma_start3A_2811, %dma_start3A_2815, %dma_start3A_2816] : memref<4x128x128xbf16, #tpu.memory_space<vmem>> -> memref<1x128x128xbf16, #tpu.memory_space<vmem>>
      %dma_start3A_2818 = tpu.memref_squeeze %dma_start3A_2817 : memref<1x128x128xbf16, #tpu.memory_space<vmem>> -> memref<128x128xbf16, #tpu.memory_space<vmem>>
      %dma_start3A_2819 = arith.constant 0 : i32
      %dma_start3A_2820 = tpu.memref_slice %arg9[%dma_start3A_2812, %dma_start3A_2813, %dma_start3A_2814, %dma_start3A_2819] : memref<2x10x2x128xi32, #tpu.memory_space<vmem>> -> memref<1x1x1x128xi32, #tpu.memory_space<vmem>>
      %dma_start3A_2821 = tpu.memref_squeeze %dma_start3A_2820 : memref<1x1x1x128xi32, #tpu.memory_space<vmem>> -> memref<128xi32, #tpu.memory_space<vmem>>
      %dma_start3A_2822 = arith.constant 0 : i32
      %dma_start3A_2823 = arith.constant 0 : i32
      %dma_start3A_2824 = tpu.memref_slice %arg7[%dma_start3A_2822, %dma_start3A_2823] : memref<10112x128xbf16, #tpu.memory_space<vmem_shared>> -> memref<10112x128xbf16, #tpu.memory_space<vmem_shared>>
      tpu.enqueue_indirect_dma source(%dma_start3A_2818 : memref<128x128xbf16, #tpu.memory_space<vmem>>) target(%dma_start3A_2824 : memref<10112x128xbf16, #tpu.memory_space<vmem_shared>>) offsets(%dma_start3A_2821 : memref<128xi32, #tpu.memory_space<vmem>>) semaphore(%arg19 : memref<!tpu.dma_semaphore, #tpu.memory_space<semaphore_mem>>) {add = true}
      %get3A_2825 = arith.constant 1 : i32
      %get3A_2826 = arith.constant 6 : i32
      %get3A_2827 = arith.constant 1 : i32
      %get3A_2828 = arith.index_cast %get3A_2825 : i32 to index
      %get3A_2829 = arith.index_cast %get3A_2826 : i32 to index
      %get3A_2830 = arith.index_cast %get3A_2827 : i32 to index
      %get3A_2831 = arith.constant 0 : index
      %get3A_2832 = tpu.vector_load %arg9[%get3A_2828, %get3A_2829, %get3A_2830, %get3A_2831] {strides = array<i32>} : memref<2x10x2x128xi32, #tpu.memory_space<vmem>>, vector<16xi32>,
      %shift_right_arithmetic3A_2833 = arith.constant 7 : i32
      %shift_right_arithmetic3A_2834 = vector.broadcast %shift_right_arithmetic3A_2833 : i32 to vector<16xi32>
      %shift_right_arithmetic3A_2835 = arith.shrsi %get3A_2832, %shift_right_arithmetic3A_2834 : vector<16xi32>
      %and3A_2836 = arith.constant 127 : i32
      %and3A_2837 = vector.broadcast %and3A_2836 : i32 to vector<16xi32>
      %and3A_2838 = arith.andi %get3A_2832, %and3A_2837 : vector<16xi32>
      tpu.vector_store_idx %arg11[%shift_right_arithmetic3A_2835, %and3A_2838], %broadcast_in_dim3A_23 {add = true} : memref<80x128xf32, #tpu.memory_space<vmem>>[vector<16xi32>, vector<16xi32>], vector<16xf32>,
      %get3A_2839 = arith.constant 1 : i32
      %get3A_2840 = arith.constant 6 : i32
      %get3A_2841 = arith.constant 1 : i32
      %get3A_2842 = arith.index_cast %get3A_2839 : i32 to index
      %get3A_2843 = arith.index_cast %get3A_2840 : i32 to index
      %get3A_2844 = arith.index_cast %get3A_2841 : i32 to index
      %get3A_2845 = arith.constant 16 : index
      %get3A_2846 = tpu.vector_load %arg9[%get3A_2842, %get3A_2843, %get3A_2844, %get3A_2845] {strides = array<i32>} : memref<2x10x2x128xi32, #tpu.memory_space<vmem>>, vector<16xi32>,
      %shift_right_arithmetic3A_2847 = arith.constant 7 : i32
      %shift_right_arithmetic3A_2848 = vector.broadcast %shift_right_arithmetic3A_2847 : i32 to vector<16xi32>
      %shift_right_arithmetic3A_2849 = arith.shrsi %get3A_2846, %shift_right_arithmetic3A_2848 : vector<16xi32>
      %and3A_2850 = arith.constant 127 : i32
      %and3A_2851 = vector.broadcast %and3A_2850 : i32 to vector<16xi32>
      %and3A_2852 = arith.andi %get3A_2846, %and3A_2851 : vector<16xi32>
      tpu.vector_store_idx %arg11[%shift_right_arithmetic3A_2849, %and3A_2852], %broadcast_in_dim3A_23 {add = true} : memref<80x128xf32, #tpu.memory_space<vmem>>[vector<16xi32>, vector<16xi32>], vector<16xf32>,
      %get3A_2853 = arith.constant 1 : i32
      %get3A_2854 = arith.constant 6 : i32
      %get3A_2855 = arith.constant 1 : i32
      %get3A_2856 = arith.index_cast %get3A_2853 : i32 to index
      %get3A_2857 = arith.index_cast %get3A_2854 : i32 to index
      %get3A_2858 = arith.index_cast %get3A_2855 : i32 to index
      %get3A_2859 = arith.constant 32 : index
      %get3A_2860 = tpu.vector_load %arg9[%get3A_2856, %get3A_2857, %get3A_2858, %get3A_2859] {strides = array<i32>} : memref<2x10x2x128xi32, #tpu.memory_space<vmem>>, vector<16xi32>,
      %shift_right_arithmetic3A_2861 = arith.constant 7 : i32
      %shift_right_arithmetic3A_2862 = vector.broadcast %shift_right_arithmetic3A_2861 : i32 to vector<16xi32>
      %shift_right_arithmetic3A_2863 = arith.shrsi %get3A_2860, %shift_right_arithmetic3A_2862 : vector<16xi32>
      %and3A_2864 = arith.constant 127 : i32
      %and3A_2865 = vector.broadcast %and3A_2864 : i32 to vector<16xi32>
      %and3A_2866 = arith.andi %get3A_2860, %and3A_2865 : vector<16xi32>
      tpu.vector_store_idx %arg11[%shift_right_arithmetic3A_2863, %and3A_2866], %broadcast_in_dim3A_23 {add = true} : memref<80x128xf32, #tpu.memory_space<vmem>>[vector<16xi32>, vector<16xi32>], vector<16xf32>,
      %get3A_2867 = arith.constant 1 : i32
      %get3A_2868 = arith.constant 6 : i32
      %get3A_2869 = arith.constant 1 : i32
      %get3A_2870 = arith.index_cast %get3A_2867 : i32 to index
      %get3A_2871 = arith.index_cast %get3A_2868 : i32 to index
      %get3A_2872 = arith.index_cast %get3A_2869 : i32 to index
      %get3A_2873 = arith.constant 48 : index
      %get3A_2874 = tpu.vector_load %arg9[%get3A_2870, %get3A_2871, %get3A_2872, %get3A_2873] {strides = array<i32>} : memref<2x10x2x128xi32, #tpu.memory_space<vmem>>, vector<16xi32>,
      %shift_right_arithmetic3A_2875 = arith.constant 7 : i32
      %shift_right_arithmetic3A_2876 = vector.broadcast %shift_right_arithmetic3A_2875 : i32 to vector<16xi32>
      %shift_right_arithmetic3A_2877 = arith.shrsi %get3A_2874, %shift_right_arithmetic3A_2876 : vector<16xi32>
      %and3A_2878 = arith.constant 127 : i32
      %and3A_2879 = vector.broadcast %and3A_2878 : i32 to vector<16xi32>
      %and3A_2880 = arith.andi %get3A_2874, %and3A_2879 : vector<16xi32>
      tpu.vector_store_idx %arg11[%shift_right_arithmetic3A_2877, %and3A_2880], %broadcast_in_dim3A_23 {add = true} : memref<80x128xf32, #tpu.memory_space<vmem>>[vector<16xi32>, vector<16xi32>], vector<16xf32>,
      %get3A_2881 = arith.constant 1 : i32
      %get3A_2882 = arith.constant 6 : i32
      %get3A_2883 = arith.constant 1 : i32
      %get3A_2884 = arith.index_cast %get3A_2881 : i32 to index
      %get3A_2885 = arith.index_cast %get3A_2882 : i32 to index
      %get3A_2886 = arith.index_cast %get3A_2883 : i32 to index
      %get3A_2887 = arith.constant 64 : index
      %get3A_2888 = tpu.vector_load %arg9[%get3A_2884, %get3A_2885, %get3A_2886, %get3A_2887] {strides = array<i32>} : memref<2x10x2x128xi32, #tpu.memory_space<vmem>>, vector<16xi32>,
      %shift_right_arithmetic3A_2889 = arith.constant 7 : i32
      %shift_right_arithmetic3A_2890 = vector.broadcast %shift_right_arithmetic3A_2889 : i32 to vector<16xi32>
      %shift_right_arithmetic3A_2891 = arith.shrsi %get3A_2888, %shift_right_arithmetic3A_2890 : vector<16xi32>
      %and3A_2892 = arith.constant 127 : i32
      %and3A_2893 = vector.broadcast %and3A_2892 : i32 to vector<16xi32>
      %and3A_2894 = arith.andi %get3A_2888, %and3A_2893 : vector<16xi32>
      tpu.vector_store_idx %arg11[%shift_right_arithmetic3A_2891, %and3A_2894], %broadcast_in_dim3A_23 {add = true} : memref<80x128xf32, #tpu.memory_space<vmem>>[vector<16xi32>, vector<16xi32>], vector<16xf32>,
      %get3A_2895 = arith.constant 1 : i32
      %get3A_2896 = arith.constant 6 : i32
      %get3A_2897 = arith.constant 1 : i32
      %get3A_2898 = arith.index_cast %get3A_2895 : i32 to index
      %get3A_2899 = arith.index_cast %get3A_2896 : i32 to index
      %get3A_2900 = arith.index_cast %get3A_2897 : i32 to index
      %get3A_2901 = arith.constant 80 : index
      %get3A_2902 = tpu.vector_load %arg9[%get3A_2898, %get3A_2899, %get3A_2900, %get3A_2901] {strides = array<i32>} : memref<2x10x2x128xi32, #tpu.memory_space<vmem>>, vector<16xi32>,
      %shift_right_arithmetic3A_2903 = arith.constant 7 : i32
      %shift_right_arithmetic3A_2904 = vector.broadcast %shift_right_arithmetic3A_2903 : i32 to vector<16xi32>
      %shift_right_arithmetic3A_2905 = arith.shrsi %get3A_2902, %shift_right_arithmetic3A_2904 : vector<16xi32>
      %and3A_2906 = arith.constant 127 : i32
      %and3A_2907 = vector.broadcast %and3A_2906 : i32 to vector<16xi32>
      %and3A_2908 = arith.andi %get3A_2902, %and3A_2907 : vector<16xi32>
      tpu.vector_store_idx %arg11[%shift_right_arithmetic3A_2905, %and3A_2908], %broadcast_in_dim3A_23 {add = true} : memref<80x128xf32, #tpu.memory_space<vmem>>[vector<16xi32>, vector<16xi32>], vector<16xf32>,
      %get3A_2909 = arith.constant 1 : i32
      %get3A_2910 = arith.constant 6 : i32
      %get3A_2911 = arith.constant 1 : i32
      %get3A_2912 = arith.index_cast %get3A_2909 : i32 to index
      %get3A_2913 = arith.index_cast %get3A_2910 : i32 to index
      %get3A_2914 = arith.index_cast %get3A_2911 : i32 to index
      %get3A_2915 = arith.constant 96 : index
      %get3A_2916 = tpu.vector_load %arg9[%get3A_2912, %get3A_2913, %get3A_2914, %get3A_2915] {strides = array<i32>} : memref<2x10x2x128xi32, #tpu.memory_space<vmem>>, vector<16xi32>,
      %shift_right_arithmetic3A_2917 = arith.constant 7 : i32
      %shift_right_arithmetic3A_2918 = vector.broadcast %shift_right_arithmetic3A_2917 : i32 to vector<16xi32>
      %shift_right_arithmetic3A_2919 = arith.shrsi %get3A_2916, %shift_right_arithmetic3A_2918 : vector<16xi32>
      %and3A_2920 = arith.constant 127 : i32
      %and3A_2921 = vector.broadcast %and3A_2920 : i32 to vector<16xi32>
      %and3A_2922 = arith.andi %get3A_2916, %and3A_2921 : vector<16xi32>
      tpu.vector_store_idx %arg11[%shift_right_arithmetic3A_2919, %and3A_2922], %broadcast_in_dim3A_23 {add = true} : memref<80x128xf32, #tpu.memory_space<vmem>>[vector<16xi32>, vector<16xi32>], vector<16xf32>,
      %get3A_2923 = arith.constant 1 : i32
      %get3A_2924 = arith.constant 6 : i32
      %get3A_2925 = arith.constant 1 : i32
      %get3A_2926 = arith.index_cast %get3A_2923 : i32 to index
      %get3A_2927 = arith.index_cast %get3A_2924 : i32 to index
      %get3A_2928 = arith.index_cast %get3A_2925 : i32 to index
      %get3A_2929 = arith.constant 112 : index
      %get3A_2930 = tpu.vector_load %arg9[%get3A_2926, %get3A_2927, %get3A_2928, %get3A_2929] {strides = array<i32>} : memref<2x10x2x128xi32, #tpu.memory_space<vmem>>, vector<16xi32>,
      %shift_right_arithmetic3A_2931 = arith.constant 7 : i32
      %shift_right_arithmetic3A_2932 = vector.broadcast %shift_right_arithmetic3A_2931 : i32 to vector<16xi32>
      %shift_right_arithmetic3A_2933 = arith.shrsi %get3A_2930, %shift_right_arithmetic3A_2932 : vector<16xi32>
      %and3A_2934 = arith.constant 127 : i32
      %and3A_2935 = vector.broadcast %and3A_2934 : i32 to vector<16xi32>
      %and3A_2936 = arith.andi %get3A_2930, %and3A_2935 : vector<16xi32>
      tpu.vector_store_idx %arg11[%shift_right_arithmetic3A_2933, %and3A_2936], %broadcast_in_dim3A_23 {add = true} : memref<80x128xf32, #tpu.memory_space<vmem>>[vector<16xi32>, vector<16xi32>], vector<16xf32>,
      %dma_wait3A_2937 = arith.constant 3 : i32
      %dma_wait3A_2938 = arith.constant 1 : i32
      %dma_wait3A_2939 = arith.constant 3 : i32
      %dma_wait3A_2940 = arith.constant 1 : i32
      %dma_wait3A_2941 = arith.constant 0 : i32
      %dma_wait3A_2942 = arith.constant 0 : i32
      %dma_wait3A_2943 = tpu.memref_slice %arg10[%dma_wait3A_2937, %dma_wait3A_2941, %dma_wait3A_2942] : memref<4x128x128xbf16, #tpu.memory_space<vmem>> -> memref<1x128x128xbf16, #tpu.memory_space<vmem>>
      %dma_wait3A_2944 = tpu.memref_squeeze %dma_wait3A_2943 : memref<1x128x128xbf16, #tpu.memory_space<vmem>> -> memref<128x128xbf16, #tpu.memory_space<vmem>>
      %dma_wait3A_2945 = arith.constant 0 : i32
      %dma_wait3A_2946 = tpu.memref_slice %arg9[%dma_wait3A_2938, %dma_wait3A_2939, %dma_wait3A_2940, %dma_wait3A_2945] : memref<2x10x2x128xi32, #tpu.memory_space<vmem>> -> memref<1x1x1x128xi32, #tpu.memory_space<vmem>>
      %dma_wait3A_2947 = tpu.memref_squeeze %dma_wait3A_2946 : memref<1x1x1x128xi32, #tpu.memory_space<vmem>> -> memref<128xi32, #tpu.memory_space<vmem>>
      %dma_wait3A_2948 = arith.constant 0 : i32
      %dma_wait3A_2949 = arith.constant 0 : i32
      %dma_wait3A_2950 = tpu.memref_slice %arg7[%dma_wait3A_2948, %dma_wait3A_2949] : memref<10112x128xbf16, #tpu.memory_space<vmem_shared>> -> memref<10112x128xbf16, #tpu.memory_space<vmem_shared>>
      tpu.wait_indirect_dma semaphore(%arg20 : memref<!tpu.dma_semaphore, #tpu.memory_space<semaphore_mem>>) src(%dma_wait3A_2944 : memref<128x128xbf16, #tpu.memory_space<vmem>>) dst(%dma_wait3A_2950 : memref<10112x128xbf16, #tpu.memory_space<vmem_shared>>)
      %dma_start3A_2951 = arith.constant 1 : i32
      %dma_start3A_2952 = arith.constant 7 : i32
      %dma_start3A_2953 = arith.constant 0 : i32
      %dma_start3A_2954 = arith.constant 3 : i32
      %dma_start3A_2955 = arith.constant 0 : i32
      %dma_start3A_2956 = arith.constant 0 : i32
      %dma_start3A_2957 = tpu.memref_slice %arg10[%dma_start3A_2954, %dma_start3A_2955, %dma_start3A_2956] : memref<4x128x128xbf16, #tpu.memory_space<vmem>> -> memref<1x128x128xbf16, #tpu.memory_space<vmem>>
      %dma_start3A_2958 = tpu.memref_squeeze %dma_start3A_2957 : memref<1x128x128xbf16, #tpu.memory_space<vmem>> -> memref<128x128xbf16, #tpu.memory_space<vmem>>
      %dma_start3A_2959 = arith.constant 0 : i32
      %dma_start3A_2960 = tpu.memref_slice %arg9[%dma_start3A_2951, %dma_start3A_2952, %dma_start3A_2953, %dma_start3A_2959] : memref<2x10x2x128xi32, #tpu.memory_space<vmem>> -> memref<1x1x1x128xi32, #tpu.memory_space<vmem>>
      %dma_start3A_2961 = tpu.memref_squeeze %dma_start3A_2960 : memref<1x1x1x128xi32, #tpu.memory_space<vmem>> -> memref<128xi32, #tpu.memory_space<vmem>>
      %dma_start3A_2962 = arith.constant 0 : i32
      %dma_start3A_2963 = arith.constant 0 : i32
      %dma_start3A_2964 = tpu.memref_slice %arg2[%dma_start3A_2962, %dma_start3A_2963] : memref<10000x128xbf16, #tpu.memory_space<hbm>> -> memref<10000x128xbf16, #tpu.memory_space<hbm>>
      tpu.enqueue_indirect_dma source(%dma_start3A_2964 : memref<10000x128xbf16, #tpu.memory_space<hbm>>) target(%dma_start3A_2958 : memref<128x128xbf16, #tpu.memory_space<vmem>>) offsets(%dma_start3A_2961 : memref<128xi32, #tpu.memory_space<vmem>>) semaphore(%arg16 : memref<!tpu.dma_semaphore, #tpu.memory_space<semaphore_mem>>)
      %dma_wait3A_2965 = arith.constant 1 : i32
      %dma_wait3A_2966 = arith.constant 7 : i32
      %dma_wait3A_2967 = arith.constant 0 : i32
      %dma_wait3A_2968 = arith.constant 3 : i32
      %dma_wait3A_2969 = arith.constant 0 : i32
      %dma_wait3A_2970 = arith.constant 0 : i32
      %dma_wait3A_2971 = tpu.memref_slice %arg10[%dma_wait3A_2968, %dma_wait3A_2969, %dma_wait3A_2970] : memref<4x128x128xbf16, #tpu.memory_space<vmem>> -> memref<1x128x128xbf16, #tpu.memory_space<vmem>>
      %dma_wait3A_2972 = tpu.memref_squeeze %dma_wait3A_2971 : memref<1x128x128xbf16, #tpu.memory_space<vmem>> -> memref<128x128xbf16, #tpu.memory_space<vmem>>
      %dma_wait3A_2973 = arith.constant 0 : i32
      %dma_wait3A_2974 = tpu.memref_slice %arg9[%dma_wait3A_2965, %dma_wait3A_2966, %dma_wait3A_2967, %dma_wait3A_2973] : memref<2x10x2x128xi32, #tpu.memory_space<vmem>> -> memref<1x1x1x128xi32, #tpu.memory_space<vmem>>
      %dma_wait3A_2975 = tpu.memref_squeeze %dma_wait3A_2974 : memref<1x1x1x128xi32, #tpu.memory_space<vmem>> -> memref<128xi32, #tpu.memory_space<vmem>>
      %dma_wait3A_2976 = arith.constant 0 : i32
      %dma_wait3A_2977 = arith.constant 0 : i32
      %dma_wait3A_2978 = tpu.memref_slice %arg2[%dma_wait3A_2976, %dma_wait3A_2977] : memref<10000x128xbf16, #tpu.memory_space<hbm>> -> memref<10000x128xbf16, #tpu.memory_space<hbm>>
      tpu.wait_indirect_dma semaphore(%arg16 : memref<!tpu.dma_semaphore, #tpu.memory_space<semaphore_mem>>) src(%dma_wait3A_2978 : memref<10000x128xbf16, #tpu.memory_space<hbm>>) dst(%dma_wait3A_2972 : memref<128x128xbf16, #tpu.memory_space<vmem>>)
      %dma_start3A_2979 = arith.constant 3 : i32
      %dma_start3A_2980 = arith.constant 1 : i32
      %dma_start3A_2981 = arith.constant 7 : i32
      %dma_start3A_2982 = arith.constant 1 : i32
      %dma_start3A_2983 = arith.constant 0 : i32
      %dma_start3A_2984 = arith.constant 0 : i32
      %dma_start3A_2985 = tpu.memref_slice %arg10[%dma_start3A_2979, %dma_start3A_2983, %dma_start3A_2984] : memref<4x128x128xbf16, #tpu.memory_space<vmem>> -> memref<1x128x128xbf16, #tpu.memory_space<vmem>>
      %dma_start3A_2986 = tpu.memref_squeeze %dma_start3A_2985 : memref<1x128x128xbf16, #tpu.memory_space<vmem>> -> memref<128x128xbf16, #tpu.memory_space<vmem>>
      %dma_start3A_2987 = arith.constant 0 : i32
      %dma_start3A_2988 = tpu.memref_slice %arg9[%dma_start3A_2980, %dma_start3A_2981, %dma_start3A_2982, %dma_start3A_2987] : memref<2x10x2x128xi32, #tpu.memory_space<vmem>> -> memref<1x1x1x128xi32, #tpu.memory_space<vmem>>
      %dma_start3A_2989 = tpu.memref_squeeze %dma_start3A_2988 : memref<1x1x1x128xi32, #tpu.memory_space<vmem>> -> memref<128xi32, #tpu.memory_space<vmem>>
      %dma_start3A_2990 = arith.constant 0 : i32
      %dma_start3A_2991 = arith.constant 0 : i32
      %dma_start3A_2992 = tpu.memref_slice %arg7[%dma_start3A_2990, %dma_start3A_2991] : memref<10112x128xbf16, #tpu.memory_space<vmem_shared>> -> memref<10112x128xbf16, #tpu.memory_space<vmem_shared>>
      tpu.enqueue_indirect_dma source(%dma_start3A_2986 : memref<128x128xbf16, #tpu.memory_space<vmem>>) target(%dma_start3A_2992 : memref<10112x128xbf16, #tpu.memory_space<vmem_shared>>) offsets(%dma_start3A_2989 : memref<128xi32, #tpu.memory_space<vmem>>) semaphore(%arg20 : memref<!tpu.dma_semaphore, #tpu.memory_space<semaphore_mem>>) {add = true}
      %get3A_2993 = arith.constant 1 : i32
      %get3A_2994 = arith.constant 7 : i32
      %get3A_2995 = arith.constant 1 : i32
      %get3A_2996 = arith.index_cast %get3A_2993 : i32 to index
      %get3A_2997 = arith.index_cast %get3A_2994 : i32 to index
      %get3A_2998 = arith.index_cast %get3A_2995 : i32 to index
      %get3A_2999 = arith.constant 0 : index
      %get3A_3000 = tpu.vector_load %arg9[%get3A_2996, %get3A_2997, %get3A_2998, %get3A_2999] {strides = array<i32>} : memref<2x10x2x128xi32, #tpu.memory_space<vmem>>, vector<16xi32>,
      %shift_right_arithmetic3A_3001 = arith.constant 7 : i32
      %shift_right_arithmetic3A_3002 = vector.broadcast %shift_right_arithmetic3A_3001 : i32 to vector<16xi32>
      %shift_right_arithmetic3A_3003 = arith.shrsi %get3A_3000, %shift_right_arithmetic3A_3002 : vector<16xi32>
      %and3A_3004 = arith.constant 127 : i32
      %and3A_3005 = vector.broadcast %and3A_3004 : i32 to vector<16xi32>
      %and3A_3006 = arith.andi %get3A_3000, %and3A_3005 : vector<16xi32>
      tpu.vector_store_idx %arg11[%shift_right_arithmetic3A_3003, %and3A_3006], %broadcast_in_dim3A_23 {add = true} : memref<80x128xf32, #tpu.memory_space<vmem>>[vector<16xi32>, vector<16xi32>], vector<16xf32>,
      %get3A_3007 = arith.constant 1 : i32
      %get3A_3008 = arith.constant 7 : i32
      %get3A_3009 = arith.constant 1 : i32
      %get3A_3010 = arith.index_cast %get3A_3007 : i32 to index
      %get3A_3011 = arith.index_cast %get3A_3008 : i32 to index
      %get3A_3012 = arith.index_cast %get3A_3009 : i32 to index
      %get3A_3013 = arith.constant 16 : index
      %get3A_3014 = tpu.vector_load %arg9[%get3A_3010, %get3A_3011, %get3A_3012, %get3A_3013] {strides = array<i32>} : memref<2x10x2x128xi32, #tpu.memory_space<vmem>>, vector<16xi32>,
      %shift_right_arithmetic3A_3015 = arith.constant 7 : i32
      %shift_right_arithmetic3A_3016 = vector.broadcast %shift_right_arithmetic3A_3015 : i32 to vector<16xi32>
      %shift_right_arithmetic3A_3017 = arith.shrsi %get3A_3014, %shift_right_arithmetic3A_3016 : vector<16xi32>
      %and3A_3018 = arith.constant 127 : i32
      %and3A_3019 = vector.broadcast %and3A_3018 : i32 to vector<16xi32>
      %and3A_3020 = arith.andi %get3A_3014, %and3A_3019 : vector<16xi32>
      tpu.vector_store_idx %arg11[%shift_right_arithmetic3A_3017, %and3A_3020], %broadcast_in_dim3A_23 {add = true} : memref<80x128xf32, #tpu.memory_space<vmem>>[vector<16xi32>, vector<16xi32>], vector<16xf32>,
      %get3A_3021 = arith.constant 1 : i32
      %get3A_3022 = arith.constant 7 : i32
      %get3A_3023 = arith.constant 1 : i32
      %get3A_3024 = arith.index_cast %get3A_3021 : i32 to index
      %get3A_3025 = arith.index_cast %get3A_3022 : i32 to index
      %get3A_3026 = arith.index_cast %get3A_3023 : i32 to index
      %get3A_3027 = arith.constant 32 : index
      %get3A_3028 = tpu.vector_load %arg9[%get3A_3024, %get3A_3025, %get3A_3026, %get3A_3027] {strides = array<i32>} : memref<2x10x2x128xi32, #tpu.memory_space<vmem>>, vector<16xi32>,
      %shift_right_arithmetic3A_3029 = arith.constant 7 : i32
      %shift_right_arithmetic3A_3030 = vector.broadcast %shift_right_arithmetic3A_3029 : i32 to vector<16xi32>
      %shift_right_arithmetic3A_3031 = arith.shrsi %get3A_3028, %shift_right_arithmetic3A_3030 : vector<16xi32>
      %and3A_3032 = arith.constant 127 : i32
      %and3A_3033 = vector.broadcast %and3A_3032 : i32 to vector<16xi32>
      %and3A_3034 = arith.andi %get3A_3028, %and3A_3033 : vector<16xi32>
      tpu.vector_store_idx %arg11[%shift_right_arithmetic3A_3031, %and3A_3034], %broadcast_in_dim3A_23 {add = true} : memref<80x128xf32, #tpu.memory_space<vmem>>[vector<16xi32>, vector<16xi32>], vector<16xf32>,
      %get3A_3035 = arith.constant 1 : i32
      %get3A_3036 = arith.constant 7 : i32
      %get3A_3037 = arith.constant 1 : i32
      %get3A_3038 = arith.index_cast %get3A_3035 : i32 to index
      %get3A_3039 = arith.index_cast %get3A_3036 : i32 to index
      %get3A_3040 = arith.index_cast %get3A_3037 : i32 to index
      %get3A_3041 = arith.constant 48 : index
      %get3A_3042 = tpu.vector_load %arg9[%get3A_3038, %get3A_3039, %get3A_3040, %get3A_3041] {strides = array<i32>} : memref<2x10x2x128xi32, #tpu.memory_space<vmem>>, vector<16xi32>,
      %shift_right_arithmetic3A_3043 = arith.constant 7 : i32
      %shift_right_arithmetic3A_3044 = vector.broadcast %shift_right_arithmetic3A_3043 : i32 to vector<16xi32>
      %shift_right_arithmetic3A_3045 = arith.shrsi %get3A_3042, %shift_right_arithmetic3A_3044 : vector<16xi32>
      %and3A_3046 = arith.constant 127 : i32
      %and3A_3047 = vector.broadcast %and3A_3046 : i32 to vector<16xi32>
      %and3A_3048 = arith.andi %get3A_3042, %and3A_3047 : vector<16xi32>
      tpu.vector_store_idx %arg11[%shift_right_arithmetic3A_3045, %and3A_3048], %broadcast_in_dim3A_23 {add = true} : memref<80x128xf32, #tpu.memory_space<vmem>>[vector<16xi32>, vector<16xi32>], vector<16xf32>,
      %get3A_3049 = arith.constant 1 : i32
      %get3A_3050 = arith.constant 7 : i32
      %get3A_3051 = arith.constant 1 : i32
      %get3A_3052 = arith.index_cast %get3A_3049 : i32 to index
      %get3A_3053 = arith.index_cast %get3A_3050 : i32 to index
      %get3A_3054 = arith.index_cast %get3A_3051 : i32 to index
      %get3A_3055 = arith.constant 64 : index
      %get3A_3056 = tpu.vector_load %arg9[%get3A_3052, %get3A_3053, %get3A_3054, %get3A_3055] {strides = array<i32>} : memref<2x10x2x128xi32, #tpu.memory_space<vmem>>, vector<16xi32>,
      %shift_right_arithmetic3A_3057 = arith.constant 7 : i32
      %shift_right_arithmetic3A_3058 = vector.broadcast %shift_right_arithmetic3A_3057 : i32 to vector<16xi32>
      %shift_right_arithmetic3A_3059 = arith.shrsi %get3A_3056, %shift_right_arithmetic3A_3058 : vector<16xi32>
      %and3A_3060 = arith.constant 127 : i32
      %and3A_3061 = vector.broadcast %and3A_3060 : i32 to vector<16xi32>
      %and3A_3062 = arith.andi %get3A_3056, %and3A_3061 : vector<16xi32>
      tpu.vector_store_idx %arg11[%shift_right_arithmetic3A_3059, %and3A_3062], %broadcast_in_dim3A_23 {add = true} : memref<80x128xf32, #tpu.memory_space<vmem>>[vector<16xi32>, vector<16xi32>], vector<16xf32>,
      %get3A_3063 = arith.constant 1 : i32
      %get3A_3064 = arith.constant 7 : i32
      %get3A_3065 = arith.constant 1 : i32
      %get3A_3066 = arith.index_cast %get3A_3063 : i32 to index
      %get3A_3067 = arith.index_cast %get3A_3064 : i32 to index
      %get3A_3068 = arith.index_cast %get3A_3065 : i32 to index
      %get3A_3069 = arith.constant 80 : index
      %get3A_3070 = tpu.vector_load %arg9[%get3A_3066, %get3A_3067, %get3A_3068, %get3A_3069] {strides = array<i32>} : memref<2x10x2x128xi32, #tpu.memory_space<vmem>>, vector<16xi32>,
      %shift_right_arithmetic3A_3071 = arith.constant 7 : i32
      %shift_right_arithmetic3A_3072 = vector.broadcast %shift_right_arithmetic3A_3071 : i32 to vector<16xi32>
      %shift_right_arithmetic3A_3073 = arith.shrsi %get3A_3070, %shift_right_arithmetic3A_3072 : vector<16xi32>
      %and3A_3074 = arith.constant 127 : i32
      %and3A_3075 = vector.broadcast %and3A_3074 : i32 to vector<16xi32>
      %and3A_3076 = arith.andi %get3A_3070, %and3A_3075 : vector<16xi32>
      tpu.vector_store_idx %arg11[%shift_right_arithmetic3A_3073, %and3A_3076], %broadcast_in_dim3A_23 {add = true} : memref<80x128xf32, #tpu.memory_space<vmem>>[vector<16xi32>, vector<16xi32>], vector<16xf32>,
      %get3A_3077 = arith.constant 1 : i32
      %get3A_3078 = arith.constant 7 : i32
      %get3A_3079 = arith.constant 1 : i32
      %get3A_3080 = arith.index_cast %get3A_3077 : i32 to index
      %get3A_3081 = arith.index_cast %get3A_3078 : i32 to index
      %get3A_3082 = arith.index_cast %get3A_3079 : i32 to index
      %get3A_3083 = arith.constant 96 : index
      %get3A_3084 = tpu.vector_load %arg9[%get3A_3080, %get3A_3081, %get3A_3082, %get3A_3083] {strides = array<i32>} : memref<2x10x2x128xi32, #tpu.memory_space<vmem>>, vector<16xi32>,
      %shift_right_arithmetic3A_3085 = arith.constant 7 : i32
      %shift_right_arithmetic3A_3086 = vector.broadcast %shift_right_arithmetic3A_3085 : i32 to vector<16xi32>
      %shift_right_arithmetic3A_3087 = arith.shrsi %get3A_3084, %shift_right_arithmetic3A_3086 : vector<16xi32>
      %and3A_3088 = arith.constant 127 : i32
      %and3A_3089 = vector.broadcast %and3A_3088 : i32 to vector<16xi32>
      %and3A_3090 = arith.andi %get3A_3084, %and3A_3089 : vector<16xi32>
      tpu.vector_store_idx %arg11[%shift_right_arithmetic3A_3087, %and3A_3090], %broadcast_in_dim3A_23 {add = true} : memref<80x128xf32, #tpu.memory_space<vmem>>[vector<16xi32>, vector<16xi32>], vector<16xf32>,
      %get3A_3091 = arith.constant 1 : i32
      %get3A_3092 = arith.constant 7 : i32
      %get3A_3093 = arith.constant 1 : i32
      %get3A_3094 = arith.index_cast %get3A_3091 : i32 to index
      %get3A_3095 = arith.index_cast %get3A_3092 : i32 to index
      %get3A_3096 = arith.index_cast %get3A_3093 : i32 to index
      %get3A_3097 = arith.constant 112 : index
      %get3A_3098 = tpu.vector_load %arg9[%get3A_3094, %get3A_3095, %get3A_3096, %get3A_3097] {strides = array<i32>} : memref<2x10x2x128xi32, #tpu.memory_space<vmem>>, vector<16xi32>,
      %shift_right_arithmetic3A_3099 = arith.constant 7 : i32
      %shift_right_arithmetic3A_3100 = vector.broadcast %shift_right_arithmetic3A_3099 : i32 to vector<16xi32>
      %shift_right_arithmetic3A_3101 = arith.shrsi %get3A_3098, %shift_right_arithmetic3A_3100 : vector<16xi32>
      %and3A_3102 = arith.constant 127 : i32
      %and3A_3103 = vector.broadcast %and3A_3102 : i32 to vector<16xi32>
      %and3A_3104 = arith.andi %get3A_3098, %and3A_3103 : vector<16xi32>
      tpu.vector_store_idx %arg11[%shift_right_arithmetic3A_3101, %and3A_3104], %broadcast_in_dim3A_23 {add = true} : memref<80x128xf32, #tpu.memory_space<vmem>>[vector<16xi32>, vector<16xi32>], vector<16xf32>,
      %dma_wait3A_3105 = arith.constant 0 : i32
      %dma_wait3A_3106 = arith.constant 1 : i32
      %dma_wait3A_3107 = arith.constant 4 : i32
      %dma_wait3A_3108 = arith.constant 1 : i32
      %dma_wait3A_3109 = arith.constant 0 : i32
      %dma_wait3A_3110 = arith.constant 0 : i32
      %dma_wait3A_3111 = tpu.memref_slice %arg10[%dma_wait3A_3105, %dma_wait3A_3109, %dma_wait3A_3110] : memref<4x128x128xbf16, #tpu.memory_space<vmem>> -> memref<1x128x128xbf16, #tpu.memory_space<vmem>>
      %dma_wait3A_3112 = tpu.memref_squeeze %dma_wait3A_3111 : memref<1x128x128xbf16, #tpu.memory_space<vmem>> -> memref<128x128xbf16, #tpu.memory_space<vmem>>
      %dma_wait3A_3113 = arith.constant 0 : i32
      %dma_wait3A_3114 = tpu.memref_slice %arg9[%dma_wait3A_3106, %dma_wait3A_3107, %dma_wait3A_3108, %dma_wait3A_3113] : memref<2x10x2x128xi32, #tpu.memory_space<vmem>> -> memref<1x1x1x128xi32, #tpu.memory_space<vmem>>
      %dma_wait3A_3115 = tpu.memref_squeeze %dma_wait3A_3114 : memref<1x1x1x128xi32, #tpu.memory_space<vmem>> -> memref<128xi32, #tpu.memory_space<vmem>>
      %dma_wait3A_3116 = arith.constant 0 : i32
      %dma_wait3A_3117 = arith.constant 0 : i32
      %dma_wait3A_3118 = tpu.memref_slice %arg7[%dma_wait3A_3116, %dma_wait3A_3117] : memref<10112x128xbf16, #tpu.memory_space<vmem_shared>> -> memref<10112x128xbf16, #tpu.memory_space<vmem_shared>>
      tpu.wait_indirect_dma semaphore(%arg17 : memref<!tpu.dma_semaphore, #tpu.memory_space<semaphore_mem>>) src(%dma_wait3A_3112 : memref<128x128xbf16, #tpu.memory_space<vmem>>) dst(%dma_wait3A_3118 : memref<10112x128xbf16, #tpu.memory_space<vmem_shared>>)
      %dma_start3A_3119 = arith.constant 1 : i32
      %dma_start3A_3120 = arith.constant 8 : i32
      %dma_start3A_3121 = arith.constant 0 : i32
      %dma_start3A_3122 = arith.constant 0 : i32
      %dma_start3A_3123 = arith.constant 0 : i32
      %dma_start3A_3124 = arith.constant 0 : i32
      %dma_start3A_3125 = tpu.memref_slice %arg10[%dma_start3A_3122, %dma_start3A_3123, %dma_start3A_3124] : memref<4x128x128xbf16, #tpu.memory_space<vmem>> -> memref<1x128x128xbf16, #tpu.memory_space<vmem>>
      %dma_start3A_3126 = tpu.memref_squeeze %dma_start3A_3125 : memref<1x128x128xbf16, #tpu.memory_space<vmem>> -> memref<128x128xbf16, #tpu.memory_space<vmem>>
      %dma_start3A_3127 = arith.constant 0 : i32
      %dma_start3A_3128 = tpu.memref_slice %arg9[%dma_start3A_3119, %dma_start3A_3120, %dma_start3A_3121, %dma_start3A_3127] : memref<2x10x2x128xi32, #tpu.memory_space<vmem>> -> memref<1x1x1x128xi32, #tpu.memory_space<vmem>>
      %dma_start3A_3129 = tpu.memref_squeeze %dma_start3A_3128 : memref<1x1x1x128xi32, #tpu.memory_space<vmem>> -> memref<128xi32, #tpu.memory_space<vmem>>
      %dma_start3A_3130 = arith.constant 0 : i32
      %dma_start3A_3131 = arith.constant 0 : i32
      %dma_start3A_3132 = tpu.memref_slice %arg2[%dma_start3A_3130, %dma_start3A_3131] : memref<10000x128xbf16, #tpu.memory_space<hbm>> -> memref<10000x128xbf16, #tpu.memory_space<hbm>>
      tpu.enqueue_indirect_dma source(%dma_start3A_3132 : memref<10000x128xbf16, #tpu.memory_space<hbm>>) target(%dma_start3A_3126 : memref<128x128xbf16, #tpu.memory_space<vmem>>) offsets(%dma_start3A_3129 : memref<128xi32, #tpu.memory_space<vmem>>) semaphore(%arg13 : memref<!tpu.dma_semaphore, #tpu.memory_space<semaphore_mem>>)
      %dma_wait3A_3133 = arith.constant 1 : i32
      %dma_wait3A_3134 = arith.constant 8 : i32
      %dma_wait3A_3135 = arith.constant 0 : i32
      %dma_wait3A_3136 = arith.constant 0 : i32
      %dma_wait3A_3137 = arith.constant 0 : i32
      %dma_wait3A_3138 = arith.constant 0 : i32
      %dma_wait3A_3139 = tpu.memref_slice %arg10[%dma_wait3A_3136, %dma_wait3A_3137, %dma_wait3A_3138] : memref<4x128x128xbf16, #tpu.memory_space<vmem>> -> memref<1x128x128xbf16, #tpu.memory_space<vmem>>
      %dma_wait3A_3140 = tpu.memref_squeeze %dma_wait3A_3139 : memref<1x128x128xbf16, #tpu.memory_space<vmem>> -> memref<128x128xbf16, #tpu.memory_space<vmem>>
      %dma_wait3A_3141 = arith.constant 0 : i32
      %dma_wait3A_3142 = tpu.memref_slice %arg9[%dma_wait3A_3133, %dma_wait3A_3134, %dma_wait3A_3135, %dma_wait3A_3141] : memref<2x10x2x128xi32, #tpu.memory_space<vmem>> -> memref<1x1x1x128xi32, #tpu.memory_space<vmem>>
      %dma_wait3A_3143 = tpu.memref_squeeze %dma_wait3A_3142 : memref<1x1x1x128xi32, #tpu.memory_space<vmem>> -> memref<128xi32, #tpu.memory_space<vmem>>
      %dma_wait3A_3144 = arith.constant 0 : i32
      %dma_wait3A_3145 = arith.constant 0 : i32
      %dma_wait3A_3146 = tpu.memref_slice %arg2[%dma_wait3A_3144, %dma_wait3A_3145] : memref<10000x128xbf16, #tpu.memory_space<hbm>> -> memref<10000x128xbf16, #tpu.memory_space<hbm>>
      tpu.wait_indirect_dma semaphore(%arg13 : memref<!tpu.dma_semaphore, #tpu.memory_space<semaphore_mem>>) src(%dma_wait3A_3146 : memref<10000x128xbf16, #tpu.memory_space<hbm>>) dst(%dma_wait3A_3140 : memref<128x128xbf16, #tpu.memory_space<vmem>>)
      %dma_start3A_3147 = arith.constant 0 : i32
      %dma_start3A_3148 = arith.constant 1 : i32
      %dma_start3A_3149 = arith.constant 8 : i32
      %dma_start3A_3150 = arith.constant 1 : i32
      %dma_start3A_3151 = arith.constant 0 : i32
      %dma_start3A_3152 = arith.constant 0 : i32
      %dma_start3A_3153 = tpu.memref_slice %arg10[%dma_start3A_3147, %dma_start3A_3151, %dma_start3A_3152] : memref<4x128x128xbf16, #tpu.memory_space<vmem>> -> memref<1x128x128xbf16, #tpu.memory_space<vmem>>
      %dma_start3A_3154 = tpu.memref_squeeze %dma_start3A_3153 : memref<1x128x128xbf16, #tpu.memory_space<vmem>> -> memref<128x128xbf16, #tpu.memory_space<vmem>>
      %dma_start3A_3155 = arith.constant 0 : i32
      %dma_start3A_3156 = tpu.memref_slice %arg9[%dma_start3A_3148, %dma_start3A_3149, %dma_start3A_3150, %dma_start3A_3155] : memref<2x10x2x128xi32, #tpu.memory_space<vmem>> -> memref<1x1x1x128xi32, #tpu.memory_space<vmem>>
      %dma_start3A_3157 = tpu.memref_squeeze %dma_start3A_3156 : memref<1x1x1x128xi32, #tpu.memory_space<vmem>> -> memref<128xi32, #tpu.memory_space<vmem>>
      %dma_start3A_3158 = arith.constant 0 : i32
      %dma_start3A_3159 = arith.constant 0 : i32
      %dma_start3A_3160 = tpu.memref_slice %arg7[%dma_start3A_3158, %dma_start3A_3159] : memref<10112x128xbf16, #tpu.memory_space<vmem_shared>> -> memref<10112x128xbf16, #tpu.memory_space<vmem_shared>>
      tpu.enqueue_indirect_dma source(%dma_start3A_3154 : memref<128x128xbf16, #tpu.memory_space<vmem>>) target(%dma_start3A_3160 : memref<10112x128xbf16, #tpu.memory_space<vmem_shared>>) offsets(%dma_start3A_3157 : memref<128xi32, #tpu.memory_space<vmem>>) semaphore(%arg17 : memref<!tpu.dma_semaphore, #tpu.memory_space<semaphore_mem>>) {add = true}
      %get3A_3161 = arith.constant 1 : i32
      %get3A_3162 = arith.constant 8 : i32
      %get3A_3163 = arith.constant 1 : i32
      %get3A_3164 = arith.index_cast %get3A_3161 : i32 to index
      %get3A_3165 = arith.index_cast %get3A_3162 : i32 to index
      %get3A_3166 = arith.index_cast %get3A_3163 : i32 to index
      %get3A_3167 = arith.constant 0 : index
      %get3A_3168 = tpu.vector_load %arg9[%get3A_3164, %get3A_3165, %get3A_3166, %get3A_3167] {strides = array<i32>} : memref<2x10x2x128xi32, #tpu.memory_space<vmem>>, vector<16xi32>,
      %shift_right_arithmetic3A_3169 = arith.constant 7 : i32
      %shift_right_arithmetic3A_3170 = vector.broadcast %shift_right_arithmetic3A_3169 : i32 to vector<16xi32>
      %shift_right_arithmetic3A_3171 = arith.shrsi %get3A_3168, %shift_right_arithmetic3A_3170 : vector<16xi32>
      %and3A_3172 = arith.constant 127 : i32
      %and3A_3173 = vector.broadcast %and3A_3172 : i32 to vector<16xi32>
      %and3A_3174 = arith.andi %get3A_3168, %and3A_3173 : vector<16xi32>
      tpu.vector_store_idx %arg11[%shift_right_arithmetic3A_3171, %and3A_3174], %broadcast_in_dim3A_23 {add = true} : memref<80x128xf32, #tpu.memory_space<vmem>>[vector<16xi32>, vector<16xi32>], vector<16xf32>,
      %get3A_3175 = arith.constant 1 : i32
      %get3A_3176 = arith.constant 8 : i32
      %get3A_3177 = arith.constant 1 : i32
      %get3A_3178 = arith.index_cast %get3A_3175 : i32 to index
      %get3A_3179 = arith.index_cast %get3A_3176 : i32 to index
      %get3A_3180 = arith.index_cast %get3A_3177 : i32 to index
      %get3A_3181 = arith.constant 16 : index
      %get3A_3182 = tpu.vector_load %arg9[%get3A_3178, %get3A_3179, %get3A_3180, %get3A_3181] {strides = array<i32>} : memref<2x10x2x128xi32, #tpu.memory_space<vmem>>, vector<16xi32>,
      %shift_right_arithmetic3A_3183 = arith.constant 7 : i32
      %shift_right_arithmetic3A_3184 = vector.broadcast %shift_right_arithmetic3A_3183 : i32 to vector<16xi32>
      %shift_right_arithmetic3A_3185 = arith.shrsi %get3A_3182, %shift_right_arithmetic3A_3184 : vector<16xi32>
      %and3A_3186 = arith.constant 127 : i32
      %and3A_3187 = vector.broadcast %and3A_3186 : i32 to vector<16xi32>
      %and3A_3188 = arith.andi %get3A_3182, %and3A_3187 : vector<16xi32>
      tpu.vector_store_idx %arg11[%shift_right_arithmetic3A_3185, %and3A_3188], %broadcast_in_dim3A_23 {add = true} : memref<80x128xf32, #tpu.memory_space<vmem>>[vector<16xi32>, vector<16xi32>], vector<16xf32>,
      %get3A_3189 = arith.constant 1 : i32
      %get3A_3190 = arith.constant 8 : i32
      %get3A_3191 = arith.constant 1 : i32
      %get3A_3192 = arith.index_cast %get3A_3189 : i32 to index
      %get3A_3193 = arith.index_cast %get3A_3190 : i32 to index
      %get3A_3194 = arith.index_cast %get3A_3191 : i32 to index
      %get3A_3195 = arith.constant 32 : index
      %get3A_3196 = tpu.vector_load %arg9[%get3A_3192, %get3A_3193, %get3A_3194, %get3A_3195] {strides = array<i32>} : memref<2x10x2x128xi32, #tpu.memory_space<vmem>>, vector<16xi32>,
      %shift_right_arithmetic3A_3197 = arith.constant 7 : i32
      %shift_right_arithmetic3A_3198 = vector.broadcast %shift_right_arithmetic3A_3197 : i32 to vector<16xi32>
      %shift_right_arithmetic3A_3199 = arith.shrsi %get3A_3196, %shift_right_arithmetic3A_3198 : vector<16xi32>
      %and3A_3200 = arith.constant 127 : i32
      %and3A_3201 = vector.broadcast %and3A_3200 : i32 to vector<16xi32>
      %and3A_3202 = arith.andi %get3A_3196, %and3A_3201 : vector<16xi32>
      tpu.vector_store_idx %arg11[%shift_right_arithmetic3A_3199, %and3A_3202], %broadcast_in_dim3A_23 {add = true} : memref<80x128xf32, #tpu.memory_space<vmem>>[vector<16xi32>, vector<16xi32>], vector<16xf32>,
      %get3A_3203 = arith.constant 1 : i32
      %get3A_3204 = arith.constant 8 : i32
      %get3A_3205 = arith.constant 1 : i32
      %get3A_3206 = arith.index_cast %get3A_3203 : i32 to index
      %get3A_3207 = arith.index_cast %get3A_3204 : i32 to index
      %get3A_3208 = arith.index_cast %get3A_3205 : i32 to index
      %get3A_3209 = arith.constant 48 : index
      %get3A_3210 = tpu.vector_load %arg9[%get3A_3206, %get3A_3207, %get3A_3208, %get3A_3209] {strides = array<i32>} : memref<2x10x2x128xi32, #tpu.memory_space<vmem>>, vector<16xi32>,
      %shift_right_arithmetic3A_3211 = arith.constant 7 : i32
      %shift_right_arithmetic3A_3212 = vector.broadcast %shift_right_arithmetic3A_3211 : i32 to vector<16xi32>
      %shift_right_arithmetic3A_3213 = arith.shrsi %get3A_3210, %shift_right_arithmetic3A_3212 : vector<16xi32>
      %and3A_3214 = arith.constant 127 : i32
      %and3A_3215 = vector.broadcast %and3A_3214 : i32 to vector<16xi32>
      %and3A_3216 = arith.andi %get3A_3210, %and3A_3215 : vector<16xi32>
      tpu.vector_store_idx %arg11[%shift_right_arithmetic3A_3213, %and3A_3216], %broadcast_in_dim3A_23 {add = true} : memref<80x128xf32, #tpu.memory_space<vmem>>[vector<16xi32>, vector<16xi32>], vector<16xf32>,
      %get3A_3217 = arith.constant 1 : i32
      %get3A_3218 = arith.constant 8 : i32
      %get3A_3219 = arith.constant 1 : i32
      %get3A_3220 = arith.index_cast %get3A_3217 : i32 to index
      %get3A_3221 = arith.index_cast %get3A_3218 : i32 to index
      %get3A_3222 = arith.index_cast %get3A_3219 : i32 to index
      %get3A_3223 = arith.constant 64 : index
      %get3A_3224 = tpu.vector_load %arg9[%get3A_3220, %get3A_3221, %get3A_3222, %get3A_3223] {strides = array<i32>} : memref<2x10x2x128xi32, #tpu.memory_space<vmem>>, vector<16xi32>,
      %shift_right_arithmetic3A_3225 = arith.constant 7 : i32
      %shift_right_arithmetic3A_3226 = vector.broadcast %shift_right_arithmetic3A_3225 : i32 to vector<16xi32>
      %shift_right_arithmetic3A_3227 = arith.shrsi %get3A_3224, %shift_right_arithmetic3A_3226 : vector<16xi32>
      %and3A_3228 = arith.constant 127 : i32
      %and3A_3229 = vector.broadcast %and3A_3228 : i32 to vector<16xi32>
      %and3A_3230 = arith.andi %get3A_3224, %and3A_3229 : vector<16xi32>
      tpu.vector_store_idx %arg11[%shift_right_arithmetic3A_3227, %and3A_3230], %broadcast_in_dim3A_23 {add = true} : memref<80x128xf32, #tpu.memory_space<vmem>>[vector<16xi32>, vector<16xi32>], vector<16xf32>,
      %get3A_3231 = arith.constant 1 : i32
      %get3A_3232 = arith.constant 8 : i32
      %get3A_3233 = arith.constant 1 : i32
      %get3A_3234 = arith.index_cast %get3A_3231 : i32 to index
      %get3A_3235 = arith.index_cast %get3A_3232 : i32 to index
      %get3A_3236 = arith.index_cast %get3A_3233 : i32 to index
      %get3A_3237 = arith.constant 80 : index
      %get3A_3238 = tpu.vector_load %arg9[%get3A_3234, %get3A_3235, %get3A_3236, %get3A_3237] {strides = array<i32>} : memref<2x10x2x128xi32, #tpu.memory_space<vmem>>, vector<16xi32>,
      %shift_right_arithmetic3A_3239 = arith.constant 7 : i32
      %shift_right_arithmetic3A_3240 = vector.broadcast %shift_right_arithmetic3A_3239 : i32 to vector<16xi32>
      %shift_right_arithmetic3A_3241 = arith.shrsi %get3A_3238, %shift_right_arithmetic3A_3240 : vector<16xi32>
      %and3A_3242 = arith.constant 127 : i32
      %and3A_3243 = vector.broadcast %and3A_3242 : i32 to vector<16xi32>
      %and3A_3244 = arith.andi %get3A_3238, %and3A_3243 : vector<16xi32>
      tpu.vector_store_idx %arg11[%shift_right_arithmetic3A_3241, %and3A_3244], %broadcast_in_dim3A_23 {add = true} : memref<80x128xf32, #tpu.memory_space<vmem>>[vector<16xi32>, vector<16xi32>], vector<16xf32>,
      %get3A_3245 = arith.constant 1 : i32
      %get3A_3246 = arith.constant 8 : i32
      %get3A_3247 = arith.constant 1 : i32
      %get3A_3248 = arith.index_cast %get3A_3245 : i32 to index
      %get3A_3249 = arith.index_cast %get3A_3246 : i32 to index
      %get3A_3250 = arith.index_cast %get3A_3247 : i32 to index
      %get3A_3251 = arith.constant 96 : index
      %get3A_3252 = tpu.vector_load %arg9[%get3A_3248, %get3A_3249, %get3A_3250, %get3A_3251] {strides = array<i32>} : memref<2x10x2x128xi32, #tpu.memory_space<vmem>>, vector<16xi32>,
      %shift_right_arithmetic3A_3253 = arith.constant 7 : i32
      %shift_right_arithmetic3A_3254 = vector.broadcast %shift_right_arithmetic3A_3253 : i32 to vector<16xi32>
      %shift_right_arithmetic3A_3255 = arith.shrsi %get3A_3252, %shift_right_arithmetic3A_3254 : vector<16xi32>
      %and3A_3256 = arith.constant 127 : i32
      %and3A_3257 = vector.broadcast %and3A_3256 : i32 to vector<16xi32>
      %and3A_3258 = arith.andi %get3A_3252, %and3A_3257 : vector<16xi32>
      tpu.vector_store_idx %arg11[%shift_right_arithmetic3A_3255, %and3A_3258], %broadcast_in_dim3A_23 {add = true} : memref<80x128xf32, #tpu.memory_space<vmem>>[vector<16xi32>, vector<16xi32>], vector<16xf32>,
      %get3A_3259 = arith.constant 1 : i32
      %get3A_3260 = arith.constant 8 : i32
      %get3A_3261 = arith.constant 1 : i32
      %get3A_3262 = arith.index_cast %get3A_3259 : i32 to index
      %get3A_3263 = arith.index_cast %get3A_3260 : i32 to index
      %get3A_3264 = arith.index_cast %get3A_3261 : i32 to index
      %get3A_3265 = arith.constant 112 : index
      %get3A_3266 = tpu.vector_load %arg9[%get3A_3262, %get3A_3263, %get3A_3264, %get3A_3265] {strides = array<i32>} : memref<2x10x2x128xi32, #tpu.memory_space<vmem>>, vector<16xi32>,
      %shift_right_arithmetic3A_3267 = arith.constant 7 : i32
      %shift_right_arithmetic3A_3268 = vector.broadcast %shift_right_arithmetic3A_3267 : i32 to vector<16xi32>
      %shift_right_arithmetic3A_3269 = arith.shrsi %get3A_3266, %shift_right_arithmetic3A_3268 : vector<16xi32>
      %and3A_3270 = arith.constant 127 : i32
      %and3A_3271 = vector.broadcast %and3A_3270 : i32 to vector<16xi32>
      %and3A_3272 = arith.andi %get3A_3266, %and3A_3271 : vector<16xi32>
      tpu.vector_store_idx %arg11[%shift_right_arithmetic3A_3269, %and3A_3272], %broadcast_in_dim3A_23 {add = true} : memref<80x128xf32, #tpu.memory_space<vmem>>[vector<16xi32>, vector<16xi32>], vector<16xf32>,
      %dma_wait3A_3273 = arith.constant 1 : i32
      %dma_wait3A_3274 = arith.constant 1 : i32
      %dma_wait3A_3275 = arith.constant 5 : i32
      %dma_wait3A_3276 = arith.constant 1 : i32
      %dma_wait3A_3277 = arith.constant 0 : i32
      %dma_wait3A_3278 = arith.constant 0 : i32
      %dma_wait3A_3279 = tpu.memref_slice %arg10[%dma_wait3A_3273, %dma_wait3A_3277, %dma_wait3A_3278] : memref<4x128x128xbf16, #tpu.memory_space<vmem>> -> memref<1x128x128xbf16, #tpu.memory_space<vmem>>
      %dma_wait3A_3280 = tpu.memref_squeeze %dma_wait3A_3279 : memref<1x128x128xbf16, #tpu.memory_space<vmem>> -> memref<128x128xbf16, #tpu.memory_space<vmem>>
      %dma_wait3A_3281 = arith.constant 0 : i32
      %dma_wait3A_3282 = tpu.memref_slice %arg9[%dma_wait3A_3274, %dma_wait3A_3275, %dma_wait3A_3276, %dma_wait3A_3281] : memref<2x10x2x128xi32, #tpu.memory_space<vmem>> -> memref<1x1x1x128xi32, #tpu.memory_space<vmem>>
      %dma_wait3A_3283 = tpu.memref_squeeze %dma_wait3A_3282 : memref<1x1x1x128xi32, #tpu.memory_space<vmem>> -> memref<128xi32, #tpu.memory_space<vmem>>
      %dma_wait3A_3284 = arith.constant 0 : i32
      %dma_wait3A_3285 = arith.constant 0 : i32
      %dma_wait3A_3286 = tpu.memref_slice %arg7[%dma_wait3A_3284, %dma_wait3A_3285] : memref<10112x128xbf16, #tpu.memory_space<vmem_shared>> -> memref<10112x128xbf16, #tpu.memory_space<vmem_shared>>
      tpu.wait_indirect_dma semaphore(%arg18 : memref<!tpu.dma_semaphore, #tpu.memory_space<semaphore_mem>>) src(%dma_wait3A_3280 : memref<128x128xbf16, #tpu.memory_space<vmem>>) dst(%dma_wait3A_3286 : memref<10112x128xbf16, #tpu.memory_space<vmem_shared>>)
      %dma_start3A_3287 = arith.constant 1 : i32
      %dma_start3A_3288 = arith.constant 9 : i32
      %dma_start3A_3289 = arith.constant 0 : i32
      %dma_start3A_3290 = arith.constant 1 : i32
      %dma_start3A_3291 = arith.constant 0 : i32
      %dma_start3A_3292 = arith.constant 0 : i32
      %dma_start3A_3293 = tpu.memref_slice %arg10[%dma_start3A_3290, %dma_start3A_3291, %dma_start3A_3292] : memref<4x128x128xbf16, #tpu.memory_space<vmem>> -> memref<1x128x128xbf16, #tpu.memory_space<vmem>>
      %dma_start3A_3294 = tpu.memref_squeeze %dma_start3A_3293 : memref<1x128x128xbf16, #tpu.memory_space<vmem>> -> memref<128x128xbf16, #tpu.memory_space<vmem>>
      %dma_start3A_3295 = arith.constant 0 : i32
      %dma_start3A_3296 = tpu.memref_slice %arg9[%dma_start3A_3287, %dma_start3A_3288, %dma_start3A_3289, %dma_start3A_3295] : memref<2x10x2x128xi32, #tpu.memory_space<vmem>> -> memref<1x1x1x128xi32, #tpu.memory_space<vmem>>
      %dma_start3A_3297 = tpu.memref_squeeze %dma_start3A_3296 : memref<1x1x1x128xi32, #tpu.memory_space<vmem>> -> memref<128xi32, #tpu.memory_space<vmem>>
      %dma_start3A_3298 = arith.constant 0 : i32
      %dma_start3A_3299 = arith.constant 0 : i32
      %dma_start3A_3300 = tpu.memref_slice %arg2[%dma_start3A_3298, %dma_start3A_3299] : memref<10000x128xbf16, #tpu.memory_space<hbm>> -> memref<10000x128xbf16, #tpu.memory_space<hbm>>
      tpu.enqueue_indirect_dma source(%dma_start3A_3300 : memref<10000x128xbf16, #tpu.memory_space<hbm>>) target(%dma_start3A_3294 : memref<128x128xbf16, #tpu.memory_space<vmem>>) offsets(%dma_start3A_3297 : memref<128xi32, #tpu.memory_space<vmem>>) semaphore(%arg14 : memref<!tpu.dma_semaphore, #tpu.memory_space<semaphore_mem>>)
      %dma_wait3A_3301 = arith.constant 1 : i32
      %dma_wait3A_3302 = arith.constant 9 : i32
      %dma_wait3A_3303 = arith.constant 0 : i32
      %dma_wait3A_3304 = arith.constant 1 : i32
      %dma_wait3A_3305 = arith.constant 0 : i32
      %dma_wait3A_3306 = arith.constant 0 : i32
      %dma_wait3A_3307 = tpu.memref_slice %arg10[%dma_wait3A_3304, %dma_wait3A_3305, %dma_wait3A_3306] : memref<4x128x128xbf16, #tpu.memory_space<vmem>> -> memref<1x128x128xbf16, #tpu.memory_space<vmem>>
      %dma_wait3A_3308 = tpu.memref_squeeze %dma_wait3A_3307 : memref<1x128x128xbf16, #tpu.memory_space<vmem>> -> memref<128x128xbf16, #tpu.memory_space<vmem>>
      %dma_wait3A_3309 = arith.constant 0 : i32
      %dma_wait3A_3310 = tpu.memref_slice %arg9[%dma_wait3A_3301, %dma_wait3A_3302, %dma_wait3A_3303, %dma_wait3A_3309] : memref<2x10x2x128xi32, #tpu.memory_space<vmem>> -> memref<1x1x1x128xi32, #tpu.memory_space<vmem>>
      %dma_wait3A_3311 = tpu.memref_squeeze %dma_wait3A_3310 : memref<1x1x1x128xi32, #tpu.memory_space<vmem>> -> memref<128xi32, #tpu.memory_space<vmem>>
      %dma_wait3A_3312 = arith.constant 0 : i32
      %dma_wait3A_3313 = arith.constant 0 : i32
      %dma_wait3A_3314 = tpu.memref_slice %arg2[%dma_wait3A_3312, %dma_wait3A_3313] : memref<10000x128xbf16, #tpu.memory_space<hbm>> -> memref<10000x128xbf16, #tpu.memory_space<hbm>>
      tpu.wait_indirect_dma semaphore(%arg14 : memref<!tpu.dma_semaphore, #tpu.memory_space<semaphore_mem>>) src(%dma_wait3A_3314 : memref<10000x128xbf16, #tpu.memory_space<hbm>>) dst(%dma_wait3A_3308 : memref<128x128xbf16, #tpu.memory_space<vmem>>)
      %dma_start3A_3315 = arith.constant 1 : i32
      %dma_start3A_3316 = arith.constant 1 : i32
      %dma_start3A_3317 = arith.constant 9 : i32
      %dma_start3A_3318 = arith.constant 1 : i32
      %dma_start3A_3319 = arith.constant 0 : i32
      %dma_start3A_3320 = arith.constant 0 : i32
      %dma_start3A_3321 = tpu.memref_slice %arg10[%dma_start3A_3315, %dma_start3A_3319, %dma_start3A_3320] : memref<4x128x128xbf16, #tpu.memory_space<vmem>> -> memref<1x128x128xbf16, #tpu.memory_space<vmem>>
      %dma_start3A_3322 = tpu.memref_squeeze %dma_start3A_3321 : memref<1x128x128xbf16, #tpu.memory_space<vmem>> -> memref<128x128xbf16, #tpu.memory_space<vmem>>
      %dma_start3A_3323 = arith.constant 0 : i32
      %dma_start3A_3324 = tpu.memref_slice %arg9[%dma_start3A_3316, %dma_start3A_3317, %dma_start3A_3318, %dma_start3A_3323] : memref<2x10x2x128xi32, #tpu.memory_space<vmem>> -> memref<1x1x1x128xi32, #tpu.memory_space<vmem>>
      %dma_start3A_3325 = tpu.memref_squeeze %dma_start3A_3324 : memref<1x1x1x128xi32, #tpu.memory_space<vmem>> -> memref<128xi32, #tpu.memory_space<vmem>>
      %dma_start3A_3326 = arith.constant 0 : i32
      %dma_start3A_3327 = arith.constant 0 : i32
      %dma_start3A_3328 = tpu.memref_slice %arg7[%dma_start3A_3326, %dma_start3A_3327] : memref<10112x128xbf16, #tpu.memory_space<vmem_shared>> -> memref<10112x128xbf16, #tpu.memory_space<vmem_shared>>
      tpu.enqueue_indirect_dma source(%dma_start3A_3322 : memref<128x128xbf16, #tpu.memory_space<vmem>>) target(%dma_start3A_3328 : memref<10112x128xbf16, #tpu.memory_space<vmem_shared>>) offsets(%dma_start3A_3325 : memref<128xi32, #tpu.memory_space<vmem>>) semaphore(%arg18 : memref<!tpu.dma_semaphore, #tpu.memory_space<semaphore_mem>>) {add = true}
      %get3A_3329 = arith.constant 1 : i32
      %get3A_3330 = arith.constant 9 : i32
      %get3A_3331 = arith.constant 1 : i32
      %get3A_3332 = arith.index_cast %get3A_3329 : i32 to index
      %get3A_3333 = arith.index_cast %get3A_3330 : i32 to index
      %get3A_3334 = arith.index_cast %get3A_3331 : i32 to index
      %get3A_3335 = arith.constant 0 : index
      %get3A_3336 = tpu.vector_load %arg9[%get3A_3332, %get3A_3333, %get3A_3334, %get3A_3335] {strides = array<i32>} : memref<2x10x2x128xi32, #tpu.memory_space<vmem>>, vector<16xi32>,
      %shift_right_arithmetic3A_3337 = arith.constant 7 : i32
      %shift_right_arithmetic3A_3338 = vector.broadcast %shift_right_arithmetic3A_3337 : i32 to vector<16xi32>
      %shift_right_arithmetic3A_3339 = arith.shrsi %get3A_3336, %shift_right_arithmetic3A_3338 : vector<16xi32>
      %and3A_3340 = arith.constant 127 : i32
      %and3A_3341 = vector.broadcast %and3A_3340 : i32 to vector<16xi32>
      %and3A_3342 = arith.andi %get3A_3336, %and3A_3341 : vector<16xi32>
      tpu.vector_store_idx %arg11[%shift_right_arithmetic3A_3339, %and3A_3342], %broadcast_in_dim3A_23 {add = true} : memref<80x128xf32, #tpu.memory_space<vmem>>[vector<16xi32>, vector<16xi32>], vector<16xf32>,
      %get3A_3343 = arith.constant 1 : i32
      %get3A_3344 = arith.constant 9 : i32
      %get3A_3345 = arith.constant 1 : i32
      %get3A_3346 = arith.index_cast %get3A_3343 : i32 to index
      %get3A_3347 = arith.index_cast %get3A_3344 : i32 to index
      %get3A_3348 = arith.index_cast %get3A_3345 : i32 to index
      %get3A_3349 = arith.constant 16 : index
      %get3A_3350 = tpu.vector_load %arg9[%get3A_3346, %get3A_3347, %get3A_3348, %get3A_3349] {strides = array<i32>} : memref<2x10x2x128xi32, #tpu.memory_space<vmem>>, vector<16xi32>,
      %shift_right_arithmetic3A_3351 = arith.constant 7 : i32
      %shift_right_arithmetic3A_3352 = vector.broadcast %shift_right_arithmetic3A_3351 : i32 to vector<16xi32>
      %shift_right_arithmetic3A_3353 = arith.shrsi %get3A_3350, %shift_right_arithmetic3A_3352 : vector<16xi32>
      %and3A_3354 = arith.constant 127 : i32
      %and3A_3355 = vector.broadcast %and3A_3354 : i32 to vector<16xi32>
      %and3A_3356 = arith.andi %get3A_3350, %and3A_3355 : vector<16xi32>
      tpu.vector_store_idx %arg11[%shift_right_arithmetic3A_3353, %and3A_3356], %broadcast_in_dim3A_23 {add = true} : memref<80x128xf32, #tpu.memory_space<vmem>>[vector<16xi32>, vector<16xi32>], vector<16xf32>,
      %get3A_3357 = arith.constant 1 : i32
      %get3A_3358 = arith.constant 9 : i32
      %get3A_3359 = arith.constant 1 : i32
      %get3A_3360 = arith.index_cast %get3A_3357 : i32 to index
      %get3A_3361 = arith.index_cast %get3A_3358 : i32 to index
      %get3A_3362 = arith.index_cast %get3A_3359 : i32 to index
      %get3A_3363 = arith.constant 32 : index
      %get3A_3364 = tpu.vector_load %arg9[%get3A_3360, %get3A_3361, %get3A_3362, %get3A_3363] {strides = array<i32>} : memref<2x10x2x128xi32, #tpu.memory_space<vmem>>, vector<16xi32>,
      %shift_right_arithmetic3A_3365 = arith.constant 7 : i32
      %shift_right_arithmetic3A_3366 = vector.broadcast %shift_right_arithmetic3A_3365 : i32 to vector<16xi32>
      %shift_right_arithmetic3A_3367 = arith.shrsi %get3A_3364, %shift_right_arithmetic3A_3366 : vector<16xi32>
      %and3A_3368 = arith.constant 127 : i32
      %and3A_3369 = vector.broadcast %and3A_3368 : i32 to vector<16xi32>
      %and3A_3370 = arith.andi %get3A_3364, %and3A_3369 : vector<16xi32>
      tpu.vector_store_idx %arg11[%shift_right_arithmetic3A_3367, %and3A_3370], %broadcast_in_dim3A_23 {add = true} : memref<80x128xf32, #tpu.memory_space<vmem>>[vector<16xi32>, vector<16xi32>], vector<16xf32>,
      %get3A_3371 = arith.constant 1 : i32
      %get3A_3372 = arith.constant 9 : i32
      %get3A_3373 = arith.constant 1 : i32
      %get3A_3374 = arith.index_cast %get3A_3371 : i32 to index
      %get3A_3375 = arith.index_cast %get3A_3372 : i32 to index
      %get3A_3376 = arith.index_cast %get3A_3373 : i32 to index
      %get3A_3377 = arith.constant 48 : index
      %get3A_3378 = tpu.vector_load %arg9[%get3A_3374, %get3A_3375, %get3A_3376, %get3A_3377] {strides = array<i32>} : memref<2x10x2x128xi32, #tpu.memory_space<vmem>>, vector<16xi32>,
      %shift_right_arithmetic3A_3379 = arith.constant 7 : i32
      %shift_right_arithmetic3A_3380 = vector.broadcast %shift_right_arithmetic3A_3379 : i32 to vector<16xi32>
      %shift_right_arithmetic3A_3381 = arith.shrsi %get3A_3378, %shift_right_arithmetic3A_3380 : vector<16xi32>
      %and3A_3382 = arith.constant 127 : i32
      %and3A_3383 = vector.broadcast %and3A_3382 : i32 to vector<16xi32>
      %and3A_3384 = arith.andi %get3A_3378, %and3A_3383 : vector<16xi32>
      tpu.vector_store_idx %arg11[%shift_right_arithmetic3A_3381, %and3A_3384], %broadcast_in_dim3A_23 {add = true} : memref<80x128xf32, #tpu.memory_space<vmem>>[vector<16xi32>, vector<16xi32>], vector<16xf32>,
      %get3A_3385 = arith.constant 1 : i32
      %get3A_3386 = arith.constant 9 : i32
      %get3A_3387 = arith.constant 1 : i32
      %get3A_3388 = arith.index_cast %get3A_3385 : i32 to index
      %get3A_3389 = arith.index_cast %get3A_3386 : i32 to index
      %get3A_3390 = arith.index_cast %get3A_3387 : i32 to index
      %get3A_3391 = arith.constant 64 : index
      %get3A_3392 = tpu.vector_load %arg9[%get3A_3388, %get3A_3389, %get3A_3390, %get3A_3391] {strides = array<i32>} : memref<2x10x2x128xi32, #tpu.memory_space<vmem>>, vector<16xi32>,
      %shift_right_arithmetic3A_3393 = arith.constant 7 : i32
      %shift_right_arithmetic3A_3394 = vector.broadcast %shift_right_arithmetic3A_3393 : i32 to vector<16xi32>
      %shift_right_arithmetic3A_3395 = arith.shrsi %get3A_3392, %shift_right_arithmetic3A_3394 : vector<16xi32>
      %and3A_3396 = arith.constant 127 : i32
      %and3A_3397 = vector.broadcast %and3A_3396 : i32 to vector<16xi32>
      %and3A_3398 = arith.andi %get3A_3392, %and3A_3397 : vector<16xi32>
      tpu.vector_store_idx %arg11[%shift_right_arithmetic3A_3395, %and3A_3398], %broadcast_in_dim3A_23 {add = true} : memref<80x128xf32, #tpu.memory_space<vmem>>[vector<16xi32>, vector<16xi32>], vector<16xf32>,
      %get3A_3399 = arith.constant 1 : i32
      %get3A_3400 = arith.constant 9 : i32
      %get3A_3401 = arith.constant 1 : i32
      %get3A_3402 = arith.index_cast %get3A_3399 : i32 to index
      %get3A_3403 = arith.index_cast %get3A_3400 : i32 to index
      %get3A_3404 = arith.index_cast %get3A_3401 : i32 to index
      %get3A_3405 = arith.constant 80 : index
      %get3A_3406 = tpu.vector_load %arg9[%get3A_3402, %get3A_3403, %get3A_3404, %get3A_3405] {strides = array<i32>} : memref<2x10x2x128xi32, #tpu.memory_space<vmem>>, vector<16xi32>,
      %shift_right_arithmetic3A_3407 = arith.constant 7 : i32
      %shift_right_arithmetic3A_3408 = vector.broadcast %shift_right_arithmetic3A_3407 : i32 to vector<16xi32>
      %shift_right_arithmetic3A_3409 = arith.shrsi %get3A_3406, %shift_right_arithmetic3A_3408 : vector<16xi32>
      %and3A_3410 = arith.constant 127 : i32
      %and3A_3411 = vector.broadcast %and3A_3410 : i32 to vector<16xi32>
      %and3A_3412 = arith.andi %get3A_3406, %and3A_3411 : vector<16xi32>
      tpu.vector_store_idx %arg11[%shift_right_arithmetic3A_3409, %and3A_3412], %broadcast_in_dim3A_23 {add = true} : memref<80x128xf32, #tpu.memory_space<vmem>>[vector<16xi32>, vector<16xi32>], vector<16xf32>,
      %get3A_3413 = arith.constant 1 : i32
      %get3A_3414 = arith.constant 9 : i32
      %get3A_3415 = arith.constant 1 : i32
      %get3A_3416 = arith.index_cast %get3A_3413 : i32 to index
      %get3A_3417 = arith.index_cast %get3A_3414 : i32 to index
      %get3A_3418 = arith.index_cast %get3A_3415 : i32 to index
      %get3A_3419 = arith.constant 96 : index
      %get3A_3420 = tpu.vector_load %arg9[%get3A_3416, %get3A_3417, %get3A_3418, %get3A_3419] {strides = array<i32>} : memref<2x10x2x128xi32, #tpu.memory_space<vmem>>, vector<16xi32>,
      %shift_right_arithmetic3A_3421 = arith.constant 7 : i32
      %shift_right_arithmetic3A_3422 = vector.broadcast %shift_right_arithmetic3A_3421 : i32 to vector<16xi32>
      %shift_right_arithmetic3A_3423 = arith.shrsi %get3A_3420, %shift_right_arithmetic3A_3422 : vector<16xi32>
      %and3A_3424 = arith.constant 127 : i32
      %and3A_3425 = vector.broadcast %and3A_3424 : i32 to vector<16xi32>
      %and3A_3426 = arith.andi %get3A_3420, %and3A_3425 : vector<16xi32>
      tpu.vector_store_idx %arg11[%shift_right_arithmetic3A_3423, %and3A_3426], %broadcast_in_dim3A_23 {add = true} : memref<80x128xf32, #tpu.memory_space<vmem>>[vector<16xi32>, vector<16xi32>], vector<16xf32>,
      %get3A_3427 = arith.constant 1 : i32
      %get3A_3428 = arith.constant 9 : i32
      %get3A_3429 = arith.constant 1 : i32
      %get3A_3430 = arith.index_cast %get3A_3427 : i32 to index
      %get3A_3431 = arith.index_cast %get3A_3428 : i32 to index
      %get3A_3432 = arith.index_cast %get3A_3429 : i32 to index
      %get3A_3433 = arith.constant 112 : index
      %get3A_3434 = tpu.vector_load %arg9[%get3A_3430, %get3A_3431, %get3A_3432, %get3A_3433] {strides = array<i32>} : memref<2x10x2x128xi32, #tpu.memory_space<vmem>>, vector<16xi32>,
      %shift_right_arithmetic3A_3435 = arith.constant 7 : i32
      %shift_right_arithmetic3A_3436 = vector.broadcast %shift_right_arithmetic3A_3435 : i32 to vector<16xi32>
      %shift_right_arithmetic3A_3437 = arith.shrsi %get3A_3434, %shift_right_arithmetic3A_3436 : vector<16xi32>
      %and3A_3438 = arith.constant 127 : i32
      %and3A_3439 = vector.broadcast %and3A_3438 : i32 to vector<16xi32>
      %and3A_3440 = arith.andi %get3A_3434, %and3A_3439 : vector<16xi32>
      tpu.vector_store_idx %arg11[%shift_right_arithmetic3A_3437, %and3A_3440], %broadcast_in_dim3A_23 {add = true} : memref<80x128xf32, #tpu.memory_space<vmem>>[vector<16xi32>, vector<16xi32>], vector<16xf32>,
      %dma_wait3A_3441 = arith.constant 0 : i32
      %dma_wait3A_3442 = arith.constant 1 : i32
      %dma_wait3A_3443 = arith.constant 8 : i32
      %dma_wait3A_3444 = arith.constant 1 : i32
      %dma_wait3A_3445 = arith.constant 0 : i32
      %dma_wait3A_3446 = arith.constant 0 : i32
      %dma_wait3A_3447 = tpu.memref_slice %arg10[%dma_wait3A_3441, %dma_wait3A_3445, %dma_wait3A_3446] : memref<4x128x128xbf16, #tpu.memory_space<vmem>> -> memref<1x128x128xbf16, #tpu.memory_space<vmem>>
      %dma_wait3A_3448 = tpu.memref_squeeze %dma_wait3A_3447 : memref<1x128x128xbf16, #tpu.memory_space<vmem>> -> memref<128x128xbf16, #tpu.memory_space<vmem>>
      %dma_wait3A_3449 = arith.constant 0 : i32
      %dma_wait3A_3450 = tpu.memref_slice %arg9[%dma_wait3A_3442, %dma_wait3A_3443, %dma_wait3A_3444, %dma_wait3A_3449] : memref<2x10x2x128xi32, #tpu.memory_space<vmem>> -> memref<1x1x1x128xi32, #tpu.memory_space<vmem>>
      %dma_wait3A_3451 = tpu.memref_squeeze %dma_wait3A_3450 : memref<1x1x1x128xi32, #tpu.memory_space<vmem>> -> memref<128xi32, #tpu.memory_space<vmem>>
      %dma_wait3A_3452 = arith.constant 0 : i32
      %dma_wait3A_3453 = arith.constant 0 : i32
      %dma_wait3A_3454 = tpu.memref_slice %arg7[%dma_wait3A_3452, %dma_wait3A_3453] : memref<10112x128xbf16, #tpu.memory_space<vmem_shared>> -> memref<10112x128xbf16, #tpu.memory_space<vmem_shared>>
      tpu.wait_indirect_dma semaphore(%arg17 : memref<!tpu.dma_semaphore, #tpu.memory_space<semaphore_mem>>) src(%dma_wait3A_3448 : memref<128x128xbf16, #tpu.memory_space<vmem>>) dst(%dma_wait3A_3454 : memref<10112x128xbf16, #tpu.memory_space<vmem_shared>>)
      %dma_wait3A_3455 = arith.constant 1 : i32
      %dma_wait3A_3456 = arith.constant 1 : i32
      %dma_wait3A_3457 = arith.constant 9 : i32
      %dma_wait3A_3458 = arith.constant 1 : i32
      %dma_wait3A_3459 = arith.constant 0 : i32
      %dma_wait3A_3460 = arith.constant 0 : i32
      %dma_wait3A_3461 = tpu.memref_slice %arg10[%dma_wait3A_3455, %dma_wait3A_3459, %dma_wait3A_3460] : memref<4x128x128xbf16, #tpu.memory_space<vmem>> -> memref<1x128x128xbf16, #tpu.memory_space<vmem>>
      %dma_wait3A_3462 = tpu.memref_squeeze %dma_wait3A_3461 : memref<1x128x128xbf16, #tpu.memory_space<vmem>> -> memref<128x128xbf16, #tpu.memory_space<vmem>>
      %dma_wait3A_3463 = arith.constant 0 : i32
      %dma_wait3A_3464 = tpu.memref_slice %arg9[%dma_wait3A_3456, %dma_wait3A_3457, %dma_wait3A_3458, %dma_wait3A_3463] : memref<2x10x2x128xi32, #tpu.memory_space<vmem>> -> memref<1x1x1x128xi32, #tpu.memory_space<vmem>>
      %dma_wait3A_3465 = tpu.memref_squeeze %dma_wait3A_3464 : memref<1x1x1x128xi32, #tpu.memory_space<vmem>> -> memref<128xi32, #tpu.memory_space<vmem>>
      %dma_wait3A_3466 = arith.constant 0 : i32
      %dma_wait3A_3467 = arith.constant 0 : i32
      %dma_wait3A_3468 = tpu.memref_slice %arg7[%dma_wait3A_3466, %dma_wait3A_3467] : memref<10112x128xbf16, #tpu.memory_space<vmem_shared>> -> memref<10112x128xbf16, #tpu.memory_space<vmem_shared>>
      tpu.wait_indirect_dma semaphore(%arg18 : memref<!tpu.dma_semaphore, #tpu.memory_space<semaphore_mem>>) src(%dma_wait3A_3462 : memref<128x128xbf16, #tpu.memory_space<vmem>>) dst(%dma_wait3A_3468 : memref<10112x128xbf16, #tpu.memory_space<vmem_shared>>)
      %dma_wait3A_3469 = arith.constant 2 : i32
      %dma_wait3A_3470 = arith.constant 1 : i32
      %dma_wait3A_3471 = arith.constant 6 : i32
      %dma_wait3A_3472 = arith.constant 1 : i32
      %dma_wait3A_3473 = arith.constant 0 : i32
      %dma_wait3A_3474 = arith.constant 0 : i32
      %dma_wait3A_3475 = tpu.memref_slice %arg10[%dma_wait3A_3469, %dma_wait3A_3473, %dma_wait3A_3474] : memref<4x128x128xbf16, #tpu.memory_space<vmem>> -> memref<1x128x128xbf16, #tpu.memory_space<vmem>>
      %dma_wait3A_3476 = tpu.memref_squeeze %dma_wait3A_3475 : memref<1x128x128xbf16, #tpu.memory_space<vmem>> -> memref<128x128xbf16, #tpu.memory_space<vmem>>
      %dma_wait3A_3477 = arith.constant 0 : i32
      %dma_wait3A_3478 = tpu.memref_slice %arg9[%dma_wait3A_3470, %dma_wait3A_3471, %dma_wait3A_3472, %dma_wait3A_3477] : memref<2x10x2x128xi32, #tpu.memory_space<vmem>> -> memref<1x1x1x128xi32, #tpu.memory_space<vmem>>
      %dma_wait3A_3479 = tpu.memref_squeeze %dma_wait3A_3478 : memref<1x1x1x128xi32, #tpu.memory_space<vmem>> -> memref<128xi32, #tpu.memory_space<vmem>>
      %dma_wait3A_3480 = arith.constant 0 : i32
      %dma_wait3A_3481 = arith.constant 0 : i32
      %dma_wait3A_3482 = tpu.memref_slice %arg7[%dma_wait3A_3480, %dma_wait3A_3481] : memref<10112x128xbf16, #tpu.memory_space<vmem_shared>> -> memref<10112x128xbf16, #tpu.memory_space<vmem_shared>>
      tpu.wait_indirect_dma semaphore(%arg19 : memref<!tpu.dma_semaphore, #tpu.memory_space<semaphore_mem>>) src(%dma_wait3A_3476 : memref<128x128xbf16, #tpu.memory_space<vmem>>) dst(%dma_wait3A_3482 : memref<10112x128xbf16, #tpu.memory_space<vmem_shared>>)
      %dma_wait3A_3483 = arith.constant 3 : i32
      %dma_wait3A_3484 = arith.constant 1 : i32
      %dma_wait3A_3485 = arith.constant 7 : i32
      %dma_wait3A_3486 = arith.constant 1 : i32
      %dma_wait3A_3487 = arith.constant 0 : i32
      %dma_wait3A_3488 = arith.constant 0 : i32
      %dma_wait3A_3489 = tpu.memref_slice %arg10[%dma_wait3A_3483, %dma_wait3A_3487, %dma_wait3A_3488] : memref<4x128x128xbf16, #tpu.memory_space<vmem>> -> memref<1x128x128xbf16, #tpu.memory_space<vmem>>
      %dma_wait3A_3490 = tpu.memref_squeeze %dma_wait3A_3489 : memref<1x128x128xbf16, #tpu.memory_space<vmem>> -> memref<128x128xbf16, #tpu.memory_space<vmem>>
      %dma_wait3A_3491 = arith.constant 0 : i32
      %dma_wait3A_3492 = tpu.memref_slice %arg9[%dma_wait3A_3484, %dma_wait3A_3485, %dma_wait3A_3486, %dma_wait3A_3491] : memref<2x10x2x128xi32, #tpu.memory_space<vmem>> -> memref<1x1x1x128xi32, #tpu.memory_space<vmem>>
      %dma_wait3A_3493 = tpu.memref_squeeze %dma_wait3A_3492 : memref<1x1x1x128xi32, #tpu.memory_space<vmem>> -> memref<128xi32, #tpu.memory_space<vmem>>
      %dma_wait3A_3494 = arith.constant 0 : i32
      %dma_wait3A_3495 = arith.constant 0 : i32
      %dma_wait3A_3496 = tpu.memref_slice %arg7[%dma_wait3A_3494, %dma_wait3A_3495] : memref<10112x128xbf16, #tpu.memory_space<vmem_shared>> -> memref<10112x128xbf16, #tpu.memory_space<vmem_shared>>
      tpu.wait_indirect_dma semaphore(%arg20 : memref<!tpu.dma_semaphore, #tpu.memory_space<semaphore_mem>>) src(%dma_wait3A_3490 : memref<128x128xbf16, #tpu.memory_space<vmem>>) dst(%dma_wait3A_3496 : memref<10112x128xbf16, #tpu.memory_space<vmem_shared>>)
    }
    %scan3A_64 = arith.constant 4 : i32
    "tpu.region"() ({
      %run_scoped3A = tpu.sem_alloc : memref<!tpu.dma_semaphore, #tpu.memory_space<semaphore_mem>>
      %dma_start3A_75 = arith.constant 0 : i32
      %dma_start3A_76 = arith.constant 0 : i32
      %dma_start3A_77 = tpu.memref_slice %arg8[%dma_start3A_75, %dma_start3A_76] : memref<80x128xf32, #tpu.memory_space<vmem_shared>> -> memref<80x128xf32, #tpu.memory_space<vmem_shared>>
      tpu.enqueue_indirect_dma source(%arg11 : memref<80x128xf32, #tpu.memory_space<vmem>>) target(%dma_start3A_77 : memref<80x128xf32, #tpu.memory_space<vmem_shared>>) offsets(%arg12 : memref<80xi32, #tpu.memory_space<vmem>>) semaphore(%run_scoped3A : memref<!tpu.dma_semaphore, #tpu.memory_space<semaphore_mem>>) {add = true}
      %dma_wait3A = arith.constant 0 : i32
      %dma_wait3A_78 = arith.constant 0 : i32
      %dma_wait3A_79 = tpu.memref_slice %arg8[%dma_wait3A, %dma_wait3A_78] : memref<80x128xf32, #tpu.memory_space<vmem_shared>> -> memref<80x128xf32, #tpu.memory_space<vmem_shared>>
      tpu.wait_indirect_dma semaphore(%run_scoped3A : memref<!tpu.dma_semaphore, #tpu.memory_space<semaphore_mem>>) src(%arg11 : memref<80x128xf32, #tpu.memory_space<vmem>>) dst(%dma_wait3A_79 : memref<80x128xf32, #tpu.memory_space<vmem_shared>>)
      tpu.yield
    }) : () -> ()
    %barrier3A_65 = arith.constant 0 : index
    tpu.barrier barrier_id(%barrier3A_65)
    %mul3A_66 = arith.constant 632 : i32
    %mul3A_67 = arith.muli %arg1, %mul3A_66 : i32
    %mul3A_68 = arith.constant 632 : i32
    %mul3A_69 = arith.muli %arg1, %mul3A_68 : i32
    "tpu.region"() ({
      %run_scoped3A = tpu.sem_alloc : memref<!tpu.dma_semaphore, #tpu.memory_space<semaphore_mem>>
      %dma_start3A_75 = arith.constant 0 : i32
      %dma_start3A_76 = tpu.memref_slice %arg5[%arg0, %mul3A_69, %dma_start3A_75] : memref<2x10112x128xbf16, #tpu.memory_space<hbm>> -> memref<1x632x128xbf16, #tpu.memory_space<hbm>>
      %dma_start3A_77 = tpu.memref_squeeze %dma_start3A_76 : memref<1x632x128xbf16, #tpu.memory_space<hbm>> -> memref<632x128xbf16, #tpu.memory_space<hbm>>
      %dma_start3A_78 = arith.constant 0 : i32
      %dma_start3A_79 = tpu.memref_slice %arg7[%mul3A_67, %dma_start3A_78] : memref<10112x128xbf16, #tpu.memory_space<vmem_shared>> -> memref<632x128xbf16, #tpu.memory_space<vmem_shared>>
      tpu.enqueue_dma source(%dma_start3A_79 : memref<632x128xbf16, #tpu.memory_space<vmem_shared>>) target(%dma_start3A_77 : memref<632x128xbf16, #tpu.memory_space<hbm>>) target_semaphore(%run_scoped3A : memref<!tpu.dma_semaphore, #tpu.memory_space<semaphore_mem>>)
      %dma_wait3A = arith.constant 0 : i32
      %dma_wait3A_80 = tpu.memref_slice %arg5[%arg0, %mul3A_69, %dma_wait3A] : memref<2x10112x128xbf16, #tpu.memory_space<hbm>> -> memref<1x632x128xbf16, #tpu.memory_space<hbm>>
      %dma_wait3A_81 = tpu.memref_squeeze %dma_wait3A_80 : memref<1x632x128xbf16, #tpu.memory_space<hbm>> -> memref<632x128xbf16, #tpu.memory_space<hbm>>
      %dma_wait3A_82 = arith.constant 0 : i32
      %dma_wait3A_83 = tpu.memref_slice %arg7[%mul3A_67, %dma_wait3A_82] : memref<10112x128xbf16, #tpu.memory_space<vmem_shared>> -> memref<632x128xbf16, #tpu.memory_space<vmem_shared>>
      tpu.wait_dma2 semaphore(%run_scoped3A : memref<!tpu.dma_semaphore, #tpu.memory_space<semaphore_mem>>) src(%dma_wait3A_83 : memref<632x128xbf16, #tpu.memory_space<vmem_shared>>) dst(%dma_wait3A_81 : memref<632x128xbf16, #tpu.memory_space<hbm>>)
      tpu.yield
    }) : () -> ()
    %eq3A_70 = arith.constant 0 : i32
    %eq3A_71 = arith.cmpi eq, %arg1, %eq3A_70 : i32
    %convert_element_type3A_72 = arith.extui %eq3A_71 : i1 to i32
    %cond3A_73 = arith.constant 0 : i32
    %cond3A_74 = arith.cmpi ne, %convert_element_type3A_72, %cond3A_73 : i32
    scf.if %cond3A_74 {
      "tpu.region"() ({
        %run_scoped3A = tpu.sem_alloc : memref<!tpu.dma_semaphore, #tpu.memory_space<semaphore_mem>>
        %dma_start3A_75 = arith.constant 0 : i32
        %dma_start3A_76 = arith.constant 0 : i32
        %dma_start3A_77 = tpu.memref_slice %arg6[%arg0, %dma_start3A_75, %dma_start3A_76] : memref<2x80x128xf32, #tpu.memory_space<hbm>> -> memref<1x80x128xf32, #tpu.memory_space<hbm>>
        %dma_start3A_78 = tpu.memref_squeeze %dma_start3A_77 : memref<1x80x128xf32, #tpu.memory_space<hbm>> -> memref<80x128xf32, #tpu.memory_space<hbm>>
        tpu.enqueue_dma source(%arg8 : memref<80x128xf32, #tpu.memory_space<vmem_shared>>) target(%dma_start3A_78 : memref<80x128xf32, #tpu.memory_space<hbm>>) target_semaphore(%run_scoped3A : memref<!tpu.dma_semaphore, #tpu.memory_space<semaphore_mem>>)
        %dma_wait3A = arith.constant 0 : i32
        %dma_wait3A_79 = arith.constant 0 : i32
        %dma_wait3A_80 = tpu.memref_slice %arg6[%arg0, %dma_wait3A, %dma_wait3A_79] : memref<2x80x128xf32, #tpu.memory_space<hbm>> -> memref<1x80x128xf32, #tpu.memory_space<hbm>>
        %dma_wait3A_81 = tpu.memref_squeeze %dma_wait3A_80 : memref<1x80x128xf32, #tpu.memory_space<hbm>> -> memref<80x128xf32, #tpu.memory_space<hbm>>
        tpu.wait_dma2 semaphore(%run_scoped3A : memref<!tpu.dma_semaphore, #tpu.memory_space<semaphore_mem>>) src(%arg8 : memref<80x128xf32, #tpu.memory_space<vmem_shared>>) dst(%dma_wait3A_81 : memref<80x128xf32, #tpu.memory_space<hbm>>)
        tpu.yield
      }) : () -> ()
    } else {
    }
    return
  }
}

module attributes {stable_mosaic.version = 14 : i64} {
  func.func @_tc_body(%arg0: i32, %arg1: memref<2x2528x128xbf16, #tpu.memory_space<vmem>>, %arg2: memref<2x2528x4xf32, #tpu.memory_space<vmem>>, %arg3: memref<2528x128xf32, #tpu.memory_space<vmem>>, %arg4: memref<128x128xf32, #tpu.memory_space<vmem>>, %arg5: memref<1x128xf32, #tpu.memory_space<vmem>>, %arg6: memref<2528x128xf32, #tpu.memory_space<vmem>>) attributes {dimension_semantics = [#tpu.dimension_semantics<arbitrary>], iteration_bounds = array<i64: 4>, scalar_prefetch = 0 : i64, scratch_operands = 0 : i64, tpu.core_type = #tpu.core_type<tc>, window_params = [{transform_indices = @transform_0, window_bounds = array<i64: 2, 2528, 128>}, {pipeline_mode = #tpu.pipeline_mode<synchronous>, transform_indices = @transform_1, window_bounds = array<i64: 2, 2528, 4>}, {transform_indices = @transform_2, window_bounds = array<i64: 2528, 128>}, {pipeline_mode = #tpu.pipeline_mode<synchronous>, transform_indices = @transform_3, window_bounds = array<i64: 128, 128>}, {pipeline_mode = #tpu.pipeline_mode<synchronous>, transform_indices = @transform_4, window_bounds = array<i64: 1, 128>}, {transform_indices = @transform_5, window_bounds = array<i64: 2528, 128>}]} {
    %get3A = arith.constant 0 : index
    %get3A_0 = arith.constant 0 : index
    %get3A_1 = arith.constant 0 : index
    %get3A_2 = vector.load %arg1[%get3A, %get3A_0, %get3A_1] : memref<2x2528x128xbf16, #tpu.memory_space<vmem>>, vector<1x2528x128xbf16>
    %get3A_3 = vector.shape_cast %get3A_2 : vector<1x2528x128xbf16> to vector<2528x128xbf16>
    %convert_element_type3A = arith.extf %get3A_3 : vector<2528x128xbf16> to vector<2528x128xf32>
    %get3A_4 = arith.constant 1 : index
    %get3A_5 = arith.constant 0 : index
    %get3A_6 = arith.constant 0 : index
    %get3A_7 = vector.load %arg1[%get3A_4, %get3A_5, %get3A_6] : memref<2x2528x128xbf16, #tpu.memory_space<vmem>>, vector<1x2528x128xbf16>
    %get3A_8 = vector.shape_cast %get3A_7 : vector<1x2528x128xbf16> to vector<2528x128xbf16>
    %convert_element_type3A_9 = arith.extf %get3A_8 : vector<2528x128xbf16> to vector<2528x128xf32>
    %add3A = arith.addf %convert_element_type3A, %convert_element_type3A_9 : vector<2528x128xf32>
    %get3A_10 = arith.constant 0 : index
    %get3A_11 = arith.constant 0 : index
    %get3A_12 = arith.constant 0 : index
    %get3A_13 = vector.load %arg2[%get3A_10, %get3A_11, %get3A_12] : memref<2x2528x4xf32, #tpu.memory_space<vmem>>, vector<1x2528x4xf32>
    %get3A_14 = vector.shape_cast %get3A_13 : vector<1x2528x4xf32> to vector<2528x4xf32>
    %get3A_15 = arith.constant 1 : index
    %get3A_16 = arith.constant 0 : index
    %get3A_17 = arith.constant 0 : index
    %get3A_18 = vector.load %arg2[%get3A_15, %get3A_16, %get3A_17] : memref<2x2528x4xf32, #tpu.memory_space<vmem>>, vector<1x2528x4xf32>
    %get3A_19 = vector.shape_cast %get3A_18 : vector<1x2528x4xf32> to vector<2528x4xf32>
    %add3A_20 = arith.addf %get3A_14, %get3A_19 : vector<2528x4xf32>
    %iota3A = tpu.iota {dimensions = array<i32: 0>} : vector<4x1xi32>
    %eq3A = vector.broadcast %arg0 : i32 to vector<4x1xi32>
    %eq3A_21 = arith.cmpi eq, %iota3A, %eq3A : vector<4x1xi32>
    %convert_element_type3A_22 = arith.extui %eq3A_21 : vector<4x1xi1> to vector<4x1xi32>
    %convert_element_type3A_23 = arith.sitofp %convert_element_type3A_22 : vector<4x1xi32> to vector<4x1xf32>
    %dot_general3A = arith.constant dense<0.000000e+00> : vector<2528x1xf32>
    %dot_general3A_24 = tpu.matmul %add3A_20, %convert_element_type3A_23, %dot_general3A {dimension_numbers = #tpu.dot_dimension_numbers<[1], [0], [0], [1], [0, 0, 1, 1], [], []>, transpose_lhs_hint = false} : vector<2528x4xf32>, vector<4x1xf32>, vector<2528x1xf32> -> vector<2528x1xf32>
    %max3A = arith.constant 1.000000e+00 : f32
    %max3A_25 = vector.broadcast %max3A : f32 to vector<2528x1xf32>
    %max3A_26 = arith.maximumf %dot_general3A_24, %max3A_25 : vector<2528x1xf32>
    %div3A = vector.broadcast %max3A_26 : vector<2528x1xf32> to vector<2528x128xf32>
    %div3A_27 = arith.divf %add3A, %div3A : vector<2528x128xf32>
    %get3A_28 = arith.constant 0 : index
    %get3A_29 = arith.constant 0 : index
    %get3A_30 = vector.load %arg4[%get3A_28, %get3A_29] : memref<128x128xf32, #tpu.memory_space<vmem>>, vector<128x128xf32>
    %dot_general3A_31 = arith.constant dense<0.000000e+00> : vector<2528x128xf32>
    %dot_general3A_32 = tpu.matmul %div3A_27, %get3A_30, %dot_general3A_31 {dimension_numbers = #tpu.dot_dimension_numbers<[1], [0], [0], [1], [0, 0, 1, 1], [], []>, transpose_lhs_hint = false} : vector<2528x128xf32>, vector<128x128xf32>, vector<2528x128xf32> -> vector<2528x128xf32>
    %get3A_33 = arith.constant 0 : index
    %get3A_34 = arith.constant 0 : index
    %get3A_35 = vector.load %arg5[%get3A_33, %get3A_34] : memref<1x128xf32, #tpu.memory_space<vmem>>, vector<1x128xf32>
    %add3A_36 = vector.broadcast %get3A_35 : vector<1x128xf32> to vector<2528x128xf32>
    %add3A_37 = arith.addf %dot_general3A_32, %add3A_36 : vector<2528x128xf32>
    %max3A_38 = arith.constant 0.000000e+00 : f32
    %max3A_39 = vector.broadcast %max3A_38 : f32 to vector<2528x128xf32>
    %max3A_40 = arith.maximumf %add3A_37, %max3A_39 : vector<2528x128xf32>
    %get3A_41 = arith.constant 0 : index
    %get3A_42 = arith.constant 0 : index
    %get3A_43 = vector.load %arg3[%get3A_41, %get3A_42] : memref<2528x128xf32, #tpu.memory_space<vmem>>, vector<2528x128xf32>
    %add3A_44 = arith.addf %max3A_40, %get3A_43 : vector<2528x128xf32>
    %swap3A = arith.constant 0 : index
    %swap3A_45 = arith.constant 0 : index
    %swap3A_46 = vector.load %arg6[%swap3A, %swap3A_45] : memref<2528x128xf32, #tpu.memory_space<vmem>>, vector<2528x128xf32>
    tpu.vector_store %arg6[%swap3A, %swap3A_45], %add3A_44 {strides = array<i32>} : memref<2528x128xf32, #tpu.memory_space<vmem>>, vector<2528x128xf32>,
    return
  }
  func.func @transform_0(%arg0: i32) -> (i32, i32, i32) {
    %c0_i32 = arith.constant 0 : i32
    %c0_i32_0 = arith.constant 0 : i32
    %c0_i32_1 = arith.constant 0 : i32
    return %c0_i32, %arg0, %c0_i32_0 : i32, i32, i32
  }
  func.func @transform_1(%arg0: i32) -> (i32, i32, i32) {
    %c0_i32 = arith.constant 0 : i32
    %c0_i32_0 = arith.constant 0 : i32
    %c0_i32_1 = arith.constant 0 : i32
    %c0_i32_2 = arith.constant 0 : i32
    return %c0_i32, %c0_i32_0, %c0_i32_1 : i32, i32, i32
  }
  func.func @transform_2(%arg0: i32) -> (i32, i32) {
    %c0_i32 = arith.constant 0 : i32
    %c0_i32_0 = arith.constant 0 : i32
    return %arg0, %c0_i32 : i32, i32
  }
  func.func @transform_3(%arg0: i32) -> (i32, i32) {
    %c0_i32 = arith.constant 0 : i32
    %c0_i32_0 = arith.constant 0 : i32
    %c0_i32_1 = arith.constant 0 : i32
    return %c0_i32, %c0_i32_0 : i32, i32
  }
  func.func @transform_4(%arg0: i32) -> (i32, i32) {
    %c0_i32 = arith.constant 0 : i32
    %c0_i32_0 = arith.constant 0 : i32
    %c0_i32_1 = arith.constant 0 : i32
    return %c0_i32, %c0_i32_0 : i32, i32
  }
  func.func @transform_5(%arg0: i32) -> (i32, i32) {
    %c0_i32 = arith.constant 0 : i32
    %c0_i32_0 = arith.constant 0 : i32
    return %arg0, %c0_i32 : i32, i32
  }
}

</mosaic_0001>

<sc_bundles>
// kernel: kernel.4.cloned.1.call-start
scs
__scs_entry_jumppad:
0x0: {  	(pc) =	sbr.rel $0x88, $3  }
0x1: {  	(tag) =	ssettag $0x0;
	lr =	simm.s32 $0x1  }
0x2: {  	[smem:$0x3F9D] =	sst lr;
	_ =	strace $0xD0000000  }
0x3: {  	_ = 	snop  }
0x4: {  	_ = 	snop  }
0x5: {  	_ = 	snop  }
0x6: {  	_ = 	snop  }
0x7: {  	_ = 	snop  }
__scs_overlays_trampoline_lowered:
0x8: {  	[smem:$0x3FAC] =	sst s0  }
0x9: {  	[smem:$0x3FAD] =	sst s1  }
0xa: {  	[smem:$0x3FAE] =	sst s2  }
0xb: {  	[smem:$0x3FAF] =	sst s3  }
0xc: {  	[smem:$0x3FB0] =	sst s4  }
0xd: {  	[smem:$0x3FB1] =	sst s5  }
0xe: {  	[smem:$0x3FB2] =	sst s6  }
0xf: {  	[smem:$0x3FB3] =	sst s7  }
0x10: {  	[smem:$0x3FB4] =	sst s8  }
0x11: {  	[smem:$0x3FB5] =	sst s9;
	s0 =	simm.s32 @!p0 $0x0  }
0x12: {  	s1 =	sld [smem:$0x3F9B];
	s0 =	simm.s32 @p0 $0x1  }
0x13: {  	[smem:$0x3FB6] =	sst s0;
	s0 =	simm.s32 @!p1 $0x0  }
0x14: {  	s2 =	sld [smem:$0x3F9A];
	s0 =	simm.s32 @p1 $0x1  }
0x15: {  	[smem:$0x3FB7] =	sst s0;
	s0 =	simm.s32 @!p2 $0x0  }
0x16: {  	s3 =	sld [smem:$0x3FDB];
	s0 =	simm.s32 @p2 $0x1  }
0x17: {  	s4 =	simm.s32 $0x1BF5;
	[smem:$0x3FB9] =	sst s0  }
0x18: {  	s0 =	sld [smem:$0x3F9C];
	_ =	swait.ge [sflag:s4], $0x0  }
0x19: {  	s7 =	sld [smem:$0x3F9D]  }
0x1a: {  	s8 =	sadd.s32 $0xFFFFE003, lr  }
0x1b: {  	s9 =	sadd.s32 $0xFFFFFEF7, lr;
	s5 =	simm.s32 $0xFFFFFFFF;
	p2 =	slt.u32 s8, $0xFFFFF086  }
0x1c: {  	p1 =	slt.u32 s9, $0xF7A;
	s5 =	simm.s32 @!p2 $0x0  }
0x1d: {  	s5 =	simm.s32 @p1 $0x1;
	p0 =	seq.s32 s7, s2  }
0x1e: {  	s7 =	smul.u32 @!p0 $0xF7A, s2;
	p2 =	seq.s32 @!p0 s5, $0x0  }
0x1f: {  	s9 =	smul.u32 $0xF7A, s1;
	s8 =	simm.s32 @!p0 $0x1BF5;
	p2 =	por !p2, p0  }
0x20: {  	[sflag:s8] =	ssyncset.s32 @!p0 $0xFFFFF086;
	s6 =	sadd.s32 @!p0 s3, s7;
	s7 =	simm.s32 @!p0 $0x108  }
0x21: {  	s3 =	sadd.s32 s3, s9;
	s6 =	sadd.s32 @!p0 $0x88, s6;
	s7 =	simm.s32 @p2 $0x1082  }
0x22: {  	[simem:s7], [sflag:s8] =	dma.local @!p0 [hbm:s6], $0xF7A  }
0x23: {  	s9 =	sor.u32 $0xD0000000, s2;
	s6 =	simm.s32 $0x108;
	_ =	swait.ge @!p0 [sflag:s8], $0x0  }
0x24: {  	s3 =	sadd.s32 $0x88, s3;
	s6 =	simm.s32 @!p1 $0x1082;
	[sflag:s4] =	ssyncset.s32 $0xFFFFF086  }
0x25: {  	[simem:s6], [sflag:s4] =	dma.local [hbm:s3], $0xF7A  }
0x26: {  	[smem:$0x3F9D] =	sst s1;
	(tag) =	ssettag s2;
	_ =	strace s9  }
0x27: {  	s1 =	sld [smem:$0x3FAD]  }
0x28: {  	s2 =	sld [smem:$0x3FAE]  }
0x29: {  	s4 =	sld [smem:$0x3FB0]  }
0x2a: {  	p0 =	seq.s32 s5, $0x0;
	s5 =	sld [smem:$0x3FB1]  }
0x2b: {  	s6 =	sld [smem:$0x3FB2]  }
0x2c: {  	s7 =	sld [smem:$0x3FB3]  }
0x2d: {  	s3 =	simm.s32 $0x108;
	s8 =	sld [smem:$0x3FB4]  }
0x2e: {  	s3 =	simm.s32 @!p0 $0x1082;
	s9 =	sld [smem:$0x3FB5]  }
0x2f: {  	lr =	sadd.s32 s0, s3;
	s0 =	sld [smem:$0x3FAC]  }
0x30: {  	s3 =	sld [smem:$0x3FAF]  }
0x31: {  	[smem:$0x3FB8] =	sst s10  }
0x32: {  	s10 =	sld [smem:$0x3FB6];
	_ =	sdelay $0x3  }
0x33: {  	p0 =	seq.s32 s10, $0x1;
	s10 =	sld [smem:$0x3FB8];
	_ =	sdelay $0x3  }
0x34: {  	[smem:$0x3FB8] =	sst s10  }
0x35: {  	s10 =	sld [smem:$0x3FB7];
	_ =	sdelay $0x3  }
0x36: {  	p1 =	seq.s32 s10, $0x1;
	s10 =	sld [smem:$0x3FB8];
	_ =	sdelay $0x3  }
0x37: {  	[smem:$0x3FB8] =	sst s10  }
0x38: {  	s10 =	sld [smem:$0x3FB9]  }
0x39: {  	_ = 	snop;
	(pc) =	sbr.ind lr, $3  }
0x3a: {  	_ = 	snop  }
0x3b: {  	_ = 	snop  }
0x3c: {  	p2 =	seq.s32 s10, $0x1;
	s10 =	sld [smem:$0x3FB8]  }
0x3d: {  	_ =	shalt  }
0x3e: {  	_ =	shalt  }
0x3f: {  	_ =	shalt  }
0x40: {  	_ =	shalt  }
0x41: {  	_ =	shalt  }
0x42: {  	_ =	shalt  }
0x43: {  	_ =	shalt  }
0x44: {  	_ =	shalt  }
0x45: {  	_ =	shalt  }
0x46: {  	_ =	shalt  }
0x47: {  	_ =	shalt  }
0x48: {  	_ =	shalt  }
0x49: {  	_ =	shalt  }
0x4a: {  	_ =	shalt  }
0x4b: {  	_ =	shalt  }
0x4c: {  	_ =	shalt  }
0x4d: {  	_ =	shalt  }
0x4e: {  	_ =	shalt  }
0x4f: {  	_ =	shalt  }
0x50: {  	_ =	shalt  }
0x51: {  	_ =	shalt  }
0x52: {  	_ =	shalt  }
0x53: {  	_ =	shalt  }
0x54: {  	_ =	shalt  }
0x55: {  	_ =	shalt  }
0x56: {  	_ =	shalt  }
0x57: {  	_ =	shalt  }
0x58: {  	_ =	shalt  }
0x59: {  	_ =	shalt  }
0x5a: {  	_ =	shalt  }
0x5b: {  	_ =	shalt  }
0x5c: {  	_ =	shalt  }
0x5d: {  	_ =	shalt  }
0x5e: {  	_ =	shalt  }
0x5f: {  	_ =	shalt  }
0x60: {  	_ =	shalt  }
0x61: {  	_ =	shalt  }
0x62: {  	_ =	shalt  }
0x63: {  	_ =	shalt  }
0x64: {  	_ =	shalt  }
0x65: {  	_ =	shalt  }
0x66: {  	_ =	shalt  }
0x67: {  	_ =	shalt  }
0x68: {  	_ =	shalt  }
0x69: {  	_ =	shalt  }
0x6a: {  	_ =	shalt  }
0x6b: {  	_ =	shalt  }
0x6c: {  	_ =	shalt  }
0x6d: {  	_ =	shalt  }
0x6e: {  	_ =	shalt  }
0x6f: {  	_ =	shalt  }
0x70: {  	_ =	shalt  }
0x71: {  	_ =	shalt  }
0x72: {  	_ =	shalt  }
0x73: {  	_ =	shalt  }
0x74: {  	_ =	shalt  }
0x75: {  	_ =	shalt  }
0x76: {  	_ =	shalt  }
0x77: {  	_ =	shalt  }
0x78: {  	_ =	shalt  }
0x79: {  	_ =	shalt  }
0x7a: {  	_ =	shalt  }
0x7b: {  	_ =	shalt  }
0x7c: {  	_ =	shalt  }
0x7d: {  	_ =	shalt  }
0x7e: {  	_ =	shalt  }
0x7f: {  	_ =	shalt  }
0x80: {  	_ =	shalt  }
0x81: {  	_ =	shalt  }
0x82: {  	_ =	shalt  }
0x83: {  	_ =	shalt  }
0x84: {  	_ =	shalt  }
0x85: {  	_ =	shalt  }
0x86: {  	_ =	shalt  }
0x87: {  	_ =	shalt  }
.Lfunc_end0:
.L_simem_size_0:
called_computation_lowered:
.L_overlay_start_0:
0x88: {  	s2 =	sld [smem:$0x3FD9]  }
0x89: {  	s3 =	sld [smem:$0x3FFE];
	_ =	sdelay $0x1  }
0x8a: {  	s1 =	srdreg.scid  }
0x8b: {  	s0 =	sand.u32 $0x1, s1  }
0x8c: {  	s17 =	sshll.u32 s0, $0xA;
	s2 =	sadd.s32 s3, s2  }
0x8d: {  	s2 =	sadd.s32 s2, s17  }
0x8e: {  	[smem:$0x3FC4] =	sst s2  }
0x8f: {  	_ = 	snop  }
0x90: {  	s2 =	sld [smem:$0x3FD0];
	(tm) =	ssettm $0x1  }
0x91: {  	s18 =	sld [smem:$0x3FFB];
	_ =	sdelay $0x3  }
0x92: {  	_ =	strace s18  }
0x93: {  	s3 =	sld [smem:$0x3FFC];
	_ =	sdelay $0x3  }
0x94: {  	_ =	strace s3  }
0x95: {  	s3 =	sld [smem:$0x3FFD];
	_ =	sdelay $0x3  }
0x96: {  	_ =	strace s3  }
0x97: {  	_ =	strace $0x8FFFFFFF  }
0x98: {  	s19 =	sld [smem:$0x3FDB];
	_ =	sdelay $0x1  }
0x99: {  	s4 =	simm.s32 $_scs_section_size  }
0x9a: {  	s5 =	simm.s32 $_size__tile_overlayer_lowered;
	s6 =	simm.s32 $_tile_overlayer_lowered  }
0x9b: {  	s22 =	simm.s32 $0x1BFF;
	s21 =	sshll.u32 s6, $0x1;
	s3 =	sadd.s32 s4, s19  }
0x9c: {  	s7 =	simm.s32 $0x0;
	s20 =	sshll.u32 s5, $0x1;
	s5 =	sadd.s32 s21, s3  }
0x9d: {  	[timem:s7], [sflag:s22] =	dma.local [hbm:s5], s20  }
0x9e: {  	_ =	swait.ge [sflag:s22], s20  }
0x9f: {  	s4 =	ssub.s32 $0x0, s20;
	[sflag:s22] =	ssyncset.done $0x0  }
0xa0: {  	[sflag:s22] =	ssyncadd.s32 s4;
	_ =	sdelay $0x1  }
0xa1: {  	s23 =	simm.s32 $0x1B8B  }
0xa2: {  	_ =	swait.ge [sflag:s23], $0x1  }
0xa3: {  	[sflag:s23] =	ssyncset.done $0x0  }
0xa4: {  	s25 =	simm.s32 $0x1B8E;
	s24 =	sld [smem:$0x3FFE];
	[sflag:s23] =	ssyncadd.s32 $0xFFFFFFFF  }
0xa5: {  	s26 =	simm.s32 $execute0_lowered;
	[smem:$0x3FD2] =	sst s25  }
0xa6: {  	s5 =	sshll.u32 s26, $0x1;
	_ =	strace $0x80000046;
	[dreg:$0x1] =	wrdreg $0xFFFFFFFF  }
0xa7: {  	s28 =	simm.s32 $_size_execute0_lowered;
	s3 =	sadd.s32 s3, s5;
	[dreg:$0x0] =	wrdreg $0x0  }
0xa8: {  	s5 =	sshll.u32 s28, $0x1;
	[dreg:$0x2] =	wrdreg s3  }
0xa9: {  	[dreg:$0x3] =	wrdreg s5  }
0xaa: {  	[dreg:$0x4] =	wrdreg $0xC0  }
0xab: {  	_ =	task [dreg:s7], $0x5FFFF  }
0xac: {  	[dreg:$0x1] =	wrdreg $0xFFFFFFFF  }
0xad: {  	[dreg:$0x0] =	wrdreg $0x60  }
0xae: {  	[dreg:$0x2] =	wrdreg s24  }
0xaf: {  	[dreg:$0x3] =	wrdreg s2  }
0xb0: {  	[dreg:$0x4] =	wrdreg $0x0  }
0xb1: {  	[dreg:$0x5] =	wrdreg $0x9E000  }
0xb2: {  	[dreg:$0x6] =	wrdreg $0x9  }
0xb3: {  	_ =	task.clear_ibuf [dreg:s7], $0x7FFFF;
	_ =	strace $0x90000046  }
0xb4: {  	s29 =	simm.s32 $0x9;
	_ =	strace $0x80000048  }
0xb5: {  	_ =	swait.ge [sflag:s29], $0x1  }
0xb6: {  	[sflag:s29] =	ssyncadd.s32 $0xFFFFFFFF  }
0xb7: {  	_ =	strace $0x90000048  }
0xb8: {  	_ =	sfence  }
0xb9: {  	s30 =	sld [smem:$0x0];
	_ =	sdelay $0x2  }
0xba: {  	s31 =	sshll.u32 s1, $0xD;
	s1 =	sshrl.u32 s1, $0x2  }
0xbb: {  	s3 =	sand.u32 $0x4000, s31;
	s1 =	sadd.s32 s1, s30  }
0xbc: {  	s0 =	sor.u32 s3, s0;
	s1 =	sshll.u32 s1, $0x11  }
0xbd: {  	s0 =	sor.u32 s1, s0  }
0xbe: {  	s0 =	sadd.s32 $0x8F2B, s0  }
0xbf: {  	[sflag:s0] =	ssyncadd.remote.s32 $0x1  }
0xc0: {  	_ =	sfence.sel $0xFFFF  }
0xc1: {  	[dreg:$0x0] =	wrdreg $0xFFFFFFFF;
	(pc) =	sbr.abs _section_cstart, $3  }
0xc2: {  	[dreg:$0x1] =	wrdreg $0xFFFFFFFF  }
0xc3: {  	_ =	task.clear_ibuf [dreg:s7], $0x2FFFF;
	_ =	strace $0x9FFFFFFF  }
0xc4: {  	(tm) =	ssettm $0x7FFFFFFF  }
0xc5: {  	_ =	shalt  }
tec
execute0_lowered:
.L_overlay_start_1:
0x0: {  	(tag) =	ssettag $0x1  }
0x1: {  	s2 =	rddreg [dreg:$0x0]  }
0x2: {  	s5 =	rddreg [dreg:$0x1]  }
0x3: {  	s1 =	rddreg [dreg:$0x2];
	s3 =	simm.s32 $0x0  }
0x4: {  	s17 =	simm.s32 $0xA100;
	[smem:$0x7FF] =	sst s3  }
0x5: {  	s19 =	simm.s32 $0xA180;
	_ =	strace $0x80000047;
	[dreg:$0x7] =	wrdreg s17  }
0x6: {  	s20 =	simm.s32 $0xA200;
	[dreg:$0x8] =	wrdreg s19  }
0x7: {  	s0 =	srdreg.scid;
	s21 =	simm.s32 $0xA280;
	[dreg:$0x9] =	wrdreg s20  }
0x8: {  	s22 =	simm.s32 $0xA300;
	s24 =	simm.s32 $0xA380;
	[dreg:$0xa] =	wrdreg s21  }
0x9: {  	s26 =	simm.s32 $0xA400;
	s13 =	simm.s32 $0xA480;
	[dreg:$0xb] =	wrdreg s22  }
0xa: {  	s14 =	simm.s32 $0xA500;
	s15 =	simm.s32 $0xA580;
	[dreg:$0xc] =	wrdreg s24  }
0xb: {  	s16 =	simm.s32 $0xA600;
	s28 =	simm.s32 $0x6;
	[dreg:$0xd] =	wrdreg s26  }
0xc: {  	s29 =	simm.s32 $0x7;
	s30 =	simm.s32 $0x8;
	[dreg:$0xe] =	wrdreg s13  }
0xd: {  	s6 =	sand.u32 $0x1, s0;
	s0 =	stileid.u32;
	[dreg:$0xf] =	wrdreg s14  }
0xe: {  	s31 =	simm.s32 $0xA;
	s7 =	smul.u32 $0x500, s6;
	[dreg:$0x10] =	wrdreg s15  }
0xf: {  	s4 =	smul.u32 $0x50, s0;
	[dreg:$0x11] =	wrdreg s16;
	s17 =	simm.s32 $0xA680  }
0x10: {  	s8 =	smul.u32 $0x13C00, s0;
	s19 =	simm.s32 $0xA700;
	[dreg:$0x12] =	wrdreg s17  }
0x11: {  	s12 =	smul.u32 $0x13C000, s6;
	s20 =	simm.s32 $0xA780;
	[dreg:$0x13] =	wrdreg s19  }
0x12: {  	s23 =	ssub.s32 $0x2, s6;
	s22 =	simm.s32 $0xA800;
	[dreg:$0x14] =	wrdreg s20  }
0x13: {  	s6 =	sshll.u32 s6, $0x4;
	s24 =	simm.s32 $0xA880;
	[dreg:$0x15] =	wrdreg s22  }
0x14: {  	s13 =	simm.s32 $0xAB80;
	s14 =	simm.s32 $0xAC00;
	[dreg:$0x16] =	wrdreg s24  }
0x15: {  	s15 =	simm.s32 $0xAC80;
	p0 =	sne.s32 s0, $0x0;
	[dreg:$0x1b] =	wrdreg s13  }
0x16: {  	s16 =	simm.s32 $0xAD00;
	s25 =	sshrl.u32 s23, $0x1;
	[dreg:$0x1c] =	wrdreg s14  }
0x17: {  	s6 =	sor.u32 s0, s6;
	s13 =	simm.s32 $0xB;
	[dreg:$0x1d] =	wrdreg s15  }
0x18: {  	s14 =	simm.s32 $0x9;
	[dreg:$0x1e] =	wrdreg s16;
	s17 =	simm.s32 $0xAD80  }
0x19: {  	s15 =	simm.s32 $0xAA80;
	s16 =	simm.s32 $0x80;
	s19 =	simm.s32 $0xAE80  }
0x1a: {  	s20 =	simm.s32 $0xAF00;
	s22 =	simm.s32 $0xB000;
	s24 =	simm.s32 $0xB100  }
0x1b: {  	s4 =	sadd.s32 s4, s7;
	s10 =	sshrl.u32 s8, $0x4;
	[dreg:$0x1f] =	wrdreg s17  }
0x1c: {  	s18 =	sadd.s32 s8, s12;
	s6 =	smul.u32 $0xA00, s6;
	[smem:$0x7F4] =	sst s19  }
0x1d: {  	s12 =	simm.s32 $0xAB00;
	s17 =	simm.s32 $0xB480;
	[smem:$0x7F5] =	sst s20  }
0x1e: {  	s19 =	simm.s32 $0x13480;
	s20 =	simm.s32 $0xD480;
	[smem:$0x7F7] =	sst s22  }
0x1f: {  	[smem:$0x7F9] =	sst s24;
	s4 =	sshll.u32 s4, $0x5;
	s10 =	sadd.s32 s10, s2  }
0x20: {  	[dreg:$0x1a] =	wrdreg s12;
	s9 =	sadd.s32 s4, s5;
	s5 =	sadd.s32 s5, s6  }
0x21: {  	s22 =	simm.s32 $0xF480;
	s21 =	sadd.s32 $0x14C00, s10;
	[smem:$0x7EE] =	sst s5  }
0x22: {  	s24 =	simm.s32 $0x11480;
	s10 =	simm.s32 $0xAA00;
	[smem:$0x7EF] =	sst s21  }
0x23: {  	s4 =	sadd.s32 $0x1200, s2;
	s11 =	sadd.s32 $0x280, s9;
	[dreg:$0x19] =	wrdreg s10  }
0x24: {  	s9 =	sadd.s32 $0x140, s9;
	s21 =	simm.s32 $0xAF80;
	[dreg:$0x5] =	wrdreg s11  }
0x25: {  	s5 =	simm.s32 $0xB300;
	[dreg:$0x6] =	wrdreg s9;
	s11 =	sshrl.u32 s18, $0x4  }
0x26: {  	s9 =	ssub.s32 s23, s25;
	s18 =	sshrl.u32 s8, $0x1;
	s23 =	sshll.u32 s0, $0x6  }
0x27: {  	s25 =	simm.s32 $0xA900;
	s8 =	simm.s32 $0xA980;
	[smem:$0x7F6] =	sst s21  }
0x28: {  	s11 =	sadd.s32 s11, s2;
	s2 =	sadd.s32 s7, s2;
	[dreg:$0x17] =	wrdreg s25  }
0x29: {  	s6 =	sadd.s32 s18, s1;
	[dreg:$0x18] =	wrdreg s8;
	s18 =	simm.s32 $0xAE00  }
0x2a: {  	s7 =	sor.u32 $0x1C0B, s23;
	s23 =	simm.s32 $0xB080;
	[smem:$0x7F3] =	sst s18  }
0x2b: {  	s21 =	simm.s32 $0x2;
	s25 =	simm.s32 $0xB180;
	[smem:$0x7F8] =	sst s23  }
0x2c: {  	s0 =	simm.s32 $0xB280;
	s8 =	simm.s32 $0xB400;
	[smem:$0x7FA] =	sst s25  }
0x2d: {  	s26 =	sadd.s32 $0x28800, s11;
	s2 =	sadd.s32 $0x50000, s2;
	[smem:$0x7FC] =	sst s7  }
0x2e: {  	s11 =	smax.u32 s9, $0x1;
	s12 =	sshrl.u32 s6, $0x3;
	[smem:$0x7F0] =	sst s26  }
0x2f: {  	s18 =	simm.s32 $0x1;
	s23 =	simm.s32 $0x3;
	[smem:$0x7F1] =	sst s2  }
0x30: {  	v0 =	vlaneseq.u32;
	s25 =	simm.s32 $0x4;
	s6 =	simm.s32 $0xB380;
	[smem:$0x7F2] =	sst s11  }
0x31: {  	v1 =	vimm.f32 $0.0e+00;
	v6 =	vimm.f32 $1.000000000e+00;
	v2 =	vor.u32 $0x10, v0;
	s9 =	simm.s32 $0x0;
	s26 =	simm.s32 $0xB200;
	[smem:$0x7FD] =	sst s12  }
0x32: {  	v3 =	vor.u32 $0x20, v0;
	v4 =	vor.u32 $0x30, v0;
	v5 =	vor.u32 $0x40, v0;
	s11 =	simm.s32 $0xA080;
	[smem:$0x7FB] =	sst s26;
	s26 =	simm.s32 $0x5  }
.LBB2_1:
0x33: {  	s2 =	sld [smem:$0x7EE]  }
0x34: {  	s10 =	sld [smem:$0x7EF];
	_ =	sdelay $0x1  }
0x35: {  	[tilespmem:s11], [sflag:$0x9] =	stream.linear.gather [hbm4b:s2+s3], $0xA00, $0x38;
	[tilespmem:$0x15CD0] =	vst v63  }
0x36: {  	[spmem:s12], [sflag:s7] =	dma.local [hbm:s10], $0x13C0  }
0x37: {  	_ =	swait.ge [sflag:s13], $0x13C0  }
0x38: {  	[sflag:s13] =	ssyncset.done $0x0  }
0x39: {  	s2 =	simm.s32 $0x200;
	s10 =	simm.s32 $0x0;
	[sflag:s13] =	ssyncadd.s32 $0xFFFFEC40  }
.LBB2_2:
0x3a: {  	p1 =	sne.s32 s2, $0x9E00;
	[tilespmem:s10+$0x134F0] =	vst v1  }
0x3b: {  	[tilespmem:s10+$0x13480] =	vst v1  }
0x3c: {  	[tilespmem:s10+$0x13490] =	vst v1  }
.Ltmp0:
0x3d: {  	[tilespmem:s10+$0x134A0] =	vst v1;
	(pc) =	sbr.rel @p1 .LBB2_2-.Ltmp0, $4  }
0x3e: {  	[tilespmem:s10+$0x134B0] =	vst v1  }
0x3f: {  	[tilespmem:s10+$0x134C0] =	vst v1  }
0x40: {  	[tilespmem:s10+$0x134D0] =	vst v1  }
0x41: {  	[tilespmem:s10+$0x134E0] =	vst v1;
	s10 =	sshra.s32 s2, $0x2;
	s2 =	sadd.s32 $0x200, s2  }
0x42: {  	[tilespmem:s10+$0x134F0] =	vst v1  }
0x43: {  	[tilespmem:s10+$0x13480] =	vst v1  }
0x44: {  	[tilespmem:s10+$0x13490] =	vst v1  }
0x45: {  	[tilespmem:s10+$0x134A0] =	vst v1  }
0x46: {  	[tilespmem:s10+$0x134B0] =	vst v1  }
0x47: {  	[tilespmem:s10+$0x134C0] =	vst v1  }
0x48: {  	[tilespmem:s10+$0x134D0] =	vst v1  }
0x49: {  	[tilespmem:s10+$0x134E0] =	vst v1  }
0x4a: {  	[tilespmem:$0x15C80] =	vst v0  }
0x4b: {  	[tilespmem:$0x15C90] =	vst v2  }
0x4c: {  	[tilespmem:$0x15CA0] =	vst v3  }
0x4d: {  	[tilespmem:$0x15CB0] =	vst v4  }
0x4e: {  	s2 =	simm.s32 @!p0 $0x13480;
	s7 =	rddreg [dreg:$0x3];
	[tilespmem:$0x15CC0] =	vst v5  }
0x4f: {  	[spmem:s7] =	stream.linear.scatter @!p0 [tilespmem:s2], [sflag:$0xB], $0x2800, $0x38;
	[tilespmem:$0x15CD0] =	vst v63  }
0x50: {  	s2 =	simm.s32 @!p0 $0xB  }
0x51: {  	_ =	swait.ge @!p0 [sflag:s2], $0x2800  }
0x52: {  	[sflag:s2] =	ssyncset.done @!p0 $0x0  }
0x53: {  	[sflag:s2] =	ssyncadd.s32 @!p0 $0xFFFFD800  }
0x54: {  	s10 =	simm.s32 $0x0;
	[bflag:$0x0] =	sbarrier.arrive $0xFFFF  }
.LBB2_4:
0x55: {  	_ =	swait.ge [sflag:s14], $0xA00  }
0x56: {  	s2 =	rddreg [dreg:$0x6];
	[sflag:s14] =	ssyncset.done $0x0  }
0x57: {  	[sflag:s14] =	ssyncadd.s32 $0xFFFFF600;
	s2 =	sadd.s32 s10, s2  }
0x58: {  	[tilespmem:s15], [sflag:$0xA] =	stream.linear.gather [hbm4b:s2+s3], $0xA00, $0x38;
	[tilespmem:$0x15CD0] =	vst v63  }
0x59: {  	_ = 	snop  }
0x5a: {  	[tilespmem:s17], [sflag:$0x1] =	stream.indirect.gather [hbm4b:s4+s16], $0x40, s11, s16, $0xb8;
	[tilespmem:$0x15CD0] =	vst v63  }
0x5b: {  	_ =	swait.ge [sflag:s18], $0x2000  }
0x5c: {  	[sflag:s18] =	ssyncset.done $0x0  }
0x5d: {  	s7 =	rddreg [dreg:$0x7];
	[sflag:s18] =	ssyncadd.s32 $0xFFFFE000  }
0x5e: {  	[spmem:s1] =	stream.indirect.scatter.add.bf16 [tilespmem:s17], [sflag:$0x5], $0x40, s7, s16, $0xb8;
	[tilespmem:$0x15CD0] =	vst v63  }
0x5f: {  	v7 =	vld [tilespmem:$0xA100];
	_ =	sdelay $0x7  }
0x60: {  	[tilespmem:v7+s19+$0x0] =	vst.idx.add.f32.msk $0xffff, v6  }
0x61: {  	v7 =	vld [tilespmem:$0xA110];
	_ =	sdelay $0x7  }
0x62: {  	[tilespmem:v7+s19+$0x0] =	vst.idx.add.f32.msk $0xffff, v6  }
0x63: {  	v7 =	vld [tilespmem:$0xA120];
	_ =	sdelay $0x7  }
0x64: {  	[tilespmem:v7+s19+$0x0] =	vst.idx.add.f32.msk $0xffff, v6  }
0x65: {  	v7 =	vld [tilespmem:$0xA130];
	_ =	sdelay $0x7  }
0x66: {  	[tilespmem:v7+s19+$0x0] =	vst.idx.add.f32.msk $0xffff, v6  }
0x67: {  	v7 =	vld [tilespmem:$0xA140];
	_ =	sdelay $0x7  }
0x68: {  	[tilespmem:v7+s19+$0x0] =	vst.idx.add.f32.msk $0xffff, v6  }
0x69: {  	v7 =	vld [tilespmem:$0xA150];
	_ =	sdelay $0x7  }
0x6a: {  	[tilespmem:v7+s19+$0x0] =	vst.idx.add.f32.msk $0xffff, v6  }
0x6b: {  	v7 =	vld [tilespmem:$0xA160];
	_ =	sdelay $0x7  }
0x6c: {  	[tilespmem:v7+s19+$0x0] =	vst.idx.add.f32.msk $0xffff, v6  }
0x6d: {  	v7 =	vld [tilespmem:$0xA170];
	_ =	sdelay $0x7  }
0x6e: {  	s12 =	rddreg [dreg:$0x8];
	[tilespmem:v7+s19+$0x0] =	vst.idx.add.f32.msk $0xffff, v6  }
0x6f: {  	[tilespmem:s20], [sflag:$0x2] =	stream.indirect.gather [hbm4b:s4+s16], $0x40, s12, s16, $0xb8;
	[tilespmem:$0x15CD0] =	vst v63  }
0x70: {  	_ =	swait.ge [sflag:s21], $0x2000  }
0x71: {  	[sflag:s21] =	ssyncset.done $0x0  }
0x72: {  	s7 =	rddreg [dreg:$0x9];
	[sflag:s21] =	ssyncadd.s32 $0xFFFFE000  }
0x73: {  	[spmem:s1] =	stream.indirect.scatter.add.bf16 [tilespmem:s20], [sflag:$0x6], $0x40, s7, s16, $0xb8;
	[tilespmem:$0x15CD0] =	vst v63  }
0x74: {  	v7 =	vld [tilespmem:$0xA200];
	_ =	sdelay $0x7  }
0x75: {  	[tilespmem:v7+s19+$0x0] =	vst.idx.add.f32.msk $0xffff, v6  }
0x76: {  	v7 =	vld [tilespmem:$0xA210];
	_ =	sdelay $0x7  }
0x77: {  	[tilespmem:v7+s19+$0x0] =	vst.idx.add.f32.msk $0xffff, v6  }
0x78: {  	v7 =	vld [tilespmem:$0xA220];
	_ =	sdelay $0x7  }
0x79: {  	[tilespmem:v7+s19+$0x0] =	vst.idx.add.f32.msk $0xffff, v6  }
0x7a: {  	v7 =	vld [tilespmem:$0xA230];
	_ =	sdelay $0x7  }
0x7b: {  	[tilespmem:v7+s19+$0x0] =	vst.idx.add.f32.msk $0xffff, v6  }
0x7c: {  	v7 =	vld [tilespmem:$0xA240];
	_ =	sdelay $0x7  }
0x7d: {  	[tilespmem:v7+s19+$0x0] =	vst.idx.add.f32.msk $0xffff, v6  }
0x7e: {  	v7 =	vld [tilespmem:$0xA250];
	_ =	sdelay $0x7  }
0x7f: {  	[tilespmem:v7+s19+$0x0] =	vst.idx.add.f32.msk $0xffff, v6  }
0x80: {  	v7 =	vld [tilespmem:$0xA260];
	_ =	sdelay $0x7  }
0x81: {  	[tilespmem:v7+s19+$0x0] =	vst.idx.add.f32.msk $0xffff, v6  }
0x82: {  	v7 =	vld [tilespmem:$0xA270];
	_ =	sdelay $0x7  }
0x83: {  	s12 =	rddreg [dreg:$0xa];
	[tilespmem:v7+s19+$0x0] =	vst.idx.add.f32.msk $0xffff, v6  }
0x84: {  	[tilespmem:s22], [sflag:$0x3] =	stream.indirect.gather [hbm4b:s4+s16], $0x40, s12, s16, $0xb8;
	[tilespmem:$0x15CD0] =	vst v63  }
0x85: {  	_ =	swait.ge [sflag:s23], $0x2000  }
0x86: {  	[sflag:s23] =	ssyncset.done $0x0  }
0x87: {  	s7 =	rddreg [dreg:$0xb];
	[sflag:s23] =	ssyncadd.s32 $0xFFFFE000  }
0x88: {  	[spmem:s1] =	stream.indirect.scatter.add.bf16 [tilespmem:s22], [sflag:$0x7], $0x40, s7, s16, $0xb8;
	[tilespmem:$0x15CD0] =	vst v63  }
0x89: {  	v7 =	vld [tilespmem:$0xA300];
	_ =	sdelay $0x7  }
0x8a: {  	[tilespmem:v7+s19+$0x0] =	vst.idx.add.f32.msk $0xffff, v6  }
0x8b: {  	v7 =	vld [tilespmem:$0xA310];
	_ =	sdelay $0x7  }
0x8c: {  	[tilespmem:v7+s19+$0x0] =	vst.idx.add.f32.msk $0xffff, v6  }
0x8d: {  	v7 =	vld [tilespmem:$0xA320];
	_ =	sdelay $0x7  }
0x8e: {  	[tilespmem:v7+s19+$0x0] =	vst.idx.add.f32.msk $0xffff, v6  }
0x8f: {  	v7 =	vld [tilespmem:$0xA330];
	_ =	sdelay $0x7  }
0x90: {  	[tilespmem:v7+s19+$0x0] =	vst.idx.add.f32.msk $0xffff, v6  }
0x91: {  	v7 =	vld [tilespmem:$0xA340];
	_ =	sdelay $0x7  }
0x92: {  	[tilespmem:v7+s19+$0x0] =	vst.idx.add.f32.msk $0xffff, v6  }
0x93: {  	v7 =	vld [tilespmem:$0xA350];
	_ =	sdelay $0x7  }
0x94: {  	[tilespmem:v7+s19+$0x0] =	vst.idx.add.f32.msk $0xffff, v6  }
0x95: {  	v7 =	vld [tilespmem:$0xA360];
	_ =	sdelay $0x7  }
0x96: {  	[tilespmem:v7+s19+$0x0] =	vst.idx.add.f32.msk $0xffff, v6  }
0x97: {  	v7 =	vld [tilespmem:$0xA370];
	_ =	sdelay $0x7  }
0x98: {  	s12 =	rddreg [dreg:$0xc];
	[tilespmem:v7+s19+$0x0] =	vst.idx.add.f32.msk $0xffff, v6  }
0x99: {  	[tilespmem:s24], [sflag:$0x4] =	stream.indirect.gather [hbm4b:s4+s16], $0x40, s12, s16, $0xb8;
	[tilespmem:$0x15CD0] =	vst v63  }
0x9a: {  	_ =	swait.ge [sflag:s25], $0x2000  }
0x9b: {  	[sflag:s25] =	ssyncset.done $0x0  }
0x9c: {  	s7 =	rddreg [dreg:$0xd];
	[sflag:s25] =	ssyncadd.s32 $0xFFFFE000  }
0x9d: {  	[spmem:s1] =	stream.indirect.scatter.add.bf16 [tilespmem:s24], [sflag:$0x8], $0x40, s7, s16, $0xb8;
	[tilespmem:$0x15CD0] =	vst v63  }
0x9e: {  	v7 =	vld [tilespmem:$0xA400];
	_ =	sdelay $0x7  }
0x9f: {  	[tilespmem:v7+s19+$0x0] =	vst.idx.add.f32.msk $0xffff, v6  }
0xa0: {  	v7 =	vld [tilespmem:$0xA410];
	_ =	sdelay $0x7  }
0xa1: {  	[tilespmem:v7+s19+$0x0] =	vst.idx.add.f32.msk $0xffff, v6  }
0xa2: {  	v7 =	vld [tilespmem:$0xA420];
	_ =	sdelay $0x7  }
0xa3: {  	[tilespmem:v7+s19+$0x0] =	vst.idx.add.f32.msk $0xffff, v6  }
0xa4: {  	v7 =	vld [tilespmem:$0xA430];
	_ =	sdelay $0x7  }
0xa5: {  	[tilespmem:v7+s19+$0x0] =	vst.idx.add.f32.msk $0xffff, v6  }
0xa6: {  	v7 =	vld [tilespmem:$0xA440];
	_ =	sdelay $0x7  }
0xa7: {  	[tilespmem:v7+s19+$0x0] =	vst.idx.add.f32.msk $0xffff, v6  }
0xa8: {  	v7 =	vld [tilespmem:$0xA450];
	_ =	sdelay $0x7  }
0xa9: {  	[tilespmem:v7+s19+$0x0] =	vst.idx.add.f32.msk $0xffff, v6  }
0xaa: {  	v7 =	vld [tilespmem:$0xA460];
	_ =	sdelay $0x7  }
0xab: {  	[tilespmem:v7+s19+$0x0] =	vst.idx.add.f32.msk $0xffff, v6  }
0xac: {  	v7 =	vld [tilespmem:$0xA470];
	_ =	sdelay $0x7  }
0xad: {  	[tilespmem:v7+s19+$0x0] =	vst.idx.add.f32.msk $0xffff, v6  }
0xae: {  	_ =	swait.ge [sflag:s26], $0x2000  }
0xaf: {  	[sflag:s26] =	ssyncset.done $0x0  }
0xb0: {  	s12 =	rddreg [dreg:$0xe];
	[sflag:s26] =	ssyncadd.s32 $0xFFFFE000  }
0xb1: {  	[tilespmem:s17], [sflag:$0x1] =	stream.indirect.gather [hbm4b:s4+s16], $0x40, s12, s16, $0xb8;
	[tilespmem:$0x15CD0] =	vst v63  }
0xb2: {  	_ =	swait.ge [sflag:s18], $0x2000  }
0xb3: {  	[sflag:s18] =	ssyncset.done $0x0  }
0xb4: {  	s7 =	rddreg [dreg:$0xf];
	[sflag:s18] =	ssyncadd.s32 $0xFFFFE000  }
0xb5: {  	[spmem:s1] =	stream.indirect.scatter.add.bf16 [tilespmem:s17], [sflag:$0x5], $0x40, s7, s16, $0xb8;
	[tilespmem:$0x15CD0] =	vst v63  }
0xb6: {  	v7 =	vld [tilespmem:$0xA500];
	_ =	sdelay $0x7  }
0xb7: {  	[tilespmem:v7+s19+$0x0] =	vst.idx.add.f32.msk $0xffff, v6  }
0xb8: {  	v7 =	vld [tilespmem:$0xA510];
	_ =	sdelay $0x7  }
0xb9: {  	[tilespmem:v7+s19+$0x0] =	vst.idx.add.f32.msk $0xffff, v6  }
0xba: {  	v7 =	vld [tilespmem:$0xA520];
	_ =	sdelay $0x7  }
0xbb: {  	[tilespmem:v7+s19+$0x0] =	vst.idx.add.f32.msk $0xffff, v6  }
0xbc: {  	v7 =	vld [tilespmem:$0xA530];
	_ =	sdelay $0x7  }
0xbd: {  	[tilespmem:v7+s19+$0x0] =	vst.idx.add.f32.msk $0xffff, v6  }
0xbe: {  	v7 =	vld [tilespmem:$0xA540];
	_ =	sdelay $0x7  }
0xbf: {  	[tilespmem:v7+s19+$0x0] =	vst.idx.add.f32.msk $0xffff, v6  }
0xc0: {  	v7 =	vld [tilespmem:$0xA550];
	_ =	sdelay $0x7  }
0xc1: {  	[tilespmem:v7+s19+$0x0] =	vst.idx.add.f32.msk $0xffff, v6  }
0xc2: {  	v7 =	vld [tilespmem:$0xA560];
	_ =	sdelay $0x7  }
0xc3: {  	[tilespmem:v7+s19+$0x0] =	vst.idx.add.f32.msk $0xffff, v6  }
0xc4: {  	v7 =	vld [tilespmem:$0xA570];
	_ =	sdelay $0x7  }
0xc5: {  	[tilespmem:v7+s19+$0x0] =	vst.idx.add.f32.msk $0xffff, v6  }
0xc6: {  	_ =	swait.ge [sflag:s28], $0x2000  }
0xc7: {  	[sflag:s28] =	ssyncset.done $0x0  }
0xc8: {  	s12 =	rddreg [dreg:$0x10];
	[sflag:s28] =	ssyncadd.s32 $0xFFFFE000  }
0xc9: {  	[tilespmem:s20], [sflag:$0x2] =	stream.indirect.gather [hbm4b:s4+s16], $0x40, s12, s16, $0xb8;
	[tilespmem:$0x15CD0] =	vst v63  }
0xca: {  	_ =	swait.ge [sflag:s21], $0x2000  }
0xcb: {  	[sflag:s21] =	ssyncset.done $0x0  }
0xcc: {  	s7 =	rddreg [dreg:$0x11];
	[sflag:s21] =	ssyncadd.s32 $0xFFFFE000  }
0xcd: {  	[spmem:s1] =	stream.indirect.scatter.add.bf16 [tilespmem:s20], [sflag:$0x6], $0x40, s7, s16, $0xb8;
	[tilespmem:$0x15CD0] =	vst v63  }
0xce: {  	v7 =	vld [tilespmem:$0xA600];
	_ =	sdelay $0x7  }
0xcf: {  	[tilespmem:v7+s19+$0x0] =	vst.idx.add.f32.msk $0xffff, v6  }
0xd0: {  	v7 =	vld [tilespmem:$0xA610];
	_ =	sdelay $0x7  }
0xd1: {  	[tilespmem:v7+s19+$0x0] =	vst.idx.add.f32.msk $0xffff, v6  }
0xd2: {  	v7 =	vld [tilespmem:$0xA620];
	_ =	sdelay $0x7  }
0xd3: {  	[tilespmem:v7+s19+$0x0] =	vst.idx.add.f32.msk $0xffff, v6  }
0xd4: {  	v7 =	vld [tilespmem:$0xA630];
	_ =	sdelay $0x7  }
0xd5: {  	[tilespmem:v7+s19+$0x0] =	vst.idx.add.f32.msk $0xffff, v6  }
0xd6: {  	v7 =	vld [tilespmem:$0xA640];
	_ =	sdelay $0x7  }
0xd7: {  	[tilespmem:v7+s19+$0x0] =	vst.idx.add.f32.msk $0xffff, v6  }
0xd8: {  	v7 =	vld [tilespmem:$0xA650];
	_ =	sdelay $0x7  }
0xd9: {  	[tilespmem:v7+s19+$0x0] =	vst.idx.add.f32.msk $0xffff, v6  }
0xda: {  	v7 =	vld [tilespmem:$0xA660];
	_ =	sdelay $0x7  }
0xdb: {  	[tilespmem:v7+s19+$0x0] =	vst.idx.add.f32.msk $0xffff, v6  }
0xdc: {  	v7 =	vld [tilespmem:$0xA670];
	_ =	sdelay $0x7  }
0xdd: {  	[tilespmem:v7+s19+$0x0] =	vst.idx.add.f32.msk $0xffff, v6  }
0xde: {  	_ =	swait.ge [sflag:s29], $0x2000  }
0xdf: {  	[sflag:s29] =	ssyncset.done $0x0  }
0xe0: {  	s12 =	rddreg [dreg:$0x12];
	[sflag:s29] =	ssyncadd.s32 $0xFFFFE000  }
0xe1: {  	[tilespmem:s22], [sflag:$0x3] =	stream.indirect.gather [hbm4b:s4+s16], $0x40, s12, s16, $0xb8;
	[tilespmem:$0x15CD0] =	vst v63  }
0xe2: {  	_ =	swait.ge [sflag:s23], $0x2000  }
0xe3: {  	[sflag:s23] =	ssyncset.done $0x0  }
0xe4: {  	s7 =	rddreg [dreg:$0x13];
	[sflag:s23] =	ssyncadd.s32 $0xFFFFE000  }
0xe5: {  	[spmem:s1] =	stream.indirect.scatter.add.bf16 [tilespmem:s22], [sflag:$0x7], $0x40, s7, s16, $0xb8;
	[tilespmem:$0x15CD0] =	vst v63  }
0xe6: {  	v7 =	vld [tilespmem:$0xA700];
	_ =	sdelay $0x7  }
0xe7: {  	[tilespmem:v7+s19+$0x0] =	vst.idx.add.f32.msk $0xffff, v6  }
0xe8: {  	v7 =	vld [tilespmem:$0xA710];
	_ =	sdelay $0x7  }
0xe9: {  	[tilespmem:v7+s19+$0x0] =	vst.idx.add.f32.msk $0xffff, v6  }
0xea: {  	v7 =	vld [tilespmem:$0xA720];
	_ =	sdelay $0x7  }
0xeb: {  	[tilespmem:v7+s19+$0x0] =	vst.idx.add.f32.msk $0xffff, v6  }
0xec: {  	v7 =	vld [tilespmem:$0xA730];
	_ =	sdelay $0x7  }
0xed: {  	[tilespmem:v7+s19+$0x0] =	vst.idx.add.f32.msk $0xffff, v6  }
0xee: {  	v7 =	vld [tilespmem:$0xA740];
	_ =	sdelay $0x7  }
0xef: {  	[tilespmem:v7+s19+$0x0] =	vst.idx.add.f32.msk $0xffff, v6  }
0xf0: {  	v7 =	vld [tilespmem:$0xA750];
	_ =	sdelay $0x7  }
0xf1: {  	[tilespmem:v7+s19+$0x0] =	vst.idx.add.f32.msk $0xffff, v6  }
0xf2: {  	v7 =	vld [tilespmem:$0xA760];
	_ =	sdelay $0x7  }
0xf3: {  	[tilespmem:v7+s19+$0x0] =	vst.idx.add.f32.msk $0xffff, v6  }
0xf4: {  	v7 =	vld [tilespmem:$0xA770];
	_ =	sdelay $0x7  }
0xf5: {  	[tilespmem:v7+s19+$0x0] =	vst.idx.add.f32.msk $0xffff, v6  }
0xf6: {  	_ =	swait.ge [sflag:s30], $0x2000  }
0xf7: {  	[sflag:s30] =	ssyncset.done $0x0  }
0xf8: {  	s12 =	rddreg [dreg:$0x14];
	[sflag:s30] =	ssyncadd.s32 $0xFFFFE000  }
0xf9: {  	[tilespmem:s24], [sflag:$0x4] =	stream.indirect.gather [hbm4b:s4+s16], $0x40, s12, s16, $0xb8;
	[tilespmem:$0x15CD0] =	vst v63  }
0xfa: {  	_ =	swait.ge [sflag:s25], $0x2000  }
0xfb: {  	[sflag:s25] =	ssyncset.done $0x0  }
0xfc: {  	s7 =	rddreg [dreg:$0x15];
	[sflag:s25] =	ssyncadd.s32 $0xFFFFE000  }
0xfd: {  	[spmem:s1] =	stream.indirect.scatter.add.bf16 [tilespmem:s24], [sflag:$0x8], $0x40, s7, s16, $0xb8;
	[tilespmem:$0x15CD0] =	vst v63  }
0xfe: {  	v7 =	vld [tilespmem:$0xA800];
	_ =	sdelay $0x7  }
0xff: {  	[tilespmem:v7+s19+$0x0] =	vst.idx.add.f32.msk $0xffff, v6  }
0x100: {  	v7 =	vld [tilespmem:$0xA810];
	_ =	sdelay $0x7  }
0x101: {  	[tilespmem:v7+s19+$0x0] =	vst.idx.add.f32.msk $0xffff, v6  }
0x102: {  	v7 =	vld [tilespmem:$0xA820];
	_ =	sdelay $0x7  }
0x103: {  	[tilespmem:v7+s19+$0x0] =	vst.idx.add.f32.msk $0xffff, v6  }
0x104: {  	v7 =	vld [tilespmem:$0xA830];
	_ =	sdelay $0x7  }
0x105: {  	[tilespmem:v7+s19+$0x0] =	vst.idx.add.f32.msk $0xffff, v6  }
0x106: {  	v7 =	vld [tilespmem:$0xA840];
	_ =	sdelay $0x7  }
0x107: {  	[tilespmem:v7+s19+$0x0] =	vst.idx.add.f32.msk $0xffff, v6  }
0x108: {  	v7 =	vld [tilespmem:$0xA850];
	_ =	sdelay $0x7  }
0x109: {  	[tilespmem:v7+s19+$0x0] =	vst.idx.add.f32.msk $0xffff, v6  }
0x10a: {  	v7 =	vld [tilespmem:$0xA860];
	_ =	sdelay $0x7  }
0x10b: {  	[tilespmem:v7+s19+$0x0] =	vst.idx.add.f32.msk $0xffff, v6  }
0x10c: {  	v7 =	vld [tilespmem:$0xA870];
	_ =	sdelay $0x7  }
0x10d: {  	[tilespmem:v7+s19+$0x0] =	vst.idx.add.f32.msk $0xffff, v6  }
0x10e: {  	_ =	swait.ge [sflag:s26], $0x2000  }
0x10f: {  	[sflag:s26] =	ssyncset.done $0x0  }
0x110: {  	s12 =	rddreg [dreg:$0x16];
	[sflag:s26] =	ssyncadd.s32 $0xFFFFE000  }
0x111: {  	[tilespmem:s17], [sflag:$0x1] =	stream.indirect.gather [hbm4b:s4+s16], $0x40, s12, s16, $0xb8;
	[tilespmem:$0x15CD0] =	vst v63  }
0x112: {  	_ =	swait.ge [sflag:s18], $0x2000  }
0x113: {  	[sflag:s18] =	ssyncset.done $0x0  }
0x114: {  	s7 =	rddreg [dreg:$0x17];
	[sflag:s18] =	ssyncadd.s32 $0xFFFFE000  }
0x115: {  	[spmem:s1] =	stream.indirect.scatter.add.bf16 [tilespmem:s17], [sflag:$0x5], $0x40, s7, s16, $0xb8;
	[tilespmem:$0x15CD0] =	vst v63  }
0x116: {  	v7 =	vld [tilespmem:$0xA900];
	_ =	sdelay $0x7  }
0x117: {  	[tilespmem:v7+s19+$0x0] =	vst.idx.add.f32.msk $0xffff, v6  }
0x118: {  	v7 =	vld [tilespmem:$0xA910];
	_ =	sdelay $0x7  }
0x119: {  	[tilespmem:v7+s19+$0x0] =	vst.idx.add.f32.msk $0xffff, v6  }
0x11a: {  	v7 =	vld [tilespmem:$0xA920];
	_ =	sdelay $0x7  }
0x11b: {  	[tilespmem:v7+s19+$0x0] =	vst.idx.add.f32.msk $0xffff, v6  }
0x11c: {  	v7 =	vld [tilespmem:$0xA930];
	_ =	sdelay $0x7  }
0x11d: {  	[tilespmem:v7+s19+$0x0] =	vst.idx.add.f32.msk $0xffff, v6  }
0x11e: {  	v7 =	vld [tilespmem:$0xA940];
	_ =	sdelay $0x7  }
0x11f: {  	[tilespmem:v7+s19+$0x0] =	vst.idx.add.f32.msk $0xffff, v6  }
0x120: {  	v7 =	vld [tilespmem:$0xA950];
	_ =	sdelay $0x7  }
0x121: {  	[tilespmem:v7+s19+$0x0] =	vst.idx.add.f32.msk $0xffff, v6  }
0x122: {  	v7 =	vld [tilespmem:$0xA960];
	_ =	sdelay $0x7  }
0x123: {  	[tilespmem:v7+s19+$0x0] =	vst.idx.add.f32.msk $0xffff, v6  }
0x124: {  	v7 =	vld [tilespmem:$0xA970];
	_ =	sdelay $0x7  }
0x125: {  	[tilespmem:v7+s19+$0x0] =	vst.idx.add.f32.msk $0xffff, v6  }
0x126: {  	_ =	swait.ge [sflag:s28], $0x2000  }
0x127: {  	[sflag:s28] =	ssyncset.done $0x0  }
0x128: {  	s12 =	rddreg [dreg:$0x18];
	[sflag:s28] =	ssyncadd.s32 $0xFFFFE000  }
0x129: {  	[tilespmem:s20], [sflag:$0x2] =	stream.indirect.gather [hbm4b:s4+s16], $0x40, s12, s16, $0xb8;
	[tilespmem:$0x15CD0] =	vst v63  }
0x12a: {  	_ =	swait.ge [sflag:s21], $0x2000  }
0x12b: {  	[sflag:s21] =	ssyncset.done $0x0  }
0x12c: {  	s7 =	rddreg [dreg:$0x19];
	[sflag:s21] =	ssyncadd.s32 $0xFFFFE000  }
0x12d: {  	[spmem:s1] =	stream.indirect.scatter.add.bf16 [tilespmem:s20], [sflag:$0x6], $0x40, s7, s16, $0xb8;
	[tilespmem:$0x15CD0] =	vst v63  }
0x12e: {  	v7 =	vld [tilespmem:$0xAA00];
	_ =	sdelay $0x7  }
0x12f: {  	[tilespmem:v7+s19+$0x0] =	vst.idx.add.f32.msk $0xffff, v6  }
0x130: {  	v7 =	vld [tilespmem:$0xAA10];
	_ =	sdelay $0x7  }
0x131: {  	[tilespmem:v7+s19+$0x0] =	vst.idx.add.f32.msk $0xffff, v6  }
0x132: {  	v7 =	vld [tilespmem:$0xAA20];
	_ =	sdelay $0x7  }
0x133: {  	[tilespmem:v7+s19+$0x0] =	vst.idx.add.f32.msk $0xffff, v6  }
0x134: {  	v7 =	vld [tilespmem:$0xAA30];
	_ =	sdelay $0x7  }
0x135: {  	[tilespmem:v7+s19+$0x0] =	vst.idx.add.f32.msk $0xffff, v6  }
0x136: {  	v7 =	vld [tilespmem:$0xAA40];
	_ =	sdelay $0x7  }
0x137: {  	[tilespmem:v7+s19+$0x0] =	vst.idx.add.f32.msk $0xffff, v6  }
0x138: {  	v7 =	vld [tilespmem:$0xAA50];
	_ =	sdelay $0x7  }
0x139: {  	[tilespmem:v7+s19+$0x0] =	vst.idx.add.f32.msk $0xffff, v6  }
0x13a: {  	v7 =	vld [tilespmem:$0xAA60];
	_ =	sdelay $0x7  }
0x13b: {  	[tilespmem:v7+s19+$0x0] =	vst.idx.add.f32.msk $0xffff, v6  }
0x13c: {  	v7 =	vld [tilespmem:$0xAA70];
	_ =	sdelay $0x7  }
0x13d: {  	[tilespmem:v7+s19+$0x0] =	vst.idx.add.f32.msk $0xffff, v6  }
0x13e: {  	_ =	swait.ge [sflag:s26], $0x2000  }
0x13f: {  	[sflag:s26] =	ssyncset.done $0x0  }
0x140: {  	[sflag:s26] =	ssyncadd.s32 $0xFFFFE000  }
0x141: {  	_ =	swait.ge [sflag:s28], $0x2000  }
0x142: {  	[sflag:s28] =	ssyncset.done $0x0  }
0x143: {  	[sflag:s28] =	ssyncadd.s32 $0xFFFFE000  }
0x144: {  	_ =	swait.ge [sflag:s29], $0x2000  }
0x145: {  	[sflag:s29] =	ssyncset.done $0x0  }
0x146: {  	[sflag:s29] =	ssyncadd.s32 $0xFFFFE000  }
0x147: {  	_ =	swait.ge [sflag:s30], $0x2000  }
0x148: {  	[sflag:s30] =	ssyncset.done $0x0  }
0x149: {  	[sflag:s30] =	ssyncadd.s32 $0xFFFFE000  }
0x14a: {  	p1 =	seq.s32 s10, $0x780;
	_ =	swait.ge [sflag:s31], $0xA00  }
0x14b: {  	s12 =	simm.s32 @!p1 $0x0;
	s2 =	rddreg [dreg:$0x5];
	[sflag:s31] =	ssyncset.done $0x0  }
0x14c: {  	s7 =	simm.s32 @!p1 $0xA080;
	[sflag:s31] =	ssyncadd.s32 $0xFFFFF600;
	s2 =	sadd.s32 @!p1 s10, s2  }
0x14d: {  	[tilespmem:s7], [sflag:$0x9] =	stream.linear.gather @!p1 [hbm4b:s2+s12], $0xA00, $0x38;
	[tilespmem:$0x15CD0] =	vst v63  }
0x14e: {  	_ = 	snop  }
0x14f: {  	[tilespmem:s17], [sflag:$0x1] =	stream.indirect.gather [hbm4b:s4+s16], $0x40, s15, s16, $0xb8;
	[tilespmem:$0x15CD0] =	vst v63  }
0x150: {  	_ =	swait.ge [sflag:s18], $0x2000  }
0x151: {  	[sflag:s18] =	ssyncset.done $0x0  }
0x152: {  	s12 =	rddreg [dreg:$0x1a];
	[sflag:s18] =	ssyncadd.s32 $0xFFFFE000  }
0x153: {  	[spmem:s1] =	stream.indirect.scatter.add.bf16 [tilespmem:s17], [sflag:$0x5], $0x40, s12, s16, $0xb8;
	[tilespmem:$0x15CD0] =	vst v63  }
0x154: {  	v7 =	vld [tilespmem:$0xAB00];
	_ =	sdelay $0x7  }
0x155: {  	[tilespmem:v7+s19+$0x0] =	vst.idx.add.f32.msk $0xffff, v6  }
0x156: {  	v7 =	vld [tilespmem:$0xAB10];
	_ =	sdelay $0x7  }
0x157: {  	[tilespmem:v7+s19+$0x0] =	vst.idx.add.f32.msk $0xffff, v6  }
0x158: {  	v7 =	vld [tilespmem:$0xAB20];
	_ =	sdelay $0x7  }
0x159: {  	[tilespmem:v7+s19+$0x0] =	vst.idx.add.f32.msk $0xffff, v6  }
0x15a: {  	v7 =	vld [tilespmem:$0xAB30];
	_ =	sdelay $0x7  }
0x15b: {  	[tilespmem:v7+s19+$0x0] =	vst.idx.add.f32.msk $0xffff, v6  }
0x15c: {  	v7 =	vld [tilespmem:$0xAB40];
	_ =	sdelay $0x7  }
0x15d: {  	[tilespmem:v7+s19+$0x0] =	vst.idx.add.f32.msk $0xffff, v6  }
0x15e: {  	v7 =	vld [tilespmem:$0xAB50];
	_ =	sdelay $0x7  }
0x15f: {  	[tilespmem:v7+s19+$0x0] =	vst.idx.add.f32.msk $0xffff, v6  }
0x160: {  	v7 =	vld [tilespmem:$0xAB60];
	_ =	sdelay $0x7  }
0x161: {  	[tilespmem:v7+s19+$0x0] =	vst.idx.add.f32.msk $0xffff, v6  }
0x162: {  	v7 =	vld [tilespmem:$0xAB70];
	_ =	sdelay $0x7  }
0x163: {  	s7 =	rddreg [dreg:$0x1b];
	[tilespmem:v7+s19+$0x0] =	vst.idx.add.f32.msk $0xffff, v6  }
0x164: {  	[tilespmem:s20], [sflag:$0x2] =	stream.indirect.gather [hbm4b:s4+s16], $0x40, s7, s16, $0xb8;
	[tilespmem:$0x15CD0] =	vst v63  }
0x165: {  	_ =	swait.ge [sflag:s21], $0x2000  }
0x166: {  	[sflag:s21] =	ssyncset.done $0x0  }
0x167: {  	s12 =	rddreg [dreg:$0x1c];
	[sflag:s21] =	ssyncadd.s32 $0xFFFFE000  }
0x168: {  	[spmem:s1] =	stream.indirect.scatter.add.bf16 [tilespmem:s20], [sflag:$0x6], $0x40, s12, s16, $0xb8;
	[tilespmem:$0x15CD0] =	vst v63  }
0x169: {  	v7 =	vld [tilespmem:$0xAC00];
	_ =	sdelay $0x7  }
0x16a: {  	[tilespmem:v7+s19+$0x0] =	vst.idx.add.f32.msk $0xffff, v6  }
0x16b: {  	v7 =	vld [tilespmem:$0xAC10];
	_ =	sdelay $0x7  }
0x16c: {  	[tilespmem:v7+s19+$0x0] =	vst.idx.add.f32.msk $0xffff, v6  }
0x16d: {  	v7 =	vld [tilespmem:$0xAC20];
	_ =	sdelay $0x7  }
0x16e: {  	[tilespmem:v7+s19+$0x0] =	vst.idx.add.f32.msk $0xffff, v6  }
0x16f: {  	v7 =	vld [tilespmem:$0xAC30];
	_ =	sdelay $0x7  }
0x170: {  	[tilespmem:v7+s19+$0x0] =	vst.idx.add.f32.msk $0xffff, v6  }
0x171: {  	v7 =	vld [tilespmem:$0xAC40];
	_ =	sdelay $0x7  }
0x172: {  	[tilespmem:v7+s19+$0x0] =	vst.idx.add.f32.msk $0xffff, v6  }
0x173: {  	v7 =	vld [tilespmem:$0xAC50];
	_ =	sdelay $0x7  }
0x174: {  	[tilespmem:v7+s19+$0x0] =	vst.idx.add.f32.msk $0xffff, v6  }
0x175: {  	v7 =	vld [tilespmem:$0xAC60];
	_ =	sdelay $0x7  }
0x176: {  	[tilespmem:v7+s19+$0x0] =	vst.idx.add.f32.msk $0xffff, v6  }
0x177: {  	v7 =	vld [tilespmem:$0xAC70];
	_ =	sdelay $0x7  }
0x178: {  	s7 =	rddreg [dreg:$0x1d];
	[tilespmem:v7+s19+$0x0] =	vst.idx.add.f32.msk $0xffff, v6  }
0x179: {  	[tilespmem:s22], [sflag:$0x3] =	stream.indirect.gather [hbm4b:s4+s16], $0x40, s7, s16, $0xb8;
	[tilespmem:$0x15CD0] =	vst v63  }
0x17a: {  	_ =	swait.ge [sflag:s23], $0x2000  }
0x17b: {  	[sflag:s23] =	ssyncset.done $0x0  }
0x17c: {  	s12 =	rddreg [dreg:$0x1e];
	[sflag:s23] =	ssyncadd.s32 $0xFFFFE000  }
0x17d: {  	[spmem:s1] =	stream.indirect.scatter.add.bf16 [tilespmem:s22], [sflag:$0x7], $0x40, s12, s16, $0xb8;
	[tilespmem:$0x15CD0] =	vst v63  }
0x17e: {  	v7 =	vld [tilespmem:$0xAD00];
	_ =	sdelay $0x7  }
0x17f: {  	[tilespmem:v7+s19+$0x0] =	vst.idx.add.f32.msk $0xffff, v6  }
0x180: {  	v7 =	vld [tilespmem:$0xAD10];
	_ =	sdelay $0x7  }
0x181: {  	[tilespmem:v7+s19+$0x0] =	vst.idx.add.f32.msk $0xffff, v6  }
0x182: {  	v7 =	vld [tilespmem:$0xAD20];
	_ =	sdelay $0x7  }
0x183: {  	[tilespmem:v7+s19+$0x0] =	vst.idx.add.f32.msk $0xffff, v6  }
0x184: {  	v7 =	vld [tilespmem:$0xAD30];
	_ =	sdelay $0x7  }
0x185: {  	[tilespmem:v7+s19+$0x0] =	vst.idx.add.f32.msk $0xffff, v6  }
0x186: {  	v7 =	vld [tilespmem:$0xAD40];
	_ =	sdelay $0x7  }
0x187: {  	[tilespmem:v7+s19+$0x0] =	vst.idx.add.f32.msk $0xffff, v6  }
0x188: {  	v7 =	vld [tilespmem:$0xAD50];
	_ =	sdelay $0x7  }
0x189: {  	[tilespmem:v7+s19+$0x0] =	vst.idx.add.f32.msk $0xffff, v6  }
0x18a: {  	v7 =	vld [tilespmem:$0xAD60];
	_ =	sdelay $0x7  }
0x18b: {  	[tilespmem:v7+s19+$0x0] =	vst.idx.add.f32.msk $0xffff, v6  }
0x18c: {  	v7 =	vld [tilespmem:$0xAD70];
	_ =	sdelay $0x7  }
0x18d: {  	s7 =	rddreg [dreg:$0x1f];
	[tilespmem:v7+s19+$0x0] =	vst.idx.add.f32.msk $0xffff, v6  }
0x18e: {  	[tilespmem:s24], [sflag:$0x4] =	stream.indirect.gather [hbm4b:s4+s16], $0x40, s7, s16, $0xb8;
	[tilespmem:$0x15CD0] =	vst v63  }
0x18f: {  	_ =	swait.ge [sflag:s25], $0x2000  }
0x190: {  	s12 =	sld [smem:$0x7F3]  }
0x191: {  	[sflag:s25] =	ssyncset.done $0x0  }
0x192: {  	[sflag:s25] =	ssyncadd.s32 $0xFFFFE000  }
0x193: {  	[spmem:s1] =	stream.indirect.scatter.add.bf16 [tilespmem:s24], [sflag:$0x8], $0x40, s12, s16, $0xb8;
	[tilespmem:$0x15CD0] =	vst v63  }
0x194: {  	v7 =	vld [tilespmem:$0xAE00];
	_ =	sdelay $0x7  }
0x195: {  	[tilespmem:v7+s19+$0x0] =	vst.idx.add.f32.msk $0xffff, v6  }
0x196: {  	v7 =	vld [tilespmem:$0xAE10];
	_ =	sdelay $0x7  }
0x197: {  	[tilespmem:v7+s19+$0x0] =	vst.idx.add.f32.msk $0xffff, v6  }
0x198: {  	v7 =	vld [tilespmem:$0xAE20];
	_ =	sdelay $0x7  }
0x199: {  	[tilespmem:v7+s19+$0x0] =	vst.idx.add.f32.msk $0xffff, v6  }
0x19a: {  	v7 =	vld [tilespmem:$0xAE30];
	_ =	sdelay $0x7  }
0x19b: {  	[tilespmem:v7+s19+$0x0] =	vst.idx.add.f32.msk $0xffff, v6  }
0x19c: {  	v7 =	vld [tilespmem:$0xAE40];
	_ =	sdelay $0x7  }
0x19d: {  	[tilespmem:v7+s19+$0x0] =	vst.idx.add.f32.msk $0xffff, v6  }
0x19e: {  	v7 =	vld [tilespmem:$0xAE50];
	_ =	sdelay $0x7  }
0x19f: {  	[tilespmem:v7+s19+$0x0] =	vst.idx.add.f32.msk $0xffff, v6  }
0x1a0: {  	v7 =	vld [tilespmem:$0xAE60];
	_ =	sdelay $0x7  }
0x1a1: {  	[tilespmem:v7+s19+$0x0] =	vst.idx.add.f32.msk $0xffff, v6  }
0x1a2: {  	v7 =	vld [tilespmem:$0xAE70];
	_ =	sdelay $0x7  }
0x1a3: {  	[tilespmem:v7+s19+$0x0] =	vst.idx.add.f32.msk $0xffff, v6  }
0x1a4: {  	_ =	swait.ge [sflag:s26], $0x2000  }
0x1a5: {  	s7 =	sld [smem:$0x7F4]  }
0x1a6: {  	[sflag:s26] =	ssyncset.done $0x0  }
0x1a7: {  	[sflag:s26] =	ssyncadd.s32 $0xFFFFE000  }
0x1a8: {  	[tilespmem:s17], [sflag:$0x1] =	stream.indirect.gather [hbm4b:s4+s16], $0x40, s7, s16, $0xb8;
	[tilespmem:$0x15CD0] =	vst v63  }
0x1a9: {  	_ =	swait.ge [sflag:s18], $0x2000  }
0x1aa: {  	s12 =	sld [smem:$0x7F5]  }
0x1ab: {  	[sflag:s18] =	ssyncset.done $0x0  }
0x1ac: {  	[sflag:s18] =	ssyncadd.s32 $0xFFFFE000  }
0x1ad: {  	[spmem:s1] =	stream.indirect.scatter.add.bf16 [tilespmem:s17], [sflag:$0x5], $0x40, s12, s16, $0xb8;
	[tilespmem:$0x15CD0] =	vst v63  }
0x1ae: {  	v7 =	vld [tilespmem:$0xAF00];
	_ =	sdelay $0x7  }
0x1af: {  	[tilespmem:v7+s19+$0x0] =	vst.idx.add.f32.msk $0xffff, v6  }
0x1b0: {  	v7 =	vld [tilespmem:$0xAF10];
	_ =	sdelay $0x7  }
0x1b1: {  	[tilespmem:v7+s19+$0x0] =	vst.idx.add.f32.msk $0xffff, v6  }
0x1b2: {  	v7 =	vld [tilespmem:$0xAF20];
	_ =	sdelay $0x7  }
0x1b3: {  	[tilespmem:v7+s19+$0x0] =	vst.idx.add.f32.msk $0xffff, v6  }
0x1b4: {  	v7 =	vld [tilespmem:$0xAF30];
	_ =	sdelay $0x7  }
0x1b5: {  	[tilespmem:v7+s19+$0x0] =	vst.idx.add.f32.msk $0xffff, v6  }
0x1b6: {  	v7 =	vld [tilespmem:$0xAF40];
	_ =	sdelay $0x7  }
0x1b7: {  	[tilespmem:v7+s19+$0x0] =	vst.idx.add.f32.msk $0xffff, v6  }
0x1b8: {  	v7 =	vld [tilespmem:$0xAF50];
	_ =	sdelay $0x7  }
0x1b9: {  	[tilespmem:v7+s19+$0x0] =	vst.idx.add.f32.msk $0xffff, v6  }
0x1ba: {  	v7 =	vld [tilespmem:$0xAF60];
	_ =	sdelay $0x7  }
0x1bb: {  	[tilespmem:v7+s19+$0x0] =	vst.idx.add.f32.msk $0xffff, v6  }
0x1bc: {  	v7 =	vld [tilespmem:$0xAF70];
	_ =	sdelay $0x7  }
0x1bd: {  	[tilespmem:v7+s19+$0x0] =	vst.idx.add.f32.msk $0xffff, v6  }
0x1be: {  	_ =	swait.ge [sflag:s28], $0x2000  }
0x1bf: {  	s7 =	sld [smem:$0x7F6]  }
0x1c0: {  	[sflag:s28] =	ssyncset.done $0x0  }
0x1c1: {  	[sflag:s28] =	ssyncadd.s32 $0xFFFFE000  }
0x1c2: {  	[tilespmem:s20], [sflag:$0x2] =	stream.indirect.gather [hbm4b:s4+s16], $0x40, s7, s16, $0xb8;
	[tilespmem:$0x15CD0] =	vst v63  }
0x1c3: {  	_ =	swait.ge [sflag:s21], $0x2000  }
0x1c4: {  	s12 =	sld [smem:$0x7F7]  }
0x1c5: {  	[sflag:s21] =	ssyncset.done $0x0  }
0x1c6: {  	[sflag:s21] =	ssyncadd.s32 $0xFFFFE000  }
0x1c7: {  	[spmem:s1] =	stream.indirect.scatter.add.bf16 [tilespmem:s20], [sflag:$0x6], $0x40, s12, s16, $0xb8;
	[tilespmem:$0x15CD0] =	vst v63  }
0x1c8: {  	v7 =	vld [tilespmem:$0xB000];
	_ =	sdelay $0x7  }
0x1c9: {  	[tilespmem:v7+s19+$0x0] =	vst.idx.add.f32.msk $0xffff, v6  }
0x1ca: {  	v7 =	vld [tilespmem:$0xB010];
	_ =	sdelay $0x7  }
0x1cb: {  	[tilespmem:v7+s19+$0x0] =	vst.idx.add.f32.msk $0xffff, v6  }
0x1cc: {  	v7 =	vld [tilespmem:$0xB020];
	_ =	sdelay $0x7  }
0x1cd: {  	[tilespmem:v7+s19+$0x0] =	vst.idx.add.f32.msk $0xffff, v6  }
0x1ce: {  	v7 =	vld [tilespmem:$0xB030];
	_ =	sdelay $0x7  }
0x1cf: {  	[tilespmem:v7+s19+$0x0] =	vst.idx.add.f32.msk $0xffff, v6  }
0x1d0: {  	v7 =	vld [tilespmem:$0xB040];
	_ =	sdelay $0x7  }
0x1d1: {  	[tilespmem:v7+s19+$0x0] =	vst.idx.add.f32.msk $0xffff, v6  }
0x1d2: {  	v7 =	vld [tilespmem:$0xB050];
	_ =	sdelay $0x7  }
0x1d3: {  	[tilespmem:v7+s19+$0x0] =	vst.idx.add.f32.msk $0xffff, v6  }
0x1d4: {  	v7 =	vld [tilespmem:$0xB060];
	_ =	sdelay $0x7  }
0x1d5: {  	[tilespmem:v7+s19+$0x0] =	vst.idx.add.f32.msk $0xffff, v6  }
0x1d6: {  	v7 =	vld [tilespmem:$0xB070];
	_ =	sdelay $0x7  }
0x1d7: {  	[tilespmem:v7+s19+$0x0] =	vst.idx.add.f32.msk $0xffff, v6  }
0x1d8: {  	_ =	swait.ge [sflag:s29], $0x2000  }
0x1d9: {  	s7 =	sld [smem:$0x7F8]  }
0x1da: {  	[sflag:s29] =	ssyncset.done $0x0  }
0x1db: {  	[sflag:s29] =	ssyncadd.s32 $0xFFFFE000  }
0x1dc: {  	[tilespmem:s22], [sflag:$0x3] =	stream.indirect.gather [hbm4b:s4+s16], $0x40, s7, s16, $0xb8;
	[tilespmem:$0x15CD0] =	vst v63  }
0x1dd: {  	_ =	swait.ge [sflag:s23], $0x2000  }
0x1de: {  	s12 =	sld [smem:$0x7F9]  }
0x1df: {  	[sflag:s23] =	ssyncset.done $0x0  }
0x1e0: {  	[sflag:s23] =	ssyncadd.s32 $0xFFFFE000  }
0x1e1: {  	[spmem:s1] =	stream.indirect.scatter.add.bf16 [tilespmem:s22], [sflag:$0x7], $0x40, s12, s16, $0xb8;
	[tilespmem:$0x15CD0] =	vst v63  }
0x1e2: {  	v7 =	vld [tilespmem:$0xB100];
	_ =	sdelay $0x7  }
0x1e3: {  	[tilespmem:v7+s19+$0x0] =	vst.idx.add.f32.msk $0xffff, v6  }
0x1e4: {  	v7 =	vld [tilespmem:$0xB110];
	_ =	sdelay $0x7  }
0x1e5: {  	[tilespmem:v7+s19+$0x0] =	vst.idx.add.f32.msk $0xffff, v6  }
0x1e6: {  	v7 =	vld [tilespmem:$0xB120];
	_ =	sdelay $0x7  }
0x1e7: {  	[tilespmem:v7+s19+$0x0] =	vst.idx.add.f32.msk $0xffff, v6  }
0x1e8: {  	v7 =	vld [tilespmem:$0xB130];
	_ =	sdelay $0x7  }
0x1e9: {  	[tilespmem:v7+s19+$0x0] =	vst.idx.add.f32.msk $0xffff, v6  }
0x1ea: {  	v7 =	vld [tilespmem:$0xB140];
	_ =	sdelay $0x7  }
0x1eb: {  	[tilespmem:v7+s19+$0x0] =	vst.idx.add.f32.msk $0xffff, v6  }
0x1ec: {  	v7 =	vld [tilespmem:$0xB150];
	_ =	sdelay $0x7  }
0x1ed: {  	[tilespmem:v7+s19+$0x0] =	vst.idx.add.f32.msk $0xffff, v6  }
0x1ee: {  	v7 =	vld [tilespmem:$0xB160];
	_ =	sdelay $0x7  }
0x1ef: {  	[tilespmem:v7+s19+$0x0] =	vst.idx.add.f32.msk $0xffff, v6  }
0x1f0: {  	v7 =	vld [tilespmem:$0xB170];
	_ =	sdelay $0x7  }
0x1f1: {  	[tilespmem:v7+s19+$0x0] =	vst.idx.add.f32.msk $0xffff, v6  }
0x1f2: {  	_ =	swait.ge [sflag:s30], $0x2000  }
0x1f3: {  	s7 =	sld [smem:$0x7FA]  }
0x1f4: {  	[sflag:s30] =	ssyncset.done $0x0  }
0x1f5: {  	[sflag:s30] =	ssyncadd.s32 $0xFFFFE000  }
0x1f6: {  	[tilespmem:s24], [sflag:$0x4] =	stream.indirect.gather [hbm4b:s4+s16], $0x40, s7, s16, $0xb8;
	[tilespmem:$0x15CD0] =	vst v63  }
0x1f7: {  	_ =	swait.ge [sflag:s25], $0x2000  }
0x1f8: {  	s12 =	sld [smem:$0x7FB]  }
0x1f9: {  	[sflag:s25] =	ssyncset.done $0x0  }
0x1fa: {  	[sflag:s25] =	ssyncadd.s32 $0xFFFFE000  }
0x1fb: {  	[spmem:s1] =	stream.indirect.scatter.add.bf16 [tilespmem:s24], [sflag:$0x8], $0x40, s12, s16, $0xb8;
	[tilespmem:$0x15CD0] =	vst v63  }
0x1fc: {  	v7 =	vld [tilespmem:$0xB200];
	_ =	sdelay $0x7  }
0x1fd: {  	[tilespmem:v7+s19+$0x0] =	vst.idx.add.f32.msk $0xffff, v6  }
0x1fe: {  	v7 =	vld [tilespmem:$0xB210];
	_ =	sdelay $0x7  }
0x1ff: {  	[tilespmem:v7+s19+$0x0] =	vst.idx.add.f32.msk $0xffff, v6  }
0x200: {  	v7 =	vld [tilespmem:$0xB220];
	_ =	sdelay $0x7  }
0x201: {  	[tilespmem:v7+s19+$0x0] =	vst.idx.add.f32.msk $0xffff, v6  }
0x202: {  	v7 =	vld [tilespmem:$0xB230];
	_ =	sdelay $0x7  }
0x203: {  	[tilespmem:v7+s19+$0x0] =	vst.idx.add.f32.msk $0xffff, v6  }
0x204: {  	v7 =	vld [tilespmem:$0xB240];
	_ =	sdelay $0x7  }
0x205: {  	[tilespmem:v7+s19+$0x0] =	vst.idx.add.f32.msk $0xffff, v6  }
0x206: {  	v7 =	vld [tilespmem:$0xB250];
	_ =	sdelay $0x7  }
0x207: {  	[tilespmem:v7+s19+$0x0] =	vst.idx.add.f32.msk $0xffff, v6  }
0x208: {  	v7 =	vld [tilespmem:$0xB260];
	_ =	sdelay $0x7  }
0x209: {  	[tilespmem:v7+s19+$0x0] =	vst.idx.add.f32.msk $0xffff, v6  }
0x20a: {  	v7 =	vld [tilespmem:$0xB270];
	_ =	sdelay $0x7  }
0x20b: {  	[tilespmem:v7+s19+$0x0] =	vst.idx.add.f32.msk $0xffff, v6  }
0x20c: {  	_ =	swait.ge [sflag:s26], $0x2000  }
0x20d: {  	[sflag:s26] =	ssyncset.done $0x0  }
0x20e: {  	[sflag:s26] =	ssyncadd.s32 $0xFFFFE000  }
0x20f: {  	[tilespmem:s17], [sflag:$0x1] =	stream.indirect.gather [hbm4b:s4+s16], $0x40, s0, s16, $0xb8;
	[tilespmem:$0x15CD0] =	vst v63  }
0x210: {  	_ =	swait.ge [sflag:s18], $0x2000  }
0x211: {  	[sflag:s18] =	ssyncset.done $0x0  }
0x212: {  	[sflag:s18] =	ssyncadd.s32 $0xFFFFE000  }
0x213: {  	[spmem:s1] =	stream.indirect.scatter.add.bf16 [tilespmem:s17], [sflag:$0x5], $0x40, s5, s16, $0xb8;
	[tilespmem:$0x15CD0] =	vst v63  }
0x214: {  	v7 =	vld [tilespmem:$0xB300];
	_ =	sdelay $0x7  }
0x215: {  	[tilespmem:v7+s19+$0x0] =	vst.idx.add.f32.msk $0xffff, v6  }
0x216: {  	v7 =	vld [tilespmem:$0xB310];
	_ =	sdelay $0x7  }
0x217: {  	[tilespmem:v7+s19+$0x0] =	vst.idx.add.f32.msk $0xffff, v6  }
0x218: {  	v7 =	vld [tilespmem:$0xB320];
	_ =	sdelay $0x7  }
0x219: {  	[tilespmem:v7+s19+$0x0] =	vst.idx.add.f32.msk $0xffff, v6  }
0x21a: {  	v7 =	vld [tilespmem:$0xB330];
	_ =	sdelay $0x7  }
0x21b: {  	[tilespmem:v7+s19+$0x0] =	vst.idx.add.f32.msk $0xffff, v6  }
0x21c: {  	v7 =	vld [tilespmem:$0xB340];
	_ =	sdelay $0x7  }
0x21d: {  	[tilespmem:v7+s19+$0x0] =	vst.idx.add.f32.msk $0xffff, v6  }
0x21e: {  	v7 =	vld [tilespmem:$0xB350];
	_ =	sdelay $0x7  }
0x21f: {  	[tilespmem:v7+s19+$0x0] =	vst.idx.add.f32.msk $0xffff, v6  }
0x220: {  	v7 =	vld [tilespmem:$0xB360];
	_ =	sdelay $0x7  }
0x221: {  	[tilespmem:v7+s19+$0x0] =	vst.idx.add.f32.msk $0xffff, v6  }
0x222: {  	v7 =	vld [tilespmem:$0xB370];
	_ =	sdelay $0x7  }
0x223: {  	[tilespmem:v7+s19+$0x0] =	vst.idx.add.f32.msk $0xffff, v6  }
0x224: {  	_ =	swait.ge [sflag:s28], $0x2000  }
0x225: {  	[sflag:s28] =	ssyncset.done $0x0  }
0x226: {  	[sflag:s28] =	ssyncadd.s32 $0xFFFFE000  }
0x227: {  	[tilespmem:s20], [sflag:$0x2] =	stream.indirect.gather [hbm4b:s4+s16], $0x40, s6, s16, $0xb8;
	[tilespmem:$0x15CD0] =	vst v63  }
0x228: {  	_ =	swait.ge [sflag:s21], $0x2000  }
0x229: {  	[sflag:s21] =	ssyncset.done $0x0  }
0x22a: {  	[sflag:s21] =	ssyncadd.s32 $0xFFFFE000  }
0x22b: {  	[spmem:s1] =	stream.indirect.scatter.add.bf16 [tilespmem:s20], [sflag:$0x6], $0x40, s8, s16, $0xb8;
	[tilespmem:$0x15CD0] =	vst v63  }
0x22c: {  	v7 =	vld [tilespmem:$0xB400];
	_ =	sdelay $0x7  }
0x22d: {  	[tilespmem:v7+s19+$0x0] =	vst.idx.add.f32.msk $0xffff, v6  }
0x22e: {  	v7 =	vld [tilespmem:$0xB410];
	_ =	sdelay $0x7  }
0x22f: {  	[tilespmem:v7+s19+$0x0] =	vst.idx.add.f32.msk $0xffff, v6  }
0x230: {  	v7 =	vld [tilespmem:$0xB420];
	_ =	sdelay $0x7  }
0x231: {  	[tilespmem:v7+s19+$0x0] =	vst.idx.add.f32.msk $0xffff, v6  }
0x232: {  	v7 =	vld [tilespmem:$0xB430];
	_ =	sdelay $0x7  }
0x233: {  	[tilespmem:v7+s19+$0x0] =	vst.idx.add.f32.msk $0xffff, v6  }
0x234: {  	v7 =	vld [tilespmem:$0xB440];
	_ =	sdelay $0x7  }
0x235: {  	[tilespmem:v7+s19+$0x0] =	vst.idx.add.f32.msk $0xffff, v6  }
0x236: {  	v7 =	vld [tilespmem:$0xB450];
	_ =	sdelay $0x7  }
0x237: {  	[tilespmem:v7+s19+$0x0] =	vst.idx.add.f32.msk $0xffff, v6  }
0x238: {  	v7 =	vld [tilespmem:$0xB460];
	_ =	sdelay $0x7  }
0x239: {  	[tilespmem:v7+s19+$0x0] =	vst.idx.add.f32.msk $0xffff, v6  }
0x23a: {  	v7 =	vld [tilespmem:$0xB470];
	_ =	sdelay $0x7  }
0x23b: {  	[tilespmem:v7+s19+$0x0] =	vst.idx.add.f32.msk $0xffff, v6  }
0x23c: {  	_ =	swait.ge [sflag:s26], $0x2000  }
0x23d: {  	[sflag:s26] =	ssyncset.done $0x0  }
0x23e: {  	[sflag:s26] =	ssyncadd.s32 $0xFFFFE000  }
0x23f: {  	_ =	swait.ge [sflag:s28], $0x2000  }
0x240: {  	[sflag:s28] =	ssyncset.done $0x0  }
0x241: {  	s10 =	sadd.s32 $0x280, s10;
	[sflag:s28] =	ssyncadd.s32 $0xFFFFE000  }
0x242: {  	p1 =	sne.s32 s10, $0xA00;
	_ =	swait.ge [sflag:s29], $0x2000  }
.Ltmp1:
0x243: {  	[sflag:s29] =	ssyncset.done $0x0;
	(pc) =	sbr.rel @p1 .LBB2_4-.Ltmp1, $4  }
0x244: {  	[sflag:s29] =	ssyncadd.s32 $0xFFFFE000  }
0x245: {  	_ =	swait.ge [sflag:s30], $0x2000  }
0x246: {  	[sflag:s30] =	ssyncset.done $0x0  }
0x247: {  	[sflag:s30] =	ssyncadd.s32 $0xFFFFE000  }
0x248: {  	s2 =	rddreg [dreg:$0x3];
	s7 =	simm.s32 $0x50;
	s10 =	simm.s32 $0x15C80  }
0x249: {  	[spmem:s2] =	stream.indirect.scatter.add.f32 [tilespmem:s19], [sflag:$0xB], $0x80, s10, s7, $0xb8;
	[tilespmem:$0x15CD0] =	vst v63  }
0x24a: {  	_ =	swait.ge [sflag:s13], $0x2800  }
0x24b: {  	[sflag:s13] =	ssyncset.done $0x0  }
0x24c: {  	[sflag:s13] =	ssyncadd.s32 $0xFFFFD800  }
0x24d: {  	[bflag:$0x0] =	sbarrier.arrive $0xFFFF  }
0x24e: {  	s7 =	sld [smem:$0x7FC]  }
0x24f: {  	s10 =	sld [smem:$0x7F0]  }
0x250: {  	s12 =	sld [smem:$0x7FD];
	_ =	sdelay $0x2  }
0x251: {  	[hbm:s10], [sflag:s7] =	dma.local [spmem:s12], $0x13C0  }
0x252: {  	_ =	swait.ge [sflag:s13], $0x13C0  }
0x253: {  	s10 =	sld [smem:$0x7F1]  }
0x254: {  	[sflag:s13] =	ssyncset.done $0x0  }
0x255: {  	s2 =	sshrl.u32 @!p0 s2, $0x3;
	[sflag:s13] =	ssyncadd.s32 $0xFFFFEC40  }
0x256: {  	[hbm:s10], [sflag:s7] =	dma.local @!p0 [spmem:s2], $0x500  }
0x257: {  	s2 =	simm.s32 @!p0 $0xB  }
0x258: {  	_ =	swait.ge @!p0 [sflag:s2], $0x500  }
0x259: {  	s10 =	sld [smem:$0x7F2];
	_ =	sdelay $0x1  }
0x25a: {  	s9 =	sadd.s32 $0x1, s9  }
0x25b: {  	p1 =	sne.s32 s9, s10  }
.Ltmp2:
0x25c: {  	_ = 	snop;
	(pc) =	sbr.rel @p1 .LBB2_1-.Ltmp2, $3  }
0x25d: {  	_ =	sdelay $0x1  }
0x25e: {  	[sflag:s2] =	ssyncset.done @!p0 $0x0  }
0x25f: {  	[sflag:s2] =	ssyncadd.s32 @!p0 $0xFFFFFB00  }
0x260: {  	_ =	sfence.sel $0x180000  }
0x261: {  	[bflag:$0x0] =	sbarrier.arrive $0xFFFF  }
0x262: {  	_ =	strace $0x90000047  }
0x263: {  	[bflag:$0x2] =	sbarrier.arrive $0xFFFF  }
0x264: {  	s0 =	rddreg [dreg:$0x4]  }
0x265: {  	s0 =	sadd.s32 @!p0 $0x100000, s0  }
0x266: {  	[sflag:s0] =	ssyncadd.tile.s32 @!p0 $0x1;
	_ =	shalt  }
.Lfunc_end2:
_tile_overlayer_lowered:
.L_overlay_start_2:
0x267: {  	(tag) =	ssettag $0x2  }
0x268: {  	s0 =	rddreg [dreg:$0x0];
	s2 =	stileid.u32  }
0x269: {  	s1 =	rddreg [dreg:$0x1];
	p0 =	sne.s32 s2, $0x0  }
0x26a: {  	s3 =	rddreg [dreg:$0x2];
	[bflag:$0x3] =	sbarrier.arrive $0xFFFF;
	s2 =	simm.s32 @!p0 $0x1C0B  }
0x26b: {  	[timem:s3], [sflag:s2] =	dma.local @!p0 [hbm:s0], s1  }
0x26c: {  	s0 =	simm.s32 @!p0 $0xB  }
0x26d: {  	_ =	swait.ge @!p0 [sflag:s0], s1  }
0x26e: {  	s1 =	ssub.s32 @!p0 $0x0, s1;
	[sflag:s0] =	ssyncset.done @!p0 $0x0  }
0x26f: {  	[sflag:s0] =	ssyncadd.s32 @!p0 s1  }
0x270: {  	[bflag:$0x3] =	sbarrier.arrive $0xFFFF  }
0x271: {  	_ =	shalt  }

</sc_bundles>
